<compile_context>
chip_gen: v7x
topology: tpu7x:2x2x1
jax: 0.10.2.dev20260603
libtpu: 0.0.44.dev20260713+nightly
codegen_flags: <defaults>
</compile_context>

<pallas_src>
import functools

import jax
import jax.numpy as jnp
from jax import lax
from jax.experimental import pallas as pl
from jax.experimental.pallas import tpu as pltpu
from jax.experimental.pallas import tpu_sc as plsc

N = 10000
F = 128
E = 320000
NC = 2
NS = 16
NW = NC * NS
C = 120
NCH = 84
NIB = 6
NRB = 3
EPT = NCH * C
E_PAD = NW * EPT
NP = 10240
RPT = NP // NS
NACC = 10112
RPTA = NACC // NS


def _deg_body(dstf, degp, dacc, ones_v, zeros_v, *sc):
    idxd = sc[0:12]
    semi = sc[12:24]
    semd = sc[24:36]
    c = lax.axis_index("c")
    s = lax.axis_index("s")
    w = s * NC + c
    for i in range(C // 16):
        ones_v[pl.ds(i * 16, 16)] = jnp.ones((16,), jnp.float32)
    if C % 16:
        ones_v[pl.ds(C - 16, 16)] = jnp.ones((16,), jnp.float32)
    for i in range(RPT // 16):
        zeros_v[pl.ds(i * 16, 16)] = jnp.zeros((16,), jnp.float32)
    pltpu.sync_copy(zeros_v, dacc.at[pl.ds(s * RPT, RPT)])
    plsc.subcore_barrier()

    for b in range(6):
        pltpu.async_copy(dstf.at[pl.ds((w * NCH + b) * C, C)],
                         idxd[b].at[0], semi[b])

    @pl.loop(0, NCH // 12)
    def _(jg):
        for u in range(12):
            j = jg * 12 + u
            pltpu.make_async_copy(dstf.at[pl.ds(0, C)], idxd[u].at[0],
                                  semi[u]).wait()

            @pl.when(j >= 6)
            def _():
                pltpu.make_async_copy(ones_v,
                                      dacc.at[idxd[(u + 6) % 12].at[0]],
                                      semd[(u + 6) % 12]).wait()

            pltpu.async_copy(ones_v, dacc.at[idxd[u].at[0]], semd[u],
                             add=True)

            @pl.when(j + 6 < NCH)
            def _():
                pltpu.async_copy(dstf.at[pl.ds((w * NCH + j + 6) * C, C)],
                                 idxd[(u + 6) % 12].at[0],
                                 semi[(u + 6) % 12])

    for u in range(6):
        pltpu.make_async_copy(ones_v, dacc.at[idxd[u].at[0]],
                              semd[(NCH - 6 + u) % 12]).wait()

    plsc.subcore_barrier()
    pltpu.sync_copy(dacc.at[pl.ds(s * RPT, RPT)],
                    degp.at[c, pl.ds(s * RPT, RPT)])


@functools.lru_cache(maxsize=None)
def _deg_kernel():
    mesh = plsc.VectorSubcoreMesh(core_axis_name="c", subcore_axis_name="s",
                                  num_cores=NC, num_subcores=NS)
    return pl.kernel(
        _deg_body,
        out_type=jax.ShapeDtypeStruct((NC, NP), jnp.float32),
        mesh=mesh,
        scratch_types=(
            [pltpu.VMEM_SHARED((NP,), jnp.float32),
             pltpu.VMEM((C,), jnp.float32),
             pltpu.VMEM((RPT,), jnp.float32)]
            + [pltpu.VMEM((1, C), jnp.int32) for _ in range(12)]
            + [pltpu.SemaphoreType.DMA for _ in range(24)]
        ),
    )


def _agg_body(xs, srcf, dstf, part, acc, *sc):
    idxs = sc[0:NIB]
    idxd = sc[NIB:2 * NIB]
    rows = sc[2 * NIB:2 * NIB + NRB]
    semi = sc[2 * NIB + NRB:3 * NIB + NRB]
    semg = sc[3 * NIB + NRB:3 * NIB + 2 * NRB]
    sems = sc[3 * NIB + 2 * NRB:3 * NIB + 3 * NRB]
    c = lax.axis_index("c")
    s = lax.axis_index("s")
    w = s * NC + c

    @pl.loop(0, C)
    def _(r):
        for i in range(F // 16):
            rows[0][r, pl.ds(i * 16, 16)] = jnp.zeros((16,), jnp.float32)

    for r in range(RPTA // C):
        pltpu.sync_copy(rows[0], acc.at[pl.ds(s * RPTA + r * C, C)])
    pltpu.sync_copy(rows[0].at[pl.ds(0, RPTA % C)],
                    acc.at[pl.ds(s * RPTA + (RPTA // C) * C, RPTA % C)])
    plsc.subcore_barrier()

    for b in range(3):
        pltpu.async_copy(srcf.at[pl.ds((w * NCH + b) * C, C)],
                         idxs[b].at[0], semi[b])
        pltpu.async_copy(dstf.at[pl.ds((w * NCH + b) * C, C)],
                         idxd[b].at[0], semi[b])

    @pl.loop(0, NCH // 6)
    def _(jg):
        j0 = jg * 6
        for u in range(6):
            j = j0 + u
            b3 = u % 3
            pltpu.make_async_copy(srcf.at[pl.ds(0, C)], idxs[u].at[0],
                                  semi[u]).wait()
            pltpu.make_async_copy(dstf.at[pl.ds(0, C)], idxd[u].at[0],
                                  semi[u]).wait()

            @pl.when(j >= 3)
            def _():
                pltpu.make_async_copy(rows[b3], acc.at[idxd[u].at[0]],
                                      sems[b3]).wait()

            pltpu.async_copy(xs.at[idxs[u].at[0]], rows[b3], semg[b3])

            @pl.when(j + 3 < NCH)
            def _():
                pltpu.async_copy(srcf.at[pl.ds((w * NCH + j + 3) * C, C)],
                                 idxs[(u + 3) % NIB].at[0],
                                 semi[(u + 3) % NIB])
                pltpu.async_copy(dstf.at[pl.ds((w * NCH + j + 3) * C, C)],
                                 idxd[(u + 3) % NIB].at[0],
                                 semi[(u + 3) % NIB])

            up = (u + 5) % 6
            bp = (u + 2) % 3

            @pl.when(j >= 1)
            def _():
                pltpu.make_async_copy(xs.at[idxs[up].at[0]], rows[bp],
                                      semg[bp]).wait()
                pltpu.async_copy(rows[bp], acc.at[idxd[up].at[0]], sems[bp],
                                 add=True)

    pltpu.make_async_copy(xs.at[idxs[(NCH - 1) % 6].at[0]],
                          rows[(NCH - 1) % 3], semg[(NCH - 1) % 3]).wait()
    pltpu.async_copy(rows[(NCH - 1) % 3],
                     acc.at[idxd[(NCH - 1) % 6].at[0]],
                     sems[(NCH - 1) % 3], add=True)
    for b in range(3):
        pltpu.make_async_copy(rows[b], acc.at[idxd[b].at[0]], sems[b]).wait()

    plsc.subcore_barrier()
    pltpu.sync_copy(acc.at[pl.ds(s * RPTA, RPTA)],
                    part.at[c, pl.ds(s * RPTA, RPTA)])


@functools.lru_cache(maxsize=None)
def _agg_kernel():
    mesh = plsc.VectorSubcoreMesh(core_axis_name="c", subcore_axis_name="s",
                                  num_cores=NC, num_subcores=NS)
    return pl.kernel(
        _agg_body,
        out_type=jax.ShapeDtypeStruct((NC, NP, F), jnp.float32),
        mesh=mesh,
        scratch_types=(
            [pltpu.VMEM_SHARED((NACC, F), jnp.float32)]
            + [pltpu.VMEM((1, C), jnp.int32) for _ in range(2 * NIB)]
            + [pltpu.VMEM((C, F), jnp.float32) for _ in range(NRB)]
            + [pltpu.SemaphoreType.DMA for _ in range(NIB + 2 * NRB)]
        ),
    )



_BM = 1024
_GRID = -(-N // _BM)
_DB = _BM // 128


def _dcol(dv):
    g = lax.broadcasted_iota(jnp.int32, (_BM, _DB), 0) // 128
    h = lax.broadcasted_iota(jnp.int32, (_BM, _DB), 1)
    rep = jnp.dot((g == h).astype(jnp.float32), dv,
                  preferred_element_type=jnp.float32)
    ri = lax.broadcasted_iota(jnp.int32, (_BM, 128), 0)
    li = lax.broadcasted_iota(jnp.int32, (_BM, 128), 1)
    pick = li == (ri % 128)
    return jnp.sum(jnp.where(pick, rep, 0.0), axis=1, keepdims=True)


def _scale_body(degp, x, dinv, xs):
    d = degp[0] + degp[1] + 1.0
    dv = lax.rsqrt(d)
    dinv[...] = dv
    xs[...] = x[...] * _dcol(dv)


def _scale_call(degp, x):
    return pl.pallas_call(
        _scale_body,
        grid=(_GRID,),
        in_specs=[
            pl.BlockSpec((NC, _DB, 128), lambda i: (0, i, 0)),
            pl.BlockSpec((_BM, F), lambda i: (i, 0)),
        ],
        out_specs=[
            pl.BlockSpec((_DB, 128), lambda i: (i, 0)),
            pl.BlockSpec((_BM, F), lambda i: (i, 0)),
        ],
        out_shape=[
            jax.ShapeDtypeStruct((NP // 128, 128), jnp.float32),
            jax.ShapeDtypeStruct((N, F), jnp.float32),
        ],
    )(degp, x)


def _mid_body(part, xs, dinv, W1, b1, W2, ts):
    dv = _dcol(dinv[...])
    agg = (part[0] + part[1] + xs[...]) * dv
    h1 = jnp.maximum(
        jnp.dot(agg, W1[...], preferred_element_type=jnp.float32) + b1[...],
        0.0)
    t = jnp.dot(h1, W2[...], preferred_element_type=jnp.float32)
    ts[...] = t * dv


def _mid_call(part, xs, dinv, W1, b1, W2):
    return pl.pallas_call(
        _mid_body,
        grid=(_GRID,),
        in_specs=[
            pl.BlockSpec((NC, _BM, F), lambda i: (0, i, 0)),
            pl.BlockSpec((_BM, F), lambda i: (i, 0)),
            pl.BlockSpec((_DB, 128), lambda i: (i, 0)),
            pl.BlockSpec((F, 2 * F), lambda i: (0, 0)),
            pl.BlockSpec((1, 2 * F), lambda i: (0, 0)),
            pl.BlockSpec((2 * F, F), lambda i: (0, 0)),
        ],
        out_specs=pl.BlockSpec((_BM, F), lambda i: (i, 0)),
        out_shape=jax.ShapeDtypeStruct((N, F), jnp.float32),
    )(part, xs, dinv, W1, b1, W2)


def _fin_body(part, ts, dinv, b2, Wl, bl, out):
    dv = _dcol(dinv[...])
    h2 = jnp.maximum((part[0] + part[1] + ts[...]) * dv + b2[...], 0.0)
    lg = jnp.dot(h2, Wl[...], preferred_element_type=jnp.float32) + bl[...]
    m = jnp.max(lg, axis=-1, keepdims=True)
    lse = m + jnp.log(jnp.sum(jnp.exp(lg - m), axis=-1, keepdims=True))
    out[...] = lg - lse


def _fin_call(part, ts, dinv, b2, Wl, bl):
    return pl.pallas_call(
        _fin_body,
        grid=(_GRID,),
        in_specs=[
            pl.BlockSpec((NC, _BM, F), lambda i: (0, i, 0)),
            pl.BlockSpec((_BM, F), lambda i: (i, 0)),
            pl.BlockSpec((_DB, 128), lambda i: (i, 0)),
            pl.BlockSpec((1, F), lambda i: (0, 0)),
            pl.BlockSpec((F, 2), lambda i: (0, 0)),
            pl.BlockSpec((1, 2), lambda i: (0, 0)),
        ],
        out_specs=pl.BlockSpec((_BM, 2), lambda i: (i, 0)),
        out_shape=jax.ShapeDtypeStruct((N, 2), jnp.float32),
    )(part, ts, dinv, b2, Wl, bl)



def kernel(x, edge_index, W1, b1, W2, b2, Wl, bl):
    src = edge_index[0]
    dst = edge_index[1]
    pad = E_PAD - E
    ar = jnp.arange(pad, dtype=jnp.int32)
    srcf = jnp.concatenate([src, ar % 128])
    dstf = jnp.concatenate([dst, N + (ar % 32)])

    degp = _deg_kernel()(dstf)
    dinv, xs = _scale_call(degp.reshape(NC, NP // 128, 128), x)

    part1 = _agg_kernel()(xs, srcf, dstf)
    ts = _mid_call(part1, xs, dinv, W1, b1.reshape(1, 2 * F), W2)

    part2 = _agg_kernel()(ts, srcf, dstf)
    return _fin_call(part2, ts, dinv, b2.reshape(1, F), Wl, bl.reshape(1, 2))

# --- scband reference (transcript-rebuilt; emitter-appended) ---
"""Pipeline reference for scband-model-48533130445191 (READ-ONLY COPY).

The authoritative reference and input builder live on the scoring server;
editing this copy changes nothing except your own understanding.
"""

import jax, jax.numpy as jnp
import numpy as np

N = 10000
E = 320000
F_IN = 128
NHID = 128
NCLS = 2


def setup_inputs(seed: int = 0) -> dict:
    key = jax.random.key(seed)
    ks = jax.random.split(key, 8)
    x = jax.random.normal(ks[0], (N, F_IN), dtype=jnp.float32)
    edge_index = jax.random.randint(ks[1], (2, E), 0, N, dtype=jnp.int32)
    W1 = jax.random.normal(ks[2], (F_IN, NHID * 2), dtype=jnp.float32) * (1.0 / np.sqrt(F_IN))
    b1 = jnp.zeros((NHID * 2,), dtype=jnp.float32)
    W2 = jax.random.normal(ks[3], (NHID * 2, NHID), dtype=jnp.float32) * (1.0 / np.sqrt(NHID * 2))
    b2 = jnp.zeros((NHID,), dtype=jnp.float32)
    Wl = jax.random.normal(ks[4], (NHID, NCLS), dtype=jnp.float32) * (1.0 / np.sqrt(NHID))
    bl = jnp.zeros((NCLS,), dtype=jnp.float32)
    return {"x": x, "edge_index": edge_index, "W1": W1, "b1": b1, "W2": W2, "b2": b2, "Wl": Wl, "bl": bl}


def _gcn_conv(x, src, dst, W, b, num_nodes):
    # PyG GCNConv: add self-loops, symmetric normalization, linear, scatter-add, bias
    loop = jnp.arange(num_nodes, dtype=src.dtype)
    s = jnp.concatenate([src, loop])
    d = jnp.concatenate([dst, loop])
    deg = jnp.zeros((num_nodes,), dtype=jnp.float32).at[d].add(1.0)
    dinv = jnp.where(deg > 0, jax.lax.rsqrt(deg), 0.0)
    norm = dinv[s] * dinv[d]
    h = x @ W
    msg = h[s] * norm[:, None]
    out = jnp.zeros((num_nodes, h.shape[1]), dtype=h.dtype).at[d].add(msg)
    return out + b


def reference(x, edge_index, W1, b1, W2, b2, Wl, bl):
    src = edge_index[0]
    dst = edge_index[1]
    h = jax.nn.relu(_gcn_conv(x, src, dst, W1, b1, N))
    h = jax.nn.relu(_gcn_conv(h, src, dst, W2, b2, N))
    logits = h @ Wl + bl
    return jax.nn.log_softmax(logits, axis=-1)

if __name__ == "__main__":
    import jax
    _d = setup_inputs()
    print(jax.jit(kernel)(*tuple(_d.values())))

</pallas_src>

<mosaic_0001>
#map = affine_map<(d0, d1) -> (0, 0)>
#map1 = affine_map<(d0, d1) -> (0)>
#map2 = affine_map<(d0, d1) -> (0, 0, 0)>
module attributes {stable_mosaic.version = 14 : i64} {
  func.func @_agg_body(%arg0: i32, %arg1: i32, %arg2: memref<10000x128xf32, #tpu.memory_space<hbm>>, %arg3: memref<322560xi32, #tpu.memory_space<hbm>>, %arg4: memref<322560xi32, #tpu.memory_space<hbm>>, %arg5: memref<2x10240x128xf32, #tpu.memory_space<hbm>>, %arg6: memref<10112x128xf32, #tpu.memory_space<vmem_shared>>, %arg7: memref<1x120xi32, #tpu.memory_space<vmem>>, %arg8: memref<1x120xi32, #tpu.memory_space<vmem>>, %arg9: memref<1x120xi32, #tpu.memory_space<vmem>>, %arg10: memref<1x120xi32, #tpu.memory_space<vmem>>, %arg11: memref<1x120xi32, #tpu.memory_space<vmem>>, %arg12: memref<1x120xi32, #tpu.memory_space<vmem>>, %arg13: memref<1x120xi32, #tpu.memory_space<vmem>>, %arg14: memref<1x120xi32, #tpu.memory_space<vmem>>, %arg15: memref<1x120xi32, #tpu.memory_space<vmem>>, %arg16: memref<1x120xi32, #tpu.memory_space<vmem>>, %arg17: memref<1x120xi32, #tpu.memory_space<vmem>>, %arg18: memref<1x120xi32, #tpu.memory_space<vmem>>, %arg19: memref<120x128xf32, #tpu.memory_space<vmem>>, %arg20: memref<120x128xf32, #tpu.memory_space<vmem>>, %arg21: memref<120x128xf32, #tpu.memory_space<vmem>>, %arg22: memref<!tpu.dma_semaphore, #tpu.memory_space<semaphore_mem>>, %arg23: memref<!tpu.dma_semaphore, #tpu.memory_space<semaphore_mem>>, %arg24: memref<!tpu.dma_semaphore, #tpu.memory_space<semaphore_mem>>, %arg25: memref<!tpu.dma_semaphore, #tpu.memory_space<semaphore_mem>>, %arg26: memref<!tpu.dma_semaphore, #tpu.memory_space<semaphore_mem>>, %arg27: memref<!tpu.dma_semaphore, #tpu.memory_space<semaphore_mem>>, %arg28: memref<!tpu.dma_semaphore, #tpu.memory_space<semaphore_mem>>, %arg29: memref<!tpu.dma_semaphore, #tpu.memory_space<semaphore_mem>>, %arg30: memref<!tpu.dma_semaphore, #tpu.memory_space<semaphore_mem>>, %arg31: memref<!tpu.dma_semaphore, #tpu.memory_space<semaphore_mem>>, %arg32: memref<!tpu.dma_semaphore, #tpu.memory_space<semaphore_mem>>, %arg33: memref<!tpu.dma_semaphore, #tpu.memory_space<semaphore_mem>>) attributes {dimension_semantics = [#tpu.dimension_semantics<core_parallel>, #tpu.dimension_semantics<subcore_parallel>], iteration_bounds = array<i64: 2, 16>, scalar_prefetch = 0 : i64, scratch_operands = 28 : i64, tpu.core_type = #tpu.core_type<sc_vector_subcore>, window_params = [{transform_indices = #map}, {transform_indices = #map1}, {transform_indices = #map1}, {transform_indices = #map2}]} {
    %mul3A = arith.constant 2 : i32
    %mul3A_0 = arith.muli %arg1, %mul3A : i32
    %add3A = arith.addi %mul3A_0, %arg0 : i32
    %scan3A = arith.constant 0 : i32
    %scan3A_1 = arith.constant 120 : i32
    %scan3A_2 = arith.addi %scan3A, %scan3A_1 : i32
    %scan3A_3 = arith.constant 1 : i32
    scf.for %scan3A_162 = %scan3A to %scan3A_2 step %scan3A_3  : i32 {
      %mul3A_163 = arith.constant 1 : i32
      %mul3A_164 = arith.muli %scan3A_162, %mul3A_163 : i32
      %add3A_165 = arith.constant 0 : i32
      %add3A_166 = arith.addi %add3A_165, %mul3A_164 : i32
      %broadcast_in_dim3A = arith.constant 0.000000e+00 : f32
      %broadcast_in_dim3A_167 = vector.broadcast %broadcast_in_dim3A : f32 to vector<16xf32>
      %swap3A = arith.index_cast %add3A_166 : i32 to index
      %swap3A_168 = arith.constant 0 : index
      %swap3A_169 = tpu.vector_load %arg19[%swap3A, %swap3A_168] {strides = array<i32>} : memref<120x128xf32, #tpu.memory_space<vmem>>, vector<1x16xf32>,
      %swap3A_170 = vector.shape_cast %swap3A_169 : vector<1x16xf32> to vector<16xf32>
      %swap3A_171 = vector.shape_cast %broadcast_in_dim3A_167 : vector<16xf32> to vector<1x16xf32>
      tpu.vector_store %arg19[%swap3A, %swap3A_168], %swap3A_171 {strides = array<i32>} : memref<120x128xf32, #tpu.memory_space<vmem>>, vector<1x16xf32>,
      %broadcast_in_dim3A_172 = arith.constant 0.000000e+00 : f32
      %broadcast_in_dim3A_173 = vector.broadcast %broadcast_in_dim3A_172 : f32 to vector<16xf32>
      %swap3A_174 = arith.index_cast %add3A_166 : i32 to index
      %swap3A_175 = arith.constant 16 : index
      %swap3A_176 = tpu.vector_load %arg19[%swap3A_174, %swap3A_175] {strides = array<i32>} : memref<120x128xf32, #tpu.memory_space<vmem>>, vector<1x16xf32>,
      %swap3A_177 = vector.shape_cast %swap3A_176 : vector<1x16xf32> to vector<16xf32>
      %swap3A_178 = vector.shape_cast %broadcast_in_dim3A_173 : vector<16xf32> to vector<1x16xf32>
      tpu.vector_store %arg19[%swap3A_174, %swap3A_175], %swap3A_178 {strides = array<i32>} : memref<120x128xf32, #tpu.memory_space<vmem>>, vector<1x16xf32>,
      %broadcast_in_dim3A_179 = arith.constant 0.000000e+00 : f32
      %broadcast_in_dim3A_180 = vector.broadcast %broadcast_in_dim3A_179 : f32 to vector<16xf32>
      %swap3A_181 = arith.index_cast %add3A_166 : i32 to index
      %swap3A_182 = arith.constant 32 : index
      %swap3A_183 = tpu.vector_load %arg19[%swap3A_181, %swap3A_182] {strides = array<i32>} : memref<120x128xf32, #tpu.memory_space<vmem>>, vector<1x16xf32>,
      %swap3A_184 = vector.shape_cast %swap3A_183 : vector<1x16xf32> to vector<16xf32>
      %swap3A_185 = vector.shape_cast %broadcast_in_dim3A_180 : vector<16xf32> to vector<1x16xf32>
      tpu.vector_store %arg19[%swap3A_181, %swap3A_182], %swap3A_185 {strides = array<i32>} : memref<120x128xf32, #tpu.memory_space<vmem>>, vector<1x16xf32>,
      %broadcast_in_dim3A_186 = arith.constant 0.000000e+00 : f32
      %broadcast_in_dim3A_187 = vector.broadcast %broadcast_in_dim3A_186 : f32 to vector<16xf32>
      %swap3A_188 = arith.index_cast %add3A_166 : i32 to index
      %swap3A_189 = arith.constant 48 : index
      %swap3A_190 = tpu.vector_load %arg19[%swap3A_188, %swap3A_189] {strides = array<i32>} : memref<120x128xf32, #tpu.memory_space<vmem>>, vector<1x16xf32>,
      %swap3A_191 = vector.shape_cast %swap3A_190 : vector<1x16xf32> to vector<16xf32>
      %swap3A_192 = vector.shape_cast %broadcast_in_dim3A_187 : vector<16xf32> to vector<1x16xf32>
      tpu.vector_store %arg19[%swap3A_188, %swap3A_189], %swap3A_192 {strides = array<i32>} : memref<120x128xf32, #tpu.memory_space<vmem>>, vector<1x16xf32>,
      %broadcast_in_dim3A_193 = arith.constant 0.000000e+00 : f32
      %broadcast_in_dim3A_194 = vector.broadcast %broadcast_in_dim3A_193 : f32 to vector<16xf32>
      %swap3A_195 = arith.index_cast %add3A_166 : i32 to index
      %swap3A_196 = arith.constant 64 : index
      %swap3A_197 = tpu.vector_load %arg19[%swap3A_195, %swap3A_196] {strides = array<i32>} : memref<120x128xf32, #tpu.memory_space<vmem>>, vector<1x16xf32>,
      %swap3A_198 = vector.shape_cast %swap3A_197 : vector<1x16xf32> to vector<16xf32>
      %swap3A_199 = vector.shape_cast %broadcast_in_dim3A_194 : vector<16xf32> to vector<1x16xf32>
      tpu.vector_store %arg19[%swap3A_195, %swap3A_196], %swap3A_199 {strides = array<i32>} : memref<120x128xf32, #tpu.memory_space<vmem>>, vector<1x16xf32>,
      %broadcast_in_dim3A_200 = arith.constant 0.000000e+00 : f32
      %broadcast_in_dim3A_201 = vector.broadcast %broadcast_in_dim3A_200 : f32 to vector<16xf32>
      %swap3A_202 = arith.index_cast %add3A_166 : i32 to index
      %swap3A_203 = arith.constant 80 : index
      %swap3A_204 = tpu.vector_load %arg19[%swap3A_202, %swap3A_203] {strides = array<i32>} : memref<120x128xf32, #tpu.memory_space<vmem>>, vector<1x16xf32>,
      %swap3A_205 = vector.shape_cast %swap3A_204 : vector<1x16xf32> to vector<16xf32>
      %swap3A_206 = vector.shape_cast %broadcast_in_dim3A_201 : vector<16xf32> to vector<1x16xf32>
      tpu.vector_store %arg19[%swap3A_202, %swap3A_203], %swap3A_206 {strides = array<i32>} : memref<120x128xf32, #tpu.memory_space<vmem>>, vector<1x16xf32>,
      %broadcast_in_dim3A_207 = arith.constant 0.000000e+00 : f32
      %broadcast_in_dim3A_208 = vector.broadcast %broadcast_in_dim3A_207 : f32 to vector<16xf32>
      %swap3A_209 = arith.index_cast %add3A_166 : i32 to index
      %swap3A_210 = arith.constant 96 : index
      %swap3A_211 = tpu.vector_load %arg19[%swap3A_209, %swap3A_210] {strides = array<i32>} : memref<120x128xf32, #tpu.memory_space<vmem>>, vector<1x16xf32>,
      %swap3A_212 = vector.shape_cast %swap3A_211 : vector<1x16xf32> to vector<16xf32>
      %swap3A_213 = vector.shape_cast %broadcast_in_dim3A_208 : vector<16xf32> to vector<1x16xf32>
      tpu.vector_store %arg19[%swap3A_209, %swap3A_210], %swap3A_213 {strides = array<i32>} : memref<120x128xf32, #tpu.memory_space<vmem>>, vector<1x16xf32>,
      %broadcast_in_dim3A_214 = arith.constant 0.000000e+00 : f32
      %broadcast_in_dim3A_215 = vector.broadcast %broadcast_in_dim3A_214 : f32 to vector<16xf32>
      %swap3A_216 = arith.index_cast %add3A_166 : i32 to index
      %swap3A_217 = arith.constant 112 : index
      %swap3A_218 = tpu.vector_load %arg19[%swap3A_216, %swap3A_217] {strides = array<i32>} : memref<120x128xf32, #tpu.memory_space<vmem>>, vector<1x16xf32>,
      %swap3A_219 = vector.shape_cast %swap3A_218 : vector<1x16xf32> to vector<16xf32>
      %swap3A_220 = vector.shape_cast %broadcast_in_dim3A_215 : vector<16xf32> to vector<1x16xf32>
      tpu.vector_store %arg19[%swap3A_216, %swap3A_217], %swap3A_220 {strides = array<i32>} : memref<120x128xf32, #tpu.memory_space<vmem>>, vector<1x16xf32>,
    }
    %scan3A_4 = arith.constant 120 : i32
    %mul3A_5 = arith.constant 632 : i32
    %mul3A_6 = arith.muli %arg1, %mul3A_5 : i32
    %add3A_7 = arith.constant 0 : i32
    %add3A_8 = arith.addi %mul3A_6, %add3A_7 : i32
    "tpu.region"() ({
      %run_scoped3A = tpu.sem_alloc : memref<!tpu.dma_semaphore, #tpu.memory_space<semaphore_mem>>
      %dma_start3A_162 = arith.constant 0 : i32
      %dma_start3A_163 = tpu.memref_slice %arg6[%add3A_8, %dma_start3A_162] : memref<10112x128xf32, #tpu.memory_space<vmem_shared>> -> memref<120x128xf32, #tpu.memory_space<vmem_shared>>
      %dma_start3A_164 = arith.constant 0 : i32
      %dma_start3A_165 = tpu.memref_slice %arg6[%add3A_8, %dma_start3A_164] : memref<10112x128xf32, #tpu.memory_space<vmem_shared>> -> memref<120x128xf32, #tpu.memory_space<vmem_shared>>
      tpu.enqueue_dma source(%arg19 : memref<120x128xf32, #tpu.memory_space<vmem>>) target(%dma_start3A_165 : memref<120x128xf32, #tpu.memory_space<vmem_shared>>) target_semaphore(%run_scoped3A : memref<!tpu.dma_semaphore, #tpu.memory_space<semaphore_mem>>)
      %dma_wait3A_166 = arith.constant 0 : i32
      %dma_wait3A_167 = tpu.memref_slice %arg6[%add3A_8, %dma_wait3A_166] : memref<10112x128xf32, #tpu.memory_space<vmem_shared>> -> memref<120x128xf32, #tpu.memory_space<vmem_shared>>
      %dma_wait3A_168 = arith.constant 0 : i32
      %dma_wait3A_169 = tpu.memref_slice %arg6[%add3A_8, %dma_wait3A_168] : memref<10112x128xf32, #tpu.memory_space<vmem_shared>> -> memref<120x128xf32, #tpu.memory_space<vmem_shared>>
      tpu.wait_dma2 semaphore(%run_scoped3A : memref<!tpu.dma_semaphore, #tpu.memory_space<semaphore_mem>>) src(%arg19 : memref<120x128xf32, #tpu.memory_space<vmem>>) dst(%dma_wait3A_169 : memref<120x128xf32, #tpu.memory_space<vmem_shared>>)
      tpu.yield
    }) : () -> ()
    %mul3A_9 = arith.constant 632 : i32
    %mul3A_10 = arith.muli %arg1, %mul3A_9 : i32
    %add3A_11 = arith.constant 120 : i32
    %add3A_12 = arith.addi %mul3A_10, %add3A_11 : i32
    "tpu.region"() ({
      %run_scoped3A = tpu.sem_alloc : memref<!tpu.dma_semaphore, #tpu.memory_space<semaphore_mem>>
      %dma_start3A_162 = arith.constant 0 : i32
      %dma_start3A_163 = tpu.memref_slice %arg6[%add3A_12, %dma_start3A_162] : memref<10112x128xf32, #tpu.memory_space<vmem_shared>> -> memref<120x128xf32, #tpu.memory_space<vmem_shared>>
      %dma_start3A_164 = arith.constant 0 : i32
      %dma_start3A_165 = tpu.memref_slice %arg6[%add3A_12, %dma_start3A_164] : memref<10112x128xf32, #tpu.memory_space<vmem_shared>> -> memref<120x128xf32, #tpu.memory_space<vmem_shared>>
      tpu.enqueue_dma source(%arg19 : memref<120x128xf32, #tpu.memory_space<vmem>>) target(%dma_start3A_165 : memref<120x128xf32, #tpu.memory_space<vmem_shared>>) target_semaphore(%run_scoped3A : memref<!tpu.dma_semaphore, #tpu.memory_space<semaphore_mem>>)
      %dma_wait3A_166 = arith.constant 0 : i32
      %dma_wait3A_167 = tpu.memref_slice %arg6[%add3A_12, %dma_wait3A_166] : memref<10112x128xf32, #tpu.memory_space<vmem_shared>> -> memref<120x128xf32, #tpu.memory_space<vmem_shared>>
      %dma_wait3A_168 = arith.constant 0 : i32
      %dma_wait3A_169 = tpu.memref_slice %arg6[%add3A_12, %dma_wait3A_168] : memref<10112x128xf32, #tpu.memory_space<vmem_shared>> -> memref<120x128xf32, #tpu.memory_space<vmem_shared>>
      tpu.wait_dma2 semaphore(%run_scoped3A : memref<!tpu.dma_semaphore, #tpu.memory_space<semaphore_mem>>) src(%arg19 : memref<120x128xf32, #tpu.memory_space<vmem>>) dst(%dma_wait3A_169 : memref<120x128xf32, #tpu.memory_space<vmem_shared>>)
      tpu.yield
    }) : () -> ()
    %mul3A_13 = arith.constant 632 : i32
    %mul3A_14 = arith.muli %arg1, %mul3A_13 : i32
    %add3A_15 = arith.constant 240 : i32
    %add3A_16 = arith.addi %mul3A_14, %add3A_15 : i32
    "tpu.region"() ({
      %run_scoped3A = tpu.sem_alloc : memref<!tpu.dma_semaphore, #tpu.memory_space<semaphore_mem>>
      %dma_start3A_162 = arith.constant 0 : i32
      %dma_start3A_163 = tpu.memref_slice %arg6[%add3A_16, %dma_start3A_162] : memref<10112x128xf32, #tpu.memory_space<vmem_shared>> -> memref<120x128xf32, #tpu.memory_space<vmem_shared>>
      %dma_start3A_164 = arith.constant 0 : i32
      %dma_start3A_165 = tpu.memref_slice %arg6[%add3A_16, %dma_start3A_164] : memref<10112x128xf32, #tpu.memory_space<vmem_shared>> -> memref<120x128xf32, #tpu.memory_space<vmem_shared>>
      tpu.enqueue_dma source(%arg19 : memref<120x128xf32, #tpu.memory_space<vmem>>) target(%dma_start3A_165 : memref<120x128xf32, #tpu.memory_space<vmem_shared>>) target_semaphore(%run_scoped3A : memref<!tpu.dma_semaphore, #tpu.memory_space<semaphore_mem>>)
      %dma_wait3A_166 = arith.constant 0 : i32
      %dma_wait3A_167 = tpu.memref_slice %arg6[%add3A_16, %dma_wait3A_166] : memref<10112x128xf32, #tpu.memory_space<vmem_shared>> -> memref<120x128xf32, #tpu.memory_space<vmem_shared>>
      %dma_wait3A_168 = arith.constant 0 : i32
      %dma_wait3A_169 = tpu.memref_slice %arg6[%add3A_16, %dma_wait3A_168] : memref<10112x128xf32, #tpu.memory_space<vmem_shared>> -> memref<120x128xf32, #tpu.memory_space<vmem_shared>>
      tpu.wait_dma2 semaphore(%run_scoped3A : memref<!tpu.dma_semaphore, #tpu.memory_space<semaphore_mem>>) src(%arg19 : memref<120x128xf32, #tpu.memory_space<vmem>>) dst(%dma_wait3A_169 : memref<120x128xf32, #tpu.memory_space<vmem_shared>>)
      tpu.yield
    }) : () -> ()
    %mul3A_17 = arith.constant 632 : i32
    %mul3A_18 = arith.muli %arg1, %mul3A_17 : i32
    %add3A_19 = arith.constant 360 : i32
    %add3A_20 = arith.addi %mul3A_18, %add3A_19 : i32
    "tpu.region"() ({
      %run_scoped3A = tpu.sem_alloc : memref<!tpu.dma_semaphore, #tpu.memory_space<semaphore_mem>>
      %dma_start3A_162 = arith.constant 0 : i32
      %dma_start3A_163 = tpu.memref_slice %arg6[%add3A_20, %dma_start3A_162] : memref<10112x128xf32, #tpu.memory_space<vmem_shared>> -> memref<120x128xf32, #tpu.memory_space<vmem_shared>>
      %dma_start3A_164 = arith.constant 0 : i32
      %dma_start3A_165 = tpu.memref_slice %arg6[%add3A_20, %dma_start3A_164] : memref<10112x128xf32, #tpu.memory_space<vmem_shared>> -> memref<120x128xf32, #tpu.memory_space<vmem_shared>>
      tpu.enqueue_dma source(%arg19 : memref<120x128xf32, #tpu.memory_space<vmem>>) target(%dma_start3A_165 : memref<120x128xf32, #tpu.memory_space<vmem_shared>>) target_semaphore(%run_scoped3A : memref<!tpu.dma_semaphore, #tpu.memory_space<semaphore_mem>>)
      %dma_wait3A_166 = arith.constant 0 : i32
      %dma_wait3A_167 = tpu.memref_slice %arg6[%add3A_20, %dma_wait3A_166] : memref<10112x128xf32, #tpu.memory_space<vmem_shared>> -> memref<120x128xf32, #tpu.memory_space<vmem_shared>>
      %dma_wait3A_168 = arith.constant 0 : i32
      %dma_wait3A_169 = tpu.memref_slice %arg6[%add3A_20, %dma_wait3A_168] : memref<10112x128xf32, #tpu.memory_space<vmem_shared>> -> memref<120x128xf32, #tpu.memory_space<vmem_shared>>
      tpu.wait_dma2 semaphore(%run_scoped3A : memref<!tpu.dma_semaphore, #tpu.memory_space<semaphore_mem>>) src(%arg19 : memref<120x128xf32, #tpu.memory_space<vmem>>) dst(%dma_wait3A_169 : memref<120x128xf32, #tpu.memory_space<vmem_shared>>)
      tpu.yield
    }) : () -> ()
    %mul3A_21 = arith.constant 632 : i32
    %mul3A_22 = arith.muli %arg1, %mul3A_21 : i32
    %add3A_23 = arith.constant 480 : i32
    %add3A_24 = arith.addi %mul3A_22, %add3A_23 : i32
    "tpu.region"() ({
      %run_scoped3A = tpu.sem_alloc : memref<!tpu.dma_semaphore, #tpu.memory_space<semaphore_mem>>
      %dma_start3A_162 = arith.constant 0 : i32
      %dma_start3A_163 = tpu.memref_slice %arg6[%add3A_24, %dma_start3A_162] : memref<10112x128xf32, #tpu.memory_space<vmem_shared>> -> memref<120x128xf32, #tpu.memory_space<vmem_shared>>
      %dma_start3A_164 = arith.constant 0 : i32
      %dma_start3A_165 = tpu.memref_slice %arg6[%add3A_24, %dma_start3A_164] : memref<10112x128xf32, #tpu.memory_space<vmem_shared>> -> memref<120x128xf32, #tpu.memory_space<vmem_shared>>
      tpu.enqueue_dma source(%arg19 : memref<120x128xf32, #tpu.memory_space<vmem>>) target(%dma_start3A_165 : memref<120x128xf32, #tpu.memory_space<vmem_shared>>) target_semaphore(%run_scoped3A : memref<!tpu.dma_semaphore, #tpu.memory_space<semaphore_mem>>)
      %dma_wait3A_166 = arith.constant 0 : i32
      %dma_wait3A_167 = tpu.memref_slice %arg6[%add3A_24, %dma_wait3A_166] : memref<10112x128xf32, #tpu.memory_space<vmem_shared>> -> memref<120x128xf32, #tpu.memory_space<vmem_shared>>
      %dma_wait3A_168 = arith.constant 0 : i32
      %dma_wait3A_169 = tpu.memref_slice %arg6[%add3A_24, %dma_wait3A_168] : memref<10112x128xf32, #tpu.memory_space<vmem_shared>> -> memref<120x128xf32, #tpu.memory_space<vmem_shared>>
      tpu.wait_dma2 semaphore(%run_scoped3A : memref<!tpu.dma_semaphore, #tpu.memory_space<semaphore_mem>>) src(%arg19 : memref<120x128xf32, #tpu.memory_space<vmem>>) dst(%dma_wait3A_169 : memref<120x128xf32, #tpu.memory_space<vmem_shared>>)
      tpu.yield
    }) : () -> ()
    %mul3A_25 = arith.constant 632 : i32
    %mul3A_26 = arith.muli %arg1, %mul3A_25 : i32
    %add3A_27 = arith.constant 600 : i32
    %add3A_28 = arith.addi %mul3A_26, %add3A_27 : i32
    "tpu.region"() ({
      %run_scoped3A = tpu.sem_alloc : memref<!tpu.dma_semaphore, #tpu.memory_space<semaphore_mem>>
      %dma_start3A_162 = arith.constant 0 : i32
      %dma_start3A_163 = arith.constant 0 : i32
      %dma_start3A_164 = tpu.memref_slice %arg19[%dma_start3A_162, %dma_start3A_163] : memref<120x128xf32, #tpu.memory_space<vmem>> -> memref<32x128xf32, #tpu.memory_space<vmem>>
      %dma_start3A_165 = arith.constant 0 : i32
      %dma_start3A_166 = tpu.memref_slice %arg6[%add3A_28, %dma_start3A_165] : memref<10112x128xf32, #tpu.memory_space<vmem_shared>> -> memref<32x128xf32, #tpu.memory_space<vmem_shared>>
      %dma_start3A_167 = arith.constant 0 : i32
      %dma_start3A_168 = tpu.memref_slice %arg6[%add3A_28, %dma_start3A_167] : memref<10112x128xf32, #tpu.memory_space<vmem_shared>> -> memref<32x128xf32, #tpu.memory_space<vmem_shared>>
      %dma_start3A_169 = arith.constant 0 : i32
      %dma_start3A_170 = arith.constant 0 : i32
      %dma_start3A_171 = tpu.memref_slice %arg19[%dma_start3A_169, %dma_start3A_170] : memref<120x128xf32, #tpu.memory_space<vmem>> -> memref<32x128xf32, #tpu.memory_space<vmem>>
      tpu.enqueue_dma source(%dma_start3A_171 : memref<32x128xf32, #tpu.memory_space<vmem>>) target(%dma_start3A_168 : memref<32x128xf32, #tpu.memory_space<vmem_shared>>) target_semaphore(%run_scoped3A : memref<!tpu.dma_semaphore, #tpu.memory_space<semaphore_mem>>)
      %dma_wait3A_172 = arith.constant 0 : i32
      %dma_wait3A_173 = arith.constant 0 : i32
      %dma_wait3A_174 = tpu.memref_slice %arg19[%dma_wait3A_172, %dma_wait3A_173] : memref<120x128xf32, #tpu.memory_space<vmem>> -> memref<32x128xf32, #tpu.memory_space<vmem>>
      %dma_wait3A_175 = arith.constant 0 : i32
      %dma_wait3A_176 = tpu.memref_slice %arg6[%add3A_28, %dma_wait3A_175] : memref<10112x128xf32, #tpu.memory_space<vmem_shared>> -> memref<32x128xf32, #tpu.memory_space<vmem_shared>>
      %dma_wait3A_177 = arith.constant 0 : i32
      %dma_wait3A_178 = tpu.memref_slice %arg6[%add3A_28, %dma_wait3A_177] : memref<10112x128xf32, #tpu.memory_space<vmem_shared>> -> memref<32x128xf32, #tpu.memory_space<vmem_shared>>
      %dma_wait3A_179 = arith.constant 0 : i32
      %dma_wait3A_180 = arith.constant 0 : i32
      %dma_wait3A_181 = tpu.memref_slice %arg19[%dma_wait3A_179, %dma_wait3A_180] : memref<120x128xf32, #tpu.memory_space<vmem>> -> memref<32x128xf32, #tpu.memory_space<vmem>>
      tpu.wait_dma2 semaphore(%run_scoped3A : memref<!tpu.dma_semaphore, #tpu.memory_space<semaphore_mem>>) src(%dma_wait3A_181 : memref<32x128xf32, #tpu.memory_space<vmem>>) dst(%dma_wait3A_178 : memref<32x128xf32, #tpu.memory_space<vmem_shared>>)
      tpu.yield
    }) : () -> ()
    %barrier3A = arith.constant 0 : index
    tpu.barrier barrier_id(%barrier3A)
    %mul3A_29 = arith.constant 84 : i32
    %mul3A_30 = arith.muli %add3A, %mul3A_29 : i32
    %add3A_31 = arith.constant 0 : i32
    %add3A_32 = arith.addi %mul3A_30, %add3A_31 : i32
    %mul3A_33 = arith.constant 120 : i32
    %mul3A_34 = arith.muli %add3A_32, %mul3A_33 : i32
    %dma_start3A = arith.constant 0 : i32
    %dma_start3A_35 = arith.constant 0 : i32
    %dma_start3A_36 = tpu.memref_slice %arg7[%dma_start3A, %dma_start3A_35] : memref<1x120xi32, #tpu.memory_space<vmem>> -> memref<1x120xi32, #tpu.memory_space<vmem>>
    %dma_start3A_37 = tpu.memref_squeeze %dma_start3A_36 : memref<1x120xi32, #tpu.memory_space<vmem>> -> memref<120xi32, #tpu.memory_space<vmem>>
    %dma_start3A_38 = tpu.memref_slice %arg3[%mul3A_34] : memref<322560xi32, #tpu.memory_space<hbm>> -> memref<120xi32, #tpu.memory_space<hbm>>
    %dma_start3A_39 = arith.constant 0 : i32
    %dma_start3A_40 = tpu.memref_slice %arg7[%dma_start3A, %dma_start3A_39] : memref<1x120xi32, #tpu.memory_space<vmem>> -> memref<1x120xi32, #tpu.memory_space<vmem>>
    %dma_start3A_41 = tpu.memref_squeeze %dma_start3A_40 : memref<1x120xi32, #tpu.memory_space<vmem>> -> memref<120xi32, #tpu.memory_space<vmem>>
    %dma_start3A_42 = tpu.memref_slice %arg3[%mul3A_34] : memref<322560xi32, #tpu.memory_space<hbm>> -> memref<120xi32, #tpu.memory_space<hbm>>
    tpu.enqueue_dma source(%dma_start3A_42 : memref<120xi32, #tpu.memory_space<hbm>>) target(%dma_start3A_41 : memref<120xi32, #tpu.memory_space<vmem>>) target_semaphore(%arg22 : memref<!tpu.dma_semaphore, #tpu.memory_space<semaphore_mem>>)
    %mul3A_43 = arith.constant 84 : i32
    %mul3A_44 = arith.muli %add3A, %mul3A_43 : i32
    %add3A_45 = arith.constant 0 : i32
    %add3A_46 = arith.addi %mul3A_44, %add3A_45 : i32
    %mul3A_47 = arith.constant 120 : i32
    %mul3A_48 = arith.muli %add3A_46, %mul3A_47 : i32
    %dma_start3A_49 = arith.constant 0 : i32
    %dma_start3A_50 = arith.constant 0 : i32
    %dma_start3A_51 = tpu.memref_slice %arg13[%dma_start3A_49, %dma_start3A_50] : memref<1x120xi32, #tpu.memory_space<vmem>> -> memref<1x120xi32, #tpu.memory_space<vmem>>
    %dma_start3A_52 = tpu.memref_squeeze %dma_start3A_51 : memref<1x120xi32, #tpu.memory_space<vmem>> -> memref<120xi32, #tpu.memory_space<vmem>>
    %dma_start3A_53 = tpu.memref_slice %arg4[%mul3A_48] : memref<322560xi32, #tpu.memory_space<hbm>> -> memref<120xi32, #tpu.memory_space<hbm>>
    %dma_start3A_54 = arith.constant 0 : i32
    %dma_start3A_55 = tpu.memref_slice %arg13[%dma_start3A_49, %dma_start3A_54] : memref<1x120xi32, #tpu.memory_space<vmem>> -> memref<1x120xi32, #tpu.memory_space<vmem>>
    %dma_start3A_56 = tpu.memref_squeeze %dma_start3A_55 : memref<1x120xi32, #tpu.memory_space<vmem>> -> memref<120xi32, #tpu.memory_space<vmem>>
    %dma_start3A_57 = tpu.memref_slice %arg4[%mul3A_48] : memref<322560xi32, #tpu.memory_space<hbm>> -> memref<120xi32, #tpu.memory_space<hbm>>
    tpu.enqueue_dma source(%dma_start3A_57 : memref<120xi32, #tpu.memory_space<hbm>>) target(%dma_start3A_56 : memref<120xi32, #tpu.memory_space<vmem>>) target_semaphore(%arg22 : memref<!tpu.dma_semaphore, #tpu.memory_space<semaphore_mem>>)
    %mul3A_58 = arith.constant 84 : i32
    %mul3A_59 = arith.muli %add3A, %mul3A_58 : i32
    %add3A_60 = arith.constant 1 : i32
    %add3A_61 = arith.addi %mul3A_59, %add3A_60 : i32
    %mul3A_62 = arith.constant 120 : i32
    %mul3A_63 = arith.muli %add3A_61, %mul3A_62 : i32
    %dma_start3A_64 = arith.constant 0 : i32
    %dma_start3A_65 = arith.constant 0 : i32
    %dma_start3A_66 = tpu.memref_slice %arg8[%dma_start3A_64, %dma_start3A_65] : memref<1x120xi32, #tpu.memory_space<vmem>> -> memref<1x120xi32, #tpu.memory_space<vmem>>
    %dma_start3A_67 = tpu.memref_squeeze %dma_start3A_66 : memref<1x120xi32, #tpu.memory_space<vmem>> -> memref<120xi32, #tpu.memory_space<vmem>>
    %dma_start3A_68 = tpu.memref_slice %arg3[%mul3A_63] : memref<322560xi32, #tpu.memory_space<hbm>> -> memref<120xi32, #tpu.memory_space<hbm>>
    %dma_start3A_69 = arith.constant 0 : i32
    %dma_start3A_70 = tpu.memref_slice %arg8[%dma_start3A_64, %dma_start3A_69] : memref<1x120xi32, #tpu.memory_space<vmem>> -> memref<1x120xi32, #tpu.memory_space<vmem>>
    %dma_start3A_71 = tpu.memref_squeeze %dma_start3A_70 : memref<1x120xi32, #tpu.memory_space<vmem>> -> memref<120xi32, #tpu.memory_space<vmem>>
    %dma_start3A_72 = tpu.memref_slice %arg3[%mul3A_63] : memref<322560xi32, #tpu.memory_space<hbm>> -> memref<120xi32, #tpu.memory_space<hbm>>
    tpu.enqueue_dma source(%dma_start3A_72 : memref<120xi32, #tpu.memory_space<hbm>>) target(%dma_start3A_71 : memref<120xi32, #tpu.memory_space<vmem>>) target_semaphore(%arg23 : memref<!tpu.dma_semaphore, #tpu.memory_space<semaphore_mem>>)
    %mul3A_73 = arith.constant 84 : i32
    %mul3A_74 = arith.muli %add3A, %mul3A_73 : i32
    %add3A_75 = arith.constant 1 : i32
    %add3A_76 = arith.addi %mul3A_74, %add3A_75 : i32
    %mul3A_77 = arith.constant 120 : i32
    %mul3A_78 = arith.muli %add3A_76, %mul3A_77 : i32
    %dma_start3A_79 = arith.constant 0 : i32
    %dma_start3A_80 = arith.constant 0 : i32
    %dma_start3A_81 = tpu.memref_slice %arg14[%dma_start3A_79, %dma_start3A_80] : memref<1x120xi32, #tpu.memory_space<vmem>> -> memref<1x120xi32, #tpu.memory_space<vmem>>
    %dma_start3A_82 = tpu.memref_squeeze %dma_start3A_81 : memref<1x120xi32, #tpu.memory_space<vmem>> -> memref<120xi32, #tpu.memory_space<vmem>>
    %dma_start3A_83 = tpu.memref_slice %arg4[%mul3A_78] : memref<322560xi32, #tpu.memory_space<hbm>> -> memref<120xi32, #tpu.memory_space<hbm>>
    %dma_start3A_84 = arith.constant 0 : i32
    %dma_start3A_85 = tpu.memref_slice %arg14[%dma_start3A_79, %dma_start3A_84] : memref<1x120xi32, #tpu.memory_space<vmem>> -> memref<1x120xi32, #tpu.memory_space<vmem>>
    %dma_start3A_86 = tpu.memref_squeeze %dma_start3A_85 : memref<1x120xi32, #tpu.memory_space<vmem>> -> memref<120xi32, #tpu.memory_space<vmem>>
    %dma_start3A_87 = tpu.memref_slice %arg4[%mul3A_78] : memref<322560xi32, #tpu.memory_space<hbm>> -> memref<120xi32, #tpu.memory_space<hbm>>
    tpu.enqueue_dma source(%dma_start3A_87 : memref<120xi32, #tpu.memory_space<hbm>>) target(%dma_start3A_86 : memref<120xi32, #tpu.memory_space<vmem>>) target_semaphore(%arg23 : memref<!tpu.dma_semaphore, #tpu.memory_space<semaphore_mem>>)
    %mul3A_88 = arith.constant 84 : i32
    %mul3A_89 = arith.muli %add3A, %mul3A_88 : i32
    %add3A_90 = arith.constant 2 : i32
    %add3A_91 = arith.addi %mul3A_89, %add3A_90 : i32
    %mul3A_92 = arith.constant 120 : i32
    %mul3A_93 = arith.muli %add3A_91, %mul3A_92 : i32
    %dma_start3A_94 = arith.constant 0 : i32
    %dma_start3A_95 = arith.constant 0 : i32
    %dma_start3A_96 = tpu.memref_slice %arg9[%dma_start3A_94, %dma_start3A_95] : memref<1x120xi32, #tpu.memory_space<vmem>> -> memref<1x120xi32, #tpu.memory_space<vmem>>
    %dma_start3A_97 = tpu.memref_squeeze %dma_start3A_96 : memref<1x120xi32, #tpu.memory_space<vmem>> -> memref<120xi32, #tpu.memory_space<vmem>>
    %dma_start3A_98 = tpu.memref_slice %arg3[%mul3A_93] : memref<322560xi32, #tpu.memory_space<hbm>> -> memref<120xi32, #tpu.memory_space<hbm>>
    %dma_start3A_99 = arith.constant 0 : i32
    %dma_start3A_100 = tpu.memref_slice %arg9[%dma_start3A_94, %dma_start3A_99] : memref<1x120xi32, #tpu.memory_space<vmem>> -> memref<1x120xi32, #tpu.memory_space<vmem>>
    %dma_start3A_101 = tpu.memref_squeeze %dma_start3A_100 : memref<1x120xi32, #tpu.memory_space<vmem>> -> memref<120xi32, #tpu.memory_space<vmem>>
    %dma_start3A_102 = tpu.memref_slice %arg3[%mul3A_93] : memref<322560xi32, #tpu.memory_space<hbm>> -> memref<120xi32, #tpu.memory_space<hbm>>
    tpu.enqueue_dma source(%dma_start3A_102 : memref<120xi32, #tpu.memory_space<hbm>>) target(%dma_start3A_101 : memref<120xi32, #tpu.memory_space<vmem>>) target_semaphore(%arg24 : memref<!tpu.dma_semaphore, #tpu.memory_space<semaphore_mem>>)
    %mul3A_103 = arith.constant 84 : i32
    %mul3A_104 = arith.muli %add3A, %mul3A_103 : i32
    %add3A_105 = arith.constant 2 : i32
    %add3A_106 = arith.addi %mul3A_104, %add3A_105 : i32
    %mul3A_107 = arith.constant 120 : i32
    %mul3A_108 = arith.muli %add3A_106, %mul3A_107 : i32
    %dma_start3A_109 = arith.constant 0 : i32
    %dma_start3A_110 = arith.constant 0 : i32
    %dma_start3A_111 = tpu.memref_slice %arg15[%dma_start3A_109, %dma_start3A_110] : memref<1x120xi32, #tpu.memory_space<vmem>> -> memref<1x120xi32, #tpu.memory_space<vmem>>
    %dma_start3A_112 = tpu.memref_squeeze %dma_start3A_111 : memref<1x120xi32, #tpu.memory_space<vmem>> -> memref<120xi32, #tpu.memory_space<vmem>>
    %dma_start3A_113 = tpu.memref_slice %arg4[%mul3A_108] : memref<322560xi32, #tpu.memory_space<hbm>> -> memref<120xi32, #tpu.memory_space<hbm>>
    %dma_start3A_114 = arith.constant 0 : i32
    %dma_start3A_115 = tpu.memref_slice %arg15[%dma_start3A_109, %dma_start3A_114] : memref<1x120xi32, #tpu.memory_space<vmem>> -> memref<1x120xi32, #tpu.memory_space<vmem>>
    %dma_start3A_116 = tpu.memref_squeeze %dma_start3A_115 : memref<1x120xi32, #tpu.memory_space<vmem>> -> memref<120xi32, #tpu.memory_space<vmem>>
    %dma_start3A_117 = tpu.memref_slice %arg4[%mul3A_108] : memref<322560xi32, #tpu.memory_space<hbm>> -> memref<120xi32, #tpu.memory_space<hbm>>
    tpu.enqueue_dma source(%dma_start3A_117 : memref<120xi32, #tpu.memory_space<hbm>>) target(%dma_start3A_116 : memref<120xi32, #tpu.memory_space<vmem>>) target_semaphore(%arg24 : memref<!tpu.dma_semaphore, #tpu.memory_space<semaphore_mem>>)
    %scan3A_118 = arith.constant 0 : i32
    %scan3A_119 = arith.constant 14 : i32
    %scan3A_120 = arith.addi %scan3A_118, %scan3A_119 : i32
    %scan3A_121 = arith.constant 1 : i32
    scf.for %scan3A_162 = %scan3A_118 to %scan3A_120 step %scan3A_121  : i32 {
      %mul3A_163 = arith.constant 1 : i32
      %mul3A_164 = arith.muli %scan3A_162, %mul3A_163 : i32
      %add3A_165 = arith.constant 0 : i32
      %add3A_166 = arith.addi %add3A_165, %mul3A_164 : i32
      %mul3A_167 = arith.constant 6 : i32
      %mul3A_168 = arith.muli %add3A_166, %mul3A_167 : i32
      %add3A_169 = arith.constant 0 : i32
      %add3A_170 = arith.addi %mul3A_168, %add3A_169 : i32
      %dma_wait3A_171 = arith.constant 0 : i32
      %dma_wait3A_172 = arith.constant 0 : i32
      %dma_wait3A_173 = tpu.memref_slice %arg7[%dma_wait3A_171, %dma_wait3A_172] : memref<1x120xi32, #tpu.memory_space<vmem>> -> memref<1x120xi32, #tpu.memory_space<vmem>>
      %dma_wait3A_174 = tpu.memref_squeeze %dma_wait3A_173 : memref<1x120xi32, #tpu.memory_space<vmem>> -> memref<120xi32, #tpu.memory_space<vmem>>
      %dma_wait3A_175 = arith.constant 0 : i32
      %dma_wait3A_176 = tpu.memref_slice %arg3[%dma_wait3A_175] : memref<322560xi32, #tpu.memory_space<hbm>> -> memref<120xi32, #tpu.memory_space<hbm>>
      %dma_wait3A_177 = arith.constant 0 : i32
      %dma_wait3A_178 = tpu.memref_slice %arg7[%dma_wait3A_171, %dma_wait3A_177] : memref<1x120xi32, #tpu.memory_space<vmem>> -> memref<1x120xi32, #tpu.memory_space<vmem>>
      %dma_wait3A_179 = tpu.memref_squeeze %dma_wait3A_178 : memref<1x120xi32, #tpu.memory_space<vmem>> -> memref<120xi32, #tpu.memory_space<vmem>>
      %dma_wait3A_180 = arith.constant 0 : i32
      %dma_wait3A_181 = tpu.memref_slice %arg3[%dma_wait3A_180] : memref<322560xi32, #tpu.memory_space<hbm>> -> memref<120xi32, #tpu.memory_space<hbm>>
      tpu.wait_dma2 semaphore(%arg22 : memref<!tpu.dma_semaphore, #tpu.memory_space<semaphore_mem>>) src(%dma_wait3A_181 : memref<120xi32, #tpu.memory_space<hbm>>) dst(%dma_wait3A_179 : memref<120xi32, #tpu.memory_space<vmem>>)
      %dma_wait3A_182 = arith.constant 0 : i32
      %dma_wait3A_183 = arith.constant 0 : i32
      %dma_wait3A_184 = tpu.memref_slice %arg13[%dma_wait3A_182, %dma_wait3A_183] : memref<1x120xi32, #tpu.memory_space<vmem>> -> memref<1x120xi32, #tpu.memory_space<vmem>>
      %dma_wait3A_185 = tpu.memref_squeeze %dma_wait3A_184 : memref<1x120xi32, #tpu.memory_space<vmem>> -> memref<120xi32, #tpu.memory_space<vmem>>
      %dma_wait3A_186 = arith.constant 0 : i32
      %dma_wait3A_187 = tpu.memref_slice %arg4[%dma_wait3A_186] : memref<322560xi32, #tpu.memory_space<hbm>> -> memref<120xi32, #tpu.memory_space<hbm>>
      %dma_wait3A_188 = arith.constant 0 : i32
      %dma_wait3A_189 = tpu.memref_slice %arg13[%dma_wait3A_182, %dma_wait3A_188] : memref<1x120xi32, #tpu.memory_space<vmem>> -> memref<1x120xi32, #tpu.memory_space<vmem>>
      %dma_wait3A_190 = tpu.memref_squeeze %dma_wait3A_189 : memref<1x120xi32, #tpu.memory_space<vmem>> -> memref<120xi32, #tpu.memory_space<vmem>>
      %dma_wait3A_191 = arith.constant 0 : i32
      %dma_wait3A_192 = tpu.memref_slice %arg4[%dma_wait3A_191] : memref<322560xi32, #tpu.memory_space<hbm>> -> memref<120xi32, #tpu.memory_space<hbm>>
      tpu.wait_dma2 semaphore(%arg22 : memref<!tpu.dma_semaphore, #tpu.memory_space<semaphore_mem>>) src(%dma_wait3A_192 : memref<120xi32, #tpu.memory_space<hbm>>) dst(%dma_wait3A_190 : memref<120xi32, #tpu.memory_space<vmem>>)
      %ge3A = arith.constant 3 : i32
      %ge3A_193 = arith.cmpi sge, %add3A_170, %ge3A : i32
      %convert_element_type3A = arith.extui %ge3A_193 : i1 to i32
      %cond3A = arith.constant 0 : i32
      %cond3A_194 = arith.cmpi ne, %convert_element_type3A, %cond3A : i32
      scf.if %cond3A_194 {
        %dma_wait3A_453 = arith.constant 0 : i32
        %dma_wait3A_454 = arith.constant 0 : i32
        %dma_wait3A_455 = tpu.memref_slice %arg13[%dma_wait3A_453, %dma_wait3A_454] : memref<1x120xi32, #tpu.memory_space<vmem>> -> memref<1x120xi32, #tpu.memory_space<vmem>>
        %dma_wait3A_456 = tpu.memref_squeeze %dma_wait3A_455 : memref<1x120xi32, #tpu.memory_space<vmem>> -> memref<120xi32, #tpu.memory_space<vmem>>
        %dma_wait3A_457 = arith.constant 0 : i32
        %dma_wait3A_458 = arith.constant 0 : i32
        %dma_wait3A_459 = tpu.memref_slice %arg6[%dma_wait3A_457, %dma_wait3A_458] : memref<10112x128xf32, #tpu.memory_space<vmem_shared>> -> memref<10112x128xf32, #tpu.memory_space<vmem_shared>>
        tpu.wait_indirect_dma semaphore(%arg31 : memref<!tpu.dma_semaphore, #tpu.memory_space<semaphore_mem>>) src(%arg19 : memref<120x128xf32, #tpu.memory_space<vmem>>) dst(%dma_wait3A_459 : memref<10112x128xf32, #tpu.memory_space<vmem_shared>>)
      } else {
      }
      %dma_start3A_195 = arith.constant 0 : i32
      %dma_start3A_196 = arith.constant 0 : i32
      %dma_start3A_197 = tpu.memref_slice %arg7[%dma_start3A_195, %dma_start3A_196] : memref<1x120xi32, #tpu.memory_space<vmem>> -> memref<1x120xi32, #tpu.memory_space<vmem>>
      %dma_start3A_198 = tpu.memref_squeeze %dma_start3A_197 : memref<1x120xi32, #tpu.memory_space<vmem>> -> memref<120xi32, #tpu.memory_space<vmem>>
      %dma_start3A_199 = arith.constant 0 : i32
      %dma_start3A_200 = arith.constant 0 : i32
      %dma_start3A_201 = tpu.memref_slice %arg2[%dma_start3A_199, %dma_start3A_200] : memref<10000x128xf32, #tpu.memory_space<hbm>> -> memref<10000x128xf32, #tpu.memory_space<hbm>>
      tpu.enqueue_indirect_dma source(%dma_start3A_201 : memref<10000x128xf32, #tpu.memory_space<hbm>>) target(%arg19 : memref<120x128xf32, #tpu.memory_space<vmem>>) offsets(%dma_start3A_198 : memref<120xi32, #tpu.memory_space<vmem>>) semaphore(%arg28 : memref<!tpu.dma_semaphore, #tpu.memory_space<semaphore_mem>>)
      %add3A_202 = arith.constant 3 : i32
      %add3A_203 = arith.addi %add3A_170, %add3A_202 : i32
      %lt3A = arith.constant 84 : i32
      %lt3A_204 = arith.cmpi slt, %add3A_203, %lt3A : i32
      %convert_element_type3A_205 = arith.extui %lt3A_204 : i1 to i32
      %cond3A_206 = arith.constant 0 : i32
      %cond3A_207 = arith.cmpi ne, %convert_element_type3A_205, %cond3A_206 : i32
      scf.if %cond3A_207 {
        %mul3A_453 = arith.constant 84 : i32
        %mul3A_454 = arith.muli %add3A, %mul3A_453 : i32
        %add3A_455 = arith.addi %mul3A_454, %add3A_170 : i32
        %add3A_456 = arith.constant 3 : i32
        %add3A_457 = arith.addi %add3A_455, %add3A_456 : i32
        %mul3A_458 = arith.constant 120 : i32
        %mul3A_459 = arith.muli %add3A_457, %mul3A_458 : i32
        %dma_start3A_460 = arith.constant 0 : i32
        %dma_start3A_461 = arith.constant 0 : i32
        %dma_start3A_462 = tpu.memref_slice %arg10[%dma_start3A_460, %dma_start3A_461] : memref<1x120xi32, #tpu.memory_space<vmem>> -> memref<1x120xi32, #tpu.memory_space<vmem>>
        %dma_start3A_463 = tpu.memref_squeeze %dma_start3A_462 : memref<1x120xi32, #tpu.memory_space<vmem>> -> memref<120xi32, #tpu.memory_space<vmem>>
        %dma_start3A_464 = tpu.memref_slice %arg3[%mul3A_459] : memref<322560xi32, #tpu.memory_space<hbm>> -> memref<120xi32, #tpu.memory_space<hbm>>
        %dma_start3A_465 = arith.constant 0 : i32
        %dma_start3A_466 = tpu.memref_slice %arg10[%dma_start3A_460, %dma_start3A_465] : memref<1x120xi32, #tpu.memory_space<vmem>> -> memref<1x120xi32, #tpu.memory_space<vmem>>
        %dma_start3A_467 = tpu.memref_squeeze %dma_start3A_466 : memref<1x120xi32, #tpu.memory_space<vmem>> -> memref<120xi32, #tpu.memory_space<vmem>>
        %dma_start3A_468 = tpu.memref_slice %arg3[%mul3A_459] : memref<322560xi32, #tpu.memory_space<hbm>> -> memref<120xi32, #tpu.memory_space<hbm>>
        tpu.enqueue_dma source(%dma_start3A_468 : memref<120xi32, #tpu.memory_space<hbm>>) target(%dma_start3A_467 : memref<120xi32, #tpu.memory_space<vmem>>) target_semaphore(%arg25 : memref<!tpu.dma_semaphore, #tpu.memory_space<semaphore_mem>>)
        %mul3A_469 = arith.constant 84 : i32
        %mul3A_470 = arith.muli %add3A, %mul3A_469 : i32
        %add3A_471 = arith.addi %mul3A_470, %add3A_170 : i32
        %add3A_472 = arith.constant 3 : i32
        %add3A_473 = arith.addi %add3A_471, %add3A_472 : i32
        %mul3A_474 = arith.constant 120 : i32
        %mul3A_475 = arith.muli %add3A_473, %mul3A_474 : i32
        %dma_start3A_476 = arith.constant 0 : i32
        %dma_start3A_477 = arith.constant 0 : i32
        %dma_start3A_478 = tpu.memref_slice %arg16[%dma_start3A_476, %dma_start3A_477] : memref<1x120xi32, #tpu.memory_space<vmem>> -> memref<1x120xi32, #tpu.memory_space<vmem>>
        %dma_start3A_479 = tpu.memref_squeeze %dma_start3A_478 : memref<1x120xi32, #tpu.memory_space<vmem>> -> memref<120xi32, #tpu.memory_space<vmem>>
        %dma_start3A_480 = tpu.memref_slice %arg4[%mul3A_475] : memref<322560xi32, #tpu.memory_space<hbm>> -> memref<120xi32, #tpu.memory_space<hbm>>
        %dma_start3A_481 = arith.constant 0 : i32
        %dma_start3A_482 = tpu.memref_slice %arg16[%dma_start3A_476, %dma_start3A_481] : memref<1x120xi32, #tpu.memory_space<vmem>> -> memref<1x120xi32, #tpu.memory_space<vmem>>
        %dma_start3A_483 = tpu.memref_squeeze %dma_start3A_482 : memref<1x120xi32, #tpu.memory_space<vmem>> -> memref<120xi32, #tpu.memory_space<vmem>>
        %dma_start3A_484 = tpu.memref_slice %arg4[%mul3A_475] : memref<322560xi32, #tpu.memory_space<hbm>> -> memref<120xi32, #tpu.memory_space<hbm>>
        tpu.enqueue_dma source(%dma_start3A_484 : memref<120xi32, #tpu.memory_space<hbm>>) target(%dma_start3A_483 : memref<120xi32, #tpu.memory_space<vmem>>) target_semaphore(%arg25 : memref<!tpu.dma_semaphore, #tpu.memory_space<semaphore_mem>>)
      } else {
      }
      %ge3A_208 = arith.constant 1 : i32
      %ge3A_209 = arith.cmpi sge, %add3A_170, %ge3A_208 : i32
      %convert_element_type3A_210 = arith.extui %ge3A_209 : i1 to i32
      %cond3A_211 = arith.constant 0 : i32
      %cond3A_212 = arith.cmpi ne, %convert_element_type3A_210, %cond3A_211 : i32
      scf.if %cond3A_212 {
        %dma_wait3A_453 = arith.constant 0 : i32
        %dma_wait3A_454 = arith.constant 0 : i32
        %dma_wait3A_455 = tpu.memref_slice %arg12[%dma_wait3A_453, %dma_wait3A_454] : memref<1x120xi32, #tpu.memory_space<vmem>> -> memref<1x120xi32, #tpu.memory_space<vmem>>
        %dma_wait3A_456 = tpu.memref_squeeze %dma_wait3A_455 : memref<1x120xi32, #tpu.memory_space<vmem>> -> memref<120xi32, #tpu.memory_space<vmem>>
        %dma_wait3A_457 = arith.constant 0 : i32
        %dma_wait3A_458 = arith.constant 0 : i32
        %dma_wait3A_459 = tpu.memref_slice %arg2[%dma_wait3A_457, %dma_wait3A_458] : memref<10000x128xf32, #tpu.memory_space<hbm>> -> memref<10000x128xf32, #tpu.memory_space<hbm>>
        tpu.wait_indirect_dma semaphore(%arg30 : memref<!tpu.dma_semaphore, #tpu.memory_space<semaphore_mem>>) src(%dma_wait3A_459 : memref<10000x128xf32, #tpu.memory_space<hbm>>) dst(%arg21 : memref<120x128xf32, #tpu.memory_space<vmem>>)
        %dma_start3A_460 = arith.constant 0 : i32
        %dma_start3A_461 = arith.constant 0 : i32
        %dma_start3A_462 = tpu.memref_slice %arg18[%dma_start3A_460, %dma_start3A_461] : memref<1x120xi32, #tpu.memory_space<vmem>> -> memref<1x120xi32, #tpu.memory_space<vmem>>
        %dma_start3A_463 = tpu.memref_squeeze %dma_start3A_462 : memref<1x120xi32, #tpu.memory_space<vmem>> -> memref<120xi32, #tpu.memory_space<vmem>>
        %dma_start3A_464 = arith.constant 0 : i32
        %dma_start3A_465 = arith.constant 0 : i32
        %dma_start3A_466 = tpu.memref_slice %arg6[%dma_start3A_464, %dma_start3A_465] : memref<10112x128xf32, #tpu.memory_space<vmem_shared>> -> memref<10112x128xf32, #tpu.memory_space<vmem_shared>>
        tpu.enqueue_indirect_dma source(%arg21 : memref<120x128xf32, #tpu.memory_space<vmem>>) target(%dma_start3A_466 : memref<10112x128xf32, #tpu.memory_space<vmem_shared>>) offsets(%dma_start3A_463 : memref<120xi32, #tpu.memory_space<vmem>>) semaphore(%arg33 : memref<!tpu.dma_semaphore, #tpu.memory_space<semaphore_mem>>) {add = true}
      } else {
      }
      %add3A_213 = arith.constant 1 : i32
      %add3A_214 = arith.addi %mul3A_168, %add3A_213 : i32
      %dma_wait3A_215 = arith.constant 0 : i32
      %dma_wait3A_216 = arith.constant 0 : i32
      %dma_wait3A_217 = tpu.memref_slice %arg8[%dma_wait3A_215, %dma_wait3A_216] : memref<1x120xi32, #tpu.memory_space<vmem>> -> memref<1x120xi32, #tpu.memory_space<vmem>>
      %dma_wait3A_218 = tpu.memref_squeeze %dma_wait3A_217 : memref<1x120xi32, #tpu.memory_space<vmem>> -> memref<120xi32, #tpu.memory_space<vmem>>
      %dma_wait3A_219 = arith.constant 0 : i32
      %dma_wait3A_220 = tpu.memref_slice %arg3[%dma_wait3A_219] : memref<322560xi32, #tpu.memory_space<hbm>> -> memref<120xi32, #tpu.memory_space<hbm>>
      %dma_wait3A_221 = arith.constant 0 : i32
      %dma_wait3A_222 = tpu.memref_slice %arg8[%dma_wait3A_215, %dma_wait3A_221] : memref<1x120xi32, #tpu.memory_space<vmem>> -> memref<1x120xi32, #tpu.memory_space<vmem>>
      %dma_wait3A_223 = tpu.memref_squeeze %dma_wait3A_222 : memref<1x120xi32, #tpu.memory_space<vmem>> -> memref<120xi32, #tpu.memory_space<vmem>>
      %dma_wait3A_224 = arith.constant 0 : i32
      %dma_wait3A_225 = tpu.memref_slice %arg3[%dma_wait3A_224] : memref<322560xi32, #tpu.memory_space<hbm>> -> memref<120xi32, #tpu.memory_space<hbm>>
      tpu.wait_dma2 semaphore(%arg23 : memref<!tpu.dma_semaphore, #tpu.memory_space<semaphore_mem>>) src(%dma_wait3A_225 : memref<120xi32, #tpu.memory_space<hbm>>) dst(%dma_wait3A_223 : memref<120xi32, #tpu.memory_space<vmem>>)
      %dma_wait3A_226 = arith.constant 0 : i32
      %dma_wait3A_227 = arith.constant 0 : i32
      %dma_wait3A_228 = tpu.memref_slice %arg14[%dma_wait3A_226, %dma_wait3A_227] : memref<1x120xi32, #tpu.memory_space<vmem>> -> memref<1x120xi32, #tpu.memory_space<vmem>>
      %dma_wait3A_229 = tpu.memref_squeeze %dma_wait3A_228 : memref<1x120xi32, #tpu.memory_space<vmem>> -> memref<120xi32, #tpu.memory_space<vmem>>
      %dma_wait3A_230 = arith.constant 0 : i32
      %dma_wait3A_231 = tpu.memref_slice %arg4[%dma_wait3A_230] : memref<322560xi32, #tpu.memory_space<hbm>> -> memref<120xi32, #tpu.memory_space<hbm>>
      %dma_wait3A_232 = arith.constant 0 : i32
      %dma_wait3A_233 = tpu.memref_slice %arg14[%dma_wait3A_226, %dma_wait3A_232] : memref<1x120xi32, #tpu.memory_space<vmem>> -> memref<1x120xi32, #tpu.memory_space<vmem>>
      %dma_wait3A_234 = tpu.memref_squeeze %dma_wait3A_233 : memref<1x120xi32, #tpu.memory_space<vmem>> -> memref<120xi32, #tpu.memory_space<vmem>>
      %dma_wait3A_235 = arith.constant 0 : i32
      %dma_wait3A_236 = tpu.memref_slice %arg4[%dma_wait3A_235] : memref<322560xi32, #tpu.memory_space<hbm>> -> memref<120xi32, #tpu.memory_space<hbm>>
      tpu.wait_dma2 semaphore(%arg23 : memref<!tpu.dma_semaphore, #tpu.memory_space<semaphore_mem>>) src(%dma_wait3A_236 : memref<120xi32, #tpu.memory_space<hbm>>) dst(%dma_wait3A_234 : memref<120xi32, #tpu.memory_space<vmem>>)
      %ge3A_237 = arith.constant 3 : i32
      %ge3A_238 = arith.cmpi sge, %add3A_214, %ge3A_237 : i32
      %convert_element_type3A_239 = arith.extui %ge3A_238 : i1 to i32
      %cond3A_240 = arith.constant 0 : i32
      %cond3A_241 = arith.cmpi ne, %convert_element_type3A_239, %cond3A_240 : i32
      scf.if %cond3A_241 {
        %dma_wait3A_453 = arith.constant 0 : i32
        %dma_wait3A_454 = arith.constant 0 : i32
        %dma_wait3A_455 = tpu.memref_slice %arg14[%dma_wait3A_453, %dma_wait3A_454] : memref<1x120xi32, #tpu.memory_space<vmem>> -> memref<1x120xi32, #tpu.memory_space<vmem>>
        %dma_wait3A_456 = tpu.memref_squeeze %dma_wait3A_455 : memref<1x120xi32, #tpu.memory_space<vmem>> -> memref<120xi32, #tpu.memory_space<vmem>>
        %dma_wait3A_457 = arith.constant 0 : i32
        %dma_wait3A_458 = arith.constant 0 : i32
        %dma_wait3A_459 = tpu.memref_slice %arg6[%dma_wait3A_457, %dma_wait3A_458] : memref<10112x128xf32, #tpu.memory_space<vmem_shared>> -> memref<10112x128xf32, #tpu.memory_space<vmem_shared>>
        tpu.wait_indirect_dma semaphore(%arg32 : memref<!tpu.dma_semaphore, #tpu.memory_space<semaphore_mem>>) src(%arg20 : memref<120x128xf32, #tpu.memory_space<vmem>>) dst(%dma_wait3A_459 : memref<10112x128xf32, #tpu.memory_space<vmem_shared>>)
      } else {
      }
      %dma_start3A_242 = arith.constant 0 : i32
      %dma_start3A_243 = arith.constant 0 : i32
      %dma_start3A_244 = tpu.memref_slice %arg8[%dma_start3A_242, %dma_start3A_243] : memref<1x120xi32, #tpu.memory_space<vmem>> -> memref<1x120xi32, #tpu.memory_space<vmem>>
      %dma_start3A_245 = tpu.memref_squeeze %dma_start3A_244 : memref<1x120xi32, #tpu.memory_space<vmem>> -> memref<120xi32, #tpu.memory_space<vmem>>
      %dma_start3A_246 = arith.constant 0 : i32
      %dma_start3A_247 = arith.constant 0 : i32
      %dma_start3A_248 = tpu.memref_slice %arg2[%dma_start3A_246, %dma_start3A_247] : memref<10000x128xf32, #tpu.memory_space<hbm>> -> memref<10000x128xf32, #tpu.memory_space<hbm>>
      tpu.enqueue_indirect_dma source(%dma_start3A_248 : memref<10000x128xf32, #tpu.memory_space<hbm>>) target(%arg20 : memref<120x128xf32, #tpu.memory_space<vmem>>) offsets(%dma_start3A_245 : memref<120xi32, #tpu.memory_space<vmem>>) semaphore(%arg29 : memref<!tpu.dma_semaphore, #tpu.memory_space<semaphore_mem>>)
      %add3A_249 = arith.constant 3 : i32
      %add3A_250 = arith.addi %add3A_214, %add3A_249 : i32
      %lt3A_251 = arith.constant 84 : i32
      %lt3A_252 = arith.cmpi slt, %add3A_250, %lt3A_251 : i32
      %convert_element_type3A_253 = arith.extui %lt3A_252 : i1 to i32
      %cond3A_254 = arith.constant 0 : i32
      %cond3A_255 = arith.cmpi ne, %convert_element_type3A_253, %cond3A_254 : i32
      scf.if %cond3A_255 {
        %mul3A_453 = arith.constant 84 : i32
        %mul3A_454 = arith.muli %add3A, %mul3A_453 : i32
        %add3A_455 = arith.addi %mul3A_454, %add3A_214 : i32
        %add3A_456 = arith.constant 3 : i32
        %add3A_457 = arith.addi %add3A_455, %add3A_456 : i32
        %mul3A_458 = arith.constant 120 : i32
        %mul3A_459 = arith.muli %add3A_457, %mul3A_458 : i32
        %dma_start3A_460 = arith.constant 0 : i32
        %dma_start3A_461 = arith.constant 0 : i32
        %dma_start3A_462 = tpu.memref_slice %arg11[%dma_start3A_460, %dma_start3A_461] : memref<1x120xi32, #tpu.memory_space<vmem>> -> memref<1x120xi32, #tpu.memory_space<vmem>>
        %dma_start3A_463 = tpu.memref_squeeze %dma_start3A_462 : memref<1x120xi32, #tpu.memory_space<vmem>> -> memref<120xi32, #tpu.memory_space<vmem>>
        %dma_start3A_464 = tpu.memref_slice %arg3[%mul3A_459] : memref<322560xi32, #tpu.memory_space<hbm>> -> memref<120xi32, #tpu.memory_space<hbm>>
        %dma_start3A_465 = arith.constant 0 : i32
        %dma_start3A_466 = tpu.memref_slice %arg11[%dma_start3A_460, %dma_start3A_465] : memref<1x120xi32, #tpu.memory_space<vmem>> -> memref<1x120xi32, #tpu.memory_space<vmem>>
        %dma_start3A_467 = tpu.memref_squeeze %dma_start3A_466 : memref<1x120xi32, #tpu.memory_space<vmem>> -> memref<120xi32, #tpu.memory_space<vmem>>
        %dma_start3A_468 = tpu.memref_slice %arg3[%mul3A_459] : memref<322560xi32, #tpu.memory_space<hbm>> -> memref<120xi32, #tpu.memory_space<hbm>>
        tpu.enqueue_dma source(%dma_start3A_468 : memref<120xi32, #tpu.memory_space<hbm>>) target(%dma_start3A_467 : memref<120xi32, #tpu.memory_space<vmem>>) target_semaphore(%arg26 : memref<!tpu.dma_semaphore, #tpu.memory_space<semaphore_mem>>)
        %mul3A_469 = arith.constant 84 : i32
        %mul3A_470 = arith.muli %add3A, %mul3A_469 : i32
        %add3A_471 = arith.addi %mul3A_470, %add3A_214 : i32
        %add3A_472 = arith.constant 3 : i32
        %add3A_473 = arith.addi %add3A_471, %add3A_472 : i32
        %mul3A_474 = arith.constant 120 : i32
        %mul3A_475 = arith.muli %add3A_473, %mul3A_474 : i32
        %dma_start3A_476 = arith.constant 0 : i32
        %dma_start3A_477 = arith.constant 0 : i32
        %dma_start3A_478 = tpu.memref_slice %arg17[%dma_start3A_476, %dma_start3A_477] : memref<1x120xi32, #tpu.memory_space<vmem>> -> memref<1x120xi32, #tpu.memory_space<vmem>>
        %dma_start3A_479 = tpu.memref_squeeze %dma_start3A_478 : memref<1x120xi32, #tpu.memory_space<vmem>> -> memref<120xi32, #tpu.memory_space<vmem>>
        %dma_start3A_480 = tpu.memref_slice %arg4[%mul3A_475] : memref<322560xi32, #tpu.memory_space<hbm>> -> memref<120xi32, #tpu.memory_space<hbm>>
        %dma_start3A_481 = arith.constant 0 : i32
        %dma_start3A_482 = tpu.memref_slice %arg17[%dma_start3A_476, %dma_start3A_481] : memref<1x120xi32, #tpu.memory_space<vmem>> -> memref<1x120xi32, #tpu.memory_space<vmem>>
        %dma_start3A_483 = tpu.memref_squeeze %dma_start3A_482 : memref<1x120xi32, #tpu.memory_space<vmem>> -> memref<120xi32, #tpu.memory_space<vmem>>
        %dma_start3A_484 = tpu.memref_slice %arg4[%mul3A_475] : memref<322560xi32, #tpu.memory_space<hbm>> -> memref<120xi32, #tpu.memory_space<hbm>>
        tpu.enqueue_dma source(%dma_start3A_484 : memref<120xi32, #tpu.memory_space<hbm>>) target(%dma_start3A_483 : memref<120xi32, #tpu.memory_space<vmem>>) target_semaphore(%arg26 : memref<!tpu.dma_semaphore, #tpu.memory_space<semaphore_mem>>)
      } else {
      }
      %ge3A_256 = arith.constant 1 : i32
      %ge3A_257 = arith.cmpi sge, %add3A_214, %ge3A_256 : i32
      %convert_element_type3A_258 = arith.extui %ge3A_257 : i1 to i32
      %cond3A_259 = arith.constant 0 : i32
      %cond3A_260 = arith.cmpi ne, %convert_element_type3A_258, %cond3A_259 : i32
      scf.if %cond3A_260 {
        %dma_wait3A_453 = arith.constant 0 : i32
        %dma_wait3A_454 = arith.constant 0 : i32
        %dma_wait3A_455 = tpu.memref_slice %arg7[%dma_wait3A_453, %dma_wait3A_454] : memref<1x120xi32, #tpu.memory_space<vmem>> -> memref<1x120xi32, #tpu.memory_space<vmem>>
        %dma_wait3A_456 = tpu.memref_squeeze %dma_wait3A_455 : memref<1x120xi32, #tpu.memory_space<vmem>> -> memref<120xi32, #tpu.memory_space<vmem>>
        %dma_wait3A_457 = arith.constant 0 : i32
        %dma_wait3A_458 = arith.constant 0 : i32
        %dma_wait3A_459 = tpu.memref_slice %arg2[%dma_wait3A_457, %dma_wait3A_458] : memref<10000x128xf32, #tpu.memory_space<hbm>> -> memref<10000x128xf32, #tpu.memory_space<hbm>>
        tpu.wait_indirect_dma semaphore(%arg28 : memref<!tpu.dma_semaphore, #tpu.memory_space<semaphore_mem>>) src(%dma_wait3A_459 : memref<10000x128xf32, #tpu.memory_space<hbm>>) dst(%arg19 : memref<120x128xf32, #tpu.memory_space<vmem>>)
        %dma_start3A_460 = arith.constant 0 : i32
        %dma_start3A_461 = arith.constant 0 : i32
        %dma_start3A_462 = tpu.memref_slice %arg13[%dma_start3A_460, %dma_start3A_461] : memref<1x120xi32, #tpu.memory_space<vmem>> -> memref<1x120xi32, #tpu.memory_space<vmem>>
        %dma_start3A_463 = tpu.memref_squeeze %dma_start3A_462 : memref<1x120xi32, #tpu.memory_space<vmem>> -> memref<120xi32, #tpu.memory_space<vmem>>
        %dma_start3A_464 = arith.constant 0 : i32
        %dma_start3A_465 = arith.constant 0 : i32
        %dma_start3A_466 = tpu.memref_slice %arg6[%dma_start3A_464, %dma_start3A_465] : memref<10112x128xf32, #tpu.memory_space<vmem_shared>> -> memref<10112x128xf32, #tpu.memory_space<vmem_shared>>
        tpu.enqueue_indirect_dma source(%arg19 : memref<120x128xf32, #tpu.memory_space<vmem>>) target(%dma_start3A_466 : memref<10112x128xf32, #tpu.memory_space<vmem_shared>>) offsets(%dma_start3A_463 : memref<120xi32, #tpu.memory_space<vmem>>) semaphore(%arg31 : memref<!tpu.dma_semaphore, #tpu.memory_space<semaphore_mem>>) {add = true}
      } else {
      }
      %add3A_261 = arith.constant 2 : i32
      %add3A_262 = arith.addi %mul3A_168, %add3A_261 : i32
      %dma_wait3A_263 = arith.constant 0 : i32
      %dma_wait3A_264 = arith.constant 0 : i32
      %dma_wait3A_265 = tpu.memref_slice %arg9[%dma_wait3A_263, %dma_wait3A_264] : memref<1x120xi32, #tpu.memory_space<vmem>> -> memref<1x120xi32, #tpu.memory_space<vmem>>
      %dma_wait3A_266 = tpu.memref_squeeze %dma_wait3A_265 : memref<1x120xi32, #tpu.memory_space<vmem>> -> memref<120xi32, #tpu.memory_space<vmem>>
      %dma_wait3A_267 = arith.constant 0 : i32
      %dma_wait3A_268 = tpu.memref_slice %arg3[%dma_wait3A_267] : memref<322560xi32, #tpu.memory_space<hbm>> -> memref<120xi32, #tpu.memory_space<hbm>>
      %dma_wait3A_269 = arith.constant 0 : i32
      %dma_wait3A_270 = tpu.memref_slice %arg9[%dma_wait3A_263, %dma_wait3A_269] : memref<1x120xi32, #tpu.memory_space<vmem>> -> memref<1x120xi32, #tpu.memory_space<vmem>>
      %dma_wait3A_271 = tpu.memref_squeeze %dma_wait3A_270 : memref<1x120xi32, #tpu.memory_space<vmem>> -> memref<120xi32, #tpu.memory_space<vmem>>
      %dma_wait3A_272 = arith.constant 0 : i32
      %dma_wait3A_273 = tpu.memref_slice %arg3[%dma_wait3A_272] : memref<322560xi32, #tpu.memory_space<hbm>> -> memref<120xi32, #tpu.memory_space<hbm>>
      tpu.wait_dma2 semaphore(%arg24 : memref<!tpu.dma_semaphore, #tpu.memory_space<semaphore_mem>>) src(%dma_wait3A_273 : memref<120xi32, #tpu.memory_space<hbm>>) dst(%dma_wait3A_271 : memref<120xi32, #tpu.memory_space<vmem>>)
      %dma_wait3A_274 = arith.constant 0 : i32
      %dma_wait3A_275 = arith.constant 0 : i32
      %dma_wait3A_276 = tpu.memref_slice %arg15[%dma_wait3A_274, %dma_wait3A_275] : memref<1x120xi32, #tpu.memory_space<vmem>> -> memref<1x120xi32, #tpu.memory_space<vmem>>
      %dma_wait3A_277 = tpu.memref_squeeze %dma_wait3A_276 : memref<1x120xi32, #tpu.memory_space<vmem>> -> memref<120xi32, #tpu.memory_space<vmem>>
      %dma_wait3A_278 = arith.constant 0 : i32
      %dma_wait3A_279 = tpu.memref_slice %arg4[%dma_wait3A_278] : memref<322560xi32, #tpu.memory_space<hbm>> -> memref<120xi32, #tpu.memory_space<hbm>>
      %dma_wait3A_280 = arith.constant 0 : i32
      %dma_wait3A_281 = tpu.memref_slice %arg15[%dma_wait3A_274, %dma_wait3A_280] : memref<1x120xi32, #tpu.memory_space<vmem>> -> memref<1x120xi32, #tpu.memory_space<vmem>>
      %dma_wait3A_282 = tpu.memref_squeeze %dma_wait3A_281 : memref<1x120xi32, #tpu.memory_space<vmem>> -> memref<120xi32, #tpu.memory_space<vmem>>
      %dma_wait3A_283 = arith.constant 0 : i32
      %dma_wait3A_284 = tpu.memref_slice %arg4[%dma_wait3A_283] : memref<322560xi32, #tpu.memory_space<hbm>> -> memref<120xi32, #tpu.memory_space<hbm>>
      tpu.wait_dma2 semaphore(%arg24 : memref<!tpu.dma_semaphore, #tpu.memory_space<semaphore_mem>>) src(%dma_wait3A_284 : memref<120xi32, #tpu.memory_space<hbm>>) dst(%dma_wait3A_282 : memref<120xi32, #tpu.memory_space<vmem>>)
      %ge3A_285 = arith.constant 3 : i32
      %ge3A_286 = arith.cmpi sge, %add3A_262, %ge3A_285 : i32
      %convert_element_type3A_287 = arith.extui %ge3A_286 : i1 to i32
      %cond3A_288 = arith.constant 0 : i32
      %cond3A_289 = arith.cmpi ne, %convert_element_type3A_287, %cond3A_288 : i32
      scf.if %cond3A_289 {
        %dma_wait3A_453 = arith.constant 0 : i32
        %dma_wait3A_454 = arith.constant 0 : i32
        %dma_wait3A_455 = tpu.memref_slice %arg15[%dma_wait3A_453, %dma_wait3A_454] : memref<1x120xi32, #tpu.memory_space<vmem>> -> memref<1x120xi32, #tpu.memory_space<vmem>>
        %dma_wait3A_456 = tpu.memref_squeeze %dma_wait3A_455 : memref<1x120xi32, #tpu.memory_space<vmem>> -> memref<120xi32, #tpu.memory_space<vmem>>
        %dma_wait3A_457 = arith.constant 0 : i32
        %dma_wait3A_458 = arith.constant 0 : i32
        %dma_wait3A_459 = tpu.memref_slice %arg6[%dma_wait3A_457, %dma_wait3A_458] : memref<10112x128xf32, #tpu.memory_space<vmem_shared>> -> memref<10112x128xf32, #tpu.memory_space<vmem_shared>>
        tpu.wait_indirect_dma semaphore(%arg33 : memref<!tpu.dma_semaphore, #tpu.memory_space<semaphore_mem>>) src(%arg21 : memref<120x128xf32, #tpu.memory_space<vmem>>) dst(%dma_wait3A_459 : memref<10112x128xf32, #tpu.memory_space<vmem_shared>>)
      } else {
      }
      %dma_start3A_290 = arith.constant 0 : i32
      %dma_start3A_291 = arith.constant 0 : i32
      %dma_start3A_292 = tpu.memref_slice %arg9[%dma_start3A_290, %dma_start3A_291] : memref<1x120xi32, #tpu.memory_space<vmem>> -> memref<1x120xi32, #tpu.memory_space<vmem>>
      %dma_start3A_293 = tpu.memref_squeeze %dma_start3A_292 : memref<1x120xi32, #tpu.memory_space<vmem>> -> memref<120xi32, #tpu.memory_space<vmem>>
      %dma_start3A_294 = arith.constant 0 : i32
      %dma_start3A_295 = arith.constant 0 : i32
      %dma_start3A_296 = tpu.memref_slice %arg2[%dma_start3A_294, %dma_start3A_295] : memref<10000x128xf32, #tpu.memory_space<hbm>> -> memref<10000x128xf32, #tpu.memory_space<hbm>>
      tpu.enqueue_indirect_dma source(%dma_start3A_296 : memref<10000x128xf32, #tpu.memory_space<hbm>>) target(%arg21 : memref<120x128xf32, #tpu.memory_space<vmem>>) offsets(%dma_start3A_293 : memref<120xi32, #tpu.memory_space<vmem>>) semaphore(%arg30 : memref<!tpu.dma_semaphore, #tpu.memory_space<semaphore_mem>>)
      %add3A_297 = arith.constant 3 : i32
      %add3A_298 = arith.addi %add3A_262, %add3A_297 : i32
      %lt3A_299 = arith.constant 84 : i32
      %lt3A_300 = arith.cmpi slt, %add3A_298, %lt3A_299 : i32
      %convert_element_type3A_301 = arith.extui %lt3A_300 : i1 to i32
      %cond3A_302 = arith.constant 0 : i32
      %cond3A_303 = arith.cmpi ne, %convert_element_type3A_301, %cond3A_302 : i32
      scf.if %cond3A_303 {
        %mul3A_453 = arith.constant 84 : i32
        %mul3A_454 = arith.muli %add3A, %mul3A_453 : i32
        %add3A_455 = arith.addi %mul3A_454, %add3A_262 : i32
        %add3A_456 = arith.constant 3 : i32
        %add3A_457 = arith.addi %add3A_455, %add3A_456 : i32
        %mul3A_458 = arith.constant 120 : i32
        %mul3A_459 = arith.muli %add3A_457, %mul3A_458 : i32
        %dma_start3A_460 = arith.constant 0 : i32
        %dma_start3A_461 = arith.constant 0 : i32
        %dma_start3A_462 = tpu.memref_slice %arg12[%dma_start3A_460, %dma_start3A_461] : memref<1x120xi32, #tpu.memory_space<vmem>> -> memref<1x120xi32, #tpu.memory_space<vmem>>
        %dma_start3A_463 = tpu.memref_squeeze %dma_start3A_462 : memref<1x120xi32, #tpu.memory_space<vmem>> -> memref<120xi32, #tpu.memory_space<vmem>>
        %dma_start3A_464 = tpu.memref_slice %arg3[%mul3A_459] : memref<322560xi32, #tpu.memory_space<hbm>> -> memref<120xi32, #tpu.memory_space<hbm>>
        %dma_start3A_465 = arith.constant 0 : i32
        %dma_start3A_466 = tpu.memref_slice %arg12[%dma_start3A_460, %dma_start3A_465] : memref<1x120xi32, #tpu.memory_space<vmem>> -> memref<1x120xi32, #tpu.memory_space<vmem>>
        %dma_start3A_467 = tpu.memref_squeeze %dma_start3A_466 : memref<1x120xi32, #tpu.memory_space<vmem>> -> memref<120xi32, #tpu.memory_space<vmem>>
        %dma_start3A_468 = tpu.memref_slice %arg3[%mul3A_459] : memref<322560xi32, #tpu.memory_space<hbm>> -> memref<120xi32, #tpu.memory_space<hbm>>
        tpu.enqueue_dma source(%dma_start3A_468 : memref<120xi32, #tpu.memory_space<hbm>>) target(%dma_start3A_467 : memref<120xi32, #tpu.memory_space<vmem>>) target_semaphore(%arg27 : memref<!tpu.dma_semaphore, #tpu.memory_space<semaphore_mem>>)
        %mul3A_469 = arith.constant 84 : i32
        %mul3A_470 = arith.muli %add3A, %mul3A_469 : i32
        %add3A_471 = arith.addi %mul3A_470, %add3A_262 : i32
        %add3A_472 = arith.constant 3 : i32
        %add3A_473 = arith.addi %add3A_471, %add3A_472 : i32
        %mul3A_474 = arith.constant 120 : i32
        %mul3A_475 = arith.muli %add3A_473, %mul3A_474 : i32
        %dma_start3A_476 = arith.constant 0 : i32
        %dma_start3A_477 = arith.constant 0 : i32
        %dma_start3A_478 = tpu.memref_slice %arg18[%dma_start3A_476, %dma_start3A_477] : memref<1x120xi32, #tpu.memory_space<vmem>> -> memref<1x120xi32, #tpu.memory_space<vmem>>
        %dma_start3A_479 = tpu.memref_squeeze %dma_start3A_478 : memref<1x120xi32, #tpu.memory_space<vmem>> -> memref<120xi32, #tpu.memory_space<vmem>>
        %dma_start3A_480 = tpu.memref_slice %arg4[%mul3A_475] : memref<322560xi32, #tpu.memory_space<hbm>> -> memref<120xi32, #tpu.memory_space<hbm>>
        %dma_start3A_481 = arith.constant 0 : i32
        %dma_start3A_482 = tpu.memref_slice %arg18[%dma_start3A_476, %dma_start3A_481] : memref<1x120xi32, #tpu.memory_space<vmem>> -> memref<1x120xi32, #tpu.memory_space<vmem>>
        %dma_start3A_483 = tpu.memref_squeeze %dma_start3A_482 : memref<1x120xi32, #tpu.memory_space<vmem>> -> memref<120xi32, #tpu.memory_space<vmem>>
        %dma_start3A_484 = tpu.memref_slice %arg4[%mul3A_475] : memref<322560xi32, #tpu.memory_space<hbm>> -> memref<120xi32, #tpu.memory_space<hbm>>
        tpu.enqueue_dma source(%dma_start3A_484 : memref<120xi32, #tpu.memory_space<hbm>>) target(%dma_start3A_483 : memref<120xi32, #tpu.memory_space<vmem>>) target_semaphore(%arg27 : memref<!tpu.dma_semaphore, #tpu.memory_space<semaphore_mem>>)
      } else {
      }
      %ge3A_304 = arith.constant 1 : i32
      %ge3A_305 = arith.cmpi sge, %add3A_262, %ge3A_304 : i32
      %convert_element_type3A_306 = arith.extui %ge3A_305 : i1 to i32
      %cond3A_307 = arith.constant 0 : i32
      %cond3A_308 = arith.cmpi ne, %convert_element_type3A_306, %cond3A_307 : i32
      scf.if %cond3A_308 {
        %dma_wait3A_453 = arith.constant 0 : i32
        %dma_wait3A_454 = arith.constant 0 : i32
        %dma_wait3A_455 = tpu.memref_slice %arg8[%dma_wait3A_453, %dma_wait3A_454] : memref<1x120xi32, #tpu.memory_space<vmem>> -> memref<1x120xi32, #tpu.memory_space<vmem>>
        %dma_wait3A_456 = tpu.memref_squeeze %dma_wait3A_455 : memref<1x120xi32, #tpu.memory_space<vmem>> -> memref<120xi32, #tpu.memory_space<vmem>>
        %dma_wait3A_457 = arith.constant 0 : i32
        %dma_wait3A_458 = arith.constant 0 : i32
        %dma_wait3A_459 = tpu.memref_slice %arg2[%dma_wait3A_457, %dma_wait3A_458] : memref<10000x128xf32, #tpu.memory_space<hbm>> -> memref<10000x128xf32, #tpu.memory_space<hbm>>
        tpu.wait_indirect_dma semaphore(%arg29 : memref<!tpu.dma_semaphore, #tpu.memory_space<semaphore_mem>>) src(%dma_wait3A_459 : memref<10000x128xf32, #tpu.memory_space<hbm>>) dst(%arg20 : memref<120x128xf32, #tpu.memory_space<vmem>>)
        %dma_start3A_460 = arith.constant 0 : i32
        %dma_start3A_461 = arith.constant 0 : i32
        %dma_start3A_462 = tpu.memref_slice %arg14[%dma_start3A_460, %dma_start3A_461] : memref<1x120xi32, #tpu.memory_space<vmem>> -> memref<1x120xi32, #tpu.memory_space<vmem>>
        %dma_start3A_463 = tpu.memref_squeeze %dma_start3A_462 : memref<1x120xi32, #tpu.memory_space<vmem>> -> memref<120xi32, #tpu.memory_space<vmem>>
        %dma_start3A_464 = arith.constant 0 : i32
        %dma_start3A_465 = arith.constant 0 : i32
        %dma_start3A_466 = tpu.memref_slice %arg6[%dma_start3A_464, %dma_start3A_465] : memref<10112x128xf32, #tpu.memory_space<vmem_shared>> -> memref<10112x128xf32, #tpu.memory_space<vmem_shared>>
        tpu.enqueue_indirect_dma source(%arg20 : memref<120x128xf32, #tpu.memory_space<vmem>>) target(%dma_start3A_466 : memref<10112x128xf32, #tpu.memory_space<vmem_shared>>) offsets(%dma_start3A_463 : memref<120xi32, #tpu.memory_space<vmem>>) semaphore(%arg32 : memref<!tpu.dma_semaphore, #tpu.memory_space<semaphore_mem>>) {add = true}
      } else {
      }
      %add3A_309 = arith.constant 3 : i32
      %add3A_310 = arith.addi %mul3A_168, %add3A_309 : i32
      %dma_wait3A_311 = arith.constant 0 : i32
      %dma_wait3A_312 = arith.constant 0 : i32
      %dma_wait3A_313 = tpu.memref_slice %arg10[%dma_wait3A_311, %dma_wait3A_312] : memref<1x120xi32, #tpu.memory_space<vmem>> -> memref<1x120xi32, #tpu.memory_space<vmem>>
      %dma_wait3A_314 = tpu.memref_squeeze %dma_wait3A_313 : memref<1x120xi32, #tpu.memory_space<vmem>> -> memref<120xi32, #tpu.memory_space<vmem>>
      %dma_wait3A_315 = arith.constant 0 : i32
      %dma_wait3A_316 = tpu.memref_slice %arg3[%dma_wait3A_315] : memref<322560xi32, #tpu.memory_space<hbm>> -> memref<120xi32, #tpu.memory_space<hbm>>
      %dma_wait3A_317 = arith.constant 0 : i32
      %dma_wait3A_318 = tpu.memref_slice %arg10[%dma_wait3A_311, %dma_wait3A_317] : memref<1x120xi32, #tpu.memory_space<vmem>> -> memref<1x120xi32, #tpu.memory_space<vmem>>
      %dma_wait3A_319 = tpu.memref_squeeze %dma_wait3A_318 : memref<1x120xi32, #tpu.memory_space<vmem>> -> memref<120xi32, #tpu.memory_space<vmem>>
      %dma_wait3A_320 = arith.constant 0 : i32
      %dma_wait3A_321 = tpu.memref_slice %arg3[%dma_wait3A_320] : memref<322560xi32, #tpu.memory_space<hbm>> -> memref<120xi32, #tpu.memory_space<hbm>>
      tpu.wait_dma2 semaphore(%arg25 : memref<!tpu.dma_semaphore, #tpu.memory_space<semaphore_mem>>) src(%dma_wait3A_321 : memref<120xi32, #tpu.memory_space<hbm>>) dst(%dma_wait3A_319 : memref<120xi32, #tpu.memory_space<vmem>>)
      %dma_wait3A_322 = arith.constant 0 : i32
      %dma_wait3A_323 = arith.constant 0 : i32
      %dma_wait3A_324 = tpu.memref_slice %arg16[%dma_wait3A_322, %dma_wait3A_323] : memref<1x120xi32, #tpu.memory_space<vmem>> -> memref<1x120xi32, #tpu.memory_space<vmem>>
      %dma_wait3A_325 = tpu.memref_squeeze %dma_wait3A_324 : memref<1x120xi32, #tpu.memory_space<vmem>> -> memref<120xi32, #tpu.memory_space<vmem>>
      %dma_wait3A_326 = arith.constant 0 : i32
      %dma_wait3A_327 = tpu.memref_slice %arg4[%dma_wait3A_326] : memref<322560xi32, #tpu.memory_space<hbm>> -> memref<120xi32, #tpu.memory_space<hbm>>
      %dma_wait3A_328 = arith.constant 0 : i32
      %dma_wait3A_329 = tpu.memref_slice %arg16[%dma_wait3A_322, %dma_wait3A_328] : memref<1x120xi32, #tpu.memory_space<vmem>> -> memref<1x120xi32, #tpu.memory_space<vmem>>
      %dma_wait3A_330 = tpu.memref_squeeze %dma_wait3A_329 : memref<1x120xi32, #tpu.memory_space<vmem>> -> memref<120xi32, #tpu.memory_space<vmem>>
      %dma_wait3A_331 = arith.constant 0 : i32
      %dma_wait3A_332 = tpu.memref_slice %arg4[%dma_wait3A_331] : memref<322560xi32, #tpu.memory_space<hbm>> -> memref<120xi32, #tpu.memory_space<hbm>>
      tpu.wait_dma2 semaphore(%arg25 : memref<!tpu.dma_semaphore, #tpu.memory_space<semaphore_mem>>) src(%dma_wait3A_332 : memref<120xi32, #tpu.memory_space<hbm>>) dst(%dma_wait3A_330 : memref<120xi32, #tpu.memory_space<vmem>>)
      %ge3A_333 = arith.constant 3 : i32
      %ge3A_334 = arith.cmpi sge, %add3A_310, %ge3A_333 : i32
      %convert_element_type3A_335 = arith.extui %ge3A_334 : i1 to i32
      %cond3A_336 = arith.constant 0 : i32
      %cond3A_337 = arith.cmpi ne, %convert_element_type3A_335, %cond3A_336 : i32
      scf.if %cond3A_337 {
        %dma_wait3A_453 = arith.constant 0 : i32
        %dma_wait3A_454 = arith.constant 0 : i32
        %dma_wait3A_455 = tpu.memref_slice %arg16[%dma_wait3A_453, %dma_wait3A_454] : memref<1x120xi32, #tpu.memory_space<vmem>> -> memref<1x120xi32, #tpu.memory_space<vmem>>
        %dma_wait3A_456 = tpu.memref_squeeze %dma_wait3A_455 : memref<1x120xi32, #tpu.memory_space<vmem>> -> memref<120xi32, #tpu.memory_space<vmem>>
        %dma_wait3A_457 = arith.constant 0 : i32
        %dma_wait3A_458 = arith.constant 0 : i32
        %dma_wait3A_459 = tpu.memref_slice %arg6[%dma_wait3A_457, %dma_wait3A_458] : memref<10112x128xf32, #tpu.memory_space<vmem_shared>> -> memref<10112x128xf32, #tpu.memory_space<vmem_shared>>
        tpu.wait_indirect_dma semaphore(%arg31 : memref<!tpu.dma_semaphore, #tpu.memory_space<semaphore_mem>>) src(%arg19 : memref<120x128xf32, #tpu.memory_space<vmem>>) dst(%dma_wait3A_459 : memref<10112x128xf32, #tpu.memory_space<vmem_shared>>)
      } else {
      }
      %dma_start3A_338 = arith.constant 0 : i32
      %dma_start3A_339 = arith.constant 0 : i32
      %dma_start3A_340 = tpu.memref_slice %arg10[%dma_start3A_338, %dma_start3A_339] : memref<1x120xi32, #tpu.memory_space<vmem>> -> memref<1x120xi32, #tpu.memory_space<vmem>>
      %dma_start3A_341 = tpu.memref_squeeze %dma_start3A_340 : memref<1x120xi32, #tpu.memory_space<vmem>> -> memref<120xi32, #tpu.memory_space<vmem>>
      %dma_start3A_342 = arith.constant 0 : i32
      %dma_start3A_343 = arith.constant 0 : i32
      %dma_start3A_344 = tpu.memref_slice %arg2[%dma_start3A_342, %dma_start3A_343] : memref<10000x128xf32, #tpu.memory_space<hbm>> -> memref<10000x128xf32, #tpu.memory_space<hbm>>
      tpu.enqueue_indirect_dma source(%dma_start3A_344 : memref<10000x128xf32, #tpu.memory_space<hbm>>) target(%arg19 : memref<120x128xf32, #tpu.memory_space<vmem>>) offsets(%dma_start3A_341 : memref<120xi32, #tpu.memory_space<vmem>>) semaphore(%arg28 : memref<!tpu.dma_semaphore, #tpu.memory_space<semaphore_mem>>)
      %add3A_345 = arith.constant 3 : i32
      %add3A_346 = arith.addi %add3A_310, %add3A_345 : i32
      %lt3A_347 = arith.constant 84 : i32
      %lt3A_348 = arith.cmpi slt, %add3A_346, %lt3A_347 : i32
      %convert_element_type3A_349 = arith.extui %lt3A_348 : i1 to i32
      %cond3A_350 = arith.constant 0 : i32
      %cond3A_351 = arith.cmpi ne, %convert_element_type3A_349, %cond3A_350 : i32
      scf.if %cond3A_351 {
        %mul3A_453 = arith.constant 84 : i32
        %mul3A_454 = arith.muli %add3A, %mul3A_453 : i32
        %add3A_455 = arith.addi %mul3A_454, %add3A_310 : i32
        %add3A_456 = arith.constant 3 : i32
        %add3A_457 = arith.addi %add3A_455, %add3A_456 : i32
        %mul3A_458 = arith.constant 120 : i32
        %mul3A_459 = arith.muli %add3A_457, %mul3A_458 : i32
        %dma_start3A_460 = arith.constant 0 : i32
        %dma_start3A_461 = arith.constant 0 : i32
        %dma_start3A_462 = tpu.memref_slice %arg7[%dma_start3A_460, %dma_start3A_461] : memref<1x120xi32, #tpu.memory_space<vmem>> -> memref<1x120xi32, #tpu.memory_space<vmem>>
        %dma_start3A_463 = tpu.memref_squeeze %dma_start3A_462 : memref<1x120xi32, #tpu.memory_space<vmem>> -> memref<120xi32, #tpu.memory_space<vmem>>
        %dma_start3A_464 = tpu.memref_slice %arg3[%mul3A_459] : memref<322560xi32, #tpu.memory_space<hbm>> -> memref<120xi32, #tpu.memory_space<hbm>>
        %dma_start3A_465 = arith.constant 0 : i32
        %dma_start3A_466 = tpu.memref_slice %arg7[%dma_start3A_460, %dma_start3A_465] : memref<1x120xi32, #tpu.memory_space<vmem>> -> memref<1x120xi32, #tpu.memory_space<vmem>>
        %dma_start3A_467 = tpu.memref_squeeze %dma_start3A_466 : memref<1x120xi32, #tpu.memory_space<vmem>> -> memref<120xi32, #tpu.memory_space<vmem>>
        %dma_start3A_468 = tpu.memref_slice %arg3[%mul3A_459] : memref<322560xi32, #tpu.memory_space<hbm>> -> memref<120xi32, #tpu.memory_space<hbm>>
        tpu.enqueue_dma source(%dma_start3A_468 : memref<120xi32, #tpu.memory_space<hbm>>) target(%dma_start3A_467 : memref<120xi32, #tpu.memory_space<vmem>>) target_semaphore(%arg22 : memref<!tpu.dma_semaphore, #tpu.memory_space<semaphore_mem>>)
        %mul3A_469 = arith.constant 84 : i32
        %mul3A_470 = arith.muli %add3A, %mul3A_469 : i32
        %add3A_471 = arith.addi %mul3A_470, %add3A_310 : i32
        %add3A_472 = arith.constant 3 : i32
        %add3A_473 = arith.addi %add3A_471, %add3A_472 : i32
        %mul3A_474 = arith.constant 120 : i32
        %mul3A_475 = arith.muli %add3A_473, %mul3A_474 : i32
        %dma_start3A_476 = arith.constant 0 : i32
        %dma_start3A_477 = arith.constant 0 : i32
        %dma_start3A_478 = tpu.memref_slice %arg13[%dma_start3A_476, %dma_start3A_477] : memref<1x120xi32, #tpu.memory_space<vmem>> -> memref<1x120xi32, #tpu.memory_space<vmem>>
        %dma_start3A_479 = tpu.memref_squeeze %dma_start3A_478 : memref<1x120xi32, #tpu.memory_space<vmem>> -> memref<120xi32, #tpu.memory_space<vmem>>
        %dma_start3A_480 = tpu.memref_slice %arg4[%mul3A_475] : memref<322560xi32, #tpu.memory_space<hbm>> -> memref<120xi32, #tpu.memory_space<hbm>>
        %dma_start3A_481 = arith.constant 0 : i32
        %dma_start3A_482 = tpu.memref_slice %arg13[%dma_start3A_476, %dma_start3A_481] : memref<1x120xi32, #tpu.memory_space<vmem>> -> memref<1x120xi32, #tpu.memory_space<vmem>>
        %dma_start3A_483 = tpu.memref_squeeze %dma_start3A_482 : memref<1x120xi32, #tpu.memory_space<vmem>> -> memref<120xi32, #tpu.memory_space<vmem>>
        %dma_start3A_484 = tpu.memref_slice %arg4[%mul3A_475] : memref<322560xi32, #tpu.memory_space<hbm>> -> memref<120xi32, #tpu.memory_space<hbm>>
        tpu.enqueue_dma source(%dma_start3A_484 : memref<120xi32, #tpu.memory_space<hbm>>) target(%dma_start3A_483 : memref<120xi32, #tpu.memory_space<vmem>>) target_semaphore(%arg22 : memref<!tpu.dma_semaphore, #tpu.memory_space<semaphore_mem>>)
      } else {
      }
      %ge3A_352 = arith.constant 1 : i32
      %ge3A_353 = arith.cmpi sge, %add3A_310, %ge3A_352 : i32
      %convert_element_type3A_354 = arith.extui %ge3A_353 : i1 to i32
      %cond3A_355 = arith.constant 0 : i32
      %cond3A_356 = arith.cmpi ne, %convert_element_type3A_354, %cond3A_355 : i32
      scf.if %cond3A_356 {
        %dma_wait3A_453 = arith.constant 0 : i32
        %dma_wait3A_454 = arith.constant 0 : i32
        %dma_wait3A_455 = tpu.memref_slice %arg9[%dma_wait3A_453, %dma_wait3A_454] : memref<1x120xi32, #tpu.memory_space<vmem>> -> memref<1x120xi32, #tpu.memory_space<vmem>>
        %dma_wait3A_456 = tpu.memref_squeeze %dma_wait3A_455 : memref<1x120xi32, #tpu.memory_space<vmem>> -> memref<120xi32, #tpu.memory_space<vmem>>
        %dma_wait3A_457 = arith.constant 0 : i32
        %dma_wait3A_458 = arith.constant 0 : i32
        %dma_wait3A_459 = tpu.memref_slice %arg2[%dma_wait3A_457, %dma_wait3A_458] : memref<10000x128xf32, #tpu.memory_space<hbm>> -> memref<10000x128xf32, #tpu.memory_space<hbm>>
        tpu.wait_indirect_dma semaphore(%arg30 : memref<!tpu.dma_semaphore, #tpu.memory_space<semaphore_mem>>) src(%dma_wait3A_459 : memref<10000x128xf32, #tpu.memory_space<hbm>>) dst(%arg21 : memref<120x128xf32, #tpu.memory_space<vmem>>)
        %dma_start3A_460 = arith.constant 0 : i32
        %dma_start3A_461 = arith.constant 0 : i32
        %dma_start3A_462 = tpu.memref_slice %arg15[%dma_start3A_460, %dma_start3A_461] : memref<1x120xi32, #tpu.memory_space<vmem>> -> memref<1x120xi32, #tpu.memory_space<vmem>>
        %dma_start3A_463 = tpu.memref_squeeze %dma_start3A_462 : memref<1x120xi32, #tpu.memory_space<vmem>> -> memref<120xi32, #tpu.memory_space<vmem>>
        %dma_start3A_464 = arith.constant 0 : i32
        %dma_start3A_465 = arith.constant 0 : i32
        %dma_start3A_466 = tpu.memref_slice %arg6[%dma_start3A_464, %dma_start3A_465] : memref<10112x128xf32, #tpu.memory_space<vmem_shared>> -> memref<10112x128xf32, #tpu.memory_space<vmem_shared>>
        tpu.enqueue_indirect_dma source(%arg21 : memref<120x128xf32, #tpu.memory_space<vmem>>) target(%dma_start3A_466 : memref<10112x128xf32, #tpu.memory_space<vmem_shared>>) offsets(%dma_start3A_463 : memref<120xi32, #tpu.memory_space<vmem>>) semaphore(%arg33 : memref<!tpu.dma_semaphore, #tpu.memory_space<semaphore_mem>>) {add = true}
      } else {
      }
      %add3A_357 = arith.constant 4 : i32
      %add3A_358 = arith.addi %mul3A_168, %add3A_357 : i32
      %dma_wait3A_359 = arith.constant 0 : i32
      %dma_wait3A_360 = arith.constant 0 : i32
      %dma_wait3A_361 = tpu.memref_slice %arg11[%dma_wait3A_359, %dma_wait3A_360] : memref<1x120xi32, #tpu.memory_space<vmem>> -> memref<1x120xi32, #tpu.memory_space<vmem>>
      %dma_wait3A_362 = tpu.memref_squeeze %dma_wait3A_361 : memref<1x120xi32, #tpu.memory_space<vmem>> -> memref<120xi32, #tpu.memory_space<vmem>>
      %dma_wait3A_363 = arith.constant 0 : i32
      %dma_wait3A_364 = tpu.memref_slice %arg3[%dma_wait3A_363] : memref<322560xi32, #tpu.memory_space<hbm>> -> memref<120xi32, #tpu.memory_space<hbm>>
      %dma_wait3A_365 = arith.constant 0 : i32
      %dma_wait3A_366 = tpu.memref_slice %arg11[%dma_wait3A_359, %dma_wait3A_365] : memref<1x120xi32, #tpu.memory_space<vmem>> -> memref<1x120xi32, #tpu.memory_space<vmem>>
      %dma_wait3A_367 = tpu.memref_squeeze %dma_wait3A_366 : memref<1x120xi32, #tpu.memory_space<vmem>> -> memref<120xi32, #tpu.memory_space<vmem>>
      %dma_wait3A_368 = arith.constant 0 : i32
      %dma_wait3A_369 = tpu.memref_slice %arg3[%dma_wait3A_368] : memref<322560xi32, #tpu.memory_space<hbm>> -> memref<120xi32, #tpu.memory_space<hbm>>
      tpu.wait_dma2 semaphore(%arg26 : memref<!tpu.dma_semaphore, #tpu.memory_space<semaphore_mem>>) src(%dma_wait3A_369 : memref<120xi32, #tpu.memory_space<hbm>>) dst(%dma_wait3A_367 : memref<120xi32, #tpu.memory_space<vmem>>)
      %dma_wait3A_370 = arith.constant 0 : i32
      %dma_wait3A_371 = arith.constant 0 : i32
      %dma_wait3A_372 = tpu.memref_slice %arg17[%dma_wait3A_370, %dma_wait3A_371] : memref<1x120xi32, #tpu.memory_space<vmem>> -> memref<1x120xi32, #tpu.memory_space<vmem>>
      %dma_wait3A_373 = tpu.memref_squeeze %dma_wait3A_372 : memref<1x120xi32, #tpu.memory_space<vmem>> -> memref<120xi32, #tpu.memory_space<vmem>>
      %dma_wait3A_374 = arith.constant 0 : i32
      %dma_wait3A_375 = tpu.memref_slice %arg4[%dma_wait3A_374] : memref<322560xi32, #tpu.memory_space<hbm>> -> memref<120xi32, #tpu.memory_space<hbm>>
      %dma_wait3A_376 = arith.constant 0 : i32
      %dma_wait3A_377 = tpu.memref_slice %arg17[%dma_wait3A_370, %dma_wait3A_376] : memref<1x120xi32, #tpu.memory_space<vmem>> -> memref<1x120xi32, #tpu.memory_space<vmem>>
      %dma_wait3A_378 = tpu.memref_squeeze %dma_wait3A_377 : memref<1x120xi32, #tpu.memory_space<vmem>> -> memref<120xi32, #tpu.memory_space<vmem>>
      %dma_wait3A_379 = arith.constant 0 : i32
      %dma_wait3A_380 = tpu.memref_slice %arg4[%dma_wait3A_379] : memref<322560xi32, #tpu.memory_space<hbm>> -> memref<120xi32, #tpu.memory_space<hbm>>
      tpu.wait_dma2 semaphore(%arg26 : memref<!tpu.dma_semaphore, #tpu.memory_space<semaphore_mem>>) src(%dma_wait3A_380 : memref<120xi32, #tpu.memory_space<hbm>>) dst(%dma_wait3A_378 : memref<120xi32, #tpu.memory_space<vmem>>)
      %ge3A_381 = arith.constant 3 : i32
      %ge3A_382 = arith.cmpi sge, %add3A_358, %ge3A_381 : i32
      %convert_element_type3A_383 = arith.extui %ge3A_382 : i1 to i32
      %cond3A_384 = arith.constant 0 : i32
      %cond3A_385 = arith.cmpi ne, %convert_element_type3A_383, %cond3A_384 : i32
      scf.if %cond3A_385 {
        %dma_wait3A_453 = arith.constant 0 : i32
        %dma_wait3A_454 = arith.constant 0 : i32
        %dma_wait3A_455 = tpu.memref_slice %arg17[%dma_wait3A_453, %dma_wait3A_454] : memref<1x120xi32, #tpu.memory_space<vmem>> -> memref<1x120xi32, #tpu.memory_space<vmem>>
        %dma_wait3A_456 = tpu.memref_squeeze %dma_wait3A_455 : memref<1x120xi32, #tpu.memory_space<vmem>> -> memref<120xi32, #tpu.memory_space<vmem>>
        %dma_wait3A_457 = arith.constant 0 : i32
        %dma_wait3A_458 = arith.constant 0 : i32
        %dma_wait3A_459 = tpu.memref_slice %arg6[%dma_wait3A_457, %dma_wait3A_458] : memref<10112x128xf32, #tpu.memory_space<vmem_shared>> -> memref<10112x128xf32, #tpu.memory_space<vmem_shared>>
        tpu.wait_indirect_dma semaphore(%arg32 : memref<!tpu.dma_semaphore, #tpu.memory_space<semaphore_mem>>) src(%arg20 : memref<120x128xf32, #tpu.memory_space<vmem>>) dst(%dma_wait3A_459 : memref<10112x128xf32, #tpu.memory_space<vmem_shared>>)
      } else {
      }
      %dma_start3A_386 = arith.constant 0 : i32
      %dma_start3A_387 = arith.constant 0 : i32
      %dma_start3A_388 = tpu.memref_slice %arg11[%dma_start3A_386, %dma_start3A_387] : memref<1x120xi32, #tpu.memory_space<vmem>> -> memref<1x120xi32, #tpu.memory_space<vmem>>
      %dma_start3A_389 = tpu.memref_squeeze %dma_start3A_388 : memref<1x120xi32, #tpu.memory_space<vmem>> -> memref<120xi32, #tpu.memory_space<vmem>>
      %dma_start3A_390 = arith.constant 0 : i32
      %dma_start3A_391 = arith.constant 0 : i32
      %dma_start3A_392 = tpu.memref_slice %arg2[%dma_start3A_390, %dma_start3A_391] : memref<10000x128xf32, #tpu.memory_space<hbm>> -> memref<10000x128xf32, #tpu.memory_space<hbm>>
      tpu.enqueue_indirect_dma source(%dma_start3A_392 : memref<10000x128xf32, #tpu.memory_space<hbm>>) target(%arg20 : memref<120x128xf32, #tpu.memory_space<vmem>>) offsets(%dma_start3A_389 : memref<120xi32, #tpu.memory_space<vmem>>) semaphore(%arg29 : memref<!tpu.dma_semaphore, #tpu.memory_space<semaphore_mem>>)
      %add3A_393 = arith.constant 3 : i32
      %add3A_394 = arith.addi %add3A_358, %add3A_393 : i32
      %lt3A_395 = arith.constant 84 : i32
      %lt3A_396 = arith.cmpi slt, %add3A_394, %lt3A_395 : i32
      %convert_element_type3A_397 = arith.extui %lt3A_396 : i1 to i32
      %cond3A_398 = arith.constant 0 : i32
      %cond3A_399 = arith.cmpi ne, %convert_element_type3A_397, %cond3A_398 : i32
      scf.if %cond3A_399 {
        %mul3A_453 = arith.constant 84 : i32
        %mul3A_454 = arith.muli %add3A, %mul3A_453 : i32
        %add3A_455 = arith.addi %mul3A_454, %add3A_358 : i32
        %add3A_456 = arith.constant 3 : i32
        %add3A_457 = arith.addi %add3A_455, %add3A_456 : i32
        %mul3A_458 = arith.constant 120 : i32
        %mul3A_459 = arith.muli %add3A_457, %mul3A_458 : i32
        %dma_start3A_460 = arith.constant 0 : i32
        %dma_start3A_461 = arith.constant 0 : i32
        %dma_start3A_462 = tpu.memref_slice %arg8[%dma_start3A_460, %dma_start3A_461] : memref<1x120xi32, #tpu.memory_space<vmem>> -> memref<1x120xi32, #tpu.memory_space<vmem>>
        %dma_start3A_463 = tpu.memref_squeeze %dma_start3A_462 : memref<1x120xi32, #tpu.memory_space<vmem>> -> memref<120xi32, #tpu.memory_space<vmem>>
        %dma_start3A_464 = tpu.memref_slice %arg3[%mul3A_459] : memref<322560xi32, #tpu.memory_space<hbm>> -> memref<120xi32, #tpu.memory_space<hbm>>
        %dma_start3A_465 = arith.constant 0 : i32
        %dma_start3A_466 = tpu.memref_slice %arg8[%dma_start3A_460, %dma_start3A_465] : memref<1x120xi32, #tpu.memory_space<vmem>> -> memref<1x120xi32, #tpu.memory_space<vmem>>
        %dma_start3A_467 = tpu.memref_squeeze %dma_start3A_466 : memref<1x120xi32, #tpu.memory_space<vmem>> -> memref<120xi32, #tpu.memory_space<vmem>>
        %dma_start3A_468 = tpu.memref_slice %arg3[%mul3A_459] : memref<322560xi32, #tpu.memory_space<hbm>> -> memref<120xi32, #tpu.memory_space<hbm>>
        tpu.enqueue_dma source(%dma_start3A_468 : memref<120xi32, #tpu.memory_space<hbm>>) target(%dma_start3A_467 : memref<120xi32, #tpu.memory_space<vmem>>) target_semaphore(%arg23 : memref<!tpu.dma_semaphore, #tpu.memory_space<semaphore_mem>>)
        %mul3A_469 = arith.constant 84 : i32
        %mul3A_470 = arith.muli %add3A, %mul3A_469 : i32
        %add3A_471 = arith.addi %mul3A_470, %add3A_358 : i32
        %add3A_472 = arith.constant 3 : i32
        %add3A_473 = arith.addi %add3A_471, %add3A_472 : i32
        %mul3A_474 = arith.constant 120 : i32
        %mul3A_475 = arith.muli %add3A_473, %mul3A_474 : i32
        %dma_start3A_476 = arith.constant 0 : i32
        %dma_start3A_477 = arith.constant 0 : i32
        %dma_start3A_478 = tpu.memref_slice %arg14[%dma_start3A_476, %dma_start3A_477] : memref<1x120xi32, #tpu.memory_space<vmem>> -> memref<1x120xi32, #tpu.memory_space<vmem>>
        %dma_start3A_479 = tpu.memref_squeeze %dma_start3A_478 : memref<1x120xi32, #tpu.memory_space<vmem>> -> memref<120xi32, #tpu.memory_space<vmem>>
        %dma_start3A_480 = tpu.memref_slice %arg4[%mul3A_475] : memref<322560xi32, #tpu.memory_space<hbm>> -> memref<120xi32, #tpu.memory_space<hbm>>
        %dma_start3A_481 = arith.constant 0 : i32
        %dma_start3A_482 = tpu.memref_slice %arg14[%dma_start3A_476, %dma_start3A_481] : memref<1x120xi32, #tpu.memory_space<vmem>> -> memref<1x120xi32, #tpu.memory_space<vmem>>
        %dma_start3A_483 = tpu.memref_squeeze %dma_start3A_482 : memref<1x120xi32, #tpu.memory_space<vmem>> -> memref<120xi32, #tpu.memory_space<vmem>>
        %dma_start3A_484 = tpu.memref_slice %arg4[%mul3A_475] : memref<322560xi32, #tpu.memory_space<hbm>> -> memref<120xi32, #tpu.memory_space<hbm>>
        tpu.enqueue_dma source(%dma_start3A_484 : memref<120xi32, #tpu.memory_space<hbm>>) target(%dma_start3A_483 : memref<120xi32, #tpu.memory_space<vmem>>) target_semaphore(%arg23 : memref<!tpu.dma_semaphore, #tpu.memory_space<semaphore_mem>>)
      } else {
      }
      %ge3A_400 = arith.constant 1 : i32
      %ge3A_401 = arith.cmpi sge, %add3A_358, %ge3A_400 : i32
      %convert_element_type3A_402 = arith.extui %ge3A_401 : i1 to i32
      %cond3A_403 = arith.constant 0 : i32
      %cond3A_404 = arith.cmpi ne, %convert_element_type3A_402, %cond3A_403 : i32
      scf.if %cond3A_404 {
        %dma_wait3A_453 = arith.constant 0 : i32
        %dma_wait3A_454 = arith.constant 0 : i32
        %dma_wait3A_455 = tpu.memref_slice %arg10[%dma_wait3A_453, %dma_wait3A_454] : memref<1x120xi32, #tpu.memory_space<vmem>> -> memref<1x120xi32, #tpu.memory_space<vmem>>
        %dma_wait3A_456 = tpu.memref_squeeze %dma_wait3A_455 : memref<1x120xi32, #tpu.memory_space<vmem>> -> memref<120xi32, #tpu.memory_space<vmem>>
        %dma_wait3A_457 = arith.constant 0 : i32
        %dma_wait3A_458 = arith.constant 0 : i32
        %dma_wait3A_459 = tpu.memref_slice %arg2[%dma_wait3A_457, %dma_wait3A_458] : memref<10000x128xf32, #tpu.memory_space<hbm>> -> memref<10000x128xf32, #tpu.memory_space<hbm>>
        tpu.wait_indirect_dma semaphore(%arg28 : memref<!tpu.dma_semaphore, #tpu.memory_space<semaphore_mem>>) src(%dma_wait3A_459 : memref<10000x128xf32, #tpu.memory_space<hbm>>) dst(%arg19 : memref<120x128xf32, #tpu.memory_space<vmem>>)
        %dma_start3A_460 = arith.constant 0 : i32
        %dma_start3A_461 = arith.constant 0 : i32
        %dma_start3A_462 = tpu.memref_slice %arg16[%dma_start3A_460, %dma_start3A_461] : memref<1x120xi32, #tpu.memory_space<vmem>> -> memref<1x120xi32, #tpu.memory_space<vmem>>
        %dma_start3A_463 = tpu.memref_squeeze %dma_start3A_462 : memref<1x120xi32, #tpu.memory_space<vmem>> -> memref<120xi32, #tpu.memory_space<vmem>>
        %dma_start3A_464 = arith.constant 0 : i32
        %dma_start3A_465 = arith.constant 0 : i32
        %dma_start3A_466 = tpu.memref_slice %arg6[%dma_start3A_464, %dma_start3A_465] : memref<10112x128xf32, #tpu.memory_space<vmem_shared>> -> memref<10112x128xf32, #tpu.memory_space<vmem_shared>>
        tpu.enqueue_indirect_dma source(%arg19 : memref<120x128xf32, #tpu.memory_space<vmem>>) target(%dma_start3A_466 : memref<10112x128xf32, #tpu.memory_space<vmem_shared>>) offsets(%dma_start3A_463 : memref<120xi32, #tpu.memory_space<vmem>>) semaphore(%arg31 : memref<!tpu.dma_semaphore, #tpu.memory_space<semaphore_mem>>) {add = true}
      } else {
      }
      %add3A_405 = arith.constant 5 : i32
      %add3A_406 = arith.addi %mul3A_168, %add3A_405 : i32
      %dma_wait3A_407 = arith.constant 0 : i32
      %dma_wait3A_408 = arith.constant 0 : i32
      %dma_wait3A_409 = tpu.memref_slice %arg12[%dma_wait3A_407, %dma_wait3A_408] : memref<1x120xi32, #tpu.memory_space<vmem>> -> memref<1x120xi32, #tpu.memory_space<vmem>>
      %dma_wait3A_410 = tpu.memref_squeeze %dma_wait3A_409 : memref<1x120xi32, #tpu.memory_space<vmem>> -> memref<120xi32, #tpu.memory_space<vmem>>
      %dma_wait3A_411 = arith.constant 0 : i32
      %dma_wait3A_412 = tpu.memref_slice %arg3[%dma_wait3A_411] : memref<322560xi32, #tpu.memory_space<hbm>> -> memref<120xi32, #tpu.memory_space<hbm>>
      %dma_wait3A_413 = arith.constant 0 : i32
      %dma_wait3A_414 = tpu.memref_slice %arg12[%dma_wait3A_407, %dma_wait3A_413] : memref<1x120xi32, #tpu.memory_space<vmem>> -> memref<1x120xi32, #tpu.memory_space<vmem>>
      %dma_wait3A_415 = tpu.memref_squeeze %dma_wait3A_414 : memref<1x120xi32, #tpu.memory_space<vmem>> -> memref<120xi32, #tpu.memory_space<vmem>>
      %dma_wait3A_416 = arith.constant 0 : i32
      %dma_wait3A_417 = tpu.memref_slice %arg3[%dma_wait3A_416] : memref<322560xi32, #tpu.memory_space<hbm>> -> memref<120xi32, #tpu.memory_space<hbm>>
      tpu.wait_dma2 semaphore(%arg27 : memref<!tpu.dma_semaphore, #tpu.memory_space<semaphore_mem>>) src(%dma_wait3A_417 : memref<120xi32, #tpu.memory_space<hbm>>) dst(%dma_wait3A_415 : memref<120xi32, #tpu.memory_space<vmem>>)
      %dma_wait3A_418 = arith.constant 0 : i32
      %dma_wait3A_419 = arith.constant 0 : i32
      %dma_wait3A_420 = tpu.memref_slice %arg18[%dma_wait3A_418, %dma_wait3A_419] : memref<1x120xi32, #tpu.memory_space<vmem>> -> memref<1x120xi32, #tpu.memory_space<vmem>>
      %dma_wait3A_421 = tpu.memref_squeeze %dma_wait3A_420 : memref<1x120xi32, #tpu.memory_space<vmem>> -> memref<120xi32, #tpu.memory_space<vmem>>
      %dma_wait3A_422 = arith.constant 0 : i32
      %dma_wait3A_423 = tpu.memref_slice %arg4[%dma_wait3A_422] : memref<322560xi32, #tpu.memory_space<hbm>> -> memref<120xi32, #tpu.memory_space<hbm>>
      %dma_wait3A_424 = arith.constant 0 : i32
      %dma_wait3A_425 = tpu.memref_slice %arg18[%dma_wait3A_418, %dma_wait3A_424] : memref<1x120xi32, #tpu.memory_space<vmem>> -> memref<1x120xi32, #tpu.memory_space<vmem>>
      %dma_wait3A_426 = tpu.memref_squeeze %dma_wait3A_425 : memref<1x120xi32, #tpu.memory_space<vmem>> -> memref<120xi32, #tpu.memory_space<vmem>>
      %dma_wait3A_427 = arith.constant 0 : i32
      %dma_wait3A_428 = tpu.memref_slice %arg4[%dma_wait3A_427] : memref<322560xi32, #tpu.memory_space<hbm>> -> memref<120xi32, #tpu.memory_space<hbm>>
      tpu.wait_dma2 semaphore(%arg27 : memref<!tpu.dma_semaphore, #tpu.memory_space<semaphore_mem>>) src(%dma_wait3A_428 : memref<120xi32, #tpu.memory_space<hbm>>) dst(%dma_wait3A_426 : memref<120xi32, #tpu.memory_space<vmem>>)
      %ge3A_429 = arith.constant 3 : i32
      %ge3A_430 = arith.cmpi sge, %add3A_406, %ge3A_429 : i32
      %convert_element_type3A_431 = arith.extui %ge3A_430 : i1 to i32
      %cond3A_432 = arith.constant 0 : i32
      %cond3A_433 = arith.cmpi ne, %convert_element_type3A_431, %cond3A_432 : i32
      scf.if %cond3A_433 {
        %dma_wait3A_453 = arith.constant 0 : i32
        %dma_wait3A_454 = arith.constant 0 : i32
        %dma_wait3A_455 = tpu.memref_slice %arg18[%dma_wait3A_453, %dma_wait3A_454] : memref<1x120xi32, #tpu.memory_space<vmem>> -> memref<1x120xi32, #tpu.memory_space<vmem>>
        %dma_wait3A_456 = tpu.memref_squeeze %dma_wait3A_455 : memref<1x120xi32, #tpu.memory_space<vmem>> -> memref<120xi32, #tpu.memory_space<vmem>>
        %dma_wait3A_457 = arith.constant 0 : i32
        %dma_wait3A_458 = arith.constant 0 : i32
        %dma_wait3A_459 = tpu.memref_slice %arg6[%dma_wait3A_457, %dma_wait3A_458] : memref<10112x128xf32, #tpu.memory_space<vmem_shared>> -> memref<10112x128xf32, #tpu.memory_space<vmem_shared>>
        tpu.wait_indirect_dma semaphore(%arg33 : memref<!tpu.dma_semaphore, #tpu.memory_space<semaphore_mem>>) src(%arg21 : memref<120x128xf32, #tpu.memory_space<vmem>>) dst(%dma_wait3A_459 : memref<10112x128xf32, #tpu.memory_space<vmem_shared>>)
      } else {
      }
      %dma_start3A_434 = arith.constant 0 : i32
      %dma_start3A_435 = arith.constant 0 : i32
      %dma_start3A_436 = tpu.memref_slice %arg12[%dma_start3A_434, %dma_start3A_435] : memref<1x120xi32, #tpu.memory_space<vmem>> -> memref<1x120xi32, #tpu.memory_space<vmem>>
      %dma_start3A_437 = tpu.memref_squeeze %dma_start3A_436 : memref<1x120xi32, #tpu.memory_space<vmem>> -> memref<120xi32, #tpu.memory_space<vmem>>
      %dma_start3A_438 = arith.constant 0 : i32
      %dma_start3A_439 = arith.constant 0 : i32
      %dma_start3A_440 = tpu.memref_slice %arg2[%dma_start3A_438, %dma_start3A_439] : memref<10000x128xf32, #tpu.memory_space<hbm>> -> memref<10000x128xf32, #tpu.memory_space<hbm>>
      tpu.enqueue_indirect_dma source(%dma_start3A_440 : memref<10000x128xf32, #tpu.memory_space<hbm>>) target(%arg21 : memref<120x128xf32, #tpu.memory_space<vmem>>) offsets(%dma_start3A_437 : memref<120xi32, #tpu.memory_space<vmem>>) semaphore(%arg30 : memref<!tpu.dma_semaphore, #tpu.memory_space<semaphore_mem>>)
      %add3A_441 = arith.constant 3 : i32
      %add3A_442 = arith.addi %add3A_406, %add3A_441 : i32
      %lt3A_443 = arith.constant 84 : i32
      %lt3A_444 = arith.cmpi slt, %add3A_442, %lt3A_443 : i32
      %convert_element_type3A_445 = arith.extui %lt3A_444 : i1 to i32
      %cond3A_446 = arith.constant 0 : i32
      %cond3A_447 = arith.cmpi ne, %convert_element_type3A_445, %cond3A_446 : i32
      scf.if %cond3A_447 {
        %mul3A_453 = arith.constant 84 : i32
        %mul3A_454 = arith.muli %add3A, %mul3A_453 : i32
        %add3A_455 = arith.addi %mul3A_454, %add3A_406 : i32
        %add3A_456 = arith.constant 3 : i32
        %add3A_457 = arith.addi %add3A_455, %add3A_456 : i32
        %mul3A_458 = arith.constant 120 : i32
        %mul3A_459 = arith.muli %add3A_457, %mul3A_458 : i32
        %dma_start3A_460 = arith.constant 0 : i32
        %dma_start3A_461 = arith.constant 0 : i32
        %dma_start3A_462 = tpu.memref_slice %arg9[%dma_start3A_460, %dma_start3A_461] : memref<1x120xi32, #tpu.memory_space<vmem>> -> memref<1x120xi32, #tpu.memory_space<vmem>>
        %dma_start3A_463 = tpu.memref_squeeze %dma_start3A_462 : memref<1x120xi32, #tpu.memory_space<vmem>> -> memref<120xi32, #tpu.memory_space<vmem>>
        %dma_start3A_464 = tpu.memref_slice %arg3[%mul3A_459] : memref<322560xi32, #tpu.memory_space<hbm>> -> memref<120xi32, #tpu.memory_space<hbm>>
        %dma_start3A_465 = arith.constant 0 : i32
        %dma_start3A_466 = tpu.memref_slice %arg9[%dma_start3A_460, %dma_start3A_465] : memref<1x120xi32, #tpu.memory_space<vmem>> -> memref<1x120xi32, #tpu.memory_space<vmem>>
        %dma_start3A_467 = tpu.memref_squeeze %dma_start3A_466 : memref<1x120xi32, #tpu.memory_space<vmem>> -> memref<120xi32, #tpu.memory_space<vmem>>
        %dma_start3A_468 = tpu.memref_slice %arg3[%mul3A_459] : memref<322560xi32, #tpu.memory_space<hbm>> -> memref<120xi32, #tpu.memory_space<hbm>>
        tpu.enqueue_dma source(%dma_start3A_468 : memref<120xi32, #tpu.memory_space<hbm>>) target(%dma_start3A_467 : memref<120xi32, #tpu.memory_space<vmem>>) target_semaphore(%arg24 : memref<!tpu.dma_semaphore, #tpu.memory_space<semaphore_mem>>)
        %mul3A_469 = arith.constant 84 : i32
        %mul3A_470 = arith.muli %add3A, %mul3A_469 : i32
        %add3A_471 = arith.addi %mul3A_470, %add3A_406 : i32
        %add3A_472 = arith.constant 3 : i32
        %add3A_473 = arith.addi %add3A_471, %add3A_472 : i32
        %mul3A_474 = arith.constant 120 : i32
        %mul3A_475 = arith.muli %add3A_473, %mul3A_474 : i32
        %dma_start3A_476 = arith.constant 0 : i32
        %dma_start3A_477 = arith.constant 0 : i32
        %dma_start3A_478 = tpu.memref_slice %arg15[%dma_start3A_476, %dma_start3A_477] : memref<1x120xi32, #tpu.memory_space<vmem>> -> memref<1x120xi32, #tpu.memory_space<vmem>>
        %dma_start3A_479 = tpu.memref_squeeze %dma_start3A_478 : memref<1x120xi32, #tpu.memory_space<vmem>> -> memref<120xi32, #tpu.memory_space<vmem>>
        %dma_start3A_480 = tpu.memref_slice %arg4[%mul3A_475] : memref<322560xi32, #tpu.memory_space<hbm>> -> memref<120xi32, #tpu.memory_space<hbm>>
        %dma_start3A_481 = arith.constant 0 : i32
        %dma_start3A_482 = tpu.memref_slice %arg15[%dma_start3A_476, %dma_start3A_481] : memref<1x120xi32, #tpu.memory_space<vmem>> -> memref<1x120xi32, #tpu.memory_space<vmem>>
        %dma_start3A_483 = tpu.memref_squeeze %dma_start3A_482 : memref<1x120xi32, #tpu.memory_space<vmem>> -> memref<120xi32, #tpu.memory_space<vmem>>
        %dma_start3A_484 = tpu.memref_slice %arg4[%mul3A_475] : memref<322560xi32, #tpu.memory_space<hbm>> -> memref<120xi32, #tpu.memory_space<hbm>>
        tpu.enqueue_dma source(%dma_start3A_484 : memref<120xi32, #tpu.memory_space<hbm>>) target(%dma_start3A_483 : memref<120xi32, #tpu.memory_space<vmem>>) target_semaphore(%arg24 : memref<!tpu.dma_semaphore, #tpu.memory_space<semaphore_mem>>)
      } else {
      }
      %ge3A_448 = arith.constant 1 : i32
      %ge3A_449 = arith.cmpi sge, %add3A_406, %ge3A_448 : i32
      %convert_element_type3A_450 = arith.extui %ge3A_449 : i1 to i32
      %cond3A_451 = arith.constant 0 : i32
      %cond3A_452 = arith.cmpi ne, %convert_element_type3A_450, %cond3A_451 : i32
      scf.if %cond3A_452 {
        %dma_wait3A_453 = arith.constant 0 : i32
        %dma_wait3A_454 = arith.constant 0 : i32
        %dma_wait3A_455 = tpu.memref_slice %arg11[%dma_wait3A_453, %dma_wait3A_454] : memref<1x120xi32, #tpu.memory_space<vmem>> -> memref<1x120xi32, #tpu.memory_space<vmem>>
        %dma_wait3A_456 = tpu.memref_squeeze %dma_wait3A_455 : memref<1x120xi32, #tpu.memory_space<vmem>> -> memref<120xi32, #tpu.memory_space<vmem>>
        %dma_wait3A_457 = arith.constant 0 : i32
        %dma_wait3A_458 = arith.constant 0 : i32
        %dma_wait3A_459 = tpu.memref_slice %arg2[%dma_wait3A_457, %dma_wait3A_458] : memref<10000x128xf32, #tpu.memory_space<hbm>> -> memref<10000x128xf32, #tpu.memory_space<hbm>>
        tpu.wait_indirect_dma semaphore(%arg29 : memref<!tpu.dma_semaphore, #tpu.memory_space<semaphore_mem>>) src(%dma_wait3A_459 : memref<10000x128xf32, #tpu.memory_space<hbm>>) dst(%arg20 : memref<120x128xf32, #tpu.memory_space<vmem>>)
        %dma_start3A_460 = arith.constant 0 : i32
        %dma_start3A_461 = arith.constant 0 : i32
        %dma_start3A_462 = tpu.memref_slice %arg17[%dma_start3A_460, %dma_start3A_461] : memref<1x120xi32, #tpu.memory_space<vmem>> -> memref<1x120xi32, #tpu.memory_space<vmem>>
        %dma_start3A_463 = tpu.memref_squeeze %dma_start3A_462 : memref<1x120xi32, #tpu.memory_space<vmem>> -> memref<120xi32, #tpu.memory_space<vmem>>
        %dma_start3A_464 = arith.constant 0 : i32
        %dma_start3A_465 = arith.constant 0 : i32
        %dma_start3A_466 = tpu.memref_slice %arg6[%dma_start3A_464, %dma_start3A_465] : memref<10112x128xf32, #tpu.memory_space<vmem_shared>> -> memref<10112x128xf32, #tpu.memory_space<vmem_shared>>
        tpu.enqueue_indirect_dma source(%arg20 : memref<120x128xf32, #tpu.memory_space<vmem>>) target(%dma_start3A_466 : memref<10112x128xf32, #tpu.memory_space<vmem_shared>>) offsets(%dma_start3A_463 : memref<120xi32, #tpu.memory_space<vmem>>) semaphore(%arg32 : memref<!tpu.dma_semaphore, #tpu.memory_space<semaphore_mem>>) {add = true}
      } else {
      }
    }
    %scan3A_122 = arith.constant 14 : i32
    %dma_wait3A = arith.constant 0 : i32
    %dma_wait3A_123 = arith.constant 0 : i32
    %dma_wait3A_124 = tpu.memref_slice %arg12[%dma_wait3A, %dma_wait3A_123] : memref<1x120xi32, #tpu.memory_space<vmem>> -> memref<1x120xi32, #tpu.memory_space<vmem>>
    %dma_wait3A_125 = tpu.memref_squeeze %dma_wait3A_124 : memref<1x120xi32, #tpu.memory_space<vmem>> -> memref<120xi32, #tpu.memory_space<vmem>>
    %dma_wait3A_126 = arith.constant 0 : i32
    %dma_wait3A_127 = arith.constant 0 : i32
    %dma_wait3A_128 = tpu.memref_slice %arg2[%dma_wait3A_126, %dma_wait3A_127] : memref<10000x128xf32, #tpu.memory_space<hbm>> -> memref<10000x128xf32, #tpu.memory_space<hbm>>
    tpu.wait_indirect_dma semaphore(%arg30 : memref<!tpu.dma_semaphore, #tpu.memory_space<semaphore_mem>>) src(%dma_wait3A_128 : memref<10000x128xf32, #tpu.memory_space<hbm>>) dst(%arg21 : memref<120x128xf32, #tpu.memory_space<vmem>>)
    %dma_start3A_129 = arith.constant 0 : i32
    %dma_start3A_130 = arith.constant 0 : i32
    %dma_start3A_131 = tpu.memref_slice %arg18[%dma_start3A_129, %dma_start3A_130] : memref<1x120xi32, #tpu.memory_space<vmem>> -> memref<1x120xi32, #tpu.memory_space<vmem>>
    %dma_start3A_132 = tpu.memref_squeeze %dma_start3A_131 : memref<1x120xi32, #tpu.memory_space<vmem>> -> memref<120xi32, #tpu.memory_space<vmem>>
    %dma_start3A_133 = arith.constant 0 : i32
    %dma_start3A_134 = arith.constant 0 : i32
    %dma_start3A_135 = tpu.memref_slice %arg6[%dma_start3A_133, %dma_start3A_134] : memref<10112x128xf32, #tpu.memory_space<vmem_shared>> -> memref<10112x128xf32, #tpu.memory_space<vmem_shared>>
    tpu.enqueue_indirect_dma source(%arg21 : memref<120x128xf32, #tpu.memory_space<vmem>>) target(%dma_start3A_135 : memref<10112x128xf32, #tpu.memory_space<vmem_shared>>) offsets(%dma_start3A_132 : memref<120xi32, #tpu.memory_space<vmem>>) semaphore(%arg33 : memref<!tpu.dma_semaphore, #tpu.memory_space<semaphore_mem>>) {add = true}
    %dma_wait3A_136 = arith.constant 0 : i32
    %dma_wait3A_137 = arith.constant 0 : i32
    %dma_wait3A_138 = tpu.memref_slice %arg13[%dma_wait3A_136, %dma_wait3A_137] : memref<1x120xi32, #tpu.memory_space<vmem>> -> memref<1x120xi32, #tpu.memory_space<vmem>>
    %dma_wait3A_139 = tpu.memref_squeeze %dma_wait3A_138 : memref<1x120xi32, #tpu.memory_space<vmem>> -> memref<120xi32, #tpu.memory_space<vmem>>
    %dma_wait3A_140 = arith.constant 0 : i32
    %dma_wait3A_141 = arith.constant 0 : i32
    %dma_wait3A_142 = tpu.memref_slice %arg6[%dma_wait3A_140, %dma_wait3A_141] : memref<10112x128xf32, #tpu.memory_space<vmem_shared>> -> memref<10112x128xf32, #tpu.memory_space<vmem_shared>>
    tpu.wait_indirect_dma semaphore(%arg31 : memref<!tpu.dma_semaphore, #tpu.memory_space<semaphore_mem>>) src(%arg19 : memref<120x128xf32, #tpu.memory_space<vmem>>) dst(%dma_wait3A_142 : memref<10112x128xf32, #tpu.memory_space<vmem_shared>>)
    %dma_wait3A_143 = arith.constant 0 : i32
    %dma_wait3A_144 = arith.constant 0 : i32
    %dma_wait3A_145 = tpu.memref_slice %arg14[%dma_wait3A_143, %dma_wait3A_144] : memref<1x120xi32, #tpu.memory_space<vmem>> -> memref<1x120xi32, #tpu.memory_space<vmem>>
    %dma_wait3A_146 = tpu.memref_squeeze %dma_wait3A_145 : memref<1x120xi32, #tpu.memory_space<vmem>> -> memref<120xi32, #tpu.memory_space<vmem>>
    %dma_wait3A_147 = arith.constant 0 : i32
    %dma_wait3A_148 = arith.constant 0 : i32
    %dma_wait3A_149 = tpu.memref_slice %arg6[%dma_wait3A_147, %dma_wait3A_148] : memref<10112x128xf32, #tpu.memory_space<vmem_shared>> -> memref<10112x128xf32, #tpu.memory_space<vmem_shared>>
    tpu.wait_indirect_dma semaphore(%arg32 : memref<!tpu.dma_semaphore, #tpu.memory_space<semaphore_mem>>) src(%arg20 : memref<120x128xf32, #tpu.memory_space<vmem>>) dst(%dma_wait3A_149 : memref<10112x128xf32, #tpu.memory_space<vmem_shared>>)
    %dma_wait3A_150 = arith.constant 0 : i32
    %dma_wait3A_151 = arith.constant 0 : i32
    %dma_wait3A_152 = tpu.memref_slice %arg15[%dma_wait3A_150, %dma_wait3A_151] : memref<1x120xi32, #tpu.memory_space<vmem>> -> memref<1x120xi32, #tpu.memory_space<vmem>>
    %dma_wait3A_153 = tpu.memref_squeeze %dma_wait3A_152 : memref<1x120xi32, #tpu.memory_space<vmem>> -> memref<120xi32, #tpu.memory_space<vmem>>
    %dma_wait3A_154 = arith.constant 0 : i32
    %dma_wait3A_155 = arith.constant 0 : i32
    %dma_wait3A_156 = tpu.memref_slice %arg6[%dma_wait3A_154, %dma_wait3A_155] : memref<10112x128xf32, #tpu.memory_space<vmem_shared>> -> memref<10112x128xf32, #tpu.memory_space<vmem_shared>>
    tpu.wait_indirect_dma semaphore(%arg33 : memref<!tpu.dma_semaphore, #tpu.memory_space<semaphore_mem>>) src(%arg21 : memref<120x128xf32, #tpu.memory_space<vmem>>) dst(%dma_wait3A_156 : memref<10112x128xf32, #tpu.memory_space<vmem_shared>>)
    %barrier3A_157 = arith.constant 0 : index
    tpu.barrier barrier_id(%barrier3A_157)
    %mul3A_158 = arith.constant 632 : i32
    %mul3A_159 = arith.muli %arg1, %mul3A_158 : i32
    %mul3A_160 = arith.constant 632 : i32
    %mul3A_161 = arith.muli %arg1, %mul3A_160 : i32
    "tpu.region"() ({
      %run_scoped3A = tpu.sem_alloc : memref<!tpu.dma_semaphore, #tpu.memory_space<semaphore_mem>>
      %dma_start3A_162 = arith.constant 0 : i32
      %dma_start3A_163 = tpu.memref_slice %arg5[%arg0, %mul3A_161, %dma_start3A_162] : memref<2x10240x128xf32, #tpu.memory_space<hbm>> -> memref<1x632x128xf32, #tpu.memory_space<hbm>>
      %dma_start3A_164 = tpu.memref_squeeze %dma_start3A_163 : memref<1x632x128xf32, #tpu.memory_space<hbm>> -> memref<632x128xf32, #tpu.memory_space<hbm>>
      %dma_start3A_165 = arith.constant 0 : i32
      %dma_start3A_166 = tpu.memref_slice %arg6[%mul3A_159, %dma_start3A_165] : memref<10112x128xf32, #tpu.memory_space<vmem_shared>> -> memref<632x128xf32, #tpu.memory_space<vmem_shared>>
      tpu.enqueue_dma source(%dma_start3A_166 : memref<632x128xf32, #tpu.memory_space<vmem_shared>>) target(%dma_start3A_164 : memref<632x128xf32, #tpu.memory_space<hbm>>) target_semaphore(%run_scoped3A : memref<!tpu.dma_semaphore, #tpu.memory_space<semaphore_mem>>)
      %dma_wait3A_167 = arith.constant 0 : i32
      %dma_wait3A_168 = tpu.memref_slice %arg5[%arg0, %mul3A_161, %dma_wait3A_167] : memref<2x10240x128xf32, #tpu.memory_space<hbm>> -> memref<1x632x128xf32, #tpu.memory_space<hbm>>
      %dma_wait3A_169 = tpu.memref_squeeze %dma_wait3A_168 : memref<1x632x128xf32, #tpu.memory_space<hbm>> -> memref<632x128xf32, #tpu.memory_space<hbm>>
      %dma_wait3A_170 = arith.constant 0 : i32
      %dma_wait3A_171 = tpu.memref_slice %arg6[%mul3A_159, %dma_wait3A_170] : memref<10112x128xf32, #tpu.memory_space<vmem_shared>> -> memref<632x128xf32, #tpu.memory_space<vmem_shared>>
      tpu.wait_dma2 semaphore(%run_scoped3A : memref<!tpu.dma_semaphore, #tpu.memory_space<semaphore_mem>>) src(%dma_wait3A_171 : memref<632x128xf32, #tpu.memory_space<vmem_shared>>) dst(%dma_wait3A_169 : memref<632x128xf32, #tpu.memory_space<hbm>>)
      tpu.yield
    }) : () -> ()
    return
  }
}

#map = affine_map<(d0, d1) -> (0)>
#map1 = affine_map<(d0, d1) -> (0, 0)>
module attributes {stable_mosaic.version = 14 : i64} {
  func.func @_deg_body(%arg0: i32, %arg1: i32, %arg2: memref<322560xi32, #tpu.memory_space<hbm>>, %arg3: memref<2x10240xf32, #tpu.memory_space<hbm>>, %arg4: memref<10240xf32, #tpu.memory_space<vmem_shared>>, %arg5: memref<120xf32, #tpu.memory_space<vmem>>, %arg6: memref<640xf32, #tpu.memory_space<vmem>>, %arg7: memref<1x120xi32, #tpu.memory_space<vmem>>, %arg8: memref<1x120xi32, #tpu.memory_space<vmem>>, %arg9: memref<1x120xi32, #tpu.memory_space<vmem>>, %arg10: memref<1x120xi32, #tpu.memory_space<vmem>>, %arg11: memref<1x120xi32, #tpu.memory_space<vmem>>, %arg12: memref<1x120xi32, #tpu.memory_space<vmem>>, %arg13: memref<1x120xi32, #tpu.memory_space<vmem>>, %arg14: memref<1x120xi32, #tpu.memory_space<vmem>>, %arg15: memref<1x120xi32, #tpu.memory_space<vmem>>, %arg16: memref<1x120xi32, #tpu.memory_space<vmem>>, %arg17: memref<1x120xi32, #tpu.memory_space<vmem>>, %arg18: memref<1x120xi32, #tpu.memory_space<vmem>>, %arg19: memref<!tpu.dma_semaphore, #tpu.memory_space<semaphore_mem>>, %arg20: memref<!tpu.dma_semaphore, #tpu.memory_space<semaphore_mem>>, %arg21: memref<!tpu.dma_semaphore, #tpu.memory_space<semaphore_mem>>, %arg22: memref<!tpu.dma_semaphore, #tpu.memory_space<semaphore_mem>>, %arg23: memref<!tpu.dma_semaphore, #tpu.memory_space<semaphore_mem>>, %arg24: memref<!tpu.dma_semaphore, #tpu.memory_space<semaphore_mem>>, %arg25: memref<!tpu.dma_semaphore, #tpu.memory_space<semaphore_mem>>, %arg26: memref<!tpu.dma_semaphore, #tpu.memory_space<semaphore_mem>>, %arg27: memref<!tpu.dma_semaphore, #tpu.memory_space<semaphore_mem>>, %arg28: memref<!tpu.dma_semaphore, #tpu.memory_space<semaphore_mem>>, %arg29: memref<!tpu.dma_semaphore, #tpu.memory_space<semaphore_mem>>, %arg30: memref<!tpu.dma_semaphore, #tpu.memory_space<semaphore_mem>>, %arg31: memref<!tpu.dma_semaphore, #tpu.memory_space<semaphore_mem>>, %arg32: memref<!tpu.dma_semaphore, #tpu.memory_space<semaphore_mem>>, %arg33: memref<!tpu.dma_semaphore, #tpu.memory_space<semaphore_mem>>, %arg34: memref<!tpu.dma_semaphore, #tpu.memory_space<semaphore_mem>>, %arg35: memref<!tpu.dma_semaphore, #tpu.memory_space<semaphore_mem>>, %arg36: memref<!tpu.dma_semaphore, #tpu.memory_space<semaphore_mem>>, %arg37: memref<!tpu.dma_semaphore, #tpu.memory_space<semaphore_mem>>, %arg38: memref<!tpu.dma_semaphore, #tpu.memory_space<semaphore_mem>>, %arg39: memref<!tpu.dma_semaphore, #tpu.memory_space<semaphore_mem>>, %arg40: memref<!tpu.dma_semaphore, #tpu.memory_space<semaphore_mem>>, %arg41: memref<!tpu.dma_semaphore, #tpu.memory_space<semaphore_mem>>, %arg42: memref<!tpu.dma_semaphore, #tpu.memory_space<semaphore_mem>>) attributes {dimension_semantics = [#tpu.dimension_semantics<core_parallel>, #tpu.dimension_semantics<subcore_parallel>], iteration_bounds = array<i64: 2, 16>, scalar_prefetch = 0 : i64, scratch_operands = 39 : i64, tpu.core_type = #tpu.core_type<sc_vector_subcore>, window_params = [{transform_indices = #map}, {transform_indices = #map1}]} {
    %mul3A = arith.constant 2 : i32
    %mul3A_0 = arith.muli %arg1, %mul3A : i32
    %add3A = arith.addi %mul3A_0, %arg0 : i32
    %broadcast_in_dim3A = arith.constant 1.000000e+00 : f32
    %broadcast_in_dim3A_1 = vector.broadcast %broadcast_in_dim3A : f32 to vector<16xf32>
    %swap3A = arith.constant 0 : index
    %swap3A_2 = tpu.vector_load %arg5[%swap3A] {strides = array<i32>} : memref<120xf32, #tpu.memory_space<vmem>>, vector<16xf32>,
    %swap3A_3 = vector.shape_cast %swap3A_2 : vector<16xf32> to vector<16xf32>
    %swap3A_4 = vector.shape_cast %broadcast_in_dim3A_1 : vector<16xf32> to vector<16xf32>
    tpu.vector_store %arg5[%swap3A], %swap3A_4 {strides = array<i32>} : memref<120xf32, #tpu.memory_space<vmem>>, vector<16xf32>,
    %broadcast_in_dim3A_5 = arith.constant 1.000000e+00 : f32
    %broadcast_in_dim3A_6 = vector.broadcast %broadcast_in_dim3A_5 : f32 to vector<16xf32>
    %swap3A_7 = arith.constant 16 : index
    %swap3A_8 = tpu.vector_load %arg5[%swap3A_7] {strides = array<i32>} : memref<120xf32, #tpu.memory_space<vmem>>, vector<16xf32>,
    %swap3A_9 = vector.shape_cast %swap3A_8 : vector<16xf32> to vector<16xf32>
    %swap3A_10 = vector.shape_cast %broadcast_in_dim3A_6 : vector<16xf32> to vector<16xf32>
    tpu.vector_store %arg5[%swap3A_7], %swap3A_10 {strides = array<i32>} : memref<120xf32, #tpu.memory_space<vmem>>, vector<16xf32>,
    %broadcast_in_dim3A_11 = arith.constant 1.000000e+00 : f32
    %broadcast_in_dim3A_12 = vector.broadcast %broadcast_in_dim3A_11 : f32 to vector<16xf32>
    %swap3A_13 = arith.constant 32 : index
    %swap3A_14 = tpu.vector_load %arg5[%swap3A_13] {strides = array<i32>} : memref<120xf32, #tpu.memory_space<vmem>>, vector<16xf32>,
    %swap3A_15 = vector.shape_cast %swap3A_14 : vector<16xf32> to vector<16xf32>
    %swap3A_16 = vector.shape_cast %broadcast_in_dim3A_12 : vector<16xf32> to vector<16xf32>
    tpu.vector_store %arg5[%swap3A_13], %swap3A_16 {strides = array<i32>} : memref<120xf32, #tpu.memory_space<vmem>>, vector<16xf32>,
    %broadcast_in_dim3A_17 = arith.constant 1.000000e+00 : f32
    %broadcast_in_dim3A_18 = vector.broadcast %broadcast_in_dim3A_17 : f32 to vector<16xf32>
    %swap3A_19 = arith.constant 48 : index
    %swap3A_20 = tpu.vector_load %arg5[%swap3A_19] {strides = array<i32>} : memref<120xf32, #tpu.memory_space<vmem>>, vector<16xf32>,
    %swap3A_21 = vector.shape_cast %swap3A_20 : vector<16xf32> to vector<16xf32>
    %swap3A_22 = vector.shape_cast %broadcast_in_dim3A_18 : vector<16xf32> to vector<16xf32>
    tpu.vector_store %arg5[%swap3A_19], %swap3A_22 {strides = array<i32>} : memref<120xf32, #tpu.memory_space<vmem>>, vector<16xf32>,
    %broadcast_in_dim3A_23 = arith.constant 1.000000e+00 : f32
    %broadcast_in_dim3A_24 = vector.broadcast %broadcast_in_dim3A_23 : f32 to vector<16xf32>
    %swap3A_25 = arith.constant 64 : index
    %swap3A_26 = tpu.vector_load %arg5[%swap3A_25] {strides = array<i32>} : memref<120xf32, #tpu.memory_space<vmem>>, vector<16xf32>,
    %swap3A_27 = vector.shape_cast %swap3A_26 : vector<16xf32> to vector<16xf32>
    %swap3A_28 = vector.shape_cast %broadcast_in_dim3A_24 : vector<16xf32> to vector<16xf32>
    tpu.vector_store %arg5[%swap3A_25], %swap3A_28 {strides = array<i32>} : memref<120xf32, #tpu.memory_space<vmem>>, vector<16xf32>,
    %broadcast_in_dim3A_29 = arith.constant 1.000000e+00 : f32
    %broadcast_in_dim3A_30 = vector.broadcast %broadcast_in_dim3A_29 : f32 to vector<16xf32>
    %swap3A_31 = arith.constant 80 : index
    %swap3A_32 = tpu.vector_load %arg5[%swap3A_31] {strides = array<i32>} : memref<120xf32, #tpu.memory_space<vmem>>, vector<16xf32>,
    %swap3A_33 = vector.shape_cast %swap3A_32 : vector<16xf32> to vector<16xf32>
    %swap3A_34 = vector.shape_cast %broadcast_in_dim3A_30 : vector<16xf32> to vector<16xf32>
    tpu.vector_store %arg5[%swap3A_31], %swap3A_34 {strides = array<i32>} : memref<120xf32, #tpu.memory_space<vmem>>, vector<16xf32>,
    %broadcast_in_dim3A_35 = arith.constant 1.000000e+00 : f32
    %broadcast_in_dim3A_36 = vector.broadcast %broadcast_in_dim3A_35 : f32 to vector<16xf32>
    %swap3A_37 = arith.constant 96 : index
    %swap3A_38 = tpu.vector_load %arg5[%swap3A_37] {strides = array<i32>} : memref<120xf32, #tpu.memory_space<vmem>>, vector<16xf32>,
    %swap3A_39 = vector.shape_cast %swap3A_38 : vector<16xf32> to vector<16xf32>
    %swap3A_40 = vector.shape_cast %broadcast_in_dim3A_36 : vector<16xf32> to vector<16xf32>
    tpu.vector_store %arg5[%swap3A_37], %swap3A_40 {strides = array<i32>} : memref<120xf32, #tpu.memory_space<vmem>>, vector<16xf32>,
    %broadcast_in_dim3A_41 = arith.constant 1.000000e+00 : f32
    %broadcast_in_dim3A_42 = vector.broadcast %broadcast_in_dim3A_41 : f32 to vector<16xf32>
    %swap3A_43 = arith.constant 104 : index
    %swap3A_44 = tpu.vector_load %arg5[%swap3A_43] {strides = array<i32>} : memref<120xf32, #tpu.memory_space<vmem>>, vector<16xf32>,
    %swap3A_45 = vector.shape_cast %swap3A_44 : vector<16xf32> to vector<16xf32>
    %swap3A_46 = vector.shape_cast %broadcast_in_dim3A_42 : vector<16xf32> to vector<16xf32>
    tpu.vector_store %arg5[%swap3A_43], %swap3A_46 {strides = array<i32>} : memref<120xf32, #tpu.memory_space<vmem>>, vector<16xf32>,
    %broadcast_in_dim3A_47 = arith.constant 0.000000e+00 : f32
    %broadcast_in_dim3A_48 = vector.broadcast %broadcast_in_dim3A_47 : f32 to vector<16xf32>
    %swap3A_49 = arith.constant 0 : index
    %swap3A_50 = tpu.vector_load %arg6[%swap3A_49] {strides = array<i32>} : memref<640xf32, #tpu.memory_space<vmem>>, vector<16xf32>,
    %swap3A_51 = vector.shape_cast %swap3A_50 : vector<16xf32> to vector<16xf32>
    %swap3A_52 = vector.shape_cast %broadcast_in_dim3A_48 : vector<16xf32> to vector<16xf32>
    tpu.vector_store %arg6[%swap3A_49], %swap3A_52 {strides = array<i32>} : memref<640xf32, #tpu.memory_space<vmem>>, vector<16xf32>,
    %broadcast_in_dim3A_53 = arith.constant 0.000000e+00 : f32
    %broadcast_in_dim3A_54 = vector.broadcast %broadcast_in_dim3A_53 : f32 to vector<16xf32>
    %swap3A_55 = arith.constant 16 : index
    %swap3A_56 = tpu.vector_load %arg6[%swap3A_55] {strides = array<i32>} : memref<640xf32, #tpu.memory_space<vmem>>, vector<16xf32>,
    %swap3A_57 = vector.shape_cast %swap3A_56 : vector<16xf32> to vector<16xf32>
    %swap3A_58 = vector.shape_cast %broadcast_in_dim3A_54 : vector<16xf32> to vector<16xf32>
    tpu.vector_store %arg6[%swap3A_55], %swap3A_58 {strides = array<i32>} : memref<640xf32, #tpu.memory_space<vmem>>, vector<16xf32>,
    %broadcast_in_dim3A_59 = arith.constant 0.000000e+00 : f32
    %broadcast_in_dim3A_60 = vector.broadcast %broadcast_in_dim3A_59 : f32 to vector<16xf32>
    %swap3A_61 = arith.constant 32 : index
    %swap3A_62 = tpu.vector_load %arg6[%swap3A_61] {strides = array<i32>} : memref<640xf32, #tpu.memory_space<vmem>>, vector<16xf32>,
    %swap3A_63 = vector.shape_cast %swap3A_62 : vector<16xf32> to vector<16xf32>
    %swap3A_64 = vector.shape_cast %broadcast_in_dim3A_60 : vector<16xf32> to vector<16xf32>
    tpu.vector_store %arg6[%swap3A_61], %swap3A_64 {strides = array<i32>} : memref<640xf32, #tpu.memory_space<vmem>>, vector<16xf32>,
    %broadcast_in_dim3A_65 = arith.constant 0.000000e+00 : f32
    %broadcast_in_dim3A_66 = vector.broadcast %broadcast_in_dim3A_65 : f32 to vector<16xf32>
    %swap3A_67 = arith.constant 48 : index
    %swap3A_68 = tpu.vector_load %arg6[%swap3A_67] {strides = array<i32>} : memref<640xf32, #tpu.memory_space<vmem>>, vector<16xf32>,
    %swap3A_69 = vector.shape_cast %swap3A_68 : vector<16xf32> to vector<16xf32>
    %swap3A_70 = vector.shape_cast %broadcast_in_dim3A_66 : vector<16xf32> to vector<16xf32>
    tpu.vector_store %arg6[%swap3A_67], %swap3A_70 {strides = array<i32>} : memref<640xf32, #tpu.memory_space<vmem>>, vector<16xf32>,
    %broadcast_in_dim3A_71 = arith.constant 0.000000e+00 : f32
    %broadcast_in_dim3A_72 = vector.broadcast %broadcast_in_dim3A_71 : f32 to vector<16xf32>
    %swap3A_73 = arith.constant 64 : index
    %swap3A_74 = tpu.vector_load %arg6[%swap3A_73] {strides = array<i32>} : memref<640xf32, #tpu.memory_space<vmem>>, vector<16xf32>,
    %swap3A_75 = vector.shape_cast %swap3A_74 : vector<16xf32> to vector<16xf32>
    %swap3A_76 = vector.shape_cast %broadcast_in_dim3A_72 : vector<16xf32> to vector<16xf32>
    tpu.vector_store %arg6[%swap3A_73], %swap3A_76 {strides = array<i32>} : memref<640xf32, #tpu.memory_space<vmem>>, vector<16xf32>,
    %broadcast_in_dim3A_77 = arith.constant 0.000000e+00 : f32
    %broadcast_in_dim3A_78 = vector.broadcast %broadcast_in_dim3A_77 : f32 to vector<16xf32>
    %swap3A_79 = arith.constant 80 : index
    %swap3A_80 = tpu.vector_load %arg6[%swap3A_79] {strides = array<i32>} : memref<640xf32, #tpu.memory_space<vmem>>, vector<16xf32>,
    %swap3A_81 = vector.shape_cast %swap3A_80 : vector<16xf32> to vector<16xf32>
    %swap3A_82 = vector.shape_cast %broadcast_in_dim3A_78 : vector<16xf32> to vector<16xf32>
    tpu.vector_store %arg6[%swap3A_79], %swap3A_82 {strides = array<i32>} : memref<640xf32, #tpu.memory_space<vmem>>, vector<16xf32>,
    %broadcast_in_dim3A_83 = arith.constant 0.000000e+00 : f32
    %broadcast_in_dim3A_84 = vector.broadcast %broadcast_in_dim3A_83 : f32 to vector<16xf32>
    %swap3A_85 = arith.constant 96 : index
    %swap3A_86 = tpu.vector_load %arg6[%swap3A_85] {strides = array<i32>} : memref<640xf32, #tpu.memory_space<vmem>>, vector<16xf32>,
    %swap3A_87 = vector.shape_cast %swap3A_86 : vector<16xf32> to vector<16xf32>
    %swap3A_88 = vector.shape_cast %broadcast_in_dim3A_84 : vector<16xf32> to vector<16xf32>
    tpu.vector_store %arg6[%swap3A_85], %swap3A_88 {strides = array<i32>} : memref<640xf32, #tpu.memory_space<vmem>>, vector<16xf32>,
    %broadcast_in_dim3A_89 = arith.constant 0.000000e+00 : f32
    %broadcast_in_dim3A_90 = vector.broadcast %broadcast_in_dim3A_89 : f32 to vector<16xf32>
    %swap3A_91 = arith.constant 112 : index
    %swap3A_92 = tpu.vector_load %arg6[%swap3A_91] {strides = array<i32>} : memref<640xf32, #tpu.memory_space<vmem>>, vector<16xf32>,
    %swap3A_93 = vector.shape_cast %swap3A_92 : vector<16xf32> to vector<16xf32>
    %swap3A_94 = vector.shape_cast %broadcast_in_dim3A_90 : vector<16xf32> to vector<16xf32>
    tpu.vector_store %arg6[%swap3A_91], %swap3A_94 {strides = array<i32>} : memref<640xf32, #tpu.memory_space<vmem>>, vector<16xf32>,
    %broadcast_in_dim3A_95 = arith.constant 0.000000e+00 : f32
    %broadcast_in_dim3A_96 = vector.broadcast %broadcast_in_dim3A_95 : f32 to vector<16xf32>
    %swap3A_97 = arith.constant 128 : index
    %swap3A_98 = tpu.vector_load %arg6[%swap3A_97] {strides = array<i32>} : memref<640xf32, #tpu.memory_space<vmem>>, vector<16xf32>,
    %swap3A_99 = vector.shape_cast %swap3A_98 : vector<16xf32> to vector<16xf32>
    %swap3A_100 = vector.shape_cast %broadcast_in_dim3A_96 : vector<16xf32> to vector<16xf32>
    tpu.vector_store %arg6[%swap3A_97], %swap3A_100 {strides = array<i32>} : memref<640xf32, #tpu.memory_space<vmem>>, vector<16xf32>,
    %broadcast_in_dim3A_101 = arith.constant 0.000000e+00 : f32
    %broadcast_in_dim3A_102 = vector.broadcast %broadcast_in_dim3A_101 : f32 to vector<16xf32>
    %swap3A_103 = arith.constant 144 : index
    %swap3A_104 = tpu.vector_load %arg6[%swap3A_103] {strides = array<i32>} : memref<640xf32, #tpu.memory_space<vmem>>, vector<16xf32>,
    %swap3A_105 = vector.shape_cast %swap3A_104 : vector<16xf32> to vector<16xf32>
    %swap3A_106 = vector.shape_cast %broadcast_in_dim3A_102 : vector<16xf32> to vector<16xf32>
    tpu.vector_store %arg6[%swap3A_103], %swap3A_106 {strides = array<i32>} : memref<640xf32, #tpu.memory_space<vmem>>, vector<16xf32>,
    %broadcast_in_dim3A_107 = arith.constant 0.000000e+00 : f32
    %broadcast_in_dim3A_108 = vector.broadcast %broadcast_in_dim3A_107 : f32 to vector<16xf32>
    %swap3A_109 = arith.constant 160 : index
    %swap3A_110 = tpu.vector_load %arg6[%swap3A_109] {strides = array<i32>} : memref<640xf32, #tpu.memory_space<vmem>>, vector<16xf32>,
    %swap3A_111 = vector.shape_cast %swap3A_110 : vector<16xf32> to vector<16xf32>
    %swap3A_112 = vector.shape_cast %broadcast_in_dim3A_108 : vector<16xf32> to vector<16xf32>
    tpu.vector_store %arg6[%swap3A_109], %swap3A_112 {strides = array<i32>} : memref<640xf32, #tpu.memory_space<vmem>>, vector<16xf32>,
    %broadcast_in_dim3A_113 = arith.constant 0.000000e+00 : f32
    %broadcast_in_dim3A_114 = vector.broadcast %broadcast_in_dim3A_113 : f32 to vector<16xf32>
    %swap3A_115 = arith.constant 176 : index
    %swap3A_116 = tpu.vector_load %arg6[%swap3A_115] {strides = array<i32>} : memref<640xf32, #tpu.memory_space<vmem>>, vector<16xf32>,
    %swap3A_117 = vector.shape_cast %swap3A_116 : vector<16xf32> to vector<16xf32>
    %swap3A_118 = vector.shape_cast %broadcast_in_dim3A_114 : vector<16xf32> to vector<16xf32>
    tpu.vector_store %arg6[%swap3A_115], %swap3A_118 {strides = array<i32>} : memref<640xf32, #tpu.memory_space<vmem>>, vector<16xf32>,
    %broadcast_in_dim3A_119 = arith.constant 0.000000e+00 : f32
    %broadcast_in_dim3A_120 = vector.broadcast %broadcast_in_dim3A_119 : f32 to vector<16xf32>
    %swap3A_121 = arith.constant 192 : index
    %swap3A_122 = tpu.vector_load %arg6[%swap3A_121] {strides = array<i32>} : memref<640xf32, #tpu.memory_space<vmem>>, vector<16xf32>,
    %swap3A_123 = vector.shape_cast %swap3A_122 : vector<16xf32> to vector<16xf32>
    %swap3A_124 = vector.shape_cast %broadcast_in_dim3A_120 : vector<16xf32> to vector<16xf32>
    tpu.vector_store %arg6[%swap3A_121], %swap3A_124 {strides = array<i32>} : memref<640xf32, #tpu.memory_space<vmem>>, vector<16xf32>,
    %broadcast_in_dim3A_125 = arith.constant 0.000000e+00 : f32
    %broadcast_in_dim3A_126 = vector.broadcast %broadcast_in_dim3A_125 : f32 to vector<16xf32>
    %swap3A_127 = arith.constant 208 : index
    %swap3A_128 = tpu.vector_load %arg6[%swap3A_127] {strides = array<i32>} : memref<640xf32, #tpu.memory_space<vmem>>, vector<16xf32>,
    %swap3A_129 = vector.shape_cast %swap3A_128 : vector<16xf32> to vector<16xf32>
    %swap3A_130 = vector.shape_cast %broadcast_in_dim3A_126 : vector<16xf32> to vector<16xf32>
    tpu.vector_store %arg6[%swap3A_127], %swap3A_130 {strides = array<i32>} : memref<640xf32, #tpu.memory_space<vmem>>, vector<16xf32>,
    %broadcast_in_dim3A_131 = arith.constant 0.000000e+00 : f32
    %broadcast_in_dim3A_132 = vector.broadcast %broadcast_in_dim3A_131 : f32 to vector<16xf32>
    %swap3A_133 = arith.constant 224 : index
    %swap3A_134 = tpu.vector_load %arg6[%swap3A_133] {strides = array<i32>} : memref<640xf32, #tpu.memory_space<vmem>>, vector<16xf32>,
    %swap3A_135 = vector.shape_cast %swap3A_134 : vector<16xf32> to vector<16xf32>
    %swap3A_136 = vector.shape_cast %broadcast_in_dim3A_132 : vector<16xf32> to vector<16xf32>
    tpu.vector_store %arg6[%swap3A_133], %swap3A_136 {strides = array<i32>} : memref<640xf32, #tpu.memory_space<vmem>>, vector<16xf32>,
    %broadcast_in_dim3A_137 = arith.constant 0.000000e+00 : f32
    %broadcast_in_dim3A_138 = vector.broadcast %broadcast_in_dim3A_137 : f32 to vector<16xf32>
    %swap3A_139 = arith.constant 240 : index
    %swap3A_140 = tpu.vector_load %arg6[%swap3A_139] {strides = array<i32>} : memref<640xf32, #tpu.memory_space<vmem>>, vector<16xf32>,
    %swap3A_141 = vector.shape_cast %swap3A_140 : vector<16xf32> to vector<16xf32>
    %swap3A_142 = vector.shape_cast %broadcast_in_dim3A_138 : vector<16xf32> to vector<16xf32>
    tpu.vector_store %arg6[%swap3A_139], %swap3A_142 {strides = array<i32>} : memref<640xf32, #tpu.memory_space<vmem>>, vector<16xf32>,
    %broadcast_in_dim3A_143 = arith.constant 0.000000e+00 : f32
    %broadcast_in_dim3A_144 = vector.broadcast %broadcast_in_dim3A_143 : f32 to vector<16xf32>
    %swap3A_145 = arith.constant 256 : index
    %swap3A_146 = tpu.vector_load %arg6[%swap3A_145] {strides = array<i32>} : memref<640xf32, #tpu.memory_space<vmem>>, vector<16xf32>,
    %swap3A_147 = vector.shape_cast %swap3A_146 : vector<16xf32> to vector<16xf32>
    %swap3A_148 = vector.shape_cast %broadcast_in_dim3A_144 : vector<16xf32> to vector<16xf32>
    tpu.vector_store %arg6[%swap3A_145], %swap3A_148 {strides = array<i32>} : memref<640xf32, #tpu.memory_space<vmem>>, vector<16xf32>,
    %broadcast_in_dim3A_149 = arith.constant 0.000000e+00 : f32
    %broadcast_in_dim3A_150 = vector.broadcast %broadcast_in_dim3A_149 : f32 to vector<16xf32>
    %swap3A_151 = arith.constant 272 : index
    %swap3A_152 = tpu.vector_load %arg6[%swap3A_151] {strides = array<i32>} : memref<640xf32, #tpu.memory_space<vmem>>, vector<16xf32>,
    %swap3A_153 = vector.shape_cast %swap3A_152 : vector<16xf32> to vector<16xf32>
    %swap3A_154 = vector.shape_cast %broadcast_in_dim3A_150 : vector<16xf32> to vector<16xf32>
    tpu.vector_store %arg6[%swap3A_151], %swap3A_154 {strides = array<i32>} : memref<640xf32, #tpu.memory_space<vmem>>, vector<16xf32>,
    %broadcast_in_dim3A_155 = arith.constant 0.000000e+00 : f32
    %broadcast_in_dim3A_156 = vector.broadcast %broadcast_in_dim3A_155 : f32 to vector<16xf32>
    %swap3A_157 = arith.constant 288 : index
    %swap3A_158 = tpu.vector_load %arg6[%swap3A_157] {strides = array<i32>} : memref<640xf32, #tpu.memory_space<vmem>>, vector<16xf32>,
    %swap3A_159 = vector.shape_cast %swap3A_158 : vector<16xf32> to vector<16xf32>
    %swap3A_160 = vector.shape_cast %broadcast_in_dim3A_156 : vector<16xf32> to vector<16xf32>
    tpu.vector_store %arg6[%swap3A_157], %swap3A_160 {strides = array<i32>} : memref<640xf32, #tpu.memory_space<vmem>>, vector<16xf32>,
    %broadcast_in_dim3A_161 = arith.constant 0.000000e+00 : f32
    %broadcast_in_dim3A_162 = vector.broadcast %broadcast_in_dim3A_161 : f32 to vector<16xf32>
    %swap3A_163 = arith.constant 304 : index
    %swap3A_164 = tpu.vector_load %arg6[%swap3A_163] {strides = array<i32>} : memref<640xf32, #tpu.memory_space<vmem>>, vector<16xf32>,
    %swap3A_165 = vector.shape_cast %swap3A_164 : vector<16xf32> to vector<16xf32>
    %swap3A_166 = vector.shape_cast %broadcast_in_dim3A_162 : vector<16xf32> to vector<16xf32>
    tpu.vector_store %arg6[%swap3A_163], %swap3A_166 {strides = array<i32>} : memref<640xf32, #tpu.memory_space<vmem>>, vector<16xf32>,
    %broadcast_in_dim3A_167 = arith.constant 0.000000e+00 : f32
    %broadcast_in_dim3A_168 = vector.broadcast %broadcast_in_dim3A_167 : f32 to vector<16xf32>
    %swap3A_169 = arith.constant 320 : index
    %swap3A_170 = tpu.vector_load %arg6[%swap3A_169] {strides = array<i32>} : memref<640xf32, #tpu.memory_space<vmem>>, vector<16xf32>,
    %swap3A_171 = vector.shape_cast %swap3A_170 : vector<16xf32> to vector<16xf32>
    %swap3A_172 = vector.shape_cast %broadcast_in_dim3A_168 : vector<16xf32> to vector<16xf32>
    tpu.vector_store %arg6[%swap3A_169], %swap3A_172 {strides = array<i32>} : memref<640xf32, #tpu.memory_space<vmem>>, vector<16xf32>,
    %broadcast_in_dim3A_173 = arith.constant 0.000000e+00 : f32
    %broadcast_in_dim3A_174 = vector.broadcast %broadcast_in_dim3A_173 : f32 to vector<16xf32>
    %swap3A_175 = arith.constant 336 : index
    %swap3A_176 = tpu.vector_load %arg6[%swap3A_175] {strides = array<i32>} : memref<640xf32, #tpu.memory_space<vmem>>, vector<16xf32>,
    %swap3A_177 = vector.shape_cast %swap3A_176 : vector<16xf32> to vector<16xf32>
    %swap3A_178 = vector.shape_cast %broadcast_in_dim3A_174 : vector<16xf32> to vector<16xf32>
    tpu.vector_store %arg6[%swap3A_175], %swap3A_178 {strides = array<i32>} : memref<640xf32, #tpu.memory_space<vmem>>, vector<16xf32>,
    %broadcast_in_dim3A_179 = arith.constant 0.000000e+00 : f32
    %broadcast_in_dim3A_180 = vector.broadcast %broadcast_in_dim3A_179 : f32 to vector<16xf32>
    %swap3A_181 = arith.constant 352 : index
    %swap3A_182 = tpu.vector_load %arg6[%swap3A_181] {strides = array<i32>} : memref<640xf32, #tpu.memory_space<vmem>>, vector<16xf32>,
    %swap3A_183 = vector.shape_cast %swap3A_182 : vector<16xf32> to vector<16xf32>
    %swap3A_184 = vector.shape_cast %broadcast_in_dim3A_180 : vector<16xf32> to vector<16xf32>
    tpu.vector_store %arg6[%swap3A_181], %swap3A_184 {strides = array<i32>} : memref<640xf32, #tpu.memory_space<vmem>>, vector<16xf32>,
    %broadcast_in_dim3A_185 = arith.constant 0.000000e+00 : f32
    %broadcast_in_dim3A_186 = vector.broadcast %broadcast_in_dim3A_185 : f32 to vector<16xf32>
    %swap3A_187 = arith.constant 368 : index
    %swap3A_188 = tpu.vector_load %arg6[%swap3A_187] {strides = array<i32>} : memref<640xf32, #tpu.memory_space<vmem>>, vector<16xf32>,
    %swap3A_189 = vector.shape_cast %swap3A_188 : vector<16xf32> to vector<16xf32>
    %swap3A_190 = vector.shape_cast %broadcast_in_dim3A_186 : vector<16xf32> to vector<16xf32>
    tpu.vector_store %arg6[%swap3A_187], %swap3A_190 {strides = array<i32>} : memref<640xf32, #tpu.memory_space<vmem>>, vector<16xf32>,
    %broadcast_in_dim3A_191 = arith.constant 0.000000e+00 : f32
    %broadcast_in_dim3A_192 = vector.broadcast %broadcast_in_dim3A_191 : f32 to vector<16xf32>
    %swap3A_193 = arith.constant 384 : index
    %swap3A_194 = tpu.vector_load %arg6[%swap3A_193] {strides = array<i32>} : memref<640xf32, #tpu.memory_space<vmem>>, vector<16xf32>,
    %swap3A_195 = vector.shape_cast %swap3A_194 : vector<16xf32> to vector<16xf32>
    %swap3A_196 = vector.shape_cast %broadcast_in_dim3A_192 : vector<16xf32> to vector<16xf32>
    tpu.vector_store %arg6[%swap3A_193], %swap3A_196 {strides = array<i32>} : memref<640xf32, #tpu.memory_space<vmem>>, vector<16xf32>,
    %broadcast_in_dim3A_197 = arith.constant 0.000000e+00 : f32
    %broadcast_in_dim3A_198 = vector.broadcast %broadcast_in_dim3A_197 : f32 to vector<16xf32>
    %swap3A_199 = arith.constant 400 : index
    %swap3A_200 = tpu.vector_load %arg6[%swap3A_199] {strides = array<i32>} : memref<640xf32, #tpu.memory_space<vmem>>, vector<16xf32>,
    %swap3A_201 = vector.shape_cast %swap3A_200 : vector<16xf32> to vector<16xf32>
    %swap3A_202 = vector.shape_cast %broadcast_in_dim3A_198 : vector<16xf32> to vector<16xf32>
    tpu.vector_store %arg6[%swap3A_199], %swap3A_202 {strides = array<i32>} : memref<640xf32, #tpu.memory_space<vmem>>, vector<16xf32>,
    %broadcast_in_dim3A_203 = arith.constant 0.000000e+00 : f32
    %broadcast_in_dim3A_204 = vector.broadcast %broadcast_in_dim3A_203 : f32 to vector<16xf32>
    %swap3A_205 = arith.constant 416 : index
    %swap3A_206 = tpu.vector_load %arg6[%swap3A_205] {strides = array<i32>} : memref<640xf32, #tpu.memory_space<vmem>>, vector<16xf32>,
    %swap3A_207 = vector.shape_cast %swap3A_206 : vector<16xf32> to vector<16xf32>
    %swap3A_208 = vector.shape_cast %broadcast_in_dim3A_204 : vector<16xf32> to vector<16xf32>
    tpu.vector_store %arg6[%swap3A_205], %swap3A_208 {strides = array<i32>} : memref<640xf32, #tpu.memory_space<vmem>>, vector<16xf32>,
    %broadcast_in_dim3A_209 = arith.constant 0.000000e+00 : f32
    %broadcast_in_dim3A_210 = vector.broadcast %broadcast_in_dim3A_209 : f32 to vector<16xf32>
    %swap3A_211 = arith.constant 432 : index
    %swap3A_212 = tpu.vector_load %arg6[%swap3A_211] {strides = array<i32>} : memref<640xf32, #tpu.memory_space<vmem>>, vector<16xf32>,
    %swap3A_213 = vector.shape_cast %swap3A_212 : vector<16xf32> to vector<16xf32>
    %swap3A_214 = vector.shape_cast %broadcast_in_dim3A_210 : vector<16xf32> to vector<16xf32>
    tpu.vector_store %arg6[%swap3A_211], %swap3A_214 {strides = array<i32>} : memref<640xf32, #tpu.memory_space<vmem>>, vector<16xf32>,
    %broadcast_in_dim3A_215 = arith.constant 0.000000e+00 : f32
    %broadcast_in_dim3A_216 = vector.broadcast %broadcast_in_dim3A_215 : f32 to vector<16xf32>
    %swap3A_217 = arith.constant 448 : index
    %swap3A_218 = tpu.vector_load %arg6[%swap3A_217] {strides = array<i32>} : memref<640xf32, #tpu.memory_space<vmem>>, vector<16xf32>,
    %swap3A_219 = vector.shape_cast %swap3A_218 : vector<16xf32> to vector<16xf32>
    %swap3A_220 = vector.shape_cast %broadcast_in_dim3A_216 : vector<16xf32> to vector<16xf32>
    tpu.vector_store %arg6[%swap3A_217], %swap3A_220 {strides = array<i32>} : memref<640xf32, #tpu.memory_space<vmem>>, vector<16xf32>,
    %broadcast_in_dim3A_221 = arith.constant 0.000000e+00 : f32
    %broadcast_in_dim3A_222 = vector.broadcast %broadcast_in_dim3A_221 : f32 to vector<16xf32>
    %swap3A_223 = arith.constant 464 : index
    %swap3A_224 = tpu.vector_load %arg6[%swap3A_223] {strides = array<i32>} : memref<640xf32, #tpu.memory_space<vmem>>, vector<16xf32>,
    %swap3A_225 = vector.shape_cast %swap3A_224 : vector<16xf32> to vector<16xf32>
    %swap3A_226 = vector.shape_cast %broadcast_in_dim3A_222 : vector<16xf32> to vector<16xf32>
    tpu.vector_store %arg6[%swap3A_223], %swap3A_226 {strides = array<i32>} : memref<640xf32, #tpu.memory_space<vmem>>, vector<16xf32>,
    %broadcast_in_dim3A_227 = arith.constant 0.000000e+00 : f32
    %broadcast_in_dim3A_228 = vector.broadcast %broadcast_in_dim3A_227 : f32 to vector<16xf32>
    %swap3A_229 = arith.constant 480 : index
    %swap3A_230 = tpu.vector_load %arg6[%swap3A_229] {strides = array<i32>} : memref<640xf32, #tpu.memory_space<vmem>>, vector<16xf32>,
    %swap3A_231 = vector.shape_cast %swap3A_230 : vector<16xf32> to vector<16xf32>
    %swap3A_232 = vector.shape_cast %broadcast_in_dim3A_228 : vector<16xf32> to vector<16xf32>
    tpu.vector_store %arg6[%swap3A_229], %swap3A_232 {strides = array<i32>} : memref<640xf32, #tpu.memory_space<vmem>>, vector<16xf32>,
    %broadcast_in_dim3A_233 = arith.constant 0.000000e+00 : f32
    %broadcast_in_dim3A_234 = vector.broadcast %broadcast_in_dim3A_233 : f32 to vector<16xf32>
    %swap3A_235 = arith.constant 496 : index
    %swap3A_236 = tpu.vector_load %arg6[%swap3A_235] {strides = array<i32>} : memref<640xf32, #tpu.memory_space<vmem>>, vector<16xf32>,
    %swap3A_237 = vector.shape_cast %swap3A_236 : vector<16xf32> to vector<16xf32>
    %swap3A_238 = vector.shape_cast %broadcast_in_dim3A_234 : vector<16xf32> to vector<16xf32>
    tpu.vector_store %arg6[%swap3A_235], %swap3A_238 {strides = array<i32>} : memref<640xf32, #tpu.memory_space<vmem>>, vector<16xf32>,
    %broadcast_in_dim3A_239 = arith.constant 0.000000e+00 : f32
    %broadcast_in_dim3A_240 = vector.broadcast %broadcast_in_dim3A_239 : f32 to vector<16xf32>
    %swap3A_241 = arith.constant 512 : index
    %swap3A_242 = tpu.vector_load %arg6[%swap3A_241] {strides = array<i32>} : memref<640xf32, #tpu.memory_space<vmem>>, vector<16xf32>,
    %swap3A_243 = vector.shape_cast %swap3A_242 : vector<16xf32> to vector<16xf32>
    %swap3A_244 = vector.shape_cast %broadcast_in_dim3A_240 : vector<16xf32> to vector<16xf32>
    tpu.vector_store %arg6[%swap3A_241], %swap3A_244 {strides = array<i32>} : memref<640xf32, #tpu.memory_space<vmem>>, vector<16xf32>,
    %broadcast_in_dim3A_245 = arith.constant 0.000000e+00 : f32
    %broadcast_in_dim3A_246 = vector.broadcast %broadcast_in_dim3A_245 : f32 to vector<16xf32>
    %swap3A_247 = arith.constant 528 : index
    %swap3A_248 = tpu.vector_load %arg6[%swap3A_247] {strides = array<i32>} : memref<640xf32, #tpu.memory_space<vmem>>, vector<16xf32>,
    %swap3A_249 = vector.shape_cast %swap3A_248 : vector<16xf32> to vector<16xf32>
    %swap3A_250 = vector.shape_cast %broadcast_in_dim3A_246 : vector<16xf32> to vector<16xf32>
    tpu.vector_store %arg6[%swap3A_247], %swap3A_250 {strides = array<i32>} : memref<640xf32, #tpu.memory_space<vmem>>, vector<16xf32>,
    %broadcast_in_dim3A_251 = arith.constant 0.000000e+00 : f32
    %broadcast_in_dim3A_252 = vector.broadcast %broadcast_in_dim3A_251 : f32 to vector<16xf32>
    %swap3A_253 = arith.constant 544 : index
    %swap3A_254 = tpu.vector_load %arg6[%swap3A_253] {strides = array<i32>} : memref<640xf32, #tpu.memory_space<vmem>>, vector<16xf32>,
    %swap3A_255 = vector.shape_cast %swap3A_254 : vector<16xf32> to vector<16xf32>
    %swap3A_256 = vector.shape_cast %broadcast_in_dim3A_252 : vector<16xf32> to vector<16xf32>
    tpu.vector_store %arg6[%swap3A_253], %swap3A_256 {strides = array<i32>} : memref<640xf32, #tpu.memory_space<vmem>>, vector<16xf32>,
    %broadcast_in_dim3A_257 = arith.constant 0.000000e+00 : f32
    %broadcast_in_dim3A_258 = vector.broadcast %broadcast_in_dim3A_257 : f32 to vector<16xf32>
    %swap3A_259 = arith.constant 560 : index
    %swap3A_260 = tpu.vector_load %arg6[%swap3A_259] {strides = array<i32>} : memref<640xf32, #tpu.memory_space<vmem>>, vector<16xf32>,
    %swap3A_261 = vector.shape_cast %swap3A_260 : vector<16xf32> to vector<16xf32>
    %swap3A_262 = vector.shape_cast %broadcast_in_dim3A_258 : vector<16xf32> to vector<16xf32>
    tpu.vector_store %arg6[%swap3A_259], %swap3A_262 {strides = array<i32>} : memref<640xf32, #tpu.memory_space<vmem>>, vector<16xf32>,
    %broadcast_in_dim3A_263 = arith.constant 0.000000e+00 : f32
    %broadcast_in_dim3A_264 = vector.broadcast %broadcast_in_dim3A_263 : f32 to vector<16xf32>
    %swap3A_265 = arith.constant 576 : index
    %swap3A_266 = tpu.vector_load %arg6[%swap3A_265] {strides = array<i32>} : memref<640xf32, #tpu.memory_space<vmem>>, vector<16xf32>,
    %swap3A_267 = vector.shape_cast %swap3A_266 : vector<16xf32> to vector<16xf32>
    %swap3A_268 = vector.shape_cast %broadcast_in_dim3A_264 : vector<16xf32> to vector<16xf32>
    tpu.vector_store %arg6[%swap3A_265], %swap3A_268 {strides = array<i32>} : memref<640xf32, #tpu.memory_space<vmem>>, vector<16xf32>,
    %broadcast_in_dim3A_269 = arith.constant 0.000000e+00 : f32
    %broadcast_in_dim3A_270 = vector.broadcast %broadcast_in_dim3A_269 : f32 to vector<16xf32>
    %swap3A_271 = arith.constant 592 : index
    %swap3A_272 = tpu.vector_load %arg6[%swap3A_271] {strides = array<i32>} : memref<640xf32, #tpu.memory_space<vmem>>, vector<16xf32>,
    %swap3A_273 = vector.shape_cast %swap3A_272 : vector<16xf32> to vector<16xf32>
    %swap3A_274 = vector.shape_cast %broadcast_in_dim3A_270 : vector<16xf32> to vector<16xf32>
    tpu.vector_store %arg6[%swap3A_271], %swap3A_274 {strides = array<i32>} : memref<640xf32, #tpu.memory_space<vmem>>, vector<16xf32>,
    %broadcast_in_dim3A_275 = arith.constant 0.000000e+00 : f32
    %broadcast_in_dim3A_276 = vector.broadcast %broadcast_in_dim3A_275 : f32 to vector<16xf32>
    %swap3A_277 = arith.constant 608 : index
    %swap3A_278 = tpu.vector_load %arg6[%swap3A_277] {strides = array<i32>} : memref<640xf32, #tpu.memory_space<vmem>>, vector<16xf32>,
    %swap3A_279 = vector.shape_cast %swap3A_278 : vector<16xf32> to vector<16xf32>
    %swap3A_280 = vector.shape_cast %broadcast_in_dim3A_276 : vector<16xf32> to vector<16xf32>
    tpu.vector_store %arg6[%swap3A_277], %swap3A_280 {strides = array<i32>} : memref<640xf32, #tpu.memory_space<vmem>>, vector<16xf32>,
    %broadcast_in_dim3A_281 = arith.constant 0.000000e+00 : f32
    %broadcast_in_dim3A_282 = vector.broadcast %broadcast_in_dim3A_281 : f32 to vector<16xf32>
    %swap3A_283 = arith.constant 624 : index
    %swap3A_284 = tpu.vector_load %arg6[%swap3A_283] {strides = array<i32>} : memref<640xf32, #tpu.memory_space<vmem>>, vector<16xf32>,
    %swap3A_285 = vector.shape_cast %swap3A_284 : vector<16xf32> to vector<16xf32>
    %swap3A_286 = vector.shape_cast %broadcast_in_dim3A_282 : vector<16xf32> to vector<16xf32>
    tpu.vector_store %arg6[%swap3A_283], %swap3A_286 {strides = array<i32>} : memref<640xf32, #tpu.memory_space<vmem>>, vector<16xf32>,
    %mul3A_287 = arith.constant 640 : i32
    %mul3A_288 = arith.muli %arg1, %mul3A_287 : i32
    "tpu.region"() ({
      %run_scoped3A = tpu.sem_alloc : memref<!tpu.dma_semaphore, #tpu.memory_space<semaphore_mem>>
      %dma_start3A_422 = tpu.memref_slice %arg4[%mul3A_288] : memref<10240xf32, #tpu.memory_space<vmem_shared>> -> memref<640xf32, #tpu.memory_space<vmem_shared>>
      %dma_start3A_423 = tpu.memref_slice %arg4[%mul3A_288] : memref<10240xf32, #tpu.memory_space<vmem_shared>> -> memref<640xf32, #tpu.memory_space<vmem_shared>>
      tpu.enqueue_dma source(%arg6 : memref<640xf32, #tpu.memory_space<vmem>>) target(%dma_start3A_423 : memref<640xf32, #tpu.memory_space<vmem_shared>>) target_semaphore(%run_scoped3A : memref<!tpu.dma_semaphore, #tpu.memory_space<semaphore_mem>>)
      %dma_wait3A_424 = tpu.memref_slice %arg4[%mul3A_288] : memref<10240xf32, #tpu.memory_space<vmem_shared>> -> memref<640xf32, #tpu.memory_space<vmem_shared>>
      %dma_wait3A_425 = tpu.memref_slice %arg4[%mul3A_288] : memref<10240xf32, #tpu.memory_space<vmem_shared>> -> memref<640xf32, #tpu.memory_space<vmem_shared>>
      tpu.wait_dma2 semaphore(%run_scoped3A : memref<!tpu.dma_semaphore, #tpu.memory_space<semaphore_mem>>) src(%arg6 : memref<640xf32, #tpu.memory_space<vmem>>) dst(%dma_wait3A_425 : memref<640xf32, #tpu.memory_space<vmem_shared>>)
      tpu.yield
    }) : () -> ()
    %barrier3A = arith.constant 0 : index
    tpu.barrier barrier_id(%barrier3A)
    %mul3A_289 = arith.constant 84 : i32
    %mul3A_290 = arith.muli %add3A, %mul3A_289 : i32
    %add3A_291 = arith.constant 0 : i32
    %add3A_292 = arith.addi %mul3A_290, %add3A_291 : i32
    %mul3A_293 = arith.constant 120 : i32
    %mul3A_294 = arith.muli %add3A_292, %mul3A_293 : i32
    %dma_start3A = arith.constant 0 : i32
    %dma_start3A_295 = arith.constant 0 : i32
    %dma_start3A_296 = tpu.memref_slice %arg7[%dma_start3A, %dma_start3A_295] : memref<1x120xi32, #tpu.memory_space<vmem>> -> memref<1x120xi32, #tpu.memory_space<vmem>>
    %dma_start3A_297 = tpu.memref_squeeze %dma_start3A_296 : memref<1x120xi32, #tpu.memory_space<vmem>> -> memref<120xi32, #tpu.memory_space<vmem>>
    %dma_start3A_298 = tpu.memref_slice %arg2[%mul3A_294] : memref<322560xi32, #tpu.memory_space<hbm>> -> memref<120xi32, #tpu.memory_space<hbm>>
    %dma_start3A_299 = arith.constant 0 : i32
    %dma_start3A_300 = tpu.memref_slice %arg7[%dma_start3A, %dma_start3A_299] : memref<1x120xi32, #tpu.memory_space<vmem>> -> memref<1x120xi32, #tpu.memory_space<vmem>>
    %dma_start3A_301 = tpu.memref_squeeze %dma_start3A_300 : memref<1x120xi32, #tpu.memory_space<vmem>> -> memref<120xi32, #tpu.memory_space<vmem>>
    %dma_start3A_302 = tpu.memref_slice %arg2[%mul3A_294] : memref<322560xi32, #tpu.memory_space<hbm>> -> memref<120xi32, #tpu.memory_space<hbm>>
    tpu.enqueue_dma source(%dma_start3A_302 : memref<120xi32, #tpu.memory_space<hbm>>) target(%dma_start3A_301 : memref<120xi32, #tpu.memory_space<vmem>>) target_semaphore(%arg19 : memref<!tpu.dma_semaphore, #tpu.memory_space<semaphore_mem>>)
    %mul3A_303 = arith.constant 84 : i32
    %mul3A_304 = arith.muli %add3A, %mul3A_303 : i32
    %add3A_305 = arith.constant 1 : i32
    %add3A_306 = arith.addi %mul3A_304, %add3A_305 : i32
    %mul3A_307 = arith.constant 120 : i32
    %mul3A_308 = arith.muli %add3A_306, %mul3A_307 : i32
    %dma_start3A_309 = arith.constant 0 : i32
    %dma_start3A_310 = arith.constant 0 : i32
    %dma_start3A_311 = tpu.memref_slice %arg8[%dma_start3A_309, %dma_start3A_310] : memref<1x120xi32, #tpu.memory_space<vmem>> -> memref<1x120xi32, #tpu.memory_space<vmem>>
    %dma_start3A_312 = tpu.memref_squeeze %dma_start3A_311 : memref<1x120xi32, #tpu.memory_space<vmem>> -> memref<120xi32, #tpu.memory_space<vmem>>
    %dma_start3A_313 = tpu.memref_slice %arg2[%mul3A_308] : memref<322560xi32, #tpu.memory_space<hbm>> -> memref<120xi32, #tpu.memory_space<hbm>>
    %dma_start3A_314 = arith.constant 0 : i32
    %dma_start3A_315 = tpu.memref_slice %arg8[%dma_start3A_309, %dma_start3A_314] : memref<1x120xi32, #tpu.memory_space<vmem>> -> memref<1x120xi32, #tpu.memory_space<vmem>>
    %dma_start3A_316 = tpu.memref_squeeze %dma_start3A_315 : memref<1x120xi32, #tpu.memory_space<vmem>> -> memref<120xi32, #tpu.memory_space<vmem>>
    %dma_start3A_317 = tpu.memref_slice %arg2[%mul3A_308] : memref<322560xi32, #tpu.memory_space<hbm>> -> memref<120xi32, #tpu.memory_space<hbm>>
    tpu.enqueue_dma source(%dma_start3A_317 : memref<120xi32, #tpu.memory_space<hbm>>) target(%dma_start3A_316 : memref<120xi32, #tpu.memory_space<vmem>>) target_semaphore(%arg20 : memref<!tpu.dma_semaphore, #tpu.memory_space<semaphore_mem>>)
    %mul3A_318 = arith.constant 84 : i32
    %mul3A_319 = arith.muli %add3A, %mul3A_318 : i32
    %add3A_320 = arith.constant 2 : i32
    %add3A_321 = arith.addi %mul3A_319, %add3A_320 : i32
    %mul3A_322 = arith.constant 120 : i32
    %mul3A_323 = arith.muli %add3A_321, %mul3A_322 : i32
    %dma_start3A_324 = arith.constant 0 : i32
    %dma_start3A_325 = arith.constant 0 : i32
    %dma_start3A_326 = tpu.memref_slice %arg9[%dma_start3A_324, %dma_start3A_325] : memref<1x120xi32, #tpu.memory_space<vmem>> -> memref<1x120xi32, #tpu.memory_space<vmem>>
    %dma_start3A_327 = tpu.memref_squeeze %dma_start3A_326 : memref<1x120xi32, #tpu.memory_space<vmem>> -> memref<120xi32, #tpu.memory_space<vmem>>
    %dma_start3A_328 = tpu.memref_slice %arg2[%mul3A_323] : memref<322560xi32, #tpu.memory_space<hbm>> -> memref<120xi32, #tpu.memory_space<hbm>>
    %dma_start3A_329 = arith.constant 0 : i32
    %dma_start3A_330 = tpu.memref_slice %arg9[%dma_start3A_324, %dma_start3A_329] : memref<1x120xi32, #tpu.memory_space<vmem>> -> memref<1x120xi32, #tpu.memory_space<vmem>>
    %dma_start3A_331 = tpu.memref_squeeze %dma_start3A_330 : memref<1x120xi32, #tpu.memory_space<vmem>> -> memref<120xi32, #tpu.memory_space<vmem>>
    %dma_start3A_332 = tpu.memref_slice %arg2[%mul3A_323] : memref<322560xi32, #tpu.memory_space<hbm>> -> memref<120xi32, #tpu.memory_space<hbm>>
    tpu.enqueue_dma source(%dma_start3A_332 : memref<120xi32, #tpu.memory_space<hbm>>) target(%dma_start3A_331 : memref<120xi32, #tpu.memory_space<vmem>>) target_semaphore(%arg21 : memref<!tpu.dma_semaphore, #tpu.memory_space<semaphore_mem>>)
    %mul3A_333 = arith.constant 84 : i32
    %mul3A_334 = arith.muli %add3A, %mul3A_333 : i32
    %add3A_335 = arith.constant 3 : i32
    %add3A_336 = arith.addi %mul3A_334, %add3A_335 : i32
    %mul3A_337 = arith.constant 120 : i32
    %mul3A_338 = arith.muli %add3A_336, %mul3A_337 : i32
    %dma_start3A_339 = arith.constant 0 : i32
    %dma_start3A_340 = arith.constant 0 : i32
    %dma_start3A_341 = tpu.memref_slice %arg10[%dma_start3A_339, %dma_start3A_340] : memref<1x120xi32, #tpu.memory_space<vmem>> -> memref<1x120xi32, #tpu.memory_space<vmem>>
    %dma_start3A_342 = tpu.memref_squeeze %dma_start3A_341 : memref<1x120xi32, #tpu.memory_space<vmem>> -> memref<120xi32, #tpu.memory_space<vmem>>
    %dma_start3A_343 = tpu.memref_slice %arg2[%mul3A_338] : memref<322560xi32, #tpu.memory_space<hbm>> -> memref<120xi32, #tpu.memory_space<hbm>>
    %dma_start3A_344 = arith.constant 0 : i32
    %dma_start3A_345 = tpu.memref_slice %arg10[%dma_start3A_339, %dma_start3A_344] : memref<1x120xi32, #tpu.memory_space<vmem>> -> memref<1x120xi32, #tpu.memory_space<vmem>>
    %dma_start3A_346 = tpu.memref_squeeze %dma_start3A_345 : memref<1x120xi32, #tpu.memory_space<vmem>> -> memref<120xi32, #tpu.memory_space<vmem>>
    %dma_start3A_347 = tpu.memref_slice %arg2[%mul3A_338] : memref<322560xi32, #tpu.memory_space<hbm>> -> memref<120xi32, #tpu.memory_space<hbm>>
    tpu.enqueue_dma source(%dma_start3A_347 : memref<120xi32, #tpu.memory_space<hbm>>) target(%dma_start3A_346 : memref<120xi32, #tpu.memory_space<vmem>>) target_semaphore(%arg22 : memref<!tpu.dma_semaphore, #tpu.memory_space<semaphore_mem>>)
    %mul3A_348 = arith.constant 84 : i32
    %mul3A_349 = arith.muli %add3A, %mul3A_348 : i32
    %add3A_350 = arith.constant 4 : i32
    %add3A_351 = arith.addi %mul3A_349, %add3A_350 : i32
    %mul3A_352 = arith.constant 120 : i32
    %mul3A_353 = arith.muli %add3A_351, %mul3A_352 : i32
    %dma_start3A_354 = arith.constant 0 : i32
    %dma_start3A_355 = arith.constant 0 : i32
    %dma_start3A_356 = tpu.memref_slice %arg11[%dma_start3A_354, %dma_start3A_355] : memref<1x120xi32, #tpu.memory_space<vmem>> -> memref<1x120xi32, #tpu.memory_space<vmem>>
    %dma_start3A_357 = tpu.memref_squeeze %dma_start3A_356 : memref<1x120xi32, #tpu.memory_space<vmem>> -> memref<120xi32, #tpu.memory_space<vmem>>
    %dma_start3A_358 = tpu.memref_slice %arg2[%mul3A_353] : memref<322560xi32, #tpu.memory_space<hbm>> -> memref<120xi32, #tpu.memory_space<hbm>>
    %dma_start3A_359 = arith.constant 0 : i32
    %dma_start3A_360 = tpu.memref_slice %arg11[%dma_start3A_354, %dma_start3A_359] : memref<1x120xi32, #tpu.memory_space<vmem>> -> memref<1x120xi32, #tpu.memory_space<vmem>>
    %dma_start3A_361 = tpu.memref_squeeze %dma_start3A_360 : memref<1x120xi32, #tpu.memory_space<vmem>> -> memref<120xi32, #tpu.memory_space<vmem>>
    %dma_start3A_362 = tpu.memref_slice %arg2[%mul3A_353] : memref<322560xi32, #tpu.memory_space<hbm>> -> memref<120xi32, #tpu.memory_space<hbm>>
    tpu.enqueue_dma source(%dma_start3A_362 : memref<120xi32, #tpu.memory_space<hbm>>) target(%dma_start3A_361 : memref<120xi32, #tpu.memory_space<vmem>>) target_semaphore(%arg23 : memref<!tpu.dma_semaphore, #tpu.memory_space<semaphore_mem>>)
    %mul3A_363 = arith.constant 84 : i32
    %mul3A_364 = arith.muli %add3A, %mul3A_363 : i32
    %add3A_365 = arith.constant 5 : i32
    %add3A_366 = arith.addi %mul3A_364, %add3A_365 : i32
    %mul3A_367 = arith.constant 120 : i32
    %mul3A_368 = arith.muli %add3A_366, %mul3A_367 : i32
    %dma_start3A_369 = arith.constant 0 : i32
    %dma_start3A_370 = arith.constant 0 : i32
    %dma_start3A_371 = tpu.memref_slice %arg12[%dma_start3A_369, %dma_start3A_370] : memref<1x120xi32, #tpu.memory_space<vmem>> -> memref<1x120xi32, #tpu.memory_space<vmem>>
    %dma_start3A_372 = tpu.memref_squeeze %dma_start3A_371 : memref<1x120xi32, #tpu.memory_space<vmem>> -> memref<120xi32, #tpu.memory_space<vmem>>
    %dma_start3A_373 = tpu.memref_slice %arg2[%mul3A_368] : memref<322560xi32, #tpu.memory_space<hbm>> -> memref<120xi32, #tpu.memory_space<hbm>>
    %dma_start3A_374 = arith.constant 0 : i32
    %dma_start3A_375 = tpu.memref_slice %arg12[%dma_start3A_369, %dma_start3A_374] : memref<1x120xi32, #tpu.memory_space<vmem>> -> memref<1x120xi32, #tpu.memory_space<vmem>>
    %dma_start3A_376 = tpu.memref_squeeze %dma_start3A_375 : memref<1x120xi32, #tpu.memory_space<vmem>> -> memref<120xi32, #tpu.memory_space<vmem>>
    %dma_start3A_377 = tpu.memref_slice %arg2[%mul3A_368] : memref<322560xi32, #tpu.memory_space<hbm>> -> memref<120xi32, #tpu.memory_space<hbm>>
    tpu.enqueue_dma source(%dma_start3A_377 : memref<120xi32, #tpu.memory_space<hbm>>) target(%dma_start3A_376 : memref<120xi32, #tpu.memory_space<vmem>>) target_semaphore(%arg24 : memref<!tpu.dma_semaphore, #tpu.memory_space<semaphore_mem>>)
    %scan3A = arith.constant 0 : i32
    %scan3A_378 = arith.constant 7 : i32
    %scan3A_379 = arith.addi %scan3A, %scan3A_378 : i32
    %scan3A_380 = arith.constant 1 : i32
    scf.for %scan3A_422 = %scan3A to %scan3A_379 step %scan3A_380  : i32 {
      %mul3A_423 = arith.constant 1 : i32
      %mul3A_424 = arith.muli %scan3A_422, %mul3A_423 : i32
      %add3A_425 = arith.constant 0 : i32
      %add3A_426 = arith.addi %add3A_425, %mul3A_424 : i32
      %mul3A_427 = arith.constant 12 : i32
      %mul3A_428 = arith.muli %add3A_426, %mul3A_427 : i32
      %add3A_429 = arith.constant 0 : i32
      %add3A_430 = arith.addi %mul3A_428, %add3A_429 : i32
      %dma_wait3A_431 = arith.constant 0 : i32
      %dma_wait3A_432 = arith.constant 0 : i32
      %dma_wait3A_433 = tpu.memref_slice %arg7[%dma_wait3A_431, %dma_wait3A_432] : memref<1x120xi32, #tpu.memory_space<vmem>> -> memref<1x120xi32, #tpu.memory_space<vmem>>
      %dma_wait3A_434 = tpu.memref_squeeze %dma_wait3A_433 : memref<1x120xi32, #tpu.memory_space<vmem>> -> memref<120xi32, #tpu.memory_space<vmem>>
      %dma_wait3A_435 = arith.constant 0 : i32
      %dma_wait3A_436 = tpu.memref_slice %arg2[%dma_wait3A_435] : memref<322560xi32, #tpu.memory_space<hbm>> -> memref<120xi32, #tpu.memory_space<hbm>>
      %dma_wait3A_437 = arith.constant 0 : i32
      %dma_wait3A_438 = tpu.memref_slice %arg7[%dma_wait3A_431, %dma_wait3A_437] : memref<1x120xi32, #tpu.memory_space<vmem>> -> memref<1x120xi32, #tpu.memory_space<vmem>>
      %dma_wait3A_439 = tpu.memref_squeeze %dma_wait3A_438 : memref<1x120xi32, #tpu.memory_space<vmem>> -> memref<120xi32, #tpu.memory_space<vmem>>
      %dma_wait3A_440 = arith.constant 0 : i32
      %dma_wait3A_441 = tpu.memref_slice %arg2[%dma_wait3A_440] : memref<322560xi32, #tpu.memory_space<hbm>> -> memref<120xi32, #tpu.memory_space<hbm>>
      tpu.wait_dma2 semaphore(%arg19 : memref<!tpu.dma_semaphore, #tpu.memory_space<semaphore_mem>>) src(%dma_wait3A_441 : memref<120xi32, #tpu.memory_space<hbm>>) dst(%dma_wait3A_439 : memref<120xi32, #tpu.memory_space<vmem>>)
      %ge3A = arith.constant 6 : i32
      %ge3A_442 = arith.cmpi sge, %add3A_430, %ge3A : i32
      %convert_element_type3A = arith.extui %ge3A_442 : i1 to i32
      %cond3A = arith.constant 0 : i32
      %cond3A_443 = arith.cmpi ne, %convert_element_type3A, %cond3A : i32
      scf.if %cond3A_443 {
        %dma_wait3A_819 = arith.constant 0 : i32
        %dma_wait3A_820 = arith.constant 0 : i32
        %dma_wait3A_821 = tpu.memref_slice %arg13[%dma_wait3A_819, %dma_wait3A_820] : memref<1x120xi32, #tpu.memory_space<vmem>> -> memref<1x120xi32, #tpu.memory_space<vmem>>
        %dma_wait3A_822 = tpu.memref_squeeze %dma_wait3A_821 : memref<1x120xi32, #tpu.memory_space<vmem>> -> memref<120xi32, #tpu.memory_space<vmem>>
        %dma_wait3A_823 = arith.constant 0 : i32
        %dma_wait3A_824 = tpu.memref_slice %arg4[%dma_wait3A_823] : memref<10240xf32, #tpu.memory_space<vmem_shared>> -> memref<10240xf32, #tpu.memory_space<vmem_shared>>
        tpu.wait_indirect_dma semaphore(%arg37 : memref<!tpu.dma_semaphore, #tpu.memory_space<semaphore_mem>>) src(%arg5 : memref<120xf32, #tpu.memory_space<vmem>>) dst(%dma_wait3A_824 : memref<10240xf32, #tpu.memory_space<vmem_shared>>)
      } else {
      }
      %dma_start3A_444 = arith.constant 0 : i32
      %dma_start3A_445 = arith.constant 0 : i32
      %dma_start3A_446 = tpu.memref_slice %arg7[%dma_start3A_444, %dma_start3A_445] : memref<1x120xi32, #tpu.memory_space<vmem>> -> memref<1x120xi32, #tpu.memory_space<vmem>>
      %dma_start3A_447 = tpu.memref_squeeze %dma_start3A_446 : memref<1x120xi32, #tpu.memory_space<vmem>> -> memref<120xi32, #tpu.memory_space<vmem>>
      %dma_start3A_448 = arith.constant 0 : i32
      %dma_start3A_449 = tpu.memref_slice %arg4[%dma_start3A_448] : memref<10240xf32, #tpu.memory_space<vmem_shared>> -> memref<10240xf32, #tpu.memory_space<vmem_shared>>
      tpu.enqueue_indirect_dma source(%arg5 : memref<120xf32, #tpu.memory_space<vmem>>) target(%dma_start3A_449 : memref<10240xf32, #tpu.memory_space<vmem_shared>>) offsets(%dma_start3A_447 : memref<120xi32, #tpu.memory_space<vmem>>) semaphore(%arg31 : memref<!tpu.dma_semaphore, #tpu.memory_space<semaphore_mem>>) {add = true}
      %add3A_450 = arith.constant 6 : i32
      %add3A_451 = arith.addi %add3A_430, %add3A_450 : i32
      %lt3A = arith.constant 84 : i32
      %lt3A_452 = arith.cmpi slt, %add3A_451, %lt3A : i32
      %convert_element_type3A_453 = arith.extui %lt3A_452 : i1 to i32
      %cond3A_454 = arith.constant 0 : i32
      %cond3A_455 = arith.cmpi ne, %convert_element_type3A_453, %cond3A_454 : i32
      scf.if %cond3A_455 {
        %mul3A_819 = arith.constant 84 : i32
        %mul3A_820 = arith.muli %add3A, %mul3A_819 : i32
        %add3A_821 = arith.addi %mul3A_820, %add3A_430 : i32
        %add3A_822 = arith.constant 6 : i32
        %add3A_823 = arith.addi %add3A_821, %add3A_822 : i32
        %mul3A_824 = arith.constant 120 : i32
        %mul3A_825 = arith.muli %add3A_823, %mul3A_824 : i32
        %dma_start3A_826 = arith.constant 0 : i32
        %dma_start3A_827 = arith.constant 0 : i32
        %dma_start3A_828 = tpu.memref_slice %arg13[%dma_start3A_826, %dma_start3A_827] : memref<1x120xi32, #tpu.memory_space<vmem>> -> memref<1x120xi32, #tpu.memory_space<vmem>>
        %dma_start3A_829 = tpu.memref_squeeze %dma_start3A_828 : memref<1x120xi32, #tpu.memory_space<vmem>> -> memref<120xi32, #tpu.memory_space<vmem>>
        %dma_start3A_830 = tpu.memref_slice %arg2[%mul3A_825] : memref<322560xi32, #tpu.memory_space<hbm>> -> memref<120xi32, #tpu.memory_space<hbm>>
        %dma_start3A_831 = arith.constant 0 : i32
        %dma_start3A_832 = tpu.memref_slice %arg13[%dma_start3A_826, %dma_start3A_831] : memref<1x120xi32, #tpu.memory_space<vmem>> -> memref<1x120xi32, #tpu.memory_space<vmem>>
        %dma_start3A_833 = tpu.memref_squeeze %dma_start3A_832 : memref<1x120xi32, #tpu.memory_space<vmem>> -> memref<120xi32, #tpu.memory_space<vmem>>
        %dma_start3A_834 = tpu.memref_slice %arg2[%mul3A_825] : memref<322560xi32, #tpu.memory_space<hbm>> -> memref<120xi32, #tpu.memory_space<hbm>>
        tpu.enqueue_dma source(%dma_start3A_834 : memref<120xi32, #tpu.memory_space<hbm>>) target(%dma_start3A_833 : memref<120xi32, #tpu.memory_space<vmem>>) target_semaphore(%arg25 : memref<!tpu.dma_semaphore, #tpu.memory_space<semaphore_mem>>)
      } else {
      }
      %mul3A_456 = arith.constant 12 : i32
      %mul3A_457 = arith.muli %add3A_426, %mul3A_456 : i32
      %add3A_458 = arith.constant 1 : i32
      %add3A_459 = arith.addi %mul3A_457, %add3A_458 : i32
      %dma_wait3A_460 = arith.constant 0 : i32
      %dma_wait3A_461 = arith.constant 0 : i32
      %dma_wait3A_462 = tpu.memref_slice %arg8[%dma_wait3A_460, %dma_wait3A_461] : memref<1x120xi32, #tpu.memory_space<vmem>> -> memref<1x120xi32, #tpu.memory_space<vmem>>
      %dma_wait3A_463 = tpu.memref_squeeze %dma_wait3A_462 : memref<1x120xi32, #tpu.memory_space<vmem>> -> memref<120xi32, #tpu.memory_space<vmem>>
      %dma_wait3A_464 = arith.constant 0 : i32
      %dma_wait3A_465 = tpu.memref_slice %arg2[%dma_wait3A_464] : memref<322560xi32, #tpu.memory_space<hbm>> -> memref<120xi32, #tpu.memory_space<hbm>>
      %dma_wait3A_466 = arith.constant 0 : i32
      %dma_wait3A_467 = tpu.memref_slice %arg8[%dma_wait3A_460, %dma_wait3A_466] : memref<1x120xi32, #tpu.memory_space<vmem>> -> memref<1x120xi32, #tpu.memory_space<vmem>>
      %dma_wait3A_468 = tpu.memref_squeeze %dma_wait3A_467 : memref<1x120xi32, #tpu.memory_space<vmem>> -> memref<120xi32, #tpu.memory_space<vmem>>
      %dma_wait3A_469 = arith.constant 0 : i32
      %dma_wait3A_470 = tpu.memref_slice %arg2[%dma_wait3A_469] : memref<322560xi32, #tpu.memory_space<hbm>> -> memref<120xi32, #tpu.memory_space<hbm>>
      tpu.wait_dma2 semaphore(%arg20 : memref<!tpu.dma_semaphore, #tpu.memory_space<semaphore_mem>>) src(%dma_wait3A_470 : memref<120xi32, #tpu.memory_space<hbm>>) dst(%dma_wait3A_468 : memref<120xi32, #tpu.memory_space<vmem>>)
      %ge3A_471 = arith.constant 6 : i32
      %ge3A_472 = arith.cmpi sge, %add3A_459, %ge3A_471 : i32
      %convert_element_type3A_473 = arith.extui %ge3A_472 : i1 to i32
      %cond3A_474 = arith.constant 0 : i32
      %cond3A_475 = arith.cmpi ne, %convert_element_type3A_473, %cond3A_474 : i32
      scf.if %cond3A_475 {
        %dma_wait3A_819 = arith.constant 0 : i32
        %dma_wait3A_820 = arith.constant 0 : i32
        %dma_wait3A_821 = tpu.memref_slice %arg14[%dma_wait3A_819, %dma_wait3A_820] : memref<1x120xi32, #tpu.memory_space<vmem>> -> memref<1x120xi32, #tpu.memory_space<vmem>>
        %dma_wait3A_822 = tpu.memref_squeeze %dma_wait3A_821 : memref<1x120xi32, #tpu.memory_space<vmem>> -> memref<120xi32, #tpu.memory_space<vmem>>
        %dma_wait3A_823 = arith.constant 0 : i32
        %dma_wait3A_824 = tpu.memref_slice %arg4[%dma_wait3A_823] : memref<10240xf32, #tpu.memory_space<vmem_shared>> -> memref<10240xf32, #tpu.memory_space<vmem_shared>>
        tpu.wait_indirect_dma semaphore(%arg38 : memref<!tpu.dma_semaphore, #tpu.memory_space<semaphore_mem>>) src(%arg5 : memref<120xf32, #tpu.memory_space<vmem>>) dst(%dma_wait3A_824 : memref<10240xf32, #tpu.memory_space<vmem_shared>>)
      } else {
      }
      %dma_start3A_476 = arith.constant 0 : i32
      %dma_start3A_477 = arith.constant 0 : i32
      %dma_start3A_478 = tpu.memref_slice %arg8[%dma_start3A_476, %dma_start3A_477] : memref<1x120xi32, #tpu.memory_space<vmem>> -> memref<1x120xi32, #tpu.memory_space<vmem>>
      %dma_start3A_479 = tpu.memref_squeeze %dma_start3A_478 : memref<1x120xi32, #tpu.memory_space<vmem>> -> memref<120xi32, #tpu.memory_space<vmem>>
      %dma_start3A_480 = arith.constant 0 : i32
      %dma_start3A_481 = tpu.memref_slice %arg4[%dma_start3A_480] : memref<10240xf32, #tpu.memory_space<vmem_shared>> -> memref<10240xf32, #tpu.memory_space<vmem_shared>>
      tpu.enqueue_indirect_dma source(%arg5 : memref<120xf32, #tpu.memory_space<vmem>>) target(%dma_start3A_481 : memref<10240xf32, #tpu.memory_space<vmem_shared>>) offsets(%dma_start3A_479 : memref<120xi32, #tpu.memory_space<vmem>>) semaphore(%arg32 : memref<!tpu.dma_semaphore, #tpu.memory_space<semaphore_mem>>) {add = true}
      %add3A_482 = arith.constant 6 : i32
      %add3A_483 = arith.addi %add3A_459, %add3A_482 : i32
      %lt3A_484 = arith.constant 84 : i32
      %lt3A_485 = arith.cmpi slt, %add3A_483, %lt3A_484 : i32
      %convert_element_type3A_486 = arith.extui %lt3A_485 : i1 to i32
      %cond3A_487 = arith.constant 0 : i32
      %cond3A_488 = arith.cmpi ne, %convert_element_type3A_486, %cond3A_487 : i32
      scf.if %cond3A_488 {
        %mul3A_819 = arith.constant 84 : i32
        %mul3A_820 = arith.muli %add3A, %mul3A_819 : i32
        %add3A_821 = arith.addi %mul3A_820, %add3A_459 : i32
        %add3A_822 = arith.constant 6 : i32
        %add3A_823 = arith.addi %add3A_821, %add3A_822 : i32
        %mul3A_824 = arith.constant 120 : i32
        %mul3A_825 = arith.muli %add3A_823, %mul3A_824 : i32
        %dma_start3A_826 = arith.constant 0 : i32
        %dma_start3A_827 = arith.constant 0 : i32
        %dma_start3A_828 = tpu.memref_slice %arg14[%dma_start3A_826, %dma_start3A_827] : memref<1x120xi32, #tpu.memory_space<vmem>> -> memref<1x120xi32, #tpu.memory_space<vmem>>
        %dma_start3A_829 = tpu.memref_squeeze %dma_start3A_828 : memref<1x120xi32, #tpu.memory_space<vmem>> -> memref<120xi32, #tpu.memory_space<vmem>>
        %dma_start3A_830 = tpu.memref_slice %arg2[%mul3A_825] : memref<322560xi32, #tpu.memory_space<hbm>> -> memref<120xi32, #tpu.memory_space<hbm>>
        %dma_start3A_831 = arith.constant 0 : i32
        %dma_start3A_832 = tpu.memref_slice %arg14[%dma_start3A_826, %dma_start3A_831] : memref<1x120xi32, #tpu.memory_space<vmem>> -> memref<1x120xi32, #tpu.memory_space<vmem>>
        %dma_start3A_833 = tpu.memref_squeeze %dma_start3A_832 : memref<1x120xi32, #tpu.memory_space<vmem>> -> memref<120xi32, #tpu.memory_space<vmem>>
        %dma_start3A_834 = tpu.memref_slice %arg2[%mul3A_825] : memref<322560xi32, #tpu.memory_space<hbm>> -> memref<120xi32, #tpu.memory_space<hbm>>
        tpu.enqueue_dma source(%dma_start3A_834 : memref<120xi32, #tpu.memory_space<hbm>>) target(%dma_start3A_833 : memref<120xi32, #tpu.memory_space<vmem>>) target_semaphore(%arg26 : memref<!tpu.dma_semaphore, #tpu.memory_space<semaphore_mem>>)
      } else {
      }
      %mul3A_489 = arith.constant 12 : i32
      %mul3A_490 = arith.muli %add3A_426, %mul3A_489 : i32
      %add3A_491 = arith.constant 2 : i32
      %add3A_492 = arith.addi %mul3A_490, %add3A_491 : i32
      %dma_wait3A_493 = arith.constant 0 : i32
      %dma_wait3A_494 = arith.constant 0 : i32
      %dma_wait3A_495 = tpu.memref_slice %arg9[%dma_wait3A_493, %dma_wait3A_494] : memref<1x120xi32, #tpu.memory_space<vmem>> -> memref<1x120xi32, #tpu.memory_space<vmem>>
      %dma_wait3A_496 = tpu.memref_squeeze %dma_wait3A_495 : memref<1x120xi32, #tpu.memory_space<vmem>> -> memref<120xi32, #tpu.memory_space<vmem>>
      %dma_wait3A_497 = arith.constant 0 : i32
      %dma_wait3A_498 = tpu.memref_slice %arg2[%dma_wait3A_497] : memref<322560xi32, #tpu.memory_space<hbm>> -> memref<120xi32, #tpu.memory_space<hbm>>
      %dma_wait3A_499 = arith.constant 0 : i32
      %dma_wait3A_500 = tpu.memref_slice %arg9[%dma_wait3A_493, %dma_wait3A_499] : memref<1x120xi32, #tpu.memory_space<vmem>> -> memref<1x120xi32, #tpu.memory_space<vmem>>
      %dma_wait3A_501 = tpu.memref_squeeze %dma_wait3A_500 : memref<1x120xi32, #tpu.memory_space<vmem>> -> memref<120xi32, #tpu.memory_space<vmem>>
      %dma_wait3A_502 = arith.constant 0 : i32
      %dma_wait3A_503 = tpu.memref_slice %arg2[%dma_wait3A_502] : memref<322560xi32, #tpu.memory_space<hbm>> -> memref<120xi32, #tpu.memory_space<hbm>>
      tpu.wait_dma2 semaphore(%arg21 : memref<!tpu.dma_semaphore, #tpu.memory_space<semaphore_mem>>) src(%dma_wait3A_503 : memref<120xi32, #tpu.memory_space<hbm>>) dst(%dma_wait3A_501 : memref<120xi32, #tpu.memory_space<vmem>>)
      %ge3A_504 = arith.constant 6 : i32
      %ge3A_505 = arith.cmpi sge, %add3A_492, %ge3A_504 : i32
      %convert_element_type3A_506 = arith.extui %ge3A_505 : i1 to i32
      %cond3A_507 = arith.constant 0 : i32
      %cond3A_508 = arith.cmpi ne, %convert_element_type3A_506, %cond3A_507 : i32
      scf.if %cond3A_508 {
        %dma_wait3A_819 = arith.constant 0 : i32
        %dma_wait3A_820 = arith.constant 0 : i32
        %dma_wait3A_821 = tpu.memref_slice %arg15[%dma_wait3A_819, %dma_wait3A_820] : memref<1x120xi32, #tpu.memory_space<vmem>> -> memref<1x120xi32, #tpu.memory_space<vmem>>
        %dma_wait3A_822 = tpu.memref_squeeze %dma_wait3A_821 : memref<1x120xi32, #tpu.memory_space<vmem>> -> memref<120xi32, #tpu.memory_space<vmem>>
        %dma_wait3A_823 = arith.constant 0 : i32
        %dma_wait3A_824 = tpu.memref_slice %arg4[%dma_wait3A_823] : memref<10240xf32, #tpu.memory_space<vmem_shared>> -> memref<10240xf32, #tpu.memory_space<vmem_shared>>
        tpu.wait_indirect_dma semaphore(%arg39 : memref<!tpu.dma_semaphore, #tpu.memory_space<semaphore_mem>>) src(%arg5 : memref<120xf32, #tpu.memory_space<vmem>>) dst(%dma_wait3A_824 : memref<10240xf32, #tpu.memory_space<vmem_shared>>)
      } else {
      }
      %dma_start3A_509 = arith.constant 0 : i32
      %dma_start3A_510 = arith.constant 0 : i32
      %dma_start3A_511 = tpu.memref_slice %arg9[%dma_start3A_509, %dma_start3A_510] : memref<1x120xi32, #tpu.memory_space<vmem>> -> memref<1x120xi32, #tpu.memory_space<vmem>>
      %dma_start3A_512 = tpu.memref_squeeze %dma_start3A_511 : memref<1x120xi32, #tpu.memory_space<vmem>> -> memref<120xi32, #tpu.memory_space<vmem>>
      %dma_start3A_513 = arith.constant 0 : i32
      %dma_start3A_514 = tpu.memref_slice %arg4[%dma_start3A_513] : memref<10240xf32, #tpu.memory_space<vmem_shared>> -> memref<10240xf32, #tpu.memory_space<vmem_shared>>
      tpu.enqueue_indirect_dma source(%arg5 : memref<120xf32, #tpu.memory_space<vmem>>) target(%dma_start3A_514 : memref<10240xf32, #tpu.memory_space<vmem_shared>>) offsets(%dma_start3A_512 : memref<120xi32, #tpu.memory_space<vmem>>) semaphore(%arg33 : memref<!tpu.dma_semaphore, #tpu.memory_space<semaphore_mem>>) {add = true}
      %add3A_515 = arith.constant 6 : i32
      %add3A_516 = arith.addi %add3A_492, %add3A_515 : i32
      %lt3A_517 = arith.constant 84 : i32
      %lt3A_518 = arith.cmpi slt, %add3A_516, %lt3A_517 : i32
      %convert_element_type3A_519 = arith.extui %lt3A_518 : i1 to i32
      %cond3A_520 = arith.constant 0 : i32
      %cond3A_521 = arith.cmpi ne, %convert_element_type3A_519, %cond3A_520 : i32
      scf.if %cond3A_521 {
        %mul3A_819 = arith.constant 84 : i32
        %mul3A_820 = arith.muli %add3A, %mul3A_819 : i32
        %add3A_821 = arith.addi %mul3A_820, %add3A_492 : i32
        %add3A_822 = arith.constant 6 : i32
        %add3A_823 = arith.addi %add3A_821, %add3A_822 : i32
        %mul3A_824 = arith.constant 120 : i32
        %mul3A_825 = arith.muli %add3A_823, %mul3A_824 : i32
        %dma_start3A_826 = arith.constant 0 : i32
        %dma_start3A_827 = arith.constant 0 : i32
        %dma_start3A_828 = tpu.memref_slice %arg15[%dma_start3A_826, %dma_start3A_827] : memref<1x120xi32, #tpu.memory_space<vmem>> -> memref<1x120xi32, #tpu.memory_space<vmem>>
        %dma_start3A_829 = tpu.memref_squeeze %dma_start3A_828 : memref<1x120xi32, #tpu.memory_space<vmem>> -> memref<120xi32, #tpu.memory_space<vmem>>
        %dma_start3A_830 = tpu.memref_slice %arg2[%mul3A_825] : memref<322560xi32, #tpu.memory_space<hbm>> -> memref<120xi32, #tpu.memory_space<hbm>>
        %dma_start3A_831 = arith.constant 0 : i32
        %dma_start3A_832 = tpu.memref_slice %arg15[%dma_start3A_826, %dma_start3A_831] : memref<1x120xi32, #tpu.memory_space<vmem>> -> memref<1x120xi32, #tpu.memory_space<vmem>>
        %dma_start3A_833 = tpu.memref_squeeze %dma_start3A_832 : memref<1x120xi32, #tpu.memory_space<vmem>> -> memref<120xi32, #tpu.memory_space<vmem>>
        %dma_start3A_834 = tpu.memref_slice %arg2[%mul3A_825] : memref<322560xi32, #tpu.memory_space<hbm>> -> memref<120xi32, #tpu.memory_space<hbm>>
        tpu.enqueue_dma source(%dma_start3A_834 : memref<120xi32, #tpu.memory_space<hbm>>) target(%dma_start3A_833 : memref<120xi32, #tpu.memory_space<vmem>>) target_semaphore(%arg27 : memref<!tpu.dma_semaphore, #tpu.memory_space<semaphore_mem>>)
      } else {
      }
      %mul3A_522 = arith.constant 12 : i32
      %mul3A_523 = arith.muli %add3A_426, %mul3A_522 : i32
      %add3A_524 = arith.constant 3 : i32
      %add3A_525 = arith.addi %mul3A_523, %add3A_524 : i32
      %dma_wait3A_526 = arith.constant 0 : i32
      %dma_wait3A_527 = arith.constant 0 : i32
      %dma_wait3A_528 = tpu.memref_slice %arg10[%dma_wait3A_526, %dma_wait3A_527] : memref<1x120xi32, #tpu.memory_space<vmem>> -> memref<1x120xi32, #tpu.memory_space<vmem>>
      %dma_wait3A_529 = tpu.memref_squeeze %dma_wait3A_528 : memref<1x120xi32, #tpu.memory_space<vmem>> -> memref<120xi32, #tpu.memory_space<vmem>>
      %dma_wait3A_530 = arith.constant 0 : i32
      %dma_wait3A_531 = tpu.memref_slice %arg2[%dma_wait3A_530] : memref<322560xi32, #tpu.memory_space<hbm>> -> memref<120xi32, #tpu.memory_space<hbm>>
      %dma_wait3A_532 = arith.constant 0 : i32
      %dma_wait3A_533 = tpu.memref_slice %arg10[%dma_wait3A_526, %dma_wait3A_532] : memref<1x120xi32, #tpu.memory_space<vmem>> -> memref<1x120xi32, #tpu.memory_space<vmem>>
      %dma_wait3A_534 = tpu.memref_squeeze %dma_wait3A_533 : memref<1x120xi32, #tpu.memory_space<vmem>> -> memref<120xi32, #tpu.memory_space<vmem>>
      %dma_wait3A_535 = arith.constant 0 : i32
      %dma_wait3A_536 = tpu.memref_slice %arg2[%dma_wait3A_535] : memref<322560xi32, #tpu.memory_space<hbm>> -> memref<120xi32, #tpu.memory_space<hbm>>
      tpu.wait_dma2 semaphore(%arg22 : memref<!tpu.dma_semaphore, #tpu.memory_space<semaphore_mem>>) src(%dma_wait3A_536 : memref<120xi32, #tpu.memory_space<hbm>>) dst(%dma_wait3A_534 : memref<120xi32, #tpu.memory_space<vmem>>)
      %ge3A_537 = arith.constant 6 : i32
      %ge3A_538 = arith.cmpi sge, %add3A_525, %ge3A_537 : i32
      %convert_element_type3A_539 = arith.extui %ge3A_538 : i1 to i32
      %cond3A_540 = arith.constant 0 : i32
      %cond3A_541 = arith.cmpi ne, %convert_element_type3A_539, %cond3A_540 : i32
      scf.if %cond3A_541 {
        %dma_wait3A_819 = arith.constant 0 : i32
        %dma_wait3A_820 = arith.constant 0 : i32
        %dma_wait3A_821 = tpu.memref_slice %arg16[%dma_wait3A_819, %dma_wait3A_820] : memref<1x120xi32, #tpu.memory_space<vmem>> -> memref<1x120xi32, #tpu.memory_space<vmem>>
        %dma_wait3A_822 = tpu.memref_squeeze %dma_wait3A_821 : memref<1x120xi32, #tpu.memory_space<vmem>> -> memref<120xi32, #tpu.memory_space<vmem>>
        %dma_wait3A_823 = arith.constant 0 : i32
        %dma_wait3A_824 = tpu.memref_slice %arg4[%dma_wait3A_823] : memref<10240xf32, #tpu.memory_space<vmem_shared>> -> memref<10240xf32, #tpu.memory_space<vmem_shared>>
        tpu.wait_indirect_dma semaphore(%arg40 : memref<!tpu.dma_semaphore, #tpu.memory_space<semaphore_mem>>) src(%arg5 : memref<120xf32, #tpu.memory_space<vmem>>) dst(%dma_wait3A_824 : memref<10240xf32, #tpu.memory_space<vmem_shared>>)
      } else {
      }
      %dma_start3A_542 = arith.constant 0 : i32
      %dma_start3A_543 = arith.constant 0 : i32
      %dma_start3A_544 = tpu.memref_slice %arg10[%dma_start3A_542, %dma_start3A_543] : memref<1x120xi32, #tpu.memory_space<vmem>> -> memref<1x120xi32, #tpu.memory_space<vmem>>
      %dma_start3A_545 = tpu.memref_squeeze %dma_start3A_544 : memref<1x120xi32, #tpu.memory_space<vmem>> -> memref<120xi32, #tpu.memory_space<vmem>>
      %dma_start3A_546 = arith.constant 0 : i32
      %dma_start3A_547 = tpu.memref_slice %arg4[%dma_start3A_546] : memref<10240xf32, #tpu.memory_space<vmem_shared>> -> memref<10240xf32, #tpu.memory_space<vmem_shared>>
      tpu.enqueue_indirect_dma source(%arg5 : memref<120xf32, #tpu.memory_space<vmem>>) target(%dma_start3A_547 : memref<10240xf32, #tpu.memory_space<vmem_shared>>) offsets(%dma_start3A_545 : memref<120xi32, #tpu.memory_space<vmem>>) semaphore(%arg34 : memref<!tpu.dma_semaphore, #tpu.memory_space<semaphore_mem>>) {add = true}
      %add3A_548 = arith.constant 6 : i32
      %add3A_549 = arith.addi %add3A_525, %add3A_548 : i32
      %lt3A_550 = arith.constant 84 : i32
      %lt3A_551 = arith.cmpi slt, %add3A_549, %lt3A_550 : i32
      %convert_element_type3A_552 = arith.extui %lt3A_551 : i1 to i32
      %cond3A_553 = arith.constant 0 : i32
      %cond3A_554 = arith.cmpi ne, %convert_element_type3A_552, %cond3A_553 : i32
      scf.if %cond3A_554 {
        %mul3A_819 = arith.constant 84 : i32
        %mul3A_820 = arith.muli %add3A, %mul3A_819 : i32
        %add3A_821 = arith.addi %mul3A_820, %add3A_525 : i32
        %add3A_822 = arith.constant 6 : i32
        %add3A_823 = arith.addi %add3A_821, %add3A_822 : i32
        %mul3A_824 = arith.constant 120 : i32
        %mul3A_825 = arith.muli %add3A_823, %mul3A_824 : i32
        %dma_start3A_826 = arith.constant 0 : i32
        %dma_start3A_827 = arith.constant 0 : i32
        %dma_start3A_828 = tpu.memref_slice %arg16[%dma_start3A_826, %dma_start3A_827] : memref<1x120xi32, #tpu.memory_space<vmem>> -> memref<1x120xi32, #tpu.memory_space<vmem>>
        %dma_start3A_829 = tpu.memref_squeeze %dma_start3A_828 : memref<1x120xi32, #tpu.memory_space<vmem>> -> memref<120xi32, #tpu.memory_space<vmem>>
        %dma_start3A_830 = tpu.memref_slice %arg2[%mul3A_825] : memref<322560xi32, #tpu.memory_space<hbm>> -> memref<120xi32, #tpu.memory_space<hbm>>
        %dma_start3A_831 = arith.constant 0 : i32
        %dma_start3A_832 = tpu.memref_slice %arg16[%dma_start3A_826, %dma_start3A_831] : memref<1x120xi32, #tpu.memory_space<vmem>> -> memref<1x120xi32, #tpu.memory_space<vmem>>
        %dma_start3A_833 = tpu.memref_squeeze %dma_start3A_832 : memref<1x120xi32, #tpu.memory_space<vmem>> -> memref<120xi32, #tpu.memory_space<vmem>>
        %dma_start3A_834 = tpu.memref_slice %arg2[%mul3A_825] : memref<322560xi32, #tpu.memory_space<hbm>> -> memref<120xi32, #tpu.memory_space<hbm>>
        tpu.enqueue_dma source(%dma_start3A_834 : memref<120xi32, #tpu.memory_space<hbm>>) target(%dma_start3A_833 : memref<120xi32, #tpu.memory_space<vmem>>) target_semaphore(%arg28 : memref<!tpu.dma_semaphore, #tpu.memory_space<semaphore_mem>>)
      } else {
      }
      %mul3A_555 = arith.constant 12 : i32
      %mul3A_556 = arith.muli %add3A_426, %mul3A_555 : i32
      %add3A_557 = arith.constant 4 : i32
      %add3A_558 = arith.addi %mul3A_556, %add3A_557 : i32
      %dma_wait3A_559 = arith.constant 0 : i32
      %dma_wait3A_560 = arith.constant 0 : i32
      %dma_wait3A_561 = tpu.memref_slice %arg11[%dma_wait3A_559, %dma_wait3A_560] : memref<1x120xi32, #tpu.memory_space<vmem>> -> memref<1x120xi32, #tpu.memory_space<vmem>>
      %dma_wait3A_562 = tpu.memref_squeeze %dma_wait3A_561 : memref<1x120xi32, #tpu.memory_space<vmem>> -> memref<120xi32, #tpu.memory_space<vmem>>
      %dma_wait3A_563 = arith.constant 0 : i32
      %dma_wait3A_564 = tpu.memref_slice %arg2[%dma_wait3A_563] : memref<322560xi32, #tpu.memory_space<hbm>> -> memref<120xi32, #tpu.memory_space<hbm>>
      %dma_wait3A_565 = arith.constant 0 : i32
      %dma_wait3A_566 = tpu.memref_slice %arg11[%dma_wait3A_559, %dma_wait3A_565] : memref<1x120xi32, #tpu.memory_space<vmem>> -> memref<1x120xi32, #tpu.memory_space<vmem>>
      %dma_wait3A_567 = tpu.memref_squeeze %dma_wait3A_566 : memref<1x120xi32, #tpu.memory_space<vmem>> -> memref<120xi32, #tpu.memory_space<vmem>>
      %dma_wait3A_568 = arith.constant 0 : i32
      %dma_wait3A_569 = tpu.memref_slice %arg2[%dma_wait3A_568] : memref<322560xi32, #tpu.memory_space<hbm>> -> memref<120xi32, #tpu.memory_space<hbm>>
      tpu.wait_dma2 semaphore(%arg23 : memref<!tpu.dma_semaphore, #tpu.memory_space<semaphore_mem>>) src(%dma_wait3A_569 : memref<120xi32, #tpu.memory_space<hbm>>) dst(%dma_wait3A_567 : memref<120xi32, #tpu.memory_space<vmem>>)
      %ge3A_570 = arith.constant 6 : i32
      %ge3A_571 = arith.cmpi sge, %add3A_558, %ge3A_570 : i32
      %convert_element_type3A_572 = arith.extui %ge3A_571 : i1 to i32
      %cond3A_573 = arith.constant 0 : i32
      %cond3A_574 = arith.cmpi ne, %convert_element_type3A_572, %cond3A_573 : i32
      scf.if %cond3A_574 {
        %dma_wait3A_819 = arith.constant 0 : i32
        %dma_wait3A_820 = arith.constant 0 : i32
        %dma_wait3A_821 = tpu.memref_slice %arg17[%dma_wait3A_819, %dma_wait3A_820] : memref<1x120xi32, #tpu.memory_space<vmem>> -> memref<1x120xi32, #tpu.memory_space<vmem>>
        %dma_wait3A_822 = tpu.memref_squeeze %dma_wait3A_821 : memref<1x120xi32, #tpu.memory_space<vmem>> -> memref<120xi32, #tpu.memory_space<vmem>>
        %dma_wait3A_823 = arith.constant 0 : i32
        %dma_wait3A_824 = tpu.memref_slice %arg4[%dma_wait3A_823] : memref<10240xf32, #tpu.memory_space<vmem_shared>> -> memref<10240xf32, #tpu.memory_space<vmem_shared>>
        tpu.wait_indirect_dma semaphore(%arg41 : memref<!tpu.dma_semaphore, #tpu.memory_space<semaphore_mem>>) src(%arg5 : memref<120xf32, #tpu.memory_space<vmem>>) dst(%dma_wait3A_824 : memref<10240xf32, #tpu.memory_space<vmem_shared>>)
      } else {
      }
      %dma_start3A_575 = arith.constant 0 : i32
      %dma_start3A_576 = arith.constant 0 : i32
      %dma_start3A_577 = tpu.memref_slice %arg11[%dma_start3A_575, %dma_start3A_576] : memref<1x120xi32, #tpu.memory_space<vmem>> -> memref<1x120xi32, #tpu.memory_space<vmem>>
      %dma_start3A_578 = tpu.memref_squeeze %dma_start3A_577 : memref<1x120xi32, #tpu.memory_space<vmem>> -> memref<120xi32, #tpu.memory_space<vmem>>
      %dma_start3A_579 = arith.constant 0 : i32
      %dma_start3A_580 = tpu.memref_slice %arg4[%dma_start3A_579] : memref<10240xf32, #tpu.memory_space<vmem_shared>> -> memref<10240xf32, #tpu.memory_space<vmem_shared>>
      tpu.enqueue_indirect_dma source(%arg5 : memref<120xf32, #tpu.memory_space<vmem>>) target(%dma_start3A_580 : memref<10240xf32, #tpu.memory_space<vmem_shared>>) offsets(%dma_start3A_578 : memref<120xi32, #tpu.memory_space<vmem>>) semaphore(%arg35 : memref<!tpu.dma_semaphore, #tpu.memory_space<semaphore_mem>>) {add = true}
      %add3A_581 = arith.constant 6 : i32
      %add3A_582 = arith.addi %add3A_558, %add3A_581 : i32
      %lt3A_583 = arith.constant 84 : i32
      %lt3A_584 = arith.cmpi slt, %add3A_582, %lt3A_583 : i32
      %convert_element_type3A_585 = arith.extui %lt3A_584 : i1 to i32
      %cond3A_586 = arith.constant 0 : i32
      %cond3A_587 = arith.cmpi ne, %convert_element_type3A_585, %cond3A_586 : i32
      scf.if %cond3A_587 {
        %mul3A_819 = arith.constant 84 : i32
        %mul3A_820 = arith.muli %add3A, %mul3A_819 : i32
        %add3A_821 = arith.addi %mul3A_820, %add3A_558 : i32
        %add3A_822 = arith.constant 6 : i32
        %add3A_823 = arith.addi %add3A_821, %add3A_822 : i32
        %mul3A_824 = arith.constant 120 : i32
        %mul3A_825 = arith.muli %add3A_823, %mul3A_824 : i32
        %dma_start3A_826 = arith.constant 0 : i32
        %dma_start3A_827 = arith.constant 0 : i32
        %dma_start3A_828 = tpu.memref_slice %arg17[%dma_start3A_826, %dma_start3A_827] : memref<1x120xi32, #tpu.memory_space<vmem>> -> memref<1x120xi32, #tpu.memory_space<vmem>>
        %dma_start3A_829 = tpu.memref_squeeze %dma_start3A_828 : memref<1x120xi32, #tpu.memory_space<vmem>> -> memref<120xi32, #tpu.memory_space<vmem>>
        %dma_start3A_830 = tpu.memref_slice %arg2[%mul3A_825] : memref<322560xi32, #tpu.memory_space<hbm>> -> memref<120xi32, #tpu.memory_space<hbm>>
        %dma_start3A_831 = arith.constant 0 : i32
        %dma_start3A_832 = tpu.memref_slice %arg17[%dma_start3A_826, %dma_start3A_831] : memref<1x120xi32, #tpu.memory_space<vmem>> -> memref<1x120xi32, #tpu.memory_space<vmem>>
        %dma_start3A_833 = tpu.memref_squeeze %dma_start3A_832 : memref<1x120xi32, #tpu.memory_space<vmem>> -> memref<120xi32, #tpu.memory_space<vmem>>
        %dma_start3A_834 = tpu.memref_slice %arg2[%mul3A_825] : memref<322560xi32, #tpu.memory_space<hbm>> -> memref<120xi32, #tpu.memory_space<hbm>>
        tpu.enqueue_dma source(%dma_start3A_834 : memref<120xi32, #tpu.memory_space<hbm>>) target(%dma_start3A_833 : memref<120xi32, #tpu.memory_space<vmem>>) target_semaphore(%arg29 : memref<!tpu.dma_semaphore, #tpu.memory_space<semaphore_mem>>)
      } else {
      }
      %mul3A_588 = arith.constant 12 : i32
      %mul3A_589 = arith.muli %add3A_426, %mul3A_588 : i32
      %add3A_590 = arith.constant 5 : i32
      %add3A_591 = arith.addi %mul3A_589, %add3A_590 : i32
      %dma_wait3A_592 = arith.constant 0 : i32
      %dma_wait3A_593 = arith.constant 0 : i32
      %dma_wait3A_594 = tpu.memref_slice %arg12[%dma_wait3A_592, %dma_wait3A_593] : memref<1x120xi32, #tpu.memory_space<vmem>> -> memref<1x120xi32, #tpu.memory_space<vmem>>
      %dma_wait3A_595 = tpu.memref_squeeze %dma_wait3A_594 : memref<1x120xi32, #tpu.memory_space<vmem>> -> memref<120xi32, #tpu.memory_space<vmem>>
      %dma_wait3A_596 = arith.constant 0 : i32
      %dma_wait3A_597 = tpu.memref_slice %arg2[%dma_wait3A_596] : memref<322560xi32, #tpu.memory_space<hbm>> -> memref<120xi32, #tpu.memory_space<hbm>>
      %dma_wait3A_598 = arith.constant 0 : i32
      %dma_wait3A_599 = tpu.memref_slice %arg12[%dma_wait3A_592, %dma_wait3A_598] : memref<1x120xi32, #tpu.memory_space<vmem>> -> memref<1x120xi32, #tpu.memory_space<vmem>>
      %dma_wait3A_600 = tpu.memref_squeeze %dma_wait3A_599 : memref<1x120xi32, #tpu.memory_space<vmem>> -> memref<120xi32, #tpu.memory_space<vmem>>
      %dma_wait3A_601 = arith.constant 0 : i32
      %dma_wait3A_602 = tpu.memref_slice %arg2[%dma_wait3A_601] : memref<322560xi32, #tpu.memory_space<hbm>> -> memref<120xi32, #tpu.memory_space<hbm>>
      tpu.wait_dma2 semaphore(%arg24 : memref<!tpu.dma_semaphore, #tpu.memory_space<semaphore_mem>>) src(%dma_wait3A_602 : memref<120xi32, #tpu.memory_space<hbm>>) dst(%dma_wait3A_600 : memref<120xi32, #tpu.memory_space<vmem>>)
      %ge3A_603 = arith.constant 6 : i32
      %ge3A_604 = arith.cmpi sge, %add3A_591, %ge3A_603 : i32
      %convert_element_type3A_605 = arith.extui %ge3A_604 : i1 to i32
      %cond3A_606 = arith.constant 0 : i32
      %cond3A_607 = arith.cmpi ne, %convert_element_type3A_605, %cond3A_606 : i32
      scf.if %cond3A_607 {
        %dma_wait3A_819 = arith.constant 0 : i32
        %dma_wait3A_820 = arith.constant 0 : i32
        %dma_wait3A_821 = tpu.memref_slice %arg18[%dma_wait3A_819, %dma_wait3A_820] : memref<1x120xi32, #tpu.memory_space<vmem>> -> memref<1x120xi32, #tpu.memory_space<vmem>>
        %dma_wait3A_822 = tpu.memref_squeeze %dma_wait3A_821 : memref<1x120xi32, #tpu.memory_space<vmem>> -> memref<120xi32, #tpu.memory_space<vmem>>
        %dma_wait3A_823 = arith.constant 0 : i32
        %dma_wait3A_824 = tpu.memref_slice %arg4[%dma_wait3A_823] : memref<10240xf32, #tpu.memory_space<vmem_shared>> -> memref<10240xf32, #tpu.memory_space<vmem_shared>>
        tpu.wait_indirect_dma semaphore(%arg42 : memref<!tpu.dma_semaphore, #tpu.memory_space<semaphore_mem>>) src(%arg5 : memref<120xf32, #tpu.memory_space<vmem>>) dst(%dma_wait3A_824 : memref<10240xf32, #tpu.memory_space<vmem_shared>>)
      } else {
      }
      %dma_start3A_608 = arith.constant 0 : i32
      %dma_start3A_609 = arith.constant 0 : i32
      %dma_start3A_610 = tpu.memref_slice %arg12[%dma_start3A_608, %dma_start3A_609] : memref<1x120xi32, #tpu.memory_space<vmem>> -> memref<1x120xi32, #tpu.memory_space<vmem>>
      %dma_start3A_611 = tpu.memref_squeeze %dma_start3A_610 : memref<1x120xi32, #tpu.memory_space<vmem>> -> memref<120xi32, #tpu.memory_space<vmem>>
      %dma_start3A_612 = arith.constant 0 : i32
      %dma_start3A_613 = tpu.memref_slice %arg4[%dma_start3A_612] : memref<10240xf32, #tpu.memory_space<vmem_shared>> -> memref<10240xf32, #tpu.memory_space<vmem_shared>>
      tpu.enqueue_indirect_dma source(%arg5 : memref<120xf32, #tpu.memory_space<vmem>>) target(%dma_start3A_613 : memref<10240xf32, #tpu.memory_space<vmem_shared>>) offsets(%dma_start3A_611 : memref<120xi32, #tpu.memory_space<vmem>>) semaphore(%arg36 : memref<!tpu.dma_semaphore, #tpu.memory_space<semaphore_mem>>) {add = true}
      %add3A_614 = arith.constant 6 : i32
      %add3A_615 = arith.addi %add3A_591, %add3A_614 : i32
      %lt3A_616 = arith.constant 84 : i32
      %lt3A_617 = arith.cmpi slt, %add3A_615, %lt3A_616 : i32
      %convert_element_type3A_618 = arith.extui %lt3A_617 : i1 to i32
      %cond3A_619 = arith.constant 0 : i32
      %cond3A_620 = arith.cmpi ne, %convert_element_type3A_618, %cond3A_619 : i32
      scf.if %cond3A_620 {
        %mul3A_819 = arith.constant 84 : i32
        %mul3A_820 = arith.muli %add3A, %mul3A_819 : i32
        %add3A_821 = arith.addi %mul3A_820, %add3A_591 : i32
        %add3A_822 = arith.constant 6 : i32
        %add3A_823 = arith.addi %add3A_821, %add3A_822 : i32
        %mul3A_824 = arith.constant 120 : i32
        %mul3A_825 = arith.muli %add3A_823, %mul3A_824 : i32
        %dma_start3A_826 = arith.constant 0 : i32
        %dma_start3A_827 = arith.constant 0 : i32
        %dma_start3A_828 = tpu.memref_slice %arg18[%dma_start3A_826, %dma_start3A_827] : memref<1x120xi32, #tpu.memory_space<vmem>> -> memref<1x120xi32, #tpu.memory_space<vmem>>
        %dma_start3A_829 = tpu.memref_squeeze %dma_start3A_828 : memref<1x120xi32, #tpu.memory_space<vmem>> -> memref<120xi32, #tpu.memory_space<vmem>>
        %dma_start3A_830 = tpu.memref_slice %arg2[%mul3A_825] : memref<322560xi32, #tpu.memory_space<hbm>> -> memref<120xi32, #tpu.memory_space<hbm>>
        %dma_start3A_831 = arith.constant 0 : i32
        %dma_start3A_832 = tpu.memref_slice %arg18[%dma_start3A_826, %dma_start3A_831] : memref<1x120xi32, #tpu.memory_space<vmem>> -> memref<1x120xi32, #tpu.memory_space<vmem>>
        %dma_start3A_833 = tpu.memref_squeeze %dma_start3A_832 : memref<1x120xi32, #tpu.memory_space<vmem>> -> memref<120xi32, #tpu.memory_space<vmem>>
        %dma_start3A_834 = tpu.memref_slice %arg2[%mul3A_825] : memref<322560xi32, #tpu.memory_space<hbm>> -> memref<120xi32, #tpu.memory_space<hbm>>
        tpu.enqueue_dma source(%dma_start3A_834 : memref<120xi32, #tpu.memory_space<hbm>>) target(%dma_start3A_833 : memref<120xi32, #tpu.memory_space<vmem>>) target_semaphore(%arg30 : memref<!tpu.dma_semaphore, #tpu.memory_space<semaphore_mem>>)
      } else {
      }
      %mul3A_621 = arith.constant 12 : i32
      %mul3A_622 = arith.muli %add3A_426, %mul3A_621 : i32
      %add3A_623 = arith.constant 6 : i32
      %add3A_624 = arith.addi %mul3A_622, %add3A_623 : i32
      %dma_wait3A_625 = arith.constant 0 : i32
      %dma_wait3A_626 = arith.constant 0 : i32
      %dma_wait3A_627 = tpu.memref_slice %arg13[%dma_wait3A_625, %dma_wait3A_626] : memref<1x120xi32, #tpu.memory_space<vmem>> -> memref<1x120xi32, #tpu.memory_space<vmem>>
      %dma_wait3A_628 = tpu.memref_squeeze %dma_wait3A_627 : memref<1x120xi32, #tpu.memory_space<vmem>> -> memref<120xi32, #tpu.memory_space<vmem>>
      %dma_wait3A_629 = arith.constant 0 : i32
      %dma_wait3A_630 = tpu.memref_slice %arg2[%dma_wait3A_629] : memref<322560xi32, #tpu.memory_space<hbm>> -> memref<120xi32, #tpu.memory_space<hbm>>
      %dma_wait3A_631 = arith.constant 0 : i32
      %dma_wait3A_632 = tpu.memref_slice %arg13[%dma_wait3A_625, %dma_wait3A_631] : memref<1x120xi32, #tpu.memory_space<vmem>> -> memref<1x120xi32, #tpu.memory_space<vmem>>
      %dma_wait3A_633 = tpu.memref_squeeze %dma_wait3A_632 : memref<1x120xi32, #tpu.memory_space<vmem>> -> memref<120xi32, #tpu.memory_space<vmem>>
      %dma_wait3A_634 = arith.constant 0 : i32
      %dma_wait3A_635 = tpu.memref_slice %arg2[%dma_wait3A_634] : memref<322560xi32, #tpu.memory_space<hbm>> -> memref<120xi32, #tpu.memory_space<hbm>>
      tpu.wait_dma2 semaphore(%arg25 : memref<!tpu.dma_semaphore, #tpu.memory_space<semaphore_mem>>) src(%dma_wait3A_635 : memref<120xi32, #tpu.memory_space<hbm>>) dst(%dma_wait3A_633 : memref<120xi32, #tpu.memory_space<vmem>>)
      %ge3A_636 = arith.constant 6 : i32
      %ge3A_637 = arith.cmpi sge, %add3A_624, %ge3A_636 : i32
      %convert_element_type3A_638 = arith.extui %ge3A_637 : i1 to i32
      %cond3A_639 = arith.constant 0 : i32
      %cond3A_640 = arith.cmpi ne, %convert_element_type3A_638, %cond3A_639 : i32
      scf.if %cond3A_640 {
        %dma_wait3A_819 = arith.constant 0 : i32
        %dma_wait3A_820 = arith.constant 0 : i32
        %dma_wait3A_821 = tpu.memref_slice %arg7[%dma_wait3A_819, %dma_wait3A_820] : memref<1x120xi32, #tpu.memory_space<vmem>> -> memref<1x120xi32, #tpu.memory_space<vmem>>
        %dma_wait3A_822 = tpu.memref_squeeze %dma_wait3A_821 : memref<1x120xi32, #tpu.memory_space<vmem>> -> memref<120xi32, #tpu.memory_space<vmem>>
        %dma_wait3A_823 = arith.constant 0 : i32
        %dma_wait3A_824 = tpu.memref_slice %arg4[%dma_wait3A_823] : memref<10240xf32, #tpu.memory_space<vmem_shared>> -> memref<10240xf32, #tpu.memory_space<vmem_shared>>
        tpu.wait_indirect_dma semaphore(%arg31 : memref<!tpu.dma_semaphore, #tpu.memory_space<semaphore_mem>>) src(%arg5 : memref<120xf32, #tpu.memory_space<vmem>>) dst(%dma_wait3A_824 : memref<10240xf32, #tpu.memory_space<vmem_shared>>)
      } else {
      }
      %dma_start3A_641 = arith.constant 0 : i32
      %dma_start3A_642 = arith.constant 0 : i32
      %dma_start3A_643 = tpu.memref_slice %arg13[%dma_start3A_641, %dma_start3A_642] : memref<1x120xi32, #tpu.memory_space<vmem>> -> memref<1x120xi32, #tpu.memory_space<vmem>>
      %dma_start3A_644 = tpu.memref_squeeze %dma_start3A_643 : memref<1x120xi32, #tpu.memory_space<vmem>> -> memref<120xi32, #tpu.memory_space<vmem>>
      %dma_start3A_645 = arith.constant 0 : i32
      %dma_start3A_646 = tpu.memref_slice %arg4[%dma_start3A_645] : memref<10240xf32, #tpu.memory_space<vmem_shared>> -> memref<10240xf32, #tpu.memory_space<vmem_shared>>
      tpu.enqueue_indirect_dma source(%arg5 : memref<120xf32, #tpu.memory_space<vmem>>) target(%dma_start3A_646 : memref<10240xf32, #tpu.memory_space<vmem_shared>>) offsets(%dma_start3A_644 : memref<120xi32, #tpu.memory_space<vmem>>) semaphore(%arg37 : memref<!tpu.dma_semaphore, #tpu.memory_space<semaphore_mem>>) {add = true}
      %add3A_647 = arith.constant 6 : i32
      %add3A_648 = arith.addi %add3A_624, %add3A_647 : i32
      %lt3A_649 = arith.constant 84 : i32
      %lt3A_650 = arith.cmpi slt, %add3A_648, %lt3A_649 : i32
      %convert_element_type3A_651 = arith.extui %lt3A_650 : i1 to i32
      %cond3A_652 = arith.constant 0 : i32
      %cond3A_653 = arith.cmpi ne, %convert_element_type3A_651, %cond3A_652 : i32
      scf.if %cond3A_653 {
        %mul3A_819 = arith.constant 84 : i32
        %mul3A_820 = arith.muli %add3A, %mul3A_819 : i32
        %add3A_821 = arith.addi %mul3A_820, %add3A_624 : i32
        %add3A_822 = arith.constant 6 : i32
        %add3A_823 = arith.addi %add3A_821, %add3A_822 : i32
        %mul3A_824 = arith.constant 120 : i32
        %mul3A_825 = arith.muli %add3A_823, %mul3A_824 : i32
        %dma_start3A_826 = arith.constant 0 : i32
        %dma_start3A_827 = arith.constant 0 : i32
        %dma_start3A_828 = tpu.memref_slice %arg7[%dma_start3A_826, %dma_start3A_827] : memref<1x120xi32, #tpu.memory_space<vmem>> -> memref<1x120xi32, #tpu.memory_space<vmem>>
        %dma_start3A_829 = tpu.memref_squeeze %dma_start3A_828 : memref<1x120xi32, #tpu.memory_space<vmem>> -> memref<120xi32, #tpu.memory_space<vmem>>
        %dma_start3A_830 = tpu.memref_slice %arg2[%mul3A_825] : memref<322560xi32, #tpu.memory_space<hbm>> -> memref<120xi32, #tpu.memory_space<hbm>>
        %dma_start3A_831 = arith.constant 0 : i32
        %dma_start3A_832 = tpu.memref_slice %arg7[%dma_start3A_826, %dma_start3A_831] : memref<1x120xi32, #tpu.memory_space<vmem>> -> memref<1x120xi32, #tpu.memory_space<vmem>>
        %dma_start3A_833 = tpu.memref_squeeze %dma_start3A_832 : memref<1x120xi32, #tpu.memory_space<vmem>> -> memref<120xi32, #tpu.memory_space<vmem>>
        %dma_start3A_834 = tpu.memref_slice %arg2[%mul3A_825] : memref<322560xi32, #tpu.memory_space<hbm>> -> memref<120xi32, #tpu.memory_space<hbm>>
        tpu.enqueue_dma source(%dma_start3A_834 : memref<120xi32, #tpu.memory_space<hbm>>) target(%dma_start3A_833 : memref<120xi32, #tpu.memory_space<vmem>>) target_semaphore(%arg19 : memref<!tpu.dma_semaphore, #tpu.memory_space<semaphore_mem>>)
      } else {
      }
      %mul3A_654 = arith.constant 12 : i32
      %mul3A_655 = arith.muli %add3A_426, %mul3A_654 : i32
      %add3A_656 = arith.constant 7 : i32
      %add3A_657 = arith.addi %mul3A_655, %add3A_656 : i32
      %dma_wait3A_658 = arith.constant 0 : i32
      %dma_wait3A_659 = arith.constant 0 : i32
      %dma_wait3A_660 = tpu.memref_slice %arg14[%dma_wait3A_658, %dma_wait3A_659] : memref<1x120xi32, #tpu.memory_space<vmem>> -> memref<1x120xi32, #tpu.memory_space<vmem>>
      %dma_wait3A_661 = tpu.memref_squeeze %dma_wait3A_660 : memref<1x120xi32, #tpu.memory_space<vmem>> -> memref<120xi32, #tpu.memory_space<vmem>>
      %dma_wait3A_662 = arith.constant 0 : i32
      %dma_wait3A_663 = tpu.memref_slice %arg2[%dma_wait3A_662] : memref<322560xi32, #tpu.memory_space<hbm>> -> memref<120xi32, #tpu.memory_space<hbm>>
      %dma_wait3A_664 = arith.constant 0 : i32
      %dma_wait3A_665 = tpu.memref_slice %arg14[%dma_wait3A_658, %dma_wait3A_664] : memref<1x120xi32, #tpu.memory_space<vmem>> -> memref<1x120xi32, #tpu.memory_space<vmem>>
      %dma_wait3A_666 = tpu.memref_squeeze %dma_wait3A_665 : memref<1x120xi32, #tpu.memory_space<vmem>> -> memref<120xi32, #tpu.memory_space<vmem>>
      %dma_wait3A_667 = arith.constant 0 : i32
      %dma_wait3A_668 = tpu.memref_slice %arg2[%dma_wait3A_667] : memref<322560xi32, #tpu.memory_space<hbm>> -> memref<120xi32, #tpu.memory_space<hbm>>
      tpu.wait_dma2 semaphore(%arg26 : memref<!tpu.dma_semaphore, #tpu.memory_space<semaphore_mem>>) src(%dma_wait3A_668 : memref<120xi32, #tpu.memory_space<hbm>>) dst(%dma_wait3A_666 : memref<120xi32, #tpu.memory_space<vmem>>)
      %ge3A_669 = arith.constant 6 : i32
      %ge3A_670 = arith.cmpi sge, %add3A_657, %ge3A_669 : i32
      %convert_element_type3A_671 = arith.extui %ge3A_670 : i1 to i32
      %cond3A_672 = arith.constant 0 : i32
      %cond3A_673 = arith.cmpi ne, %convert_element_type3A_671, %cond3A_672 : i32
      scf.if %cond3A_673 {
        %dma_wait3A_819 = arith.constant 0 : i32
        %dma_wait3A_820 = arith.constant 0 : i32
        %dma_wait3A_821 = tpu.memref_slice %arg8[%dma_wait3A_819, %dma_wait3A_820] : memref<1x120xi32, #tpu.memory_space<vmem>> -> memref<1x120xi32, #tpu.memory_space<vmem>>
        %dma_wait3A_822 = tpu.memref_squeeze %dma_wait3A_821 : memref<1x120xi32, #tpu.memory_space<vmem>> -> memref<120xi32, #tpu.memory_space<vmem>>
        %dma_wait3A_823 = arith.constant 0 : i32
        %dma_wait3A_824 = tpu.memref_slice %arg4[%dma_wait3A_823] : memref<10240xf32, #tpu.memory_space<vmem_shared>> -> memref<10240xf32, #tpu.memory_space<vmem_shared>>
        tpu.wait_indirect_dma semaphore(%arg32 : memref<!tpu.dma_semaphore, #tpu.memory_space<semaphore_mem>>) src(%arg5 : memref<120xf32, #tpu.memory_space<vmem>>) dst(%dma_wait3A_824 : memref<10240xf32, #tpu.memory_space<vmem_shared>>)
      } else {
      }
      %dma_start3A_674 = arith.constant 0 : i32
      %dma_start3A_675 = arith.constant 0 : i32
      %dma_start3A_676 = tpu.memref_slice %arg14[%dma_start3A_674, %dma_start3A_675] : memref<1x120xi32, #tpu.memory_space<vmem>> -> memref<1x120xi32, #tpu.memory_space<vmem>>
      %dma_start3A_677 = tpu.memref_squeeze %dma_start3A_676 : memref<1x120xi32, #tpu.memory_space<vmem>> -> memref<120xi32, #tpu.memory_space<vmem>>
      %dma_start3A_678 = arith.constant 0 : i32
      %dma_start3A_679 = tpu.memref_slice %arg4[%dma_start3A_678] : memref<10240xf32, #tpu.memory_space<vmem_shared>> -> memref<10240xf32, #tpu.memory_space<vmem_shared>>
      tpu.enqueue_indirect_dma source(%arg5 : memref<120xf32, #tpu.memory_space<vmem>>) target(%dma_start3A_679 : memref<10240xf32, #tpu.memory_space<vmem_shared>>) offsets(%dma_start3A_677 : memref<120xi32, #tpu.memory_space<vmem>>) semaphore(%arg38 : memref<!tpu.dma_semaphore, #tpu.memory_space<semaphore_mem>>) {add = true}
      %add3A_680 = arith.constant 6 : i32
      %add3A_681 = arith.addi %add3A_657, %add3A_680 : i32
      %lt3A_682 = arith.constant 84 : i32
      %lt3A_683 = arith.cmpi slt, %add3A_681, %lt3A_682 : i32
      %convert_element_type3A_684 = arith.extui %lt3A_683 : i1 to i32
      %cond3A_685 = arith.constant 0 : i32
      %cond3A_686 = arith.cmpi ne, %convert_element_type3A_684, %cond3A_685 : i32
      scf.if %cond3A_686 {
        %mul3A_819 = arith.constant 84 : i32
        %mul3A_820 = arith.muli %add3A, %mul3A_819 : i32
        %add3A_821 = arith.addi %mul3A_820, %add3A_657 : i32
        %add3A_822 = arith.constant 6 : i32
        %add3A_823 = arith.addi %add3A_821, %add3A_822 : i32
        %mul3A_824 = arith.constant 120 : i32
        %mul3A_825 = arith.muli %add3A_823, %mul3A_824 : i32
        %dma_start3A_826 = arith.constant 0 : i32
        %dma_start3A_827 = arith.constant 0 : i32
        %dma_start3A_828 = tpu.memref_slice %arg8[%dma_start3A_826, %dma_start3A_827] : memref<1x120xi32, #tpu.memory_space<vmem>> -> memref<1x120xi32, #tpu.memory_space<vmem>>
        %dma_start3A_829 = tpu.memref_squeeze %dma_start3A_828 : memref<1x120xi32, #tpu.memory_space<vmem>> -> memref<120xi32, #tpu.memory_space<vmem>>
        %dma_start3A_830 = tpu.memref_slice %arg2[%mul3A_825] : memref<322560xi32, #tpu.memory_space<hbm>> -> memref<120xi32, #tpu.memory_space<hbm>>
        %dma_start3A_831 = arith.constant 0 : i32
        %dma_start3A_832 = tpu.memref_slice %arg8[%dma_start3A_826, %dma_start3A_831] : memref<1x120xi32, #tpu.memory_space<vmem>> -> memref<1x120xi32, #tpu.memory_space<vmem>>
        %dma_start3A_833 = tpu.memref_squeeze %dma_start3A_832 : memref<1x120xi32, #tpu.memory_space<vmem>> -> memref<120xi32, #tpu.memory_space<vmem>>
        %dma_start3A_834 = tpu.memref_slice %arg2[%mul3A_825] : memref<322560xi32, #tpu.memory_space<hbm>> -> memref<120xi32, #tpu.memory_space<hbm>>
        tpu.enqueue_dma source(%dma_start3A_834 : memref<120xi32, #tpu.memory_space<hbm>>) target(%dma_start3A_833 : memref<120xi32, #tpu.memory_space<vmem>>) target_semaphore(%arg20 : memref<!tpu.dma_semaphore, #tpu.memory_space<semaphore_mem>>)
      } else {
      }
      %mul3A_687 = arith.constant 12 : i32
      %mul3A_688 = arith.muli %add3A_426, %mul3A_687 : i32
      %add3A_689 = arith.constant 8 : i32
      %add3A_690 = arith.addi %mul3A_688, %add3A_689 : i32
      %dma_wait3A_691 = arith.constant 0 : i32
      %dma_wait3A_692 = arith.constant 0 : i32
      %dma_wait3A_693 = tpu.memref_slice %arg15[%dma_wait3A_691, %dma_wait3A_692] : memref<1x120xi32, #tpu.memory_space<vmem>> -> memref<1x120xi32, #tpu.memory_space<vmem>>
      %dma_wait3A_694 = tpu.memref_squeeze %dma_wait3A_693 : memref<1x120xi32, #tpu.memory_space<vmem>> -> memref<120xi32, #tpu.memory_space<vmem>>
      %dma_wait3A_695 = arith.constant 0 : i32
      %dma_wait3A_696 = tpu.memref_slice %arg2[%dma_wait3A_695] : memref<322560xi32, #tpu.memory_space<hbm>> -> memref<120xi32, #tpu.memory_space<hbm>>
      %dma_wait3A_697 = arith.constant 0 : i32
      %dma_wait3A_698 = tpu.memref_slice %arg15[%dma_wait3A_691, %dma_wait3A_697] : memref<1x120xi32, #tpu.memory_space<vmem>> -> memref<1x120xi32, #tpu.memory_space<vmem>>
      %dma_wait3A_699 = tpu.memref_squeeze %dma_wait3A_698 : memref<1x120xi32, #tpu.memory_space<vmem>> -> memref<120xi32, #tpu.memory_space<vmem>>
      %dma_wait3A_700 = arith.constant 0 : i32
      %dma_wait3A_701 = tpu.memref_slice %arg2[%dma_wait3A_700] : memref<322560xi32, #tpu.memory_space<hbm>> -> memref<120xi32, #tpu.memory_space<hbm>>
      tpu.wait_dma2 semaphore(%arg27 : memref<!tpu.dma_semaphore, #tpu.memory_space<semaphore_mem>>) src(%dma_wait3A_701 : memref<120xi32, #tpu.memory_space<hbm>>) dst(%dma_wait3A_699 : memref<120xi32, #tpu.memory_space<vmem>>)
      %ge3A_702 = arith.constant 6 : i32
      %ge3A_703 = arith.cmpi sge, %add3A_690, %ge3A_702 : i32
      %convert_element_type3A_704 = arith.extui %ge3A_703 : i1 to i32
      %cond3A_705 = arith.constant 0 : i32
      %cond3A_706 = arith.cmpi ne, %convert_element_type3A_704, %cond3A_705 : i32
      scf.if %cond3A_706 {
        %dma_wait3A_819 = arith.constant 0 : i32
        %dma_wait3A_820 = arith.constant 0 : i32
        %dma_wait3A_821 = tpu.memref_slice %arg9[%dma_wait3A_819, %dma_wait3A_820] : memref<1x120xi32, #tpu.memory_space<vmem>> -> memref<1x120xi32, #tpu.memory_space<vmem>>
        %dma_wait3A_822 = tpu.memref_squeeze %dma_wait3A_821 : memref<1x120xi32, #tpu.memory_space<vmem>> -> memref<120xi32, #tpu.memory_space<vmem>>
        %dma_wait3A_823 = arith.constant 0 : i32
        %dma_wait3A_824 = tpu.memref_slice %arg4[%dma_wait3A_823] : memref<10240xf32, #tpu.memory_space<vmem_shared>> -> memref<10240xf32, #tpu.memory_space<vmem_shared>>
        tpu.wait_indirect_dma semaphore(%arg33 : memref<!tpu.dma_semaphore, #tpu.memory_space<semaphore_mem>>) src(%arg5 : memref<120xf32, #tpu.memory_space<vmem>>) dst(%dma_wait3A_824 : memref<10240xf32, #tpu.memory_space<vmem_shared>>)
      } else {
      }
      %dma_start3A_707 = arith.constant 0 : i32
      %dma_start3A_708 = arith.constant 0 : i32
      %dma_start3A_709 = tpu.memref_slice %arg15[%dma_start3A_707, %dma_start3A_708] : memref<1x120xi32, #tpu.memory_space<vmem>> -> memref<1x120xi32, #tpu.memory_space<vmem>>
      %dma_start3A_710 = tpu.memref_squeeze %dma_start3A_709 : memref<1x120xi32, #tpu.memory_space<vmem>> -> memref<120xi32, #tpu.memory_space<vmem>>
      %dma_start3A_711 = arith.constant 0 : i32
      %dma_start3A_712 = tpu.memref_slice %arg4[%dma_start3A_711] : memref<10240xf32, #tpu.memory_space<vmem_shared>> -> memref<10240xf32, #tpu.memory_space<vmem_shared>>
      tpu.enqueue_indirect_dma source(%arg5 : memref<120xf32, #tpu.memory_space<vmem>>) target(%dma_start3A_712 : memref<10240xf32, #tpu.memory_space<vmem_shared>>) offsets(%dma_start3A_710 : memref<120xi32, #tpu.memory_space<vmem>>) semaphore(%arg39 : memref<!tpu.dma_semaphore, #tpu.memory_space<semaphore_mem>>) {add = true}
      %add3A_713 = arith.constant 6 : i32
      %add3A_714 = arith.addi %add3A_690, %add3A_713 : i32
      %lt3A_715 = arith.constant 84 : i32
      %lt3A_716 = arith.cmpi slt, %add3A_714, %lt3A_715 : i32
      %convert_element_type3A_717 = arith.extui %lt3A_716 : i1 to i32
      %cond3A_718 = arith.constant 0 : i32
      %cond3A_719 = arith.cmpi ne, %convert_element_type3A_717, %cond3A_718 : i32
      scf.if %cond3A_719 {
        %mul3A_819 = arith.constant 84 : i32
        %mul3A_820 = arith.muli %add3A, %mul3A_819 : i32
        %add3A_821 = arith.addi %mul3A_820, %add3A_690 : i32
        %add3A_822 = arith.constant 6 : i32
        %add3A_823 = arith.addi %add3A_821, %add3A_822 : i32
        %mul3A_824 = arith.constant 120 : i32
        %mul3A_825 = arith.muli %add3A_823, %mul3A_824 : i32
        %dma_start3A_826 = arith.constant 0 : i32
        %dma_start3A_827 = arith.constant 0 : i32
        %dma_start3A_828 = tpu.memref_slice %arg9[%dma_start3A_826, %dma_start3A_827] : memref<1x120xi32, #tpu.memory_space<vmem>> -> memref<1x120xi32, #tpu.memory_space<vmem>>
        %dma_start3A_829 = tpu.memref_squeeze %dma_start3A_828 : memref<1x120xi32, #tpu.memory_space<vmem>> -> memref<120xi32, #tpu.memory_space<vmem>>
        %dma_start3A_830 = tpu.memref_slice %arg2[%mul3A_825] : memref<322560xi32, #tpu.memory_space<hbm>> -> memref<120xi32, #tpu.memory_space<hbm>>
        %dma_start3A_831 = arith.constant 0 : i32
        %dma_start3A_832 = tpu.memref_slice %arg9[%dma_start3A_826, %dma_start3A_831] : memref<1x120xi32, #tpu.memory_space<vmem>> -> memref<1x120xi32, #tpu.memory_space<vmem>>
        %dma_start3A_833 = tpu.memref_squeeze %dma_start3A_832 : memref<1x120xi32, #tpu.memory_space<vmem>> -> memref<120xi32, #tpu.memory_space<vmem>>
        %dma_start3A_834 = tpu.memref_slice %arg2[%mul3A_825] : memref<322560xi32, #tpu.memory_space<hbm>> -> memref<120xi32, #tpu.memory_space<hbm>>
        tpu.enqueue_dma source(%dma_start3A_834 : memref<120xi32, #tpu.memory_space<hbm>>) target(%dma_start3A_833 : memref<120xi32, #tpu.memory_space<vmem>>) target_semaphore(%arg21 : memref<!tpu.dma_semaphore, #tpu.memory_space<semaphore_mem>>)
      } else {
      }
      %mul3A_720 = arith.constant 12 : i32
      %mul3A_721 = arith.muli %add3A_426, %mul3A_720 : i32
      %add3A_722 = arith.constant 9 : i32
      %add3A_723 = arith.addi %mul3A_721, %add3A_722 : i32
      %dma_wait3A_724 = arith.constant 0 : i32
      %dma_wait3A_725 = arith.constant 0 : i32
      %dma_wait3A_726 = tpu.memref_slice %arg16[%dma_wait3A_724, %dma_wait3A_725] : memref<1x120xi32, #tpu.memory_space<vmem>> -> memref<1x120xi32, #tpu.memory_space<vmem>>
      %dma_wait3A_727 = tpu.memref_squeeze %dma_wait3A_726 : memref<1x120xi32, #tpu.memory_space<vmem>> -> memref<120xi32, #tpu.memory_space<vmem>>
      %dma_wait3A_728 = arith.constant 0 : i32
      %dma_wait3A_729 = tpu.memref_slice %arg2[%dma_wait3A_728] : memref<322560xi32, #tpu.memory_space<hbm>> -> memref<120xi32, #tpu.memory_space<hbm>>
      %dma_wait3A_730 = arith.constant 0 : i32
      %dma_wait3A_731 = tpu.memref_slice %arg16[%dma_wait3A_724, %dma_wait3A_730] : memref<1x120xi32, #tpu.memory_space<vmem>> -> memref<1x120xi32, #tpu.memory_space<vmem>>
      %dma_wait3A_732 = tpu.memref_squeeze %dma_wait3A_731 : memref<1x120xi32, #tpu.memory_space<vmem>> -> memref<120xi32, #tpu.memory_space<vmem>>
      %dma_wait3A_733 = arith.constant 0 : i32
      %dma_wait3A_734 = tpu.memref_slice %arg2[%dma_wait3A_733] : memref<322560xi32, #tpu.memory_space<hbm>> -> memref<120xi32, #tpu.memory_space<hbm>>
      tpu.wait_dma2 semaphore(%arg28 : memref<!tpu.dma_semaphore, #tpu.memory_space<semaphore_mem>>) src(%dma_wait3A_734 : memref<120xi32, #tpu.memory_space<hbm>>) dst(%dma_wait3A_732 : memref<120xi32, #tpu.memory_space<vmem>>)
      %ge3A_735 = arith.constant 6 : i32
      %ge3A_736 = arith.cmpi sge, %add3A_723, %ge3A_735 : i32
      %convert_element_type3A_737 = arith.extui %ge3A_736 : i1 to i32
      %cond3A_738 = arith.constant 0 : i32
      %cond3A_739 = arith.cmpi ne, %convert_element_type3A_737, %cond3A_738 : i32
      scf.if %cond3A_739 {
        %dma_wait3A_819 = arith.constant 0 : i32
        %dma_wait3A_820 = arith.constant 0 : i32
        %dma_wait3A_821 = tpu.memref_slice %arg10[%dma_wait3A_819, %dma_wait3A_820] : memref<1x120xi32, #tpu.memory_space<vmem>> -> memref<1x120xi32, #tpu.memory_space<vmem>>
        %dma_wait3A_822 = tpu.memref_squeeze %dma_wait3A_821 : memref<1x120xi32, #tpu.memory_space<vmem>> -> memref<120xi32, #tpu.memory_space<vmem>>
        %dma_wait3A_823 = arith.constant 0 : i32
        %dma_wait3A_824 = tpu.memref_slice %arg4[%dma_wait3A_823] : memref<10240xf32, #tpu.memory_space<vmem_shared>> -> memref<10240xf32, #tpu.memory_space<vmem_shared>>
        tpu.wait_indirect_dma semaphore(%arg34 : memref<!tpu.dma_semaphore, #tpu.memory_space<semaphore_mem>>) src(%arg5 : memref<120xf32, #tpu.memory_space<vmem>>) dst(%dma_wait3A_824 : memref<10240xf32, #tpu.memory_space<vmem_shared>>)
      } else {
      }
      %dma_start3A_740 = arith.constant 0 : i32
      %dma_start3A_741 = arith.constant 0 : i32
      %dma_start3A_742 = tpu.memref_slice %arg16[%dma_start3A_740, %dma_start3A_741] : memref<1x120xi32, #tpu.memory_space<vmem>> -> memref<1x120xi32, #tpu.memory_space<vmem>>
      %dma_start3A_743 = tpu.memref_squeeze %dma_start3A_742 : memref<1x120xi32, #tpu.memory_space<vmem>> -> memref<120xi32, #tpu.memory_space<vmem>>
      %dma_start3A_744 = arith.constant 0 : i32
      %dma_start3A_745 = tpu.memref_slice %arg4[%dma_start3A_744] : memref<10240xf32, #tpu.memory_space<vmem_shared>> -> memref<10240xf32, #tpu.memory_space<vmem_shared>>
      tpu.enqueue_indirect_dma source(%arg5 : memref<120xf32, #tpu.memory_space<vmem>>) target(%dma_start3A_745 : memref<10240xf32, #tpu.memory_space<vmem_shared>>) offsets(%dma_start3A_743 : memref<120xi32, #tpu.memory_space<vmem>>) semaphore(%arg40 : memref<!tpu.dma_semaphore, #tpu.memory_space<semaphore_mem>>) {add = true}
      %add3A_746 = arith.constant 6 : i32
      %add3A_747 = arith.addi %add3A_723, %add3A_746 : i32
      %lt3A_748 = arith.constant 84 : i32
      %lt3A_749 = arith.cmpi slt, %add3A_747, %lt3A_748 : i32
      %convert_element_type3A_750 = arith.extui %lt3A_749 : i1 to i32
      %cond3A_751 = arith.constant 0 : i32
      %cond3A_752 = arith.cmpi ne, %convert_element_type3A_750, %cond3A_751 : i32
      scf.if %cond3A_752 {
        %mul3A_819 = arith.constant 84 : i32
        %mul3A_820 = arith.muli %add3A, %mul3A_819 : i32
        %add3A_821 = arith.addi %mul3A_820, %add3A_723 : i32
        %add3A_822 = arith.constant 6 : i32
        %add3A_823 = arith.addi %add3A_821, %add3A_822 : i32
        %mul3A_824 = arith.constant 120 : i32
        %mul3A_825 = arith.muli %add3A_823, %mul3A_824 : i32
        %dma_start3A_826 = arith.constant 0 : i32
        %dma_start3A_827 = arith.constant 0 : i32
        %dma_start3A_828 = tpu.memref_slice %arg10[%dma_start3A_826, %dma_start3A_827] : memref<1x120xi32, #tpu.memory_space<vmem>> -> memref<1x120xi32, #tpu.memory_space<vmem>>
        %dma_start3A_829 = tpu.memref_squeeze %dma_start3A_828 : memref<1x120xi32, #tpu.memory_space<vmem>> -> memref<120xi32, #tpu.memory_space<vmem>>
        %dma_start3A_830 = tpu.memref_slice %arg2[%mul3A_825] : memref<322560xi32, #tpu.memory_space<hbm>> -> memref<120xi32, #tpu.memory_space<hbm>>
        %dma_start3A_831 = arith.constant 0 : i32
        %dma_start3A_832 = tpu.memref_slice %arg10[%dma_start3A_826, %dma_start3A_831] : memref<1x120xi32, #tpu.memory_space<vmem>> -> memref<1x120xi32, #tpu.memory_space<vmem>>
        %dma_start3A_833 = tpu.memref_squeeze %dma_start3A_832 : memref<1x120xi32, #tpu.memory_space<vmem>> -> memref<120xi32, #tpu.memory_space<vmem>>
        %dma_start3A_834 = tpu.memref_slice %arg2[%mul3A_825] : memref<322560xi32, #tpu.memory_space<hbm>> -> memref<120xi32, #tpu.memory_space<hbm>>
        tpu.enqueue_dma source(%dma_start3A_834 : memref<120xi32, #tpu.memory_space<hbm>>) target(%dma_start3A_833 : memref<120xi32, #tpu.memory_space<vmem>>) target_semaphore(%arg22 : memref<!tpu.dma_semaphore, #tpu.memory_space<semaphore_mem>>)
      } else {
      }
      %mul3A_753 = arith.constant 12 : i32
      %mul3A_754 = arith.muli %add3A_426, %mul3A_753 : i32
      %add3A_755 = arith.constant 10 : i32
      %add3A_756 = arith.addi %mul3A_754, %add3A_755 : i32
      %dma_wait3A_757 = arith.constant 0 : i32
      %dma_wait3A_758 = arith.constant 0 : i32
      %dma_wait3A_759 = tpu.memref_slice %arg17[%dma_wait3A_757, %dma_wait3A_758] : memref<1x120xi32, #tpu.memory_space<vmem>> -> memref<1x120xi32, #tpu.memory_space<vmem>>
      %dma_wait3A_760 = tpu.memref_squeeze %dma_wait3A_759 : memref<1x120xi32, #tpu.memory_space<vmem>> -> memref<120xi32, #tpu.memory_space<vmem>>
      %dma_wait3A_761 = arith.constant 0 : i32
      %dma_wait3A_762 = tpu.memref_slice %arg2[%dma_wait3A_761] : memref<322560xi32, #tpu.memory_space<hbm>> -> memref<120xi32, #tpu.memory_space<hbm>>
      %dma_wait3A_763 = arith.constant 0 : i32
      %dma_wait3A_764 = tpu.memref_slice %arg17[%dma_wait3A_757, %dma_wait3A_763] : memref<1x120xi32, #tpu.memory_space<vmem>> -> memref<1x120xi32, #tpu.memory_space<vmem>>
      %dma_wait3A_765 = tpu.memref_squeeze %dma_wait3A_764 : memref<1x120xi32, #tpu.memory_space<vmem>> -> memref<120xi32, #tpu.memory_space<vmem>>
      %dma_wait3A_766 = arith.constant 0 : i32
      %dma_wait3A_767 = tpu.memref_slice %arg2[%dma_wait3A_766] : memref<322560xi32, #tpu.memory_space<hbm>> -> memref<120xi32, #tpu.memory_space<hbm>>
      tpu.wait_dma2 semaphore(%arg29 : memref<!tpu.dma_semaphore, #tpu.memory_space<semaphore_mem>>) src(%dma_wait3A_767 : memref<120xi32, #tpu.memory_space<hbm>>) dst(%dma_wait3A_765 : memref<120xi32, #tpu.memory_space<vmem>>)
      %ge3A_768 = arith.constant 6 : i32
      %ge3A_769 = arith.cmpi sge, %add3A_756, %ge3A_768 : i32
      %convert_element_type3A_770 = arith.extui %ge3A_769 : i1 to i32
      %cond3A_771 = arith.constant 0 : i32
      %cond3A_772 = arith.cmpi ne, %convert_element_type3A_770, %cond3A_771 : i32
      scf.if %cond3A_772 {
        %dma_wait3A_819 = arith.constant 0 : i32
        %dma_wait3A_820 = arith.constant 0 : i32
        %dma_wait3A_821 = tpu.memref_slice %arg11[%dma_wait3A_819, %dma_wait3A_820] : memref<1x120xi32, #tpu.memory_space<vmem>> -> memref<1x120xi32, #tpu.memory_space<vmem>>
        %dma_wait3A_822 = tpu.memref_squeeze %dma_wait3A_821 : memref<1x120xi32, #tpu.memory_space<vmem>> -> memref<120xi32, #tpu.memory_space<vmem>>
        %dma_wait3A_823 = arith.constant 0 : i32
        %dma_wait3A_824 = tpu.memref_slice %arg4[%dma_wait3A_823] : memref<10240xf32, #tpu.memory_space<vmem_shared>> -> memref<10240xf32, #tpu.memory_space<vmem_shared>>
        tpu.wait_indirect_dma semaphore(%arg35 : memref<!tpu.dma_semaphore, #tpu.memory_space<semaphore_mem>>) src(%arg5 : memref<120xf32, #tpu.memory_space<vmem>>) dst(%dma_wait3A_824 : memref<10240xf32, #tpu.memory_space<vmem_shared>>)
      } else {
      }
      %dma_start3A_773 = arith.constant 0 : i32
      %dma_start3A_774 = arith.constant 0 : i32
      %dma_start3A_775 = tpu.memref_slice %arg17[%dma_start3A_773, %dma_start3A_774] : memref<1x120xi32, #tpu.memory_space<vmem>> -> memref<1x120xi32, #tpu.memory_space<vmem>>
      %dma_start3A_776 = tpu.memref_squeeze %dma_start3A_775 : memref<1x120xi32, #tpu.memory_space<vmem>> -> memref<120xi32, #tpu.memory_space<vmem>>
      %dma_start3A_777 = arith.constant 0 : i32
      %dma_start3A_778 = tpu.memref_slice %arg4[%dma_start3A_777] : memref<10240xf32, #tpu.memory_space<vmem_shared>> -> memref<10240xf32, #tpu.memory_space<vmem_shared>>
      tpu.enqueue_indirect_dma source(%arg5 : memref<120xf32, #tpu.memory_space<vmem>>) target(%dma_start3A_778 : memref<10240xf32, #tpu.memory_space<vmem_shared>>) offsets(%dma_start3A_776 : memref<120xi32, #tpu.memory_space<vmem>>) semaphore(%arg41 : memref<!tpu.dma_semaphore, #tpu.memory_space<semaphore_mem>>) {add = true}
      %add3A_779 = arith.constant 6 : i32
      %add3A_780 = arith.addi %add3A_756, %add3A_779 : i32
      %lt3A_781 = arith.constant 84 : i32
      %lt3A_782 = arith.cmpi slt, %add3A_780, %lt3A_781 : i32
      %convert_element_type3A_783 = arith.extui %lt3A_782 : i1 to i32
      %cond3A_784 = arith.constant 0 : i32
      %cond3A_785 = arith.cmpi ne, %convert_element_type3A_783, %cond3A_784 : i32
      scf.if %cond3A_785 {
        %mul3A_819 = arith.constant 84 : i32
        %mul3A_820 = arith.muli %add3A, %mul3A_819 : i32
        %add3A_821 = arith.addi %mul3A_820, %add3A_756 : i32
        %add3A_822 = arith.constant 6 : i32
        %add3A_823 = arith.addi %add3A_821, %add3A_822 : i32
        %mul3A_824 = arith.constant 120 : i32
        %mul3A_825 = arith.muli %add3A_823, %mul3A_824 : i32
        %dma_start3A_826 = arith.constant 0 : i32
        %dma_start3A_827 = arith.constant 0 : i32
        %dma_start3A_828 = tpu.memref_slice %arg11[%dma_start3A_826, %dma_start3A_827] : memref<1x120xi32, #tpu.memory_space<vmem>> -> memref<1x120xi32, #tpu.memory_space<vmem>>
        %dma_start3A_829 = tpu.memref_squeeze %dma_start3A_828 : memref<1x120xi32, #tpu.memory_space<vmem>> -> memref<120xi32, #tpu.memory_space<vmem>>
        %dma_start3A_830 = tpu.memref_slice %arg2[%mul3A_825] : memref<322560xi32, #tpu.memory_space<hbm>> -> memref<120xi32, #tpu.memory_space<hbm>>
        %dma_start3A_831 = arith.constant 0 : i32
        %dma_start3A_832 = tpu.memref_slice %arg11[%dma_start3A_826, %dma_start3A_831] : memref<1x120xi32, #tpu.memory_space<vmem>> -> memref<1x120xi32, #tpu.memory_space<vmem>>
        %dma_start3A_833 = tpu.memref_squeeze %dma_start3A_832 : memref<1x120xi32, #tpu.memory_space<vmem>> -> memref<120xi32, #tpu.memory_space<vmem>>
        %dma_start3A_834 = tpu.memref_slice %arg2[%mul3A_825] : memref<322560xi32, #tpu.memory_space<hbm>> -> memref<120xi32, #tpu.memory_space<hbm>>
        tpu.enqueue_dma source(%dma_start3A_834 : memref<120xi32, #tpu.memory_space<hbm>>) target(%dma_start3A_833 : memref<120xi32, #tpu.memory_space<vmem>>) target_semaphore(%arg23 : memref<!tpu.dma_semaphore, #tpu.memory_space<semaphore_mem>>)
      } else {
      }
      %mul3A_786 = arith.constant 12 : i32
      %mul3A_787 = arith.muli %add3A_426, %mul3A_786 : i32
      %add3A_788 = arith.constant 11 : i32
      %add3A_789 = arith.addi %mul3A_787, %add3A_788 : i32
      %dma_wait3A_790 = arith.constant 0 : i32
      %dma_wait3A_791 = arith.constant 0 : i32
      %dma_wait3A_792 = tpu.memref_slice %arg18[%dma_wait3A_790, %dma_wait3A_791] : memref<1x120xi32, #tpu.memory_space<vmem>> -> memref<1x120xi32, #tpu.memory_space<vmem>>
      %dma_wait3A_793 = tpu.memref_squeeze %dma_wait3A_792 : memref<1x120xi32, #tpu.memory_space<vmem>> -> memref<120xi32, #tpu.memory_space<vmem>>
      %dma_wait3A_794 = arith.constant 0 : i32
      %dma_wait3A_795 = tpu.memref_slice %arg2[%dma_wait3A_794] : memref<322560xi32, #tpu.memory_space<hbm>> -> memref<120xi32, #tpu.memory_space<hbm>>
      %dma_wait3A_796 = arith.constant 0 : i32
      %dma_wait3A_797 = tpu.memref_slice %arg18[%dma_wait3A_790, %dma_wait3A_796] : memref<1x120xi32, #tpu.memory_space<vmem>> -> memref<1x120xi32, #tpu.memory_space<vmem>>
      %dma_wait3A_798 = tpu.memref_squeeze %dma_wait3A_797 : memref<1x120xi32, #tpu.memory_space<vmem>> -> memref<120xi32, #tpu.memory_space<vmem>>
      %dma_wait3A_799 = arith.constant 0 : i32
      %dma_wait3A_800 = tpu.memref_slice %arg2[%dma_wait3A_799] : memref<322560xi32, #tpu.memory_space<hbm>> -> memref<120xi32, #tpu.memory_space<hbm>>
      tpu.wait_dma2 semaphore(%arg30 : memref<!tpu.dma_semaphore, #tpu.memory_space<semaphore_mem>>) src(%dma_wait3A_800 : memref<120xi32, #tpu.memory_space<hbm>>) dst(%dma_wait3A_798 : memref<120xi32, #tpu.memory_space<vmem>>)
      %ge3A_801 = arith.constant 6 : i32
      %ge3A_802 = arith.cmpi sge, %add3A_789, %ge3A_801 : i32
      %convert_element_type3A_803 = arith.extui %ge3A_802 : i1 to i32
      %cond3A_804 = arith.constant 0 : i32
      %cond3A_805 = arith.cmpi ne, %convert_element_type3A_803, %cond3A_804 : i32
      scf.if %cond3A_805 {
        %dma_wait3A_819 = arith.constant 0 : i32
        %dma_wait3A_820 = arith.constant 0 : i32
        %dma_wait3A_821 = tpu.memref_slice %arg12[%dma_wait3A_819, %dma_wait3A_820] : memref<1x120xi32, #tpu.memory_space<vmem>> -> memref<1x120xi32, #tpu.memory_space<vmem>>
        %dma_wait3A_822 = tpu.memref_squeeze %dma_wait3A_821 : memref<1x120xi32, #tpu.memory_space<vmem>> -> memref<120xi32, #tpu.memory_space<vmem>>
        %dma_wait3A_823 = arith.constant 0 : i32
        %dma_wait3A_824 = tpu.memref_slice %arg4[%dma_wait3A_823] : memref<10240xf32, #tpu.memory_space<vmem_shared>> -> memref<10240xf32, #tpu.memory_space<vmem_shared>>
        tpu.wait_indirect_dma semaphore(%arg36 : memref<!tpu.dma_semaphore, #tpu.memory_space<semaphore_mem>>) src(%arg5 : memref<120xf32, #tpu.memory_space<vmem>>) dst(%dma_wait3A_824 : memref<10240xf32, #tpu.memory_space<vmem_shared>>)
      } else {
      }
      %dma_start3A_806 = arith.constant 0 : i32
      %dma_start3A_807 = arith.constant 0 : i32
      %dma_start3A_808 = tpu.memref_slice %arg18[%dma_start3A_806, %dma_start3A_807] : memref<1x120xi32, #tpu.memory_space<vmem>> -> memref<1x120xi32, #tpu.memory_space<vmem>>
      %dma_start3A_809 = tpu.memref_squeeze %dma_start3A_808 : memref<1x120xi32, #tpu.memory_space<vmem>> -> memref<120xi32, #tpu.memory_space<vmem>>
      %dma_start3A_810 = arith.constant 0 : i32
      %dma_start3A_811 = tpu.memref_slice %arg4[%dma_start3A_810] : memref<10240xf32, #tpu.memory_space<vmem_shared>> -> memref<10240xf32, #tpu.memory_space<vmem_shared>>
      tpu.enqueue_indirect_dma source(%arg5 : memref<120xf32, #tpu.memory_space<vmem>>) target(%dma_start3A_811 : memref<10240xf32, #tpu.memory_space<vmem_shared>>) offsets(%dma_start3A_809 : memref<120xi32, #tpu.memory_space<vmem>>) semaphore(%arg42 : memref<!tpu.dma_semaphore, #tpu.memory_space<semaphore_mem>>) {add = true}
      %add3A_812 = arith.constant 6 : i32
      %add3A_813 = arith.addi %add3A_789, %add3A_812 : i32
      %lt3A_814 = arith.constant 84 : i32
      %lt3A_815 = arith.cmpi slt, %add3A_813, %lt3A_814 : i32
      %convert_element_type3A_816 = arith.extui %lt3A_815 : i1 to i32
      %cond3A_817 = arith.constant 0 : i32
      %cond3A_818 = arith.cmpi ne, %convert_element_type3A_816, %cond3A_817 : i32
      scf.if %cond3A_818 {
        %mul3A_819 = arith.constant 84 : i32
        %mul3A_820 = arith.muli %add3A, %mul3A_819 : i32
        %add3A_821 = arith.addi %mul3A_820, %add3A_789 : i32
        %add3A_822 = arith.constant 6 : i32
        %add3A_823 = arith.addi %add3A_821, %add3A_822 : i32
        %mul3A_824 = arith.constant 120 : i32
        %mul3A_825 = arith.muli %add3A_823, %mul3A_824 : i32
        %dma_start3A_826 = arith.constant 0 : i32
        %dma_start3A_827 = arith.constant 0 : i32
        %dma_start3A_828 = tpu.memref_slice %arg12[%dma_start3A_826, %dma_start3A_827] : memref<1x120xi32, #tpu.memory_space<vmem>> -> memref<1x120xi32, #tpu.memory_space<vmem>>
        %dma_start3A_829 = tpu.memref_squeeze %dma_start3A_828 : memref<1x120xi32, #tpu.memory_space<vmem>> -> memref<120xi32, #tpu.memory_space<vmem>>
        %dma_start3A_830 = tpu.memref_slice %arg2[%mul3A_825] : memref<322560xi32, #tpu.memory_space<hbm>> -> memref<120xi32, #tpu.memory_space<hbm>>
        %dma_start3A_831 = arith.constant 0 : i32
        %dma_start3A_832 = tpu.memref_slice %arg12[%dma_start3A_826, %dma_start3A_831] : memref<1x120xi32, #tpu.memory_space<vmem>> -> memref<1x120xi32, #tpu.memory_space<vmem>>
        %dma_start3A_833 = tpu.memref_squeeze %dma_start3A_832 : memref<1x120xi32, #tpu.memory_space<vmem>> -> memref<120xi32, #tpu.memory_space<vmem>>
        %dma_start3A_834 = tpu.memref_slice %arg2[%mul3A_825] : memref<322560xi32, #tpu.memory_space<hbm>> -> memref<120xi32, #tpu.memory_space<hbm>>
        tpu.enqueue_dma source(%dma_start3A_834 : memref<120xi32, #tpu.memory_space<hbm>>) target(%dma_start3A_833 : memref<120xi32, #tpu.memory_space<vmem>>) target_semaphore(%arg24 : memref<!tpu.dma_semaphore, #tpu.memory_space<semaphore_mem>>)
      } else {
      }
    }
    %scan3A_381 = arith.constant 7 : i32
    %dma_wait3A = arith.constant 0 : i32
    %dma_wait3A_382 = arith.constant 0 : i32
    %dma_wait3A_383 = tpu.memref_slice %arg7[%dma_wait3A, %dma_wait3A_382] : memref<1x120xi32, #tpu.memory_space<vmem>> -> memref<1x120xi32, #tpu.memory_space<vmem>>
    %dma_wait3A_384 = tpu.memref_squeeze %dma_wait3A_383 : memref<1x120xi32, #tpu.memory_space<vmem>> -> memref<120xi32, #tpu.memory_space<vmem>>
    %dma_wait3A_385 = arith.constant 0 : i32
    %dma_wait3A_386 = tpu.memref_slice %arg4[%dma_wait3A_385] : memref<10240xf32, #tpu.memory_space<vmem_shared>> -> memref<10240xf32, #tpu.memory_space<vmem_shared>>
    tpu.wait_indirect_dma semaphore(%arg37 : memref<!tpu.dma_semaphore, #tpu.memory_space<semaphore_mem>>) src(%arg5 : memref<120xf32, #tpu.memory_space<vmem>>) dst(%dma_wait3A_386 : memref<10240xf32, #tpu.memory_space<vmem_shared>>)
    %dma_wait3A_387 = arith.constant 0 : i32
    %dma_wait3A_388 = arith.constant 0 : i32
    %dma_wait3A_389 = tpu.memref_slice %arg8[%dma_wait3A_387, %dma_wait3A_388] : memref<1x120xi32, #tpu.memory_space<vmem>> -> memref<1x120xi32, #tpu.memory_space<vmem>>
    %dma_wait3A_390 = tpu.memref_squeeze %dma_wait3A_389 : memref<1x120xi32, #tpu.memory_space<vmem>> -> memref<120xi32, #tpu.memory_space<vmem>>
    %dma_wait3A_391 = arith.constant 0 : i32
    %dma_wait3A_392 = tpu.memref_slice %arg4[%dma_wait3A_391] : memref<10240xf32, #tpu.memory_space<vmem_shared>> -> memref<10240xf32, #tpu.memory_space<vmem_shared>>
    tpu.wait_indirect_dma semaphore(%arg38 : memref<!tpu.dma_semaphore, #tpu.memory_space<semaphore_mem>>) src(%arg5 : memref<120xf32, #tpu.memory_space<vmem>>) dst(%dma_wait3A_392 : memref<10240xf32, #tpu.memory_space<vmem_shared>>)
    %dma_wait3A_393 = arith.constant 0 : i32
    %dma_wait3A_394 = arith.constant 0 : i32
    %dma_wait3A_395 = tpu.memref_slice %arg9[%dma_wait3A_393, %dma_wait3A_394] : memref<1x120xi32, #tpu.memory_space<vmem>> -> memref<1x120xi32, #tpu.memory_space<vmem>>
    %dma_wait3A_396 = tpu.memref_squeeze %dma_wait3A_395 : memref<1x120xi32, #tpu.memory_space<vmem>> -> memref<120xi32, #tpu.memory_space<vmem>>
    %dma_wait3A_397 = arith.constant 0 : i32
    %dma_wait3A_398 = tpu.memref_slice %arg4[%dma_wait3A_397] : memref<10240xf32, #tpu.memory_space<vmem_shared>> -> memref<10240xf32, #tpu.memory_space<vmem_shared>>
    tpu.wait_indirect_dma semaphore(%arg39 : memref<!tpu.dma_semaphore, #tpu.memory_space<semaphore_mem>>) src(%arg5 : memref<120xf32, #tpu.memory_space<vmem>>) dst(%dma_wait3A_398 : memref<10240xf32, #tpu.memory_space<vmem_shared>>)
    %dma_wait3A_399 = arith.constant 0 : i32
    %dma_wait3A_400 = arith.constant 0 : i32
    %dma_wait3A_401 = tpu.memref_slice %arg10[%dma_wait3A_399, %dma_wait3A_400] : memref<1x120xi32, #tpu.memory_space<vmem>> -> memref<1x120xi32, #tpu.memory_space<vmem>>
    %dma_wait3A_402 = tpu.memref_squeeze %dma_wait3A_401 : memref<1x120xi32, #tpu.memory_space<vmem>> -> memref<120xi32, #tpu.memory_space<vmem>>
    %dma_wait3A_403 = arith.constant 0 : i32
    %dma_wait3A_404 = tpu.memref_slice %arg4[%dma_wait3A_403] : memref<10240xf32, #tpu.memory_space<vmem_shared>> -> memref<10240xf32, #tpu.memory_space<vmem_shared>>
    tpu.wait_indirect_dma semaphore(%arg40 : memref<!tpu.dma_semaphore, #tpu.memory_space<semaphore_mem>>) src(%arg5 : memref<120xf32, #tpu.memory_space<vmem>>) dst(%dma_wait3A_404 : memref<10240xf32, #tpu.memory_space<vmem_shared>>)
    %dma_wait3A_405 = arith.constant 0 : i32
    %dma_wait3A_406 = arith.constant 0 : i32
    %dma_wait3A_407 = tpu.memref_slice %arg11[%dma_wait3A_405, %dma_wait3A_406] : memref<1x120xi32, #tpu.memory_space<vmem>> -> memref<1x120xi32, #tpu.memory_space<vmem>>
    %dma_wait3A_408 = tpu.memref_squeeze %dma_wait3A_407 : memref<1x120xi32, #tpu.memory_space<vmem>> -> memref<120xi32, #tpu.memory_space<vmem>>
    %dma_wait3A_409 = arith.constant 0 : i32
    %dma_wait3A_410 = tpu.memref_slice %arg4[%dma_wait3A_409] : memref<10240xf32, #tpu.memory_space<vmem_shared>> -> memref<10240xf32, #tpu.memory_space<vmem_shared>>
    tpu.wait_indirect_dma semaphore(%arg41 : memref<!tpu.dma_semaphore, #tpu.memory_space<semaphore_mem>>) src(%arg5 : memref<120xf32, #tpu.memory_space<vmem>>) dst(%dma_wait3A_410 : memref<10240xf32, #tpu.memory_space<vmem_shared>>)
    %dma_wait3A_411 = arith.constant 0 : i32
    %dma_wait3A_412 = arith.constant 0 : i32
    %dma_wait3A_413 = tpu.memref_slice %arg12[%dma_wait3A_411, %dma_wait3A_412] : memref<1x120xi32, #tpu.memory_space<vmem>> -> memref<1x120xi32, #tpu.memory_space<vmem>>
    %dma_wait3A_414 = tpu.memref_squeeze %dma_wait3A_413 : memref<1x120xi32, #tpu.memory_space<vmem>> -> memref<120xi32, #tpu.memory_space<vmem>>
    %dma_wait3A_415 = arith.constant 0 : i32
    %dma_wait3A_416 = tpu.memref_slice %arg4[%dma_wait3A_415] : memref<10240xf32, #tpu.memory_space<vmem_shared>> -> memref<10240xf32, #tpu.memory_space<vmem_shared>>
    tpu.wait_indirect_dma semaphore(%arg42 : memref<!tpu.dma_semaphore, #tpu.memory_space<semaphore_mem>>) src(%arg5 : memref<120xf32, #tpu.memory_space<vmem>>) dst(%dma_wait3A_416 : memref<10240xf32, #tpu.memory_space<vmem_shared>>)
    %barrier3A_417 = arith.constant 0 : index
    tpu.barrier barrier_id(%barrier3A_417)
    %mul3A_418 = arith.constant 640 : i32
    %mul3A_419 = arith.muli %arg1, %mul3A_418 : i32
    %mul3A_420 = arith.constant 640 : i32
    %mul3A_421 = arith.muli %arg1, %mul3A_420 : i32
    "tpu.region"() ({
      %run_scoped3A = tpu.sem_alloc : memref<!tpu.dma_semaphore, #tpu.memory_space<semaphore_mem>>
      %dma_start3A_422 = tpu.memref_slice %arg3[%arg0, %mul3A_421] : memref<2x10240xf32, #tpu.memory_space<hbm>> -> memref<1x640xf32, #tpu.memory_space<hbm>>
      %dma_start3A_423 = tpu.memref_squeeze %dma_start3A_422 : memref<1x640xf32, #tpu.memory_space<hbm>> -> memref<640xf32, #tpu.memory_space<hbm>>
      %dma_start3A_424 = tpu.memref_slice %arg4[%mul3A_419] : memref<10240xf32, #tpu.memory_space<vmem_shared>> -> memref<640xf32, #tpu.memory_space<vmem_shared>>
      tpu.enqueue_dma source(%dma_start3A_424 : memref<640xf32, #tpu.memory_space<vmem_shared>>) target(%dma_start3A_423 : memref<640xf32, #tpu.memory_space<hbm>>) target_semaphore(%run_scoped3A : memref<!tpu.dma_semaphore, #tpu.memory_space<semaphore_mem>>)
      %dma_wait3A_425 = tpu.memref_slice %arg3[%arg0, %mul3A_421] : memref<2x10240xf32, #tpu.memory_space<hbm>> -> memref<1x640xf32, #tpu.memory_space<hbm>>
      %dma_wait3A_426 = tpu.memref_squeeze %dma_wait3A_425 : memref<1x640xf32, #tpu.memory_space<hbm>> -> memref<640xf32, #tpu.memory_space<hbm>>
      %dma_wait3A_427 = tpu.memref_slice %arg4[%mul3A_419] : memref<10240xf32, #tpu.memory_space<vmem_shared>> -> memref<640xf32, #tpu.memory_space<vmem_shared>>
      tpu.wait_dma2 semaphore(%run_scoped3A : memref<!tpu.dma_semaphore, #tpu.memory_space<semaphore_mem>>) src(%dma_wait3A_427 : memref<640xf32, #tpu.memory_space<vmem_shared>>) dst(%dma_wait3A_426 : memref<640xf32, #tpu.memory_space<hbm>>)
      tpu.yield
    }) : () -> ()
    return
  }
}

#map = affine_map<(d0, d1) -> (0, 0)>
#map1 = affine_map<(d0, d1) -> (0)>
#map2 = affine_map<(d0, d1) -> (0, 0, 0)>
module attributes {stable_mosaic.version = 14 : i64} {
  func.func @_agg_body(%arg0: i32, %arg1: i32, %arg2: memref<10000x128xf32, #tpu.memory_space<hbm>>, %arg3: memref<322560xi32, #tpu.memory_space<hbm>>, %arg4: memref<322560xi32, #tpu.memory_space<hbm>>, %arg5: memref<2x10240x128xf32, #tpu.memory_space<hbm>>, %arg6: memref<10112x128xf32, #tpu.memory_space<vmem_shared>>, %arg7: memref<1x120xi32, #tpu.memory_space<vmem>>, %arg8: memref<1x120xi32, #tpu.memory_space<vmem>>, %arg9: memref<1x120xi32, #tpu.memory_space<vmem>>, %arg10: memref<1x120xi32, #tpu.memory_space<vmem>>, %arg11: memref<1x120xi32, #tpu.memory_space<vmem>>, %arg12: memref<1x120xi32, #tpu.memory_space<vmem>>, %arg13: memref<1x120xi32, #tpu.memory_space<vmem>>, %arg14: memref<1x120xi32, #tpu.memory_space<vmem>>, %arg15: memref<1x120xi32, #tpu.memory_space<vmem>>, %arg16: memref<1x120xi32, #tpu.memory_space<vmem>>, %arg17: memref<1x120xi32, #tpu.memory_space<vmem>>, %arg18: memref<1x120xi32, #tpu.memory_space<vmem>>, %arg19: memref<120x128xf32, #tpu.memory_space<vmem>>, %arg20: memref<120x128xf32, #tpu.memory_space<vmem>>, %arg21: memref<120x128xf32, #tpu.memory_space<vmem>>, %arg22: memref<!tpu.dma_semaphore, #tpu.memory_space<semaphore_mem>>, %arg23: memref<!tpu.dma_semaphore, #tpu.memory_space<semaphore_mem>>, %arg24: memref<!tpu.dma_semaphore, #tpu.memory_space<semaphore_mem>>, %arg25: memref<!tpu.dma_semaphore, #tpu.memory_space<semaphore_mem>>, %arg26: memref<!tpu.dma_semaphore, #tpu.memory_space<semaphore_mem>>, %arg27: memref<!tpu.dma_semaphore, #tpu.memory_space<semaphore_mem>>, %arg28: memref<!tpu.dma_semaphore, #tpu.memory_space<semaphore_mem>>, %arg29: memref<!tpu.dma_semaphore, #tpu.memory_space<semaphore_mem>>, %arg30: memref<!tpu.dma_semaphore, #tpu.memory_space<semaphore_mem>>, %arg31: memref<!tpu.dma_semaphore, #tpu.memory_space<semaphore_mem>>, %arg32: memref<!tpu.dma_semaphore, #tpu.memory_space<semaphore_mem>>, %arg33: memref<!tpu.dma_semaphore, #tpu.memory_space<semaphore_mem>>) attributes {dimension_semantics = [#tpu.dimension_semantics<core_parallel>, #tpu.dimension_semantics<subcore_parallel>], iteration_bounds = array<i64: 2, 16>, scalar_prefetch = 0 : i64, scratch_operands = 28 : i64, tpu.core_type = #tpu.core_type<sc_vector_subcore>, window_params = [{transform_indices = #map}, {transform_indices = #map1}, {transform_indices = #map1}, {transform_indices = #map2}]} {
    %mul3A = arith.constant 2 : i32
    %mul3A_0 = arith.muli %arg1, %mul3A : i32
    %add3A = arith.addi %mul3A_0, %arg0 : i32
    %scan3A = arith.constant 0 : i32
    %scan3A_1 = arith.constant 120 : i32
    %scan3A_2 = arith.addi %scan3A, %scan3A_1 : i32
    %scan3A_3 = arith.constant 1 : i32
    scf.for %scan3A_162 = %scan3A to %scan3A_2 step %scan3A_3  : i32 {
      %mul3A_163 = arith.constant 1 : i32
      %mul3A_164 = arith.muli %scan3A_162, %mul3A_163 : i32
      %add3A_165 = arith.constant 0 : i32
      %add3A_166 = arith.addi %add3A_165, %mul3A_164 : i32
      %broadcast_in_dim3A = arith.constant 0.000000e+00 : f32
      %broadcast_in_dim3A_167 = vector.broadcast %broadcast_in_dim3A : f32 to vector<16xf32>
      %swap3A = arith.index_cast %add3A_166 : i32 to index
      %swap3A_168 = arith.constant 0 : index
      %swap3A_169 = tpu.vector_load %arg19[%swap3A, %swap3A_168] {strides = array<i32>} : memref<120x128xf32, #tpu.memory_space<vmem>>, vector<1x16xf32>,
      %swap3A_170 = vector.shape_cast %swap3A_169 : vector<1x16xf32> to vector<16xf32>
      %swap3A_171 = vector.shape_cast %broadcast_in_dim3A_167 : vector<16xf32> to vector<1x16xf32>
      tpu.vector_store %arg19[%swap3A, %swap3A_168], %swap3A_171 {strides = array<i32>} : memref<120x128xf32, #tpu.memory_space<vmem>>, vector<1x16xf32>,
      %broadcast_in_dim3A_172 = arith.constant 0.000000e+00 : f32
      %broadcast_in_dim3A_173 = vector.broadcast %broadcast_in_dim3A_172 : f32 to vector<16xf32>
      %swap3A_174 = arith.index_cast %add3A_166 : i32 to index
      %swap3A_175 = arith.constant 16 : index
      %swap3A_176 = tpu.vector_load %arg19[%swap3A_174, %swap3A_175] {strides = array<i32>} : memref<120x128xf32, #tpu.memory_space<vmem>>, vector<1x16xf32>,
      %swap3A_177 = vector.shape_cast %swap3A_176 : vector<1x16xf32> to vector<16xf32>
      %swap3A_178 = vector.shape_cast %broadcast_in_dim3A_173 : vector<16xf32> to vector<1x16xf32>
      tpu.vector_store %arg19[%swap3A_174, %swap3A_175], %swap3A_178 {strides = array<i32>} : memref<120x128xf32, #tpu.memory_space<vmem>>, vector<1x16xf32>,
      %broadcast_in_dim3A_179 = arith.constant 0.000000e+00 : f32
      %broadcast_in_dim3A_180 = vector.broadcast %broadcast_in_dim3A_179 : f32 to vector<16xf32>
      %swap3A_181 = arith.index_cast %add3A_166 : i32 to index
      %swap3A_182 = arith.constant 32 : index
      %swap3A_183 = tpu.vector_load %arg19[%swap3A_181, %swap3A_182] {strides = array<i32>} : memref<120x128xf32, #tpu.memory_space<vmem>>, vector<1x16xf32>,
      %swap3A_184 = vector.shape_cast %swap3A_183 : vector<1x16xf32> to vector<16xf32>
      %swap3A_185 = vector.shape_cast %broadcast_in_dim3A_180 : vector<16xf32> to vector<1x16xf32>
      tpu.vector_store %arg19[%swap3A_181, %swap3A_182], %swap3A_185 {strides = array<i32>} : memref<120x128xf32, #tpu.memory_space<vmem>>, vector<1x16xf32>,
      %broadcast_in_dim3A_186 = arith.constant 0.000000e+00 : f32
      %broadcast_in_dim3A_187 = vector.broadcast %broadcast_in_dim3A_186 : f32 to vector<16xf32>
      %swap3A_188 = arith.index_cast %add3A_166 : i32 to index
      %swap3A_189 = arith.constant 48 : index
      %swap3A_190 = tpu.vector_load %arg19[%swap3A_188, %swap3A_189] {strides = array<i32>} : memref<120x128xf32, #tpu.memory_space<vmem>>, vector<1x16xf32>,
      %swap3A_191 = vector.shape_cast %swap3A_190 : vector<1x16xf32> to vector<16xf32>
      %swap3A_192 = vector.shape_cast %broadcast_in_dim3A_187 : vector<16xf32> to vector<1x16xf32>
      tpu.vector_store %arg19[%swap3A_188, %swap3A_189], %swap3A_192 {strides = array<i32>} : memref<120x128xf32, #tpu.memory_space<vmem>>, vector<1x16xf32>,
      %broadcast_in_dim3A_193 = arith.constant 0.000000e+00 : f32
      %broadcast_in_dim3A_194 = vector.broadcast %broadcast_in_dim3A_193 : f32 to vector<16xf32>
      %swap3A_195 = arith.index_cast %add3A_166 : i32 to index
      %swap3A_196 = arith.constant 64 : index
      %swap3A_197 = tpu.vector_load %arg19[%swap3A_195, %swap3A_196] {strides = array<i32>} : memref<120x128xf32, #tpu.memory_space<vmem>>, vector<1x16xf32>,
      %swap3A_198 = vector.shape_cast %swap3A_197 : vector<1x16xf32> to vector<16xf32>
      %swap3A_199 = vector.shape_cast %broadcast_in_dim3A_194 : vector<16xf32> to vector<1x16xf32>
      tpu.vector_store %arg19[%swap3A_195, %swap3A_196], %swap3A_199 {strides = array<i32>} : memref<120x128xf32, #tpu.memory_space<vmem>>, vector<1x16xf32>,
      %broadcast_in_dim3A_200 = arith.constant 0.000000e+00 : f32
      %broadcast_in_dim3A_201 = vector.broadcast %broadcast_in_dim3A_200 : f32 to vector<16xf32>
      %swap3A_202 = arith.index_cast %add3A_166 : i32 to index
      %swap3A_203 = arith.constant 80 : index
      %swap3A_204 = tpu.vector_load %arg19[%swap3A_202, %swap3A_203] {strides = array<i32>} : memref<120x128xf32, #tpu.memory_space<vmem>>, vector<1x16xf32>,
      %swap3A_205 = vector.shape_cast %swap3A_204 : vector<1x16xf32> to vector<16xf32>
      %swap3A_206 = vector.shape_cast %broadcast_in_dim3A_201 : vector<16xf32> to vector<1x16xf32>
      tpu.vector_store %arg19[%swap3A_202, %swap3A_203], %swap3A_206 {strides = array<i32>} : memref<120x128xf32, #tpu.memory_space<vmem>>, vector<1x16xf32>,
      %broadcast_in_dim3A_207 = arith.constant 0.000000e+00 : f32
      %broadcast_in_dim3A_208 = vector.broadcast %broadcast_in_dim3A_207 : f32 to vector<16xf32>
      %swap3A_209 = arith.index_cast %add3A_166 : i32 to index
      %swap3A_210 = arith.constant 96 : index
      %swap3A_211 = tpu.vector_load %arg19[%swap3A_209, %swap3A_210] {strides = array<i32>} : memref<120x128xf32, #tpu.memory_space<vmem>>, vector<1x16xf32>,
      %swap3A_212 = vector.shape_cast %swap3A_211 : vector<1x16xf32> to vector<16xf32>
      %swap3A_213 = vector.shape_cast %broadcast_in_dim3A_208 : vector<16xf32> to vector<1x16xf32>
      tpu.vector_store %arg19[%swap3A_209, %swap3A_210], %swap3A_213 {strides = array<i32>} : memref<120x128xf32, #tpu.memory_space<vmem>>, vector<1x16xf32>,
      %broadcast_in_dim3A_214 = arith.constant 0.000000e+00 : f32
      %broadcast_in_dim3A_215 = vector.broadcast %broadcast_in_dim3A_214 : f32 to vector<16xf32>
      %swap3A_216 = arith.index_cast %add3A_166 : i32 to index
      %swap3A_217 = arith.constant 112 : index
      %swap3A_218 = tpu.vector_load %arg19[%swap3A_216, %swap3A_217] {strides = array<i32>} : memref<120x128xf32, #tpu.memory_space<vmem>>, vector<1x16xf32>,
      %swap3A_219 = vector.shape_cast %swap3A_218 : vector<1x16xf32> to vector<16xf32>
      %swap3A_220 = vector.shape_cast %broadcast_in_dim3A_215 : vector<16xf32> to vector<1x16xf32>
      tpu.vector_store %arg19[%swap3A_216, %swap3A_217], %swap3A_220 {strides = array<i32>} : memref<120x128xf32, #tpu.memory_space<vmem>>, vector<1x16xf32>,
    }
    %scan3A_4 = arith.constant 120 : i32
    %mul3A_5 = arith.constant 632 : i32
    %mul3A_6 = arith.muli %arg1, %mul3A_5 : i32
    %add3A_7 = arith.constant 0 : i32
    %add3A_8 = arith.addi %mul3A_6, %add3A_7 : i32
    "tpu.region"() ({
      %run_scoped3A = tpu.sem_alloc : memref<!tpu.dma_semaphore, #tpu.memory_space<semaphore_mem>>
      %dma_start3A_162 = arith.constant 0 : i32
      %dma_start3A_163 = tpu.memref_slice %arg6[%add3A_8, %dma_start3A_162] : memref<10112x128xf32, #tpu.memory_space<vmem_shared>> -> memref<120x128xf32, #tpu.memory_space<vmem_shared>>
      %dma_start3A_164 = arith.constant 0 : i32
      %dma_start3A_165 = tpu.memref_slice %arg6[%add3A_8, %dma_start3A_164] : memref<10112x128xf32, #tpu.memory_space<vmem_shared>> -> memref<120x128xf32, #tpu.memory_space<vmem_shared>>
      tpu.enqueue_dma source(%arg19 : memref<120x128xf32, #tpu.memory_space<vmem>>) target(%dma_start3A_165 : memref<120x128xf32, #tpu.memory_space<vmem_shared>>) target_semaphore(%run_scoped3A : memref<!tpu.dma_semaphore, #tpu.memory_space<semaphore_mem>>)
      %dma_wait3A_166 = arith.constant 0 : i32
      %dma_wait3A_167 = tpu.memref_slice %arg6[%add3A_8, %dma_wait3A_166] : memref<10112x128xf32, #tpu.memory_space<vmem_shared>> -> memref<120x128xf32, #tpu.memory_space<vmem_shared>>
      %dma_wait3A_168 = arith.constant 0 : i32
      %dma_wait3A_169 = tpu.memref_slice %arg6[%add3A_8, %dma_wait3A_168] : memref<10112x128xf32, #tpu.memory_space<vmem_shared>> -> memref<120x128xf32, #tpu.memory_space<vmem_shared>>
      tpu.wait_dma2 semaphore(%run_scoped3A : memref<!tpu.dma_semaphore, #tpu.memory_space<semaphore_mem>>) src(%arg19 : memref<120x128xf32, #tpu.memory_space<vmem>>) dst(%dma_wait3A_169 : memref<120x128xf32, #tpu.memory_space<vmem_shared>>)
      tpu.yield
    }) : () -> ()
    %mul3A_9 = arith.constant 632 : i32
    %mul3A_10 = arith.muli %arg1, %mul3A_9 : i32
    %add3A_11 = arith.constant 120 : i32
    %add3A_12 = arith.addi %mul3A_10, %add3A_11 : i32
    "tpu.region"() ({
      %run_scoped3A = tpu.sem_alloc : memref<!tpu.dma_semaphore, #tpu.memory_space<semaphore_mem>>
      %dma_start3A_162 = arith.constant 0 : i32
      %dma_start3A_163 = tpu.memref_slice %arg6[%add3A_12, %dma_start3A_162] : memref<10112x128xf32, #tpu.memory_space<vmem_shared>> -> memref<120x128xf32, #tpu.memory_space<vmem_shared>>
      %dma_start3A_164 = arith.constant 0 : i32
      %dma_start3A_165 = tpu.memref_slice %arg6[%add3A_12, %dma_start3A_164] : memref<10112x128xf32, #tpu.memory_space<vmem_shared>> -> memref<120x128xf32, #tpu.memory_space<vmem_shared>>
      tpu.enqueue_dma source(%arg19 : memref<120x128xf32, #tpu.memory_space<vmem>>) target(%dma_start3A_165 : memref<120x128xf32, #tpu.memory_space<vmem_shared>>) target_semaphore(%run_scoped3A : memref<!tpu.dma_semaphore, #tpu.memory_space<semaphore_mem>>)
      %dma_wait3A_166 = arith.constant 0 : i32
      %dma_wait3A_167 = tpu.memref_slice %arg6[%add3A_12, %dma_wait3A_166] : memref<10112x128xf32, #tpu.memory_space<vmem_shared>> -> memref<120x128xf32, #tpu.memory_space<vmem_shared>>
      %dma_wait3A_168 = arith.constant 0 : i32
      %dma_wait3A_169 = tpu.memref_slice %arg6[%add3A_12, %dma_wait3A_168] : memref<10112x128xf32, #tpu.memory_space<vmem_shared>> -> memref<120x128xf32, #tpu.memory_space<vmem_shared>>
      tpu.wait_dma2 semaphore(%run_scoped3A : memref<!tpu.dma_semaphore, #tpu.memory_space<semaphore_mem>>) src(%arg19 : memref<120x128xf32, #tpu.memory_space<vmem>>) dst(%dma_wait3A_169 : memref<120x128xf32, #tpu.memory_space<vmem_shared>>)
      tpu.yield
    }) : () -> ()
    %mul3A_13 = arith.constant 632 : i32
    %mul3A_14 = arith.muli %arg1, %mul3A_13 : i32
    %add3A_15 = arith.constant 240 : i32
    %add3A_16 = arith.addi %mul3A_14, %add3A_15 : i32
    "tpu.region"() ({
      %run_scoped3A = tpu.sem_alloc : memref<!tpu.dma_semaphore, #tpu.memory_space<semaphore_mem>>
      %dma_start3A_162 = arith.constant 0 : i32
      %dma_start3A_163 = tpu.memref_slice %arg6[%add3A_16, %dma_start3A_162] : memref<10112x128xf32, #tpu.memory_space<vmem_shared>> -> memref<120x128xf32, #tpu.memory_space<vmem_shared>>
      %dma_start3A_164 = arith.constant 0 : i32
      %dma_start3A_165 = tpu.memref_slice %arg6[%add3A_16, %dma_start3A_164] : memref<10112x128xf32, #tpu.memory_space<vmem_shared>> -> memref<120x128xf32, #tpu.memory_space<vmem_shared>>
      tpu.enqueue_dma source(%arg19 : memref<120x128xf32, #tpu.memory_space<vmem>>) target(%dma_start3A_165 : memref<120x128xf32, #tpu.memory_space<vmem_shared>>) target_semaphore(%run_scoped3A : memref<!tpu.dma_semaphore, #tpu.memory_space<semaphore_mem>>)
      %dma_wait3A_166 = arith.constant 0 : i32
      %dma_wait3A_167 = tpu.memref_slice %arg6[%add3A_16, %dma_wait3A_166] : memref<10112x128xf32, #tpu.memory_space<vmem_shared>> -> memref<120x128xf32, #tpu.memory_space<vmem_shared>>
      %dma_wait3A_168 = arith.constant 0 : i32
      %dma_wait3A_169 = tpu.memref_slice %arg6[%add3A_16, %dma_wait3A_168] : memref<10112x128xf32, #tpu.memory_space<vmem_shared>> -> memref<120x128xf32, #tpu.memory_space<vmem_shared>>
      tpu.wait_dma2 semaphore(%run_scoped3A : memref<!tpu.dma_semaphore, #tpu.memory_space<semaphore_mem>>) src(%arg19 : memref<120x128xf32, #tpu.memory_space<vmem>>) dst(%dma_wait3A_169 : memref<120x128xf32, #tpu.memory_space<vmem_shared>>)
      tpu.yield
    }) : () -> ()
    %mul3A_17 = arith.constant 632 : i32
    %mul3A_18 = arith.muli %arg1, %mul3A_17 : i32
    %add3A_19 = arith.constant 360 : i32
    %add3A_20 = arith.addi %mul3A_18, %add3A_19 : i32
    "tpu.region"() ({
      %run_scoped3A = tpu.sem_alloc : memref<!tpu.dma_semaphore, #tpu.memory_space<semaphore_mem>>
      %dma_start3A_162 = arith.constant 0 : i32
      %dma_start3A_163 = tpu.memref_slice %arg6[%add3A_20, %dma_start3A_162] : memref<10112x128xf32, #tpu.memory_space<vmem_shared>> -> memref<120x128xf32, #tpu.memory_space<vmem_shared>>
      %dma_start3A_164 = arith.constant 0 : i32
      %dma_start3A_165 = tpu.memref_slice %arg6[%add3A_20, %dma_start3A_164] : memref<10112x128xf32, #tpu.memory_space<vmem_shared>> -> memref<120x128xf32, #tpu.memory_space<vmem_shared>>
      tpu.enqueue_dma source(%arg19 : memref<120x128xf32, #tpu.memory_space<vmem>>) target(%dma_start3A_165 : memref<120x128xf32, #tpu.memory_space<vmem_shared>>) target_semaphore(%run_scoped3A : memref<!tpu.dma_semaphore, #tpu.memory_space<semaphore_mem>>)
      %dma_wait3A_166 = arith.constant 0 : i32
      %dma_wait3A_167 = tpu.memref_slice %arg6[%add3A_20, %dma_wait3A_166] : memref<10112x128xf32, #tpu.memory_space<vmem_shared>> -> memref<120x128xf32, #tpu.memory_space<vmem_shared>>
      %dma_wait3A_168 = arith.constant 0 : i32
      %dma_wait3A_169 = tpu.memref_slice %arg6[%add3A_20, %dma_wait3A_168] : memref<10112x128xf32, #tpu.memory_space<vmem_shared>> -> memref<120x128xf32, #tpu.memory_space<vmem_shared>>
      tpu.wait_dma2 semaphore(%run_scoped3A : memref<!tpu.dma_semaphore, #tpu.memory_space<semaphore_mem>>) src(%arg19 : memref<120x128xf32, #tpu.memory_space<vmem>>) dst(%dma_wait3A_169 : memref<120x128xf32, #tpu.memory_space<vmem_shared>>)
      tpu.yield
    }) : () -> ()
    %mul3A_21 = arith.constant 632 : i32
    %mul3A_22 = arith.muli %arg1, %mul3A_21 : i32
    %add3A_23 = arith.constant 480 : i32
    %add3A_24 = arith.addi %mul3A_22, %add3A_23 : i32
    "tpu.region"() ({
      %run_scoped3A = tpu.sem_alloc : memref<!tpu.dma_semaphore, #tpu.memory_space<semaphore_mem>>
      %dma_start3A_162 = arith.constant 0 : i32
      %dma_start3A_163 = tpu.memref_slice %arg6[%add3A_24, %dma_start3A_162] : memref<10112x128xf32, #tpu.memory_space<vmem_shared>> -> memref<120x128xf32, #tpu.memory_space<vmem_shared>>
      %dma_start3A_164 = arith.constant 0 : i32
      %dma_start3A_165 = tpu.memref_slice %arg6[%add3A_24, %dma_start3A_164] : memref<10112x128xf32, #tpu.memory_space<vmem_shared>> -> memref<120x128xf32, #tpu.memory_space<vmem_shared>>
      tpu.enqueue_dma source(%arg19 : memref<120x128xf32, #tpu.memory_space<vmem>>) target(%dma_start3A_165 : memref<120x128xf32, #tpu.memory_space<vmem_shared>>) target_semaphore(%run_scoped3A : memref<!tpu.dma_semaphore, #tpu.memory_space<semaphore_mem>>)
      %dma_wait3A_166 = arith.constant 0 : i32
      %dma_wait3A_167 = tpu.memref_slice %arg6[%add3A_24, %dma_wait3A_166] : memref<10112x128xf32, #tpu.memory_space<vmem_shared>> -> memref<120x128xf32, #tpu.memory_space<vmem_shared>>
      %dma_wait3A_168 = arith.constant 0 : i32
      %dma_wait3A_169 = tpu.memref_slice %arg6[%add3A_24, %dma_wait3A_168] : memref<10112x128xf32, #tpu.memory_space<vmem_shared>> -> memref<120x128xf32, #tpu.memory_space<vmem_shared>>
      tpu.wait_dma2 semaphore(%run_scoped3A : memref<!tpu.dma_semaphore, #tpu.memory_space<semaphore_mem>>) src(%arg19 : memref<120x128xf32, #tpu.memory_space<vmem>>) dst(%dma_wait3A_169 : memref<120x128xf32, #tpu.memory_space<vmem_shared>>)
      tpu.yield
    }) : () -> ()
    %mul3A_25 = arith.constant 632 : i32
    %mul3A_26 = arith.muli %arg1, %mul3A_25 : i32
    %add3A_27 = arith.constant 600 : i32
    %add3A_28 = arith.addi %mul3A_26, %add3A_27 : i32
    "tpu.region"() ({
      %run_scoped3A = tpu.sem_alloc : memref<!tpu.dma_semaphore, #tpu.memory_space<semaphore_mem>>
      %dma_start3A_162 = arith.constant 0 : i32
      %dma_start3A_163 = arith.constant 0 : i32
      %dma_start3A_164 = tpu.memref_slice %arg19[%dma_start3A_162, %dma_start3A_163] : memref<120x128xf32, #tpu.memory_space<vmem>> -> memref<32x128xf32, #tpu.memory_space<vmem>>
      %dma_start3A_165 = arith.constant 0 : i32
      %dma_start3A_166 = tpu.memref_slice %arg6[%add3A_28, %dma_start3A_165] : memref<10112x128xf32, #tpu.memory_space<vmem_shared>> -> memref<32x128xf32, #tpu.memory_space<vmem_shared>>
      %dma_start3A_167 = arith.constant 0 : i32
      %dma_start3A_168 = tpu.memref_slice %arg6[%add3A_28, %dma_start3A_167] : memref<10112x128xf32, #tpu.memory_space<vmem_shared>> -> memref<32x128xf32, #tpu.memory_space<vmem_shared>>
      %dma_start3A_169 = arith.constant 0 : i32
      %dma_start3A_170 = arith.constant 0 : i32
      %dma_start3A_171 = tpu.memref_slice %arg19[%dma_start3A_169, %dma_start3A_170] : memref<120x128xf32, #tpu.memory_space<vmem>> -> memref<32x128xf32, #tpu.memory_space<vmem>>
      tpu.enqueue_dma source(%dma_start3A_171 : memref<32x128xf32, #tpu.memory_space<vmem>>) target(%dma_start3A_168 : memref<32x128xf32, #tpu.memory_space<vmem_shared>>) target_semaphore(%run_scoped3A : memref<!tpu.dma_semaphore, #tpu.memory_space<semaphore_mem>>)
      %dma_wait3A_172 = arith.constant 0 : i32
      %dma_wait3A_173 = arith.constant 0 : i32
      %dma_wait3A_174 = tpu.memref_slice %arg19[%dma_wait3A_172, %dma_wait3A_173] : memref<120x128xf32, #tpu.memory_space<vmem>> -> memref<32x128xf32, #tpu.memory_space<vmem>>
      %dma_wait3A_175 = arith.constant 0 : i32
      %dma_wait3A_176 = tpu.memref_slice %arg6[%add3A_28, %dma_wait3A_175] : memref<10112x128xf32, #tpu.memory_space<vmem_shared>> -> memref<32x128xf32, #tpu.memory_space<vmem_shared>>
      %dma_wait3A_177 = arith.constant 0 : i32
      %dma_wait3A_178 = tpu.memref_slice %arg6[%add3A_28, %dma_wait3A_177] : memref<10112x128xf32, #tpu.memory_space<vmem_shared>> -> memref<32x128xf32, #tpu.memory_space<vmem_shared>>
      %dma_wait3A_179 = arith.constant 0 : i32
      %dma_wait3A_180 = arith.constant 0 : i32
      %dma_wait3A_181 = tpu.memref_slice %arg19[%dma_wait3A_179, %dma_wait3A_180] : memref<120x128xf32, #tpu.memory_space<vmem>> -> memref<32x128xf32, #tpu.memory_space<vmem>>
      tpu.wait_dma2 semaphore(%run_scoped3A : memref<!tpu.dma_semaphore, #tpu.memory_space<semaphore_mem>>) src(%dma_wait3A_181 : memref<32x128xf32, #tpu.memory_space<vmem>>) dst(%dma_wait3A_178 : memref<32x128xf32, #tpu.memory_space<vmem_shared>>)
      tpu.yield
    }) : () -> ()
    %barrier3A = arith.constant 0 : index
    tpu.barrier barrier_id(%barrier3A)
    %mul3A_29 = arith.constant 84 : i32
    %mul3A_30 = arith.muli %add3A, %mul3A_29 : i32
    %add3A_31 = arith.constant 0 : i32
    %add3A_32 = arith.addi %mul3A_30, %add3A_31 : i32
    %mul3A_33 = arith.constant 120 : i32
    %mul3A_34 = arith.muli %add3A_32, %mul3A_33 : i32
    %dma_start3A = arith.constant 0 : i32
    %dma_start3A_35 = arith.constant 0 : i32
    %dma_start3A_36 = tpu.memref_slice %arg7[%dma_start3A, %dma_start3A_35] : memref<1x120xi32, #tpu.memory_space<vmem>> -> memref<1x120xi32, #tpu.memory_space<vmem>>
    %dma_start3A_37 = tpu.memref_squeeze %dma_start3A_36 : memref<1x120xi32, #tpu.memory_space<vmem>> -> memref<120xi32, #tpu.memory_space<vmem>>
    %dma_start3A_38 = tpu.memref_slice %arg3[%mul3A_34] : memref<322560xi32, #tpu.memory_space<hbm>> -> memref<120xi32, #tpu.memory_space<hbm>>
    %dma_start3A_39 = arith.constant 0 : i32
    %dma_start3A_40 = tpu.memref_slice %arg7[%dma_start3A, %dma_start3A_39] : memref<1x120xi32, #tpu.memory_space<vmem>> -> memref<1x120xi32, #tpu.memory_space<vmem>>
    %dma_start3A_41 = tpu.memref_squeeze %dma_start3A_40 : memref<1x120xi32, #tpu.memory_space<vmem>> -> memref<120xi32, #tpu.memory_space<vmem>>
    %dma_start3A_42 = tpu.memref_slice %arg3[%mul3A_34] : memref<322560xi32, #tpu.memory_space<hbm>> -> memref<120xi32, #tpu.memory_space<hbm>>
    tpu.enqueue_dma source(%dma_start3A_42 : memref<120xi32, #tpu.memory_space<hbm>>) target(%dma_start3A_41 : memref<120xi32, #tpu.memory_space<vmem>>) target_semaphore(%arg22 : memref<!tpu.dma_semaphore, #tpu.memory_space<semaphore_mem>>)
    %mul3A_43 = arith.constant 84 : i32
    %mul3A_44 = arith.muli %add3A, %mul3A_43 : i32
    %add3A_45 = arith.constant 0 : i32
    %add3A_46 = arith.addi %mul3A_44, %add3A_45 : i32
    %mul3A_47 = arith.constant 120 : i32
    %mul3A_48 = arith.muli %add3A_46, %mul3A_47 : i32
    %dma_start3A_49 = arith.constant 0 : i32
    %dma_start3A_50 = arith.constant 0 : i32
    %dma_start3A_51 = tpu.memref_slice %arg13[%dma_start3A_49, %dma_start3A_50] : memref<1x120xi32, #tpu.memory_space<vmem>> -> memref<1x120xi32, #tpu.memory_space<vmem>>
    %dma_start3A_52 = tpu.memref_squeeze %dma_start3A_51 : memref<1x120xi32, #tpu.memory_space<vmem>> -> memref<120xi32, #tpu.memory_space<vmem>>
    %dma_start3A_53 = tpu.memref_slice %arg4[%mul3A_48] : memref<322560xi32, #tpu.memory_space<hbm>> -> memref<120xi32, #tpu.memory_space<hbm>>
    %dma_start3A_54 = arith.constant 0 : i32
    %dma_start3A_55 = tpu.memref_slice %arg13[%dma_start3A_49, %dma_start3A_54] : memref<1x120xi32, #tpu.memory_space<vmem>> -> memref<1x120xi32, #tpu.memory_space<vmem>>
    %dma_start3A_56 = tpu.memref_squeeze %dma_start3A_55 : memref<1x120xi32, #tpu.memory_space<vmem>> -> memref<120xi32, #tpu.memory_space<vmem>>
    %dma_start3A_57 = tpu.memref_slice %arg4[%mul3A_48] : memref<322560xi32, #tpu.memory_space<hbm>> -> memref<120xi32, #tpu.memory_space<hbm>>
    tpu.enqueue_dma source(%dma_start3A_57 : memref<120xi32, #tpu.memory_space<hbm>>) target(%dma_start3A_56 : memref<120xi32, #tpu.memory_space<vmem>>) target_semaphore(%arg22 : memref<!tpu.dma_semaphore, #tpu.memory_space<semaphore_mem>>)
    %mul3A_58 = arith.constant 84 : i32
    %mul3A_59 = arith.muli %add3A, %mul3A_58 : i32
    %add3A_60 = arith.constant 1 : i32
    %add3A_61 = arith.addi %mul3A_59, %add3A_60 : i32
    %mul3A_62 = arith.constant 120 : i32
    %mul3A_63 = arith.muli %add3A_61, %mul3A_62 : i32
    %dma_start3A_64 = arith.constant 0 : i32
    %dma_start3A_65 = arith.constant 0 : i32
    %dma_start3A_66 = tpu.memref_slice %arg8[%dma_start3A_64, %dma_start3A_65] : memref<1x120xi32, #tpu.memory_space<vmem>> -> memref<1x120xi32, #tpu.memory_space<vmem>>
    %dma_start3A_67 = tpu.memref_squeeze %dma_start3A_66 : memref<1x120xi32, #tpu.memory_space<vmem>> -> memref<120xi32, #tpu.memory_space<vmem>>
    %dma_start3A_68 = tpu.memref_slice %arg3[%mul3A_63] : memref<322560xi32, #tpu.memory_space<hbm>> -> memref<120xi32, #tpu.memory_space<hbm>>
    %dma_start3A_69 = arith.constant 0 : i32
    %dma_start3A_70 = tpu.memref_slice %arg8[%dma_start3A_64, %dma_start3A_69] : memref<1x120xi32, #tpu.memory_space<vmem>> -> memref<1x120xi32, #tpu.memory_space<vmem>>
    %dma_start3A_71 = tpu.memref_squeeze %dma_start3A_70 : memref<1x120xi32, #tpu.memory_space<vmem>> -> memref<120xi32, #tpu.memory_space<vmem>>
    %dma_start3A_72 = tpu.memref_slice %arg3[%mul3A_63] : memref<322560xi32, #tpu.memory_space<hbm>> -> memref<120xi32, #tpu.memory_space<hbm>>
    tpu.enqueue_dma source(%dma_start3A_72 : memref<120xi32, #tpu.memory_space<hbm>>) target(%dma_start3A_71 : memref<120xi32, #tpu.memory_space<vmem>>) target_semaphore(%arg23 : memref<!tpu.dma_semaphore, #tpu.memory_space<semaphore_mem>>)
    %mul3A_73 = arith.constant 84 : i32
    %mul3A_74 = arith.muli %add3A, %mul3A_73 : i32
    %add3A_75 = arith.constant 1 : i32
    %add3A_76 = arith.addi %mul3A_74, %add3A_75 : i32
    %mul3A_77 = arith.constant 120 : i32
    %mul3A_78 = arith.muli %add3A_76, %mul3A_77 : i32
    %dma_start3A_79 = arith.constant 0 : i32
    %dma_start3A_80 = arith.constant 0 : i32
    %dma_start3A_81 = tpu.memref_slice %arg14[%dma_start3A_79, %dma_start3A_80] : memref<1x120xi32, #tpu.memory_space<vmem>> -> memref<1x120xi32, #tpu.memory_space<vmem>>
    %dma_start3A_82 = tpu.memref_squeeze %dma_start3A_81 : memref<1x120xi32, #tpu.memory_space<vmem>> -> memref<120xi32, #tpu.memory_space<vmem>>
    %dma_start3A_83 = tpu.memref_slice %arg4[%mul3A_78] : memref<322560xi32, #tpu.memory_space<hbm>> -> memref<120xi32, #tpu.memory_space<hbm>>
    %dma_start3A_84 = arith.constant 0 : i32
    %dma_start3A_85 = tpu.memref_slice %arg14[%dma_start3A_79, %dma_start3A_84] : memref<1x120xi32, #tpu.memory_space<vmem>> -> memref<1x120xi32, #tpu.memory_space<vmem>>
    %dma_start3A_86 = tpu.memref_squeeze %dma_start3A_85 : memref<1x120xi32, #tpu.memory_space<vmem>> -> memref<120xi32, #tpu.memory_space<vmem>>
    %dma_start3A_87 = tpu.memref_slice %arg4[%mul3A_78] : memref<322560xi32, #tpu.memory_space<hbm>> -> memref<120xi32, #tpu.memory_space<hbm>>
    tpu.enqueue_dma source(%dma_start3A_87 : memref<120xi32, #tpu.memory_space<hbm>>) target(%dma_start3A_86 : memref<120xi32, #tpu.memory_space<vmem>>) target_semaphore(%arg23 : memref<!tpu.dma_semaphore, #tpu.memory_space<semaphore_mem>>)
    %mul3A_88 = arith.constant 84 : i32
    %mul3A_89 = arith.muli %add3A, %mul3A_88 : i32
    %add3A_90 = arith.constant 2 : i32
    %add3A_91 = arith.addi %mul3A_89, %add3A_90 : i32
    %mul3A_92 = arith.constant 120 : i32
    %mul3A_93 = arith.muli %add3A_91, %mul3A_92 : i32
    %dma_start3A_94 = arith.constant 0 : i32
    %dma_start3A_95 = arith.constant 0 : i32
    %dma_start3A_96 = tpu.memref_slice %arg9[%dma_start3A_94, %dma_start3A_95] : memref<1x120xi32, #tpu.memory_space<vmem>> -> memref<1x120xi32, #tpu.memory_space<vmem>>
    %dma_start3A_97 = tpu.memref_squeeze %dma_start3A_96 : memref<1x120xi32, #tpu.memory_space<vmem>> -> memref<120xi32, #tpu.memory_space<vmem>>
    %dma_start3A_98 = tpu.memref_slice %arg3[%mul3A_93] : memref<322560xi32, #tpu.memory_space<hbm>> -> memref<120xi32, #tpu.memory_space<hbm>>
    %dma_start3A_99 = arith.constant 0 : i32
    %dma_start3A_100 = tpu.memref_slice %arg9[%dma_start3A_94, %dma_start3A_99] : memref<1x120xi32, #tpu.memory_space<vmem>> -> memref<1x120xi32, #tpu.memory_space<vmem>>
    %dma_start3A_101 = tpu.memref_squeeze %dma_start3A_100 : memref<1x120xi32, #tpu.memory_space<vmem>> -> memref<120xi32, #tpu.memory_space<vmem>>
    %dma_start3A_102 = tpu.memref_slice %arg3[%mul3A_93] : memref<322560xi32, #tpu.memory_space<hbm>> -> memref<120xi32, #tpu.memory_space<hbm>>
    tpu.enqueue_dma source(%dma_start3A_102 : memref<120xi32, #tpu.memory_space<hbm>>) target(%dma_start3A_101 : memref<120xi32, #tpu.memory_space<vmem>>) target_semaphore(%arg24 : memref<!tpu.dma_semaphore, #tpu.memory_space<semaphore_mem>>)
    %mul3A_103 = arith.constant 84 : i32
    %mul3A_104 = arith.muli %add3A, %mul3A_103 : i32
    %add3A_105 = arith.constant 2 : i32
    %add3A_106 = arith.addi %mul3A_104, %add3A_105 : i32
    %mul3A_107 = arith.constant 120 : i32
    %mul3A_108 = arith.muli %add3A_106, %mul3A_107 : i32
    %dma_start3A_109 = arith.constant 0 : i32
    %dma_start3A_110 = arith.constant 0 : i32
    %dma_start3A_111 = tpu.memref_slice %arg15[%dma_start3A_109, %dma_start3A_110] : memref<1x120xi32, #tpu.memory_space<vmem>> -> memref<1x120xi32, #tpu.memory_space<vmem>>
    %dma_start3A_112 = tpu.memref_squeeze %dma_start3A_111 : memref<1x120xi32, #tpu.memory_space<vmem>> -> memref<120xi32, #tpu.memory_space<vmem>>
    %dma_start3A_113 = tpu.memref_slice %arg4[%mul3A_108] : memref<322560xi32, #tpu.memory_space<hbm>> -> memref<120xi32, #tpu.memory_space<hbm>>
    %dma_start3A_114 = arith.constant 0 : i32
    %dma_start3A_115 = tpu.memref_slice %arg15[%dma_start3A_109, %dma_start3A_114] : memref<1x120xi32, #tpu.memory_space<vmem>> -> memref<1x120xi32, #tpu.memory_space<vmem>>
    %dma_start3A_116 = tpu.memref_squeeze %dma_start3A_115 : memref<1x120xi32, #tpu.memory_space<vmem>> -> memref<120xi32, #tpu.memory_space<vmem>>
    %dma_start3A_117 = tpu.memref_slice %arg4[%mul3A_108] : memref<322560xi32, #tpu.memory_space<hbm>> -> memref<120xi32, #tpu.memory_space<hbm>>
    tpu.enqueue_dma source(%dma_start3A_117 : memref<120xi32, #tpu.memory_space<hbm>>) target(%dma_start3A_116 : memref<120xi32, #tpu.memory_space<vmem>>) target_semaphore(%arg24 : memref<!tpu.dma_semaphore, #tpu.memory_space<semaphore_mem>>)
    %scan3A_118 = arith.constant 0 : i32
    %scan3A_119 = arith.constant 14 : i32
    %scan3A_120 = arith.addi %scan3A_118, %scan3A_119 : i32
    %scan3A_121 = arith.constant 1 : i32
    scf.for %scan3A_162 = %scan3A_118 to %scan3A_120 step %scan3A_121  : i32 {
      %mul3A_163 = arith.constant 1 : i32
      %mul3A_164 = arith.muli %scan3A_162, %mul3A_163 : i32
      %add3A_165 = arith.constant 0 : i32
      %add3A_166 = arith.addi %add3A_165, %mul3A_164 : i32
      %mul3A_167 = arith.constant 6 : i32
      %mul3A_168 = arith.muli %add3A_166, %mul3A_167 : i32
      %add3A_169 = arith.constant 0 : i32
      %add3A_170 = arith.addi %mul3A_168, %add3A_169 : i32
      %dma_wait3A_171 = arith.constant 0 : i32
      %dma_wait3A_172 = arith.constant 0 : i32
      %dma_wait3A_173 = tpu.memref_slice %arg7[%dma_wait3A_171, %dma_wait3A_172] : memref<1x120xi32, #tpu.memory_space<vmem>> -> memref<1x120xi32, #tpu.memory_space<vmem>>
      %dma_wait3A_174 = tpu.memref_squeeze %dma_wait3A_173 : memref<1x120xi32, #tpu.memory_space<vmem>> -> memref<120xi32, #tpu.memory_space<vmem>>
      %dma_wait3A_175 = arith.constant 0 : i32
      %dma_wait3A_176 = tpu.memref_slice %arg3[%dma_wait3A_175] : memref<322560xi32, #tpu.memory_space<hbm>> -> memref<120xi32, #tpu.memory_space<hbm>>
      %dma_wait3A_177 = arith.constant 0 : i32
      %dma_wait3A_178 = tpu.memref_slice %arg7[%dma_wait3A_171, %dma_wait3A_177] : memref<1x120xi32, #tpu.memory_space<vmem>> -> memref<1x120xi32, #tpu.memory_space<vmem>>
      %dma_wait3A_179 = tpu.memref_squeeze %dma_wait3A_178 : memref<1x120xi32, #tpu.memory_space<vmem>> -> memref<120xi32, #tpu.memory_space<vmem>>
      %dma_wait3A_180 = arith.constant 0 : i32
      %dma_wait3A_181 = tpu.memref_slice %arg3[%dma_wait3A_180] : memref<322560xi32, #tpu.memory_space<hbm>> -> memref<120xi32, #tpu.memory_space<hbm>>
      tpu.wait_dma2 semaphore(%arg22 : memref<!tpu.dma_semaphore, #tpu.memory_space<semaphore_mem>>) src(%dma_wait3A_181 : memref<120xi32, #tpu.memory_space<hbm>>) dst(%dma_wait3A_179 : memref<120xi32, #tpu.memory_space<vmem>>)
      %dma_wait3A_182 = arith.constant 0 : i32
      %dma_wait3A_183 = arith.constant 0 : i32
      %dma_wait3A_184 = tpu.memref_slice %arg13[%dma_wait3A_182, %dma_wait3A_183] : memref<1x120xi32, #tpu.memory_space<vmem>> -> memref<1x120xi32, #tpu.memory_space<vmem>>
      %dma_wait3A_185 = tpu.memref_squeeze %dma_wait3A_184 : memref<1x120xi32, #tpu.memory_space<vmem>> -> memref<120xi32, #tpu.memory_space<vmem>>
      %dma_wait3A_186 = arith.constant 0 : i32
      %dma_wait3A_187 = tpu.memref_slice %arg4[%dma_wait3A_186] : memref<322560xi32, #tpu.memory_space<hbm>> -> memref<120xi32, #tpu.memory_space<hbm>>
      %dma_wait3A_188 = arith.constant 0 : i32
      %dma_wait3A_189 = tpu.memref_slice %arg13[%dma_wait3A_182, %dma_wait3A_188] : memref<1x120xi32, #tpu.memory_space<vmem>> -> memref<1x120xi32, #tpu.memory_space<vmem>>
      %dma_wait3A_190 = tpu.memref_squeeze %dma_wait3A_189 : memref<1x120xi32, #tpu.memory_space<vmem>> -> memref<120xi32, #tpu.memory_space<vmem>>
      %dma_wait3A_191 = arith.constant 0 : i32
      %dma_wait3A_192 = tpu.memref_slice %arg4[%dma_wait3A_191] : memref<322560xi32, #tpu.memory_space<hbm>> -> memref<120xi32, #tpu.memory_space<hbm>>
      tpu.wait_dma2 semaphore(%arg22 : memref<!tpu.dma_semaphore, #tpu.memory_space<semaphore_mem>>) src(%dma_wait3A_192 : memref<120xi32, #tpu.memory_space<hbm>>) dst(%dma_wait3A_190 : memref<120xi32, #tpu.memory_space<vmem>>)
      %ge3A = arith.constant 3 : i32
      %ge3A_193 = arith.cmpi sge, %add3A_170, %ge3A : i32
      %convert_element_type3A = arith.extui %ge3A_193 : i1 to i32
      %cond3A = arith.constant 0 : i32
      %cond3A_194 = arith.cmpi ne, %convert_element_type3A, %cond3A : i32
      scf.if %cond3A_194 {
        %dma_wait3A_453 = arith.constant 0 : i32
        %dma_wait3A_454 = arith.constant 0 : i32
        %dma_wait3A_455 = tpu.memref_slice %arg13[%dma_wait3A_453, %dma_wait3A_454] : memref<1x120xi32, #tpu.memory_space<vmem>> -> memref<1x120xi32, #tpu.memory_space<vmem>>
        %dma_wait3A_456 = tpu.memref_squeeze %dma_wait3A_455 : memref<1x120xi32, #tpu.memory_space<vmem>> -> memref<120xi32, #tpu.memory_space<vmem>>
        %dma_wait3A_457 = arith.constant 0 : i32
        %dma_wait3A_458 = arith.constant 0 : i32
        %dma_wait3A_459 = tpu.memref_slice %arg6[%dma_wait3A_457, %dma_wait3A_458] : memref<10112x128xf32, #tpu.memory_space<vmem_shared>> -> memref<10112x128xf32, #tpu.memory_space<vmem_shared>>
        tpu.wait_indirect_dma semaphore(%arg31 : memref<!tpu.dma_semaphore, #tpu.memory_space<semaphore_mem>>) src(%arg19 : memref<120x128xf32, #tpu.memory_space<vmem>>) dst(%dma_wait3A_459 : memref<10112x128xf32, #tpu.memory_space<vmem_shared>>)
      } else {
      }
      %dma_start3A_195 = arith.constant 0 : i32
      %dma_start3A_196 = arith.constant 0 : i32
      %dma_start3A_197 = tpu.memref_slice %arg7[%dma_start3A_195, %dma_start3A_196] : memref<1x120xi32, #tpu.memory_space<vmem>> -> memref<1x120xi32, #tpu.memory_space<vmem>>
      %dma_start3A_198 = tpu.memref_squeeze %dma_start3A_197 : memref<1x120xi32, #tpu.memory_space<vmem>> -> memref<120xi32, #tpu.memory_space<vmem>>
      %dma_start3A_199 = arith.constant 0 : i32
      %dma_start3A_200 = arith.constant 0 : i32
      %dma_start3A_201 = tpu.memref_slice %arg2[%dma_start3A_199, %dma_start3A_200] : memref<10000x128xf32, #tpu.memory_space<hbm>> -> memref<10000x128xf32, #tpu.memory_space<hbm>>
      tpu.enqueue_indirect_dma source(%dma_start3A_201 : memref<10000x128xf32, #tpu.memory_space<hbm>>) target(%arg19 : memref<120x128xf32, #tpu.memory_space<vmem>>) offsets(%dma_start3A_198 : memref<120xi32, #tpu.memory_space<vmem>>) semaphore(%arg28 : memref<!tpu.dma_semaphore, #tpu.memory_space<semaphore_mem>>)
      %add3A_202 = arith.constant 3 : i32
      %add3A_203 = arith.addi %add3A_170, %add3A_202 : i32
      %lt3A = arith.constant 84 : i32
      %lt3A_204 = arith.cmpi slt, %add3A_203, %lt3A : i32
      %convert_element_type3A_205 = arith.extui %lt3A_204 : i1 to i32
      %cond3A_206 = arith.constant 0 : i32
      %cond3A_207 = arith.cmpi ne, %convert_element_type3A_205, %cond3A_206 : i32
      scf.if %cond3A_207 {
        %mul3A_453 = arith.constant 84 : i32
        %mul3A_454 = arith.muli %add3A, %mul3A_453 : i32
        %add3A_455 = arith.addi %mul3A_454, %add3A_170 : i32
        %add3A_456 = arith.constant 3 : i32
        %add3A_457 = arith.addi %add3A_455, %add3A_456 : i32
        %mul3A_458 = arith.constant 120 : i32
        %mul3A_459 = arith.muli %add3A_457, %mul3A_458 : i32
        %dma_start3A_460 = arith.constant 0 : i32
        %dma_start3A_461 = arith.constant 0 : i32
        %dma_start3A_462 = tpu.memref_slice %arg10[%dma_start3A_460, %dma_start3A_461] : memref<1x120xi32, #tpu.memory_space<vmem>> -> memref<1x120xi32, #tpu.memory_space<vmem>>
        %dma_start3A_463 = tpu.memref_squeeze %dma_start3A_462 : memref<1x120xi32, #tpu.memory_space<vmem>> -> memref<120xi32, #tpu.memory_space<vmem>>
        %dma_start3A_464 = tpu.memref_slice %arg3[%mul3A_459] : memref<322560xi32, #tpu.memory_space<hbm>> -> memref<120xi32, #tpu.memory_space<hbm>>
        %dma_start3A_465 = arith.constant 0 : i32
        %dma_start3A_466 = tpu.memref_slice %arg10[%dma_start3A_460, %dma_start3A_465] : memref<1x120xi32, #tpu.memory_space<vmem>> -> memref<1x120xi32, #tpu.memory_space<vmem>>
        %dma_start3A_467 = tpu.memref_squeeze %dma_start3A_466 : memref<1x120xi32, #tpu.memory_space<vmem>> -> memref<120xi32, #tpu.memory_space<vmem>>
        %dma_start3A_468 = tpu.memref_slice %arg3[%mul3A_459] : memref<322560xi32, #tpu.memory_space<hbm>> -> memref<120xi32, #tpu.memory_space<hbm>>
        tpu.enqueue_dma source(%dma_start3A_468 : memref<120xi32, #tpu.memory_space<hbm>>) target(%dma_start3A_467 : memref<120xi32, #tpu.memory_space<vmem>>) target_semaphore(%arg25 : memref<!tpu.dma_semaphore, #tpu.memory_space<semaphore_mem>>)
        %mul3A_469 = arith.constant 84 : i32
        %mul3A_470 = arith.muli %add3A, %mul3A_469 : i32
        %add3A_471 = arith.addi %mul3A_470, %add3A_170 : i32
        %add3A_472 = arith.constant 3 : i32
        %add3A_473 = arith.addi %add3A_471, %add3A_472 : i32
        %mul3A_474 = arith.constant 120 : i32
        %mul3A_475 = arith.muli %add3A_473, %mul3A_474 : i32
        %dma_start3A_476 = arith.constant 0 : i32
        %dma_start3A_477 = arith.constant 0 : i32
        %dma_start3A_478 = tpu.memref_slice %arg16[%dma_start3A_476, %dma_start3A_477] : memref<1x120xi32, #tpu.memory_space<vmem>> -> memref<1x120xi32, #tpu.memory_space<vmem>>
        %dma_start3A_479 = tpu.memref_squeeze %dma_start3A_478 : memref<1x120xi32, #tpu.memory_space<vmem>> -> memref<120xi32, #tpu.memory_space<vmem>>
        %dma_start3A_480 = tpu.memref_slice %arg4[%mul3A_475] : memref<322560xi32, #tpu.memory_space<hbm>> -> memref<120xi32, #tpu.memory_space<hbm>>
        %dma_start3A_481 = arith.constant 0 : i32
        %dma_start3A_482 = tpu.memref_slice %arg16[%dma_start3A_476, %dma_start3A_481] : memref<1x120xi32, #tpu.memory_space<vmem>> -> memref<1x120xi32, #tpu.memory_space<vmem>>
        %dma_start3A_483 = tpu.memref_squeeze %dma_start3A_482 : memref<1x120xi32, #tpu.memory_space<vmem>> -> memref<120xi32, #tpu.memory_space<vmem>>
        %dma_start3A_484 = tpu.memref_slice %arg4[%mul3A_475] : memref<322560xi32, #tpu.memory_space<hbm>> -> memref<120xi32, #tpu.memory_space<hbm>>
        tpu.enqueue_dma source(%dma_start3A_484 : memref<120xi32, #tpu.memory_space<hbm>>) target(%dma_start3A_483 : memref<120xi32, #tpu.memory_space<vmem>>) target_semaphore(%arg25 : memref<!tpu.dma_semaphore, #tpu.memory_space<semaphore_mem>>)
      } else {
      }
      %ge3A_208 = arith.constant 1 : i32
      %ge3A_209 = arith.cmpi sge, %add3A_170, %ge3A_208 : i32
      %convert_element_type3A_210 = arith.extui %ge3A_209 : i1 to i32
      %cond3A_211 = arith.constant 0 : i32
      %cond3A_212 = arith.cmpi ne, %convert_element_type3A_210, %cond3A_211 : i32
      scf.if %cond3A_212 {
        %dma_wait3A_453 = arith.constant 0 : i32
        %dma_wait3A_454 = arith.constant 0 : i32
        %dma_wait3A_455 = tpu.memref_slice %arg12[%dma_wait3A_453, %dma_wait3A_454] : memref<1x120xi32, #tpu.memory_space<vmem>> -> memref<1x120xi32, #tpu.memory_space<vmem>>
        %dma_wait3A_456 = tpu.memref_squeeze %dma_wait3A_455 : memref<1x120xi32, #tpu.memory_space<vmem>> -> memref<120xi32, #tpu.memory_space<vmem>>
        %dma_wait3A_457 = arith.constant 0 : i32
        %dma_wait3A_458 = arith.constant 0 : i32
        %dma_wait3A_459 = tpu.memref_slice %arg2[%dma_wait3A_457, %dma_wait3A_458] : memref<10000x128xf32, #tpu.memory_space<hbm>> -> memref<10000x128xf32, #tpu.memory_space<hbm>>
        tpu.wait_indirect_dma semaphore(%arg30 : memref<!tpu.dma_semaphore, #tpu.memory_space<semaphore_mem>>) src(%dma_wait3A_459 : memref<10000x128xf32, #tpu.memory_space<hbm>>) dst(%arg21 : memref<120x128xf32, #tpu.memory_space<vmem>>)
        %dma_start3A_460 = arith.constant 0 : i32
        %dma_start3A_461 = arith.constant 0 : i32
        %dma_start3A_462 = tpu.memref_slice %arg18[%dma_start3A_460, %dma_start3A_461] : memref<1x120xi32, #tpu.memory_space<vmem>> -> memref<1x120xi32, #tpu.memory_space<vmem>>
        %dma_start3A_463 = tpu.memref_squeeze %dma_start3A_462 : memref<1x120xi32, #tpu.memory_space<vmem>> -> memref<120xi32, #tpu.memory_space<vmem>>
        %dma_start3A_464 = arith.constant 0 : i32
        %dma_start3A_465 = arith.constant 0 : i32
        %dma_start3A_466 = tpu.memref_slice %arg6[%dma_start3A_464, %dma_start3A_465] : memref<10112x128xf32, #tpu.memory_space<vmem_shared>> -> memref<10112x128xf32, #tpu.memory_space<vmem_shared>>
        tpu.enqueue_indirect_dma source(%arg21 : memref<120x128xf32, #tpu.memory_space<vmem>>) target(%dma_start3A_466 : memref<10112x128xf32, #tpu.memory_space<vmem_shared>>) offsets(%dma_start3A_463 : memref<120xi32, #tpu.memory_space<vmem>>) semaphore(%arg33 : memref<!tpu.dma_semaphore, #tpu.memory_space<semaphore_mem>>) {add = true}
      } else {
      }
      %add3A_213 = arith.constant 1 : i32
      %add3A_214 = arith.addi %mul3A_168, %add3A_213 : i32
      %dma_wait3A_215 = arith.constant 0 : i32
      %dma_wait3A_216 = arith.constant 0 : i32
      %dma_wait3A_217 = tpu.memref_slice %arg8[%dma_wait3A_215, %dma_wait3A_216] : memref<1x120xi32, #tpu.memory_space<vmem>> -> memref<1x120xi32, #tpu.memory_space<vmem>>
      %dma_wait3A_218 = tpu.memref_squeeze %dma_wait3A_217 : memref<1x120xi32, #tpu.memory_space<vmem>> -> memref<120xi32, #tpu.memory_space<vmem>>
      %dma_wait3A_219 = arith.constant 0 : i32
      %dma_wait3A_220 = tpu.memref_slice %arg3[%dma_wait3A_219] : memref<322560xi32, #tpu.memory_space<hbm>> -> memref<120xi32, #tpu.memory_space<hbm>>
      %dma_wait3A_221 = arith.constant 0 : i32
      %dma_wait3A_222 = tpu.memref_slice %arg8[%dma_wait3A_215, %dma_wait3A_221] : memref<1x120xi32, #tpu.memory_space<vmem>> -> memref<1x120xi32, #tpu.memory_space<vmem>>
      %dma_wait3A_223 = tpu.memref_squeeze %dma_wait3A_222 : memref<1x120xi32, #tpu.memory_space<vmem>> -> memref<120xi32, #tpu.memory_space<vmem>>
      %dma_wait3A_224 = arith.constant 0 : i32
      %dma_wait3A_225 = tpu.memref_slice %arg3[%dma_wait3A_224] : memref<322560xi32, #tpu.memory_space<hbm>> -> memref<120xi32, #tpu.memory_space<hbm>>
      tpu.wait_dma2 semaphore(%arg23 : memref<!tpu.dma_semaphore, #tpu.memory_space<semaphore_mem>>) src(%dma_wait3A_225 : memref<120xi32, #tpu.memory_space<hbm>>) dst(%dma_wait3A_223 : memref<120xi32, #tpu.memory_space<vmem>>)
      %dma_wait3A_226 = arith.constant 0 : i32
      %dma_wait3A_227 = arith.constant 0 : i32
      %dma_wait3A_228 = tpu.memref_slice %arg14[%dma_wait3A_226, %dma_wait3A_227] : memref<1x120xi32, #tpu.memory_space<vmem>> -> memref<1x120xi32, #tpu.memory_space<vmem>>
      %dma_wait3A_229 = tpu.memref_squeeze %dma_wait3A_228 : memref<1x120xi32, #tpu.memory_space<vmem>> -> memref<120xi32, #tpu.memory_space<vmem>>
      %dma_wait3A_230 = arith.constant 0 : i32
      %dma_wait3A_231 = tpu.memref_slice %arg4[%dma_wait3A_230] : memref<322560xi32, #tpu.memory_space<hbm>> -> memref<120xi32, #tpu.memory_space<hbm>>
      %dma_wait3A_232 = arith.constant 0 : i32
      %dma_wait3A_233 = tpu.memref_slice %arg14[%dma_wait3A_226, %dma_wait3A_232] : memref<1x120xi32, #tpu.memory_space<vmem>> -> memref<1x120xi32, #tpu.memory_space<vmem>>
      %dma_wait3A_234 = tpu.memref_squeeze %dma_wait3A_233 : memref<1x120xi32, #tpu.memory_space<vmem>> -> memref<120xi32, #tpu.memory_space<vmem>>
      %dma_wait3A_235 = arith.constant 0 : i32
      %dma_wait3A_236 = tpu.memref_slice %arg4[%dma_wait3A_235] : memref<322560xi32, #tpu.memory_space<hbm>> -> memref<120xi32, #tpu.memory_space<hbm>>
      tpu.wait_dma2 semaphore(%arg23 : memref<!tpu.dma_semaphore, #tpu.memory_space<semaphore_mem>>) src(%dma_wait3A_236 : memref<120xi32, #tpu.memory_space<hbm>>) dst(%dma_wait3A_234 : memref<120xi32, #tpu.memory_space<vmem>>)
      %ge3A_237 = arith.constant 3 : i32
      %ge3A_238 = arith.cmpi sge, %add3A_214, %ge3A_237 : i32
      %convert_element_type3A_239 = arith.extui %ge3A_238 : i1 to i32
      %cond3A_240 = arith.constant 0 : i32
      %cond3A_241 = arith.cmpi ne, %convert_element_type3A_239, %cond3A_240 : i32
      scf.if %cond3A_241 {
        %dma_wait3A_453 = arith.constant 0 : i32
        %dma_wait3A_454 = arith.constant 0 : i32
        %dma_wait3A_455 = tpu.memref_slice %arg14[%dma_wait3A_453, %dma_wait3A_454] : memref<1x120xi32, #tpu.memory_space<vmem>> -> memref<1x120xi32, #tpu.memory_space<vmem>>
        %dma_wait3A_456 = tpu.memref_squeeze %dma_wait3A_455 : memref<1x120xi32, #tpu.memory_space<vmem>> -> memref<120xi32, #tpu.memory_space<vmem>>
        %dma_wait3A_457 = arith.constant 0 : i32
        %dma_wait3A_458 = arith.constant 0 : i32
        %dma_wait3A_459 = tpu.memref_slice %arg6[%dma_wait3A_457, %dma_wait3A_458] : memref<10112x128xf32, #tpu.memory_space<vmem_shared>> -> memref<10112x128xf32, #tpu.memory_space<vmem_shared>>
        tpu.wait_indirect_dma semaphore(%arg32 : memref<!tpu.dma_semaphore, #tpu.memory_space<semaphore_mem>>) src(%arg20 : memref<120x128xf32, #tpu.memory_space<vmem>>) dst(%dma_wait3A_459 : memref<10112x128xf32, #tpu.memory_space<vmem_shared>>)
      } else {
      }
      %dma_start3A_242 = arith.constant 0 : i32
      %dma_start3A_243 = arith.constant 0 : i32
      %dma_start3A_244 = tpu.memref_slice %arg8[%dma_start3A_242, %dma_start3A_243] : memref<1x120xi32, #tpu.memory_space<vmem>> -> memref<1x120xi32, #tpu.memory_space<vmem>>
      %dma_start3A_245 = tpu.memref_squeeze %dma_start3A_244 : memref<1x120xi32, #tpu.memory_space<vmem>> -> memref<120xi32, #tpu.memory_space<vmem>>
      %dma_start3A_246 = arith.constant 0 : i32
      %dma_start3A_247 = arith.constant 0 : i32
      %dma_start3A_248 = tpu.memref_slice %arg2[%dma_start3A_246, %dma_start3A_247] : memref<10000x128xf32, #tpu.memory_space<hbm>> -> memref<10000x128xf32, #tpu.memory_space<hbm>>
      tpu.enqueue_indirect_dma source(%dma_start3A_248 : memref<10000x128xf32, #tpu.memory_space<hbm>>) target(%arg20 : memref<120x128xf32, #tpu.memory_space<vmem>>) offsets(%dma_start3A_245 : memref<120xi32, #tpu.memory_space<vmem>>) semaphore(%arg29 : memref<!tpu.dma_semaphore, #tpu.memory_space<semaphore_mem>>)
      %add3A_249 = arith.constant 3 : i32
      %add3A_250 = arith.addi %add3A_214, %add3A_249 : i32
      %lt3A_251 = arith.constant 84 : i32
      %lt3A_252 = arith.cmpi slt, %add3A_250, %lt3A_251 : i32
      %convert_element_type3A_253 = arith.extui %lt3A_252 : i1 to i32
      %cond3A_254 = arith.constant 0 : i32
      %cond3A_255 = arith.cmpi ne, %convert_element_type3A_253, %cond3A_254 : i32
      scf.if %cond3A_255 {
        %mul3A_453 = arith.constant 84 : i32
        %mul3A_454 = arith.muli %add3A, %mul3A_453 : i32
        %add3A_455 = arith.addi %mul3A_454, %add3A_214 : i32
        %add3A_456 = arith.constant 3 : i32
        %add3A_457 = arith.addi %add3A_455, %add3A_456 : i32
        %mul3A_458 = arith.constant 120 : i32
        %mul3A_459 = arith.muli %add3A_457, %mul3A_458 : i32
        %dma_start3A_460 = arith.constant 0 : i32
        %dma_start3A_461 = arith.constant 0 : i32
        %dma_start3A_462 = tpu.memref_slice %arg11[%dma_start3A_460, %dma_start3A_461] : memref<1x120xi32, #tpu.memory_space<vmem>> -> memref<1x120xi32, #tpu.memory_space<vmem>>
        %dma_start3A_463 = tpu.memref_squeeze %dma_start3A_462 : memref<1x120xi32, #tpu.memory_space<vmem>> -> memref<120xi32, #tpu.memory_space<vmem>>
        %dma_start3A_464 = tpu.memref_slice %arg3[%mul3A_459] : memref<322560xi32, #tpu.memory_space<hbm>> -> memref<120xi32, #tpu.memory_space<hbm>>
        %dma_start3A_465 = arith.constant 0 : i32
        %dma_start3A_466 = tpu.memref_slice %arg11[%dma_start3A_460, %dma_start3A_465] : memref<1x120xi32, #tpu.memory_space<vmem>> -> memref<1x120xi32, #tpu.memory_space<vmem>>
        %dma_start3A_467 = tpu.memref_squeeze %dma_start3A_466 : memref<1x120xi32, #tpu.memory_space<vmem>> -> memref<120xi32, #tpu.memory_space<vmem>>
        %dma_start3A_468 = tpu.memref_slice %arg3[%mul3A_459] : memref<322560xi32, #tpu.memory_space<hbm>> -> memref<120xi32, #tpu.memory_space<hbm>>
        tpu.enqueue_dma source(%dma_start3A_468 : memref<120xi32, #tpu.memory_space<hbm>>) target(%dma_start3A_467 : memref<120xi32, #tpu.memory_space<vmem>>) target_semaphore(%arg26 : memref<!tpu.dma_semaphore, #tpu.memory_space<semaphore_mem>>)
        %mul3A_469 = arith.constant 84 : i32
        %mul3A_470 = arith.muli %add3A, %mul3A_469 : i32
        %add3A_471 = arith.addi %mul3A_470, %add3A_214 : i32
        %add3A_472 = arith.constant 3 : i32
        %add3A_473 = arith.addi %add3A_471, %add3A_472 : i32
        %mul3A_474 = arith.constant 120 : i32
        %mul3A_475 = arith.muli %add3A_473, %mul3A_474 : i32
        %dma_start3A_476 = arith.constant 0 : i32
        %dma_start3A_477 = arith.constant 0 : i32
        %dma_start3A_478 = tpu.memref_slice %arg17[%dma_start3A_476, %dma_start3A_477] : memref<1x120xi32, #tpu.memory_space<vmem>> -> memref<1x120xi32, #tpu.memory_space<vmem>>
        %dma_start3A_479 = tpu.memref_squeeze %dma_start3A_478 : memref<1x120xi32, #tpu.memory_space<vmem>> -> memref<120xi32, #tpu.memory_space<vmem>>
        %dma_start3A_480 = tpu.memref_slice %arg4[%mul3A_475] : memref<322560xi32, #tpu.memory_space<hbm>> -> memref<120xi32, #tpu.memory_space<hbm>>
        %dma_start3A_481 = arith.constant 0 : i32
        %dma_start3A_482 = tpu.memref_slice %arg17[%dma_start3A_476, %dma_start3A_481] : memref<1x120xi32, #tpu.memory_space<vmem>> -> memref<1x120xi32, #tpu.memory_space<vmem>>
        %dma_start3A_483 = tpu.memref_squeeze %dma_start3A_482 : memref<1x120xi32, #tpu.memory_space<vmem>> -> memref<120xi32, #tpu.memory_space<vmem>>
        %dma_start3A_484 = tpu.memref_slice %arg4[%mul3A_475] : memref<322560xi32, #tpu.memory_space<hbm>> -> memref<120xi32, #tpu.memory_space<hbm>>
        tpu.enqueue_dma source(%dma_start3A_484 : memref<120xi32, #tpu.memory_space<hbm>>) target(%dma_start3A_483 : memref<120xi32, #tpu.memory_space<vmem>>) target_semaphore(%arg26 : memref<!tpu.dma_semaphore, #tpu.memory_space<semaphore_mem>>)
      } else {
      }
      %ge3A_256 = arith.constant 1 : i32
      %ge3A_257 = arith.cmpi sge, %add3A_214, %ge3A_256 : i32
      %convert_element_type3A_258 = arith.extui %ge3A_257 : i1 to i32
      %cond3A_259 = arith.constant 0 : i32
      %cond3A_260 = arith.cmpi ne, %convert_element_type3A_258, %cond3A_259 : i32
      scf.if %cond3A_260 {
        %dma_wait3A_453 = arith.constant 0 : i32
        %dma_wait3A_454 = arith.constant 0 : i32
        %dma_wait3A_455 = tpu.memref_slice %arg7[%dma_wait3A_453, %dma_wait3A_454] : memref<1x120xi32, #tpu.memory_space<vmem>> -> memref<1x120xi32, #tpu.memory_space<vmem>>
        %dma_wait3A_456 = tpu.memref_squeeze %dma_wait3A_455 : memref<1x120xi32, #tpu.memory_space<vmem>> -> memref<120xi32, #tpu.memory_space<vmem>>
        %dma_wait3A_457 = arith.constant 0 : i32
        %dma_wait3A_458 = arith.constant 0 : i32
        %dma_wait3A_459 = tpu.memref_slice %arg2[%dma_wait3A_457, %dma_wait3A_458] : memref<10000x128xf32, #tpu.memory_space<hbm>> -> memref<10000x128xf32, #tpu.memory_space<hbm>>
        tpu.wait_indirect_dma semaphore(%arg28 : memref<!tpu.dma_semaphore, #tpu.memory_space<semaphore_mem>>) src(%dma_wait3A_459 : memref<10000x128xf32, #tpu.memory_space<hbm>>) dst(%arg19 : memref<120x128xf32, #tpu.memory_space<vmem>>)
        %dma_start3A_460 = arith.constant 0 : i32
        %dma_start3A_461 = arith.constant 0 : i32
        %dma_start3A_462 = tpu.memref_slice %arg13[%dma_start3A_460, %dma_start3A_461] : memref<1x120xi32, #tpu.memory_space<vmem>> -> memref<1x120xi32, #tpu.memory_space<vmem>>
        %dma_start3A_463 = tpu.memref_squeeze %dma_start3A_462 : memref<1x120xi32, #tpu.memory_space<vmem>> -> memref<120xi32, #tpu.memory_space<vmem>>
        %dma_start3A_464 = arith.constant 0 : i32
        %dma_start3A_465 = arith.constant 0 : i32
        %dma_start3A_466 = tpu.memref_slice %arg6[%dma_start3A_464, %dma_start3A_465] : memref<10112x128xf32, #tpu.memory_space<vmem_shared>> -> memref<10112x128xf32, #tpu.memory_space<vmem_shared>>
        tpu.enqueue_indirect_dma source(%arg19 : memref<120x128xf32, #tpu.memory_space<vmem>>) target(%dma_start3A_466 : memref<10112x128xf32, #tpu.memory_space<vmem_shared>>) offsets(%dma_start3A_463 : memref<120xi32, #tpu.memory_space<vmem>>) semaphore(%arg31 : memref<!tpu.dma_semaphore, #tpu.memory_space<semaphore_mem>>) {add = true}
      } else {
      }
      %add3A_261 = arith.constant 2 : i32
      %add3A_262 = arith.addi %mul3A_168, %add3A_261 : i32
      %dma_wait3A_263 = arith.constant 0 : i32
      %dma_wait3A_264 = arith.constant 0 : i32
      %dma_wait3A_265 = tpu.memref_slice %arg9[%dma_wait3A_263, %dma_wait3A_264] : memref<1x120xi32, #tpu.memory_space<vmem>> -> memref<1x120xi32, #tpu.memory_space<vmem>>
      %dma_wait3A_266 = tpu.memref_squeeze %dma_wait3A_265 : memref<1x120xi32, #tpu.memory_space<vmem>> -> memref<120xi32, #tpu.memory_space<vmem>>
      %dma_wait3A_267 = arith.constant 0 : i32
      %dma_wait3A_268 = tpu.memref_slice %arg3[%dma_wait3A_267] : memref<322560xi32, #tpu.memory_space<hbm>> -> memref<120xi32, #tpu.memory_space<hbm>>
      %dma_wait3A_269 = arith.constant 0 : i32
      %dma_wait3A_270 = tpu.memref_slice %arg9[%dma_wait3A_263, %dma_wait3A_269] : memref<1x120xi32, #tpu.memory_space<vmem>> -> memref<1x120xi32, #tpu.memory_space<vmem>>
      %dma_wait3A_271 = tpu.memref_squeeze %dma_wait3A_270 : memref<1x120xi32, #tpu.memory_space<vmem>> -> memref<120xi32, #tpu.memory_space<vmem>>
      %dma_wait3A_272 = arith.constant 0 : i32
      %dma_wait3A_273 = tpu.memref_slice %arg3[%dma_wait3A_272] : memref<322560xi32, #tpu.memory_space<hbm>> -> memref<120xi32, #tpu.memory_space<hbm>>
      tpu.wait_dma2 semaphore(%arg24 : memref<!tpu.dma_semaphore, #tpu.memory_space<semaphore_mem>>) src(%dma_wait3A_273 : memref<120xi32, #tpu.memory_space<hbm>>) dst(%dma_wait3A_271 : memref<120xi32, #tpu.memory_space<vmem>>)
      %dma_wait3A_274 = arith.constant 0 : i32
      %dma_wait3A_275 = arith.constant 0 : i32
      %dma_wait3A_276 = tpu.memref_slice %arg15[%dma_wait3A_274, %dma_wait3A_275] : memref<1x120xi32, #tpu.memory_space<vmem>> -> memref<1x120xi32, #tpu.memory_space<vmem>>
      %dma_wait3A_277 = tpu.memref_squeeze %dma_wait3A_276 : memref<1x120xi32, #tpu.memory_space<vmem>> -> memref<120xi32, #tpu.memory_space<vmem>>
      %dma_wait3A_278 = arith.constant 0 : i32
      %dma_wait3A_279 = tpu.memref_slice %arg4[%dma_wait3A_278] : memref<322560xi32, #tpu.memory_space<hbm>> -> memref<120xi32, #tpu.memory_space<hbm>>
      %dma_wait3A_280 = arith.constant 0 : i32
      %dma_wait3A_281 = tpu.memref_slice %arg15[%dma_wait3A_274, %dma_wait3A_280] : memref<1x120xi32, #tpu.memory_space<vmem>> -> memref<1x120xi32, #tpu.memory_space<vmem>>
      %dma_wait3A_282 = tpu.memref_squeeze %dma_wait3A_281 : memref<1x120xi32, #tpu.memory_space<vmem>> -> memref<120xi32, #tpu.memory_space<vmem>>
      %dma_wait3A_283 = arith.constant 0 : i32
      %dma_wait3A_284 = tpu.memref_slice %arg4[%dma_wait3A_283] : memref<322560xi32, #tpu.memory_space<hbm>> -> memref<120xi32, #tpu.memory_space<hbm>>
      tpu.wait_dma2 semaphore(%arg24 : memref<!tpu.dma_semaphore, #tpu.memory_space<semaphore_mem>>) src(%dma_wait3A_284 : memref<120xi32, #tpu.memory_space<hbm>>) dst(%dma_wait3A_282 : memref<120xi32, #tpu.memory_space<vmem>>)
      %ge3A_285 = arith.constant 3 : i32
      %ge3A_286 = arith.cmpi sge, %add3A_262, %ge3A_285 : i32
      %convert_element_type3A_287 = arith.extui %ge3A_286 : i1 to i32
      %cond3A_288 = arith.constant 0 : i32
      %cond3A_289 = arith.cmpi ne, %convert_element_type3A_287, %cond3A_288 : i32
      scf.if %cond3A_289 {
        %dma_wait3A_453 = arith.constant 0 : i32
        %dma_wait3A_454 = arith.constant 0 : i32
        %dma_wait3A_455 = tpu.memref_slice %arg15[%dma_wait3A_453, %dma_wait3A_454] : memref<1x120xi32, #tpu.memory_space<vmem>> -> memref<1x120xi32, #tpu.memory_space<vmem>>
        %dma_wait3A_456 = tpu.memref_squeeze %dma_wait3A_455 : memref<1x120xi32, #tpu.memory_space<vmem>> -> memref<120xi32, #tpu.memory_space<vmem>>
        %dma_wait3A_457 = arith.constant 0 : i32
        %dma_wait3A_458 = arith.constant 0 : i32
        %dma_wait3A_459 = tpu.memref_slice %arg6[%dma_wait3A_457, %dma_wait3A_458] : memref<10112x128xf32, #tpu.memory_space<vmem_shared>> -> memref<10112x128xf32, #tpu.memory_space<vmem_shared>>
        tpu.wait_indirect_dma semaphore(%arg33 : memref<!tpu.dma_semaphore, #tpu.memory_space<semaphore_mem>>) src(%arg21 : memref<120x128xf32, #tpu.memory_space<vmem>>) dst(%dma_wait3A_459 : memref<10112x128xf32, #tpu.memory_space<vmem_shared>>)
      } else {
      }
      %dma_start3A_290 = arith.constant 0 : i32
      %dma_start3A_291 = arith.constant 0 : i32
      %dma_start3A_292 = tpu.memref_slice %arg9[%dma_start3A_290, %dma_start3A_291] : memref<1x120xi32, #tpu.memory_space<vmem>> -> memref<1x120xi32, #tpu.memory_space<vmem>>
      %dma_start3A_293 = tpu.memref_squeeze %dma_start3A_292 : memref<1x120xi32, #tpu.memory_space<vmem>> -> memref<120xi32, #tpu.memory_space<vmem>>
      %dma_start3A_294 = arith.constant 0 : i32
      %dma_start3A_295 = arith.constant 0 : i32
      %dma_start3A_296 = tpu.memref_slice %arg2[%dma_start3A_294, %dma_start3A_295] : memref<10000x128xf32, #tpu.memory_space<hbm>> -> memref<10000x128xf32, #tpu.memory_space<hbm>>
      tpu.enqueue_indirect_dma source(%dma_start3A_296 : memref<10000x128xf32, #tpu.memory_space<hbm>>) target(%arg21 : memref<120x128xf32, #tpu.memory_space<vmem>>) offsets(%dma_start3A_293 : memref<120xi32, #tpu.memory_space<vmem>>) semaphore(%arg30 : memref<!tpu.dma_semaphore, #tpu.memory_space<semaphore_mem>>)
      %add3A_297 = arith.constant 3 : i32
      %add3A_298 = arith.addi %add3A_262, %add3A_297 : i32
      %lt3A_299 = arith.constant 84 : i32
      %lt3A_300 = arith.cmpi slt, %add3A_298, %lt3A_299 : i32
      %convert_element_type3A_301 = arith.extui %lt3A_300 : i1 to i32
      %cond3A_302 = arith.constant 0 : i32
      %cond3A_303 = arith.cmpi ne, %convert_element_type3A_301, %cond3A_302 : i32
      scf.if %cond3A_303 {
        %mul3A_453 = arith.constant 84 : i32
        %mul3A_454 = arith.muli %add3A, %mul3A_453 : i32
        %add3A_455 = arith.addi %mul3A_454, %add3A_262 : i32
        %add3A_456 = arith.constant 3 : i32
        %add3A_457 = arith.addi %add3A_455, %add3A_456 : i32
        %mul3A_458 = arith.constant 120 : i32
        %mul3A_459 = arith.muli %add3A_457, %mul3A_458 : i32
        %dma_start3A_460 = arith.constant 0 : i32
        %dma_start3A_461 = arith.constant 0 : i32
        %dma_start3A_462 = tpu.memref_slice %arg12[%dma_start3A_460, %dma_start3A_461] : memref<1x120xi32, #tpu.memory_space<vmem>> -> memref<1x120xi32, #tpu.memory_space<vmem>>
        %dma_start3A_463 = tpu.memref_squeeze %dma_start3A_462 : memref<1x120xi32, #tpu.memory_space<vmem>> -> memref<120xi32, #tpu.memory_space<vmem>>
        %dma_start3A_464 = tpu.memref_slice %arg3[%mul3A_459] : memref<322560xi32, #tpu.memory_space<hbm>> -> memref<120xi32, #tpu.memory_space<hbm>>
        %dma_start3A_465 = arith.constant 0 : i32
        %dma_start3A_466 = tpu.memref_slice %arg12[%dma_start3A_460, %dma_start3A_465] : memref<1x120xi32, #tpu.memory_space<vmem>> -> memref<1x120xi32, #tpu.memory_space<vmem>>
        %dma_start3A_467 = tpu.memref_squeeze %dma_start3A_466 : memref<1x120xi32, #tpu.memory_space<vmem>> -> memref<120xi32, #tpu.memory_space<vmem>>
        %dma_start3A_468 = tpu.memref_slice %arg3[%mul3A_459] : memref<322560xi32, #tpu.memory_space<hbm>> -> memref<120xi32, #tpu.memory_space<hbm>>
        tpu.enqueue_dma source(%dma_start3A_468 : memref<120xi32, #tpu.memory_space<hbm>>) target(%dma_start3A_467 : memref<120xi32, #tpu.memory_space<vmem>>) target_semaphore(%arg27 : memref<!tpu.dma_semaphore, #tpu.memory_space<semaphore_mem>>)
        %mul3A_469 = arith.constant 84 : i32
        %mul3A_470 = arith.muli %add3A, %mul3A_469 : i32
        %add3A_471 = arith.addi %mul3A_470, %add3A_262 : i32
        %add3A_472 = arith.constant 3 : i32
        %add3A_473 = arith.addi %add3A_471, %add3A_472 : i32
        %mul3A_474 = arith.constant 120 : i32
        %mul3A_475 = arith.muli %add3A_473, %mul3A_474 : i32
        %dma_start3A_476 = arith.constant 0 : i32
        %dma_start3A_477 = arith.constant 0 : i32
        %dma_start3A_478 = tpu.memref_slice %arg18[%dma_start3A_476, %dma_start3A_477] : memref<1x120xi32, #tpu.memory_space<vmem>> -> memref<1x120xi32, #tpu.memory_space<vmem>>
        %dma_start3A_479 = tpu.memref_squeeze %dma_start3A_478 : memref<1x120xi32, #tpu.memory_space<vmem>> -> memref<120xi32, #tpu.memory_space<vmem>>
        %dma_start3A_480 = tpu.memref_slice %arg4[%mul3A_475] : memref<322560xi32, #tpu.memory_space<hbm>> -> memref<120xi32, #tpu.memory_space<hbm>>
        %dma_start3A_481 = arith.constant 0 : i32
        %dma_start3A_482 = tpu.memref_slice %arg18[%dma_start3A_476, %dma_start3A_481] : memref<1x120xi32, #tpu.memory_space<vmem>> -> memref<1x120xi32, #tpu.memory_space<vmem>>
        %dma_start3A_483 = tpu.memref_squeeze %dma_start3A_482 : memref<1x120xi32, #tpu.memory_space<vmem>> -> memref<120xi32, #tpu.memory_space<vmem>>
        %dma_start3A_484 = tpu.memref_slice %arg4[%mul3A_475] : memref<322560xi32, #tpu.memory_space<hbm>> -> memref<120xi32, #tpu.memory_space<hbm>>
        tpu.enqueue_dma source(%dma_start3A_484 : memref<120xi32, #tpu.memory_space<hbm>>) target(%dma_start3A_483 : memref<120xi32, #tpu.memory_space<vmem>>) target_semaphore(%arg27 : memref<!tpu.dma_semaphore, #tpu.memory_space<semaphore_mem>>)
      } else {
      }
      %ge3A_304 = arith.constant 1 : i32
      %ge3A_305 = arith.cmpi sge, %add3A_262, %ge3A_304 : i32
      %convert_element_type3A_306 = arith.extui %ge3A_305 : i1 to i32
      %cond3A_307 = arith.constant 0 : i32
      %cond3A_308 = arith.cmpi ne, %convert_element_type3A_306, %cond3A_307 : i32
      scf.if %cond3A_308 {
        %dma_wait3A_453 = arith.constant 0 : i32
        %dma_wait3A_454 = arith.constant 0 : i32
        %dma_wait3A_455 = tpu.memref_slice %arg8[%dma_wait3A_453, %dma_wait3A_454] : memref<1x120xi32, #tpu.memory_space<vmem>> -> memref<1x120xi32, #tpu.memory_space<vmem>>
        %dma_wait3A_456 = tpu.memref_squeeze %dma_wait3A_455 : memref<1x120xi32, #tpu.memory_space<vmem>> -> memref<120xi32, #tpu.memory_space<vmem>>
        %dma_wait3A_457 = arith.constant 0 : i32
        %dma_wait3A_458 = arith.constant 0 : i32
        %dma_wait3A_459 = tpu.memref_slice %arg2[%dma_wait3A_457, %dma_wait3A_458] : memref<10000x128xf32, #tpu.memory_space<hbm>> -> memref<10000x128xf32, #tpu.memory_space<hbm>>
        tpu.wait_indirect_dma semaphore(%arg29 : memref<!tpu.dma_semaphore, #tpu.memory_space<semaphore_mem>>) src(%dma_wait3A_459 : memref<10000x128xf32, #tpu.memory_space<hbm>>) dst(%arg20 : memref<120x128xf32, #tpu.memory_space<vmem>>)
        %dma_start3A_460 = arith.constant 0 : i32
        %dma_start3A_461 = arith.constant 0 : i32
        %dma_start3A_462 = tpu.memref_slice %arg14[%dma_start3A_460, %dma_start3A_461] : memref<1x120xi32, #tpu.memory_space<vmem>> -> memref<1x120xi32, #tpu.memory_space<vmem>>
        %dma_start3A_463 = tpu.memref_squeeze %dma_start3A_462 : memref<1x120xi32, #tpu.memory_space<vmem>> -> memref<120xi32, #tpu.memory_space<vmem>>
        %dma_start3A_464 = arith.constant 0 : i32
        %dma_start3A_465 = arith.constant 0 : i32
        %dma_start3A_466 = tpu.memref_slice %arg6[%dma_start3A_464, %dma_start3A_465] : memref<10112x128xf32, #tpu.memory_space<vmem_shared>> -> memref<10112x128xf32, #tpu.memory_space<vmem_shared>>
        tpu.enqueue_indirect_dma source(%arg20 : memref<120x128xf32, #tpu.memory_space<vmem>>) target(%dma_start3A_466 : memref<10112x128xf32, #tpu.memory_space<vmem_shared>>) offsets(%dma_start3A_463 : memref<120xi32, #tpu.memory_space<vmem>>) semaphore(%arg32 : memref<!tpu.dma_semaphore, #tpu.memory_space<semaphore_mem>>) {add = true}
      } else {
      }
      %add3A_309 = arith.constant 3 : i32
      %add3A_310 = arith.addi %mul3A_168, %add3A_309 : i32
      %dma_wait3A_311 = arith.constant 0 : i32
      %dma_wait3A_312 = arith.constant 0 : i32
      %dma_wait3A_313 = tpu.memref_slice %arg10[%dma_wait3A_311, %dma_wait3A_312] : memref<1x120xi32, #tpu.memory_space<vmem>> -> memref<1x120xi32, #tpu.memory_space<vmem>>
      %dma_wait3A_314 = tpu.memref_squeeze %dma_wait3A_313 : memref<1x120xi32, #tpu.memory_space<vmem>> -> memref<120xi32, #tpu.memory_space<vmem>>
      %dma_wait3A_315 = arith.constant 0 : i32
      %dma_wait3A_316 = tpu.memref_slice %arg3[%dma_wait3A_315] : memref<322560xi32, #tpu.memory_space<hbm>> -> memref<120xi32, #tpu.memory_space<hbm>>
      %dma_wait3A_317 = arith.constant 0 : i32
      %dma_wait3A_318 = tpu.memref_slice %arg10[%dma_wait3A_311, %dma_wait3A_317] : memref<1x120xi32, #tpu.memory_space<vmem>> -> memref<1x120xi32, #tpu.memory_space<vmem>>
      %dma_wait3A_319 = tpu.memref_squeeze %dma_wait3A_318 : memref<1x120xi32, #tpu.memory_space<vmem>> -> memref<120xi32, #tpu.memory_space<vmem>>
      %dma_wait3A_320 = arith.constant 0 : i32
      %dma_wait3A_321 = tpu.memref_slice %arg3[%dma_wait3A_320] : memref<322560xi32, #tpu.memory_space<hbm>> -> memref<120xi32, #tpu.memory_space<hbm>>
      tpu.wait_dma2 semaphore(%arg25 : memref<!tpu.dma_semaphore, #tpu.memory_space<semaphore_mem>>) src(%dma_wait3A_321 : memref<120xi32, #tpu.memory_space<hbm>>) dst(%dma_wait3A_319 : memref<120xi32, #tpu.memory_space<vmem>>)
      %dma_wait3A_322 = arith.constant 0 : i32
      %dma_wait3A_323 = arith.constant 0 : i32
      %dma_wait3A_324 = tpu.memref_slice %arg16[%dma_wait3A_322, %dma_wait3A_323] : memref<1x120xi32, #tpu.memory_space<vmem>> -> memref<1x120xi32, #tpu.memory_space<vmem>>
      %dma_wait3A_325 = tpu.memref_squeeze %dma_wait3A_324 : memref<1x120xi32, #tpu.memory_space<vmem>> -> memref<120xi32, #tpu.memory_space<vmem>>
      %dma_wait3A_326 = arith.constant 0 : i32
      %dma_wait3A_327 = tpu.memref_slice %arg4[%dma_wait3A_326] : memref<322560xi32, #tpu.memory_space<hbm>> -> memref<120xi32, #tpu.memory_space<hbm>>
      %dma_wait3A_328 = arith.constant 0 : i32
      %dma_wait3A_329 = tpu.memref_slice %arg16[%dma_wait3A_322, %dma_wait3A_328] : memref<1x120xi32, #tpu.memory_space<vmem>> -> memref<1x120xi32, #tpu.memory_space<vmem>>
      %dma_wait3A_330 = tpu.memref_squeeze %dma_wait3A_329 : memref<1x120xi32, #tpu.memory_space<vmem>> -> memref<120xi32, #tpu.memory_space<vmem>>
      %dma_wait3A_331 = arith.constant 0 : i32
      %dma_wait3A_332 = tpu.memref_slice %arg4[%dma_wait3A_331] : memref<322560xi32, #tpu.memory_space<hbm>> -> memref<120xi32, #tpu.memory_space<hbm>>
      tpu.wait_dma2 semaphore(%arg25 : memref<!tpu.dma_semaphore, #tpu.memory_space<semaphore_mem>>) src(%dma_wait3A_332 : memref<120xi32, #tpu.memory_space<hbm>>) dst(%dma_wait3A_330 : memref<120xi32, #tpu.memory_space<vmem>>)
      %ge3A_333 = arith.constant 3 : i32
      %ge3A_334 = arith.cmpi sge, %add3A_310, %ge3A_333 : i32
      %convert_element_type3A_335 = arith.extui %ge3A_334 : i1 to i32
      %cond3A_336 = arith.constant 0 : i32
      %cond3A_337 = arith.cmpi ne, %convert_element_type3A_335, %cond3A_336 : i32
      scf.if %cond3A_337 {
        %dma_wait3A_453 = arith.constant 0 : i32
        %dma_wait3A_454 = arith.constant 0 : i32
        %dma_wait3A_455 = tpu.memref_slice %arg16[%dma_wait3A_453, %dma_wait3A_454] : memref<1x120xi32, #tpu.memory_space<vmem>> -> memref<1x120xi32, #tpu.memory_space<vmem>>
        %dma_wait3A_456 = tpu.memref_squeeze %dma_wait3A_455 : memref<1x120xi32, #tpu.memory_space<vmem>> -> memref<120xi32, #tpu.memory_space<vmem>>
        %dma_wait3A_457 = arith.constant 0 : i32
        %dma_wait3A_458 = arith.constant 0 : i32
        %dma_wait3A_459 = tpu.memref_slice %arg6[%dma_wait3A_457, %dma_wait3A_458] : memref<10112x128xf32, #tpu.memory_space<vmem_shared>> -> memref<10112x128xf32, #tpu.memory_space<vmem_shared>>
        tpu.wait_indirect_dma semaphore(%arg31 : memref<!tpu.dma_semaphore, #tpu.memory_space<semaphore_mem>>) src(%arg19 : memref<120x128xf32, #tpu.memory_space<vmem>>) dst(%dma_wait3A_459 : memref<10112x128xf32, #tpu.memory_space<vmem_shared>>)
      } else {
      }
      %dma_start3A_338 = arith.constant 0 : i32
      %dma_start3A_339 = arith.constant 0 : i32
      %dma_start3A_340 = tpu.memref_slice %arg10[%dma_start3A_338, %dma_start3A_339] : memref<1x120xi32, #tpu.memory_space<vmem>> -> memref<1x120xi32, #tpu.memory_space<vmem>>
      %dma_start3A_341 = tpu.memref_squeeze %dma_start3A_340 : memref<1x120xi32, #tpu.memory_space<vmem>> -> memref<120xi32, #tpu.memory_space<vmem>>
      %dma_start3A_342 = arith.constant 0 : i32
      %dma_start3A_343 = arith.constant 0 : i32
      %dma_start3A_344 = tpu.memref_slice %arg2[%dma_start3A_342, %dma_start3A_343] : memref<10000x128xf32, #tpu.memory_space<hbm>> -> memref<10000x128xf32, #tpu.memory_space<hbm>>
      tpu.enqueue_indirect_dma source(%dma_start3A_344 : memref<10000x128xf32, #tpu.memory_space<hbm>>) target(%arg19 : memref<120x128xf32, #tpu.memory_space<vmem>>) offsets(%dma_start3A_341 : memref<120xi32, #tpu.memory_space<vmem>>) semaphore(%arg28 : memref<!tpu.dma_semaphore, #tpu.memory_space<semaphore_mem>>)
      %add3A_345 = arith.constant 3 : i32
      %add3A_346 = arith.addi %add3A_310, %add3A_345 : i32
      %lt3A_347 = arith.constant 84 : i32
      %lt3A_348 = arith.cmpi slt, %add3A_346, %lt3A_347 : i32
      %convert_element_type3A_349 = arith.extui %lt3A_348 : i1 to i32
      %cond3A_350 = arith.constant 0 : i32
      %cond3A_351 = arith.cmpi ne, %convert_element_type3A_349, %cond3A_350 : i32
      scf.if %cond3A_351 {
        %mul3A_453 = arith.constant 84 : i32
        %mul3A_454 = arith.muli %add3A, %mul3A_453 : i32
        %add3A_455 = arith.addi %mul3A_454, %add3A_310 : i32
        %add3A_456 = arith.constant 3 : i32
        %add3A_457 = arith.addi %add3A_455, %add3A_456 : i32
        %mul3A_458 = arith.constant 120 : i32
        %mul3A_459 = arith.muli %add3A_457, %mul3A_458 : i32
        %dma_start3A_460 = arith.constant 0 : i32
        %dma_start3A_461 = arith.constant 0 : i32
        %dma_start3A_462 = tpu.memref_slice %arg7[%dma_start3A_460, %dma_start3A_461] : memref<1x120xi32, #tpu.memory_space<vmem>> -> memref<1x120xi32, #tpu.memory_space<vmem>>
        %dma_start3A_463 = tpu.memref_squeeze %dma_start3A_462 : memref<1x120xi32, #tpu.memory_space<vmem>> -> memref<120xi32, #tpu.memory_space<vmem>>
        %dma_start3A_464 = tpu.memref_slice %arg3[%mul3A_459] : memref<322560xi32, #tpu.memory_space<hbm>> -> memref<120xi32, #tpu.memory_space<hbm>>
        %dma_start3A_465 = arith.constant 0 : i32
        %dma_start3A_466 = tpu.memref_slice %arg7[%dma_start3A_460, %dma_start3A_465] : memref<1x120xi32, #tpu.memory_space<vmem>> -> memref<1x120xi32, #tpu.memory_space<vmem>>
        %dma_start3A_467 = tpu.memref_squeeze %dma_start3A_466 : memref<1x120xi32, #tpu.memory_space<vmem>> -> memref<120xi32, #tpu.memory_space<vmem>>
        %dma_start3A_468 = tpu.memref_slice %arg3[%mul3A_459] : memref<322560xi32, #tpu.memory_space<hbm>> -> memref<120xi32, #tpu.memory_space<hbm>>
        tpu.enqueue_dma source(%dma_start3A_468 : memref<120xi32, #tpu.memory_space<hbm>>) target(%dma_start3A_467 : memref<120xi32, #tpu.memory_space<vmem>>) target_semaphore(%arg22 : memref<!tpu.dma_semaphore, #tpu.memory_space<semaphore_mem>>)
        %mul3A_469 = arith.constant 84 : i32
        %mul3A_470 = arith.muli %add3A, %mul3A_469 : i32
        %add3A_471 = arith.addi %mul3A_470, %add3A_310 : i32
        %add3A_472 = arith.constant 3 : i32
        %add3A_473 = arith.addi %add3A_471, %add3A_472 : i32
        %mul3A_474 = arith.constant 120 : i32
        %mul3A_475 = arith.muli %add3A_473, %mul3A_474 : i32
        %dma_start3A_476 = arith.constant 0 : i32
        %dma_start3A_477 = arith.constant 0 : i32
        %dma_start3A_478 = tpu.memref_slice %arg13[%dma_start3A_476, %dma_start3A_477] : memref<1x120xi32, #tpu.memory_space<vmem>> -> memref<1x120xi32, #tpu.memory_space<vmem>>
        %dma_start3A_479 = tpu.memref_squeeze %dma_start3A_478 : memref<1x120xi32, #tpu.memory_space<vmem>> -> memref<120xi32, #tpu.memory_space<vmem>>
        %dma_start3A_480 = tpu.memref_slice %arg4[%mul3A_475] : memref<322560xi32, #tpu.memory_space<hbm>> -> memref<120xi32, #tpu.memory_space<hbm>>
        %dma_start3A_481 = arith.constant 0 : i32
        %dma_start3A_482 = tpu.memref_slice %arg13[%dma_start3A_476, %dma_start3A_481] : memref<1x120xi32, #tpu.memory_space<vmem>> -> memref<1x120xi32, #tpu.memory_space<vmem>>
        %dma_start3A_483 = tpu.memref_squeeze %dma_start3A_482 : memref<1x120xi32, #tpu.memory_space<vmem>> -> memref<120xi32, #tpu.memory_space<vmem>>
        %dma_start3A_484 = tpu.memref_slice %arg4[%mul3A_475] : memref<322560xi32, #tpu.memory_space<hbm>> -> memref<120xi32, #tpu.memory_space<hbm>>
        tpu.enqueue_dma source(%dma_start3A_484 : memref<120xi32, #tpu.memory_space<hbm>>) target(%dma_start3A_483 : memref<120xi32, #tpu.memory_space<vmem>>) target_semaphore(%arg22 : memref<!tpu.dma_semaphore, #tpu.memory_space<semaphore_mem>>)
      } else {
      }
      %ge3A_352 = arith.constant 1 : i32
      %ge3A_353 = arith.cmpi sge, %add3A_310, %ge3A_352 : i32
      %convert_element_type3A_354 = arith.extui %ge3A_353 : i1 to i32
      %cond3A_355 = arith.constant 0 : i32
      %cond3A_356 = arith.cmpi ne, %convert_element_type3A_354, %cond3A_355 : i32
      scf.if %cond3A_356 {
        %dma_wait3A_453 = arith.constant 0 : i32
        %dma_wait3A_454 = arith.constant 0 : i32
        %dma_wait3A_455 = tpu.memref_slice %arg9[%dma_wait3A_453, %dma_wait3A_454] : memref<1x120xi32, #tpu.memory_space<vmem>> -> memref<1x120xi32, #tpu.memory_space<vmem>>
        %dma_wait3A_456 = tpu.memref_squeeze %dma_wait3A_455 : memref<1x120xi32, #tpu.memory_space<vmem>> -> memref<120xi32, #tpu.memory_space<vmem>>
        %dma_wait3A_457 = arith.constant 0 : i32
        %dma_wait3A_458 = arith.constant 0 : i32
        %dma_wait3A_459 = tpu.memref_slice %arg2[%dma_wait3A_457, %dma_wait3A_458] : memref<10000x128xf32, #tpu.memory_space<hbm>> -> memref<10000x128xf32, #tpu.memory_space<hbm>>
        tpu.wait_indirect_dma semaphore(%arg30 : memref<!tpu.dma_semaphore, #tpu.memory_space<semaphore_mem>>) src(%dma_wait3A_459 : memref<10000x128xf32, #tpu.memory_space<hbm>>) dst(%arg21 : memref<120x128xf32, #tpu.memory_space<vmem>>)
        %dma_start3A_460 = arith.constant 0 : i32
        %dma_start3A_461 = arith.constant 0 : i32
        %dma_start3A_462 = tpu.memref_slice %arg15[%dma_start3A_460, %dma_start3A_461] : memref<1x120xi32, #tpu.memory_space<vmem>> -> memref<1x120xi32, #tpu.memory_space<vmem>>
        %dma_start3A_463 = tpu.memref_squeeze %dma_start3A_462 : memref<1x120xi32, #tpu.memory_space<vmem>> -> memref<120xi32, #tpu.memory_space<vmem>>
        %dma_start3A_464 = arith.constant 0 : i32
        %dma_start3A_465 = arith.constant 0 : i32
        %dma_start3A_466 = tpu.memref_slice %arg6[%dma_start3A_464, %dma_start3A_465] : memref<10112x128xf32, #tpu.memory_space<vmem_shared>> -> memref<10112x128xf32, #tpu.memory_space<vmem_shared>>
        tpu.enqueue_indirect_dma source(%arg21 : memref<120x128xf32, #tpu.memory_space<vmem>>) target(%dma_start3A_466 : memref<10112x128xf32, #tpu.memory_space<vmem_shared>>) offsets(%dma_start3A_463 : memref<120xi32, #tpu.memory_space<vmem>>) semaphore(%arg33 : memref<!tpu.dma_semaphore, #tpu.memory_space<semaphore_mem>>) {add = true}
      } else {
      }
      %add3A_357 = arith.constant 4 : i32
      %add3A_358 = arith.addi %mul3A_168, %add3A_357 : i32
      %dma_wait3A_359 = arith.constant 0 : i32
      %dma_wait3A_360 = arith.constant 0 : i32
      %dma_wait3A_361 = tpu.memref_slice %arg11[%dma_wait3A_359, %dma_wait3A_360] : memref<1x120xi32, #tpu.memory_space<vmem>> -> memref<1x120xi32, #tpu.memory_space<vmem>>
      %dma_wait3A_362 = tpu.memref_squeeze %dma_wait3A_361 : memref<1x120xi32, #tpu.memory_space<vmem>> -> memref<120xi32, #tpu.memory_space<vmem>>
      %dma_wait3A_363 = arith.constant 0 : i32
      %dma_wait3A_364 = tpu.memref_slice %arg3[%dma_wait3A_363] : memref<322560xi32, #tpu.memory_space<hbm>> -> memref<120xi32, #tpu.memory_space<hbm>>
      %dma_wait3A_365 = arith.constant 0 : i32
      %dma_wait3A_366 = tpu.memref_slice %arg11[%dma_wait3A_359, %dma_wait3A_365] : memref<1x120xi32, #tpu.memory_space<vmem>> -> memref<1x120xi32, #tpu.memory_space<vmem>>
      %dma_wait3A_367 = tpu.memref_squeeze %dma_wait3A_366 : memref<1x120xi32, #tpu.memory_space<vmem>> -> memref<120xi32, #tpu.memory_space<vmem>>
      %dma_wait3A_368 = arith.constant 0 : i32
      %dma_wait3A_369 = tpu.memref_slice %arg3[%dma_wait3A_368] : memref<322560xi32, #tpu.memory_space<hbm>> -> memref<120xi32, #tpu.memory_space<hbm>>
      tpu.wait_dma2 semaphore(%arg26 : memref<!tpu.dma_semaphore, #tpu.memory_space<semaphore_mem>>) src(%dma_wait3A_369 : memref<120xi32, #tpu.memory_space<hbm>>) dst(%dma_wait3A_367 : memref<120xi32, #tpu.memory_space<vmem>>)
      %dma_wait3A_370 = arith.constant 0 : i32
      %dma_wait3A_371 = arith.constant 0 : i32
      %dma_wait3A_372 = tpu.memref_slice %arg17[%dma_wait3A_370, %dma_wait3A_371] : memref<1x120xi32, #tpu.memory_space<vmem>> -> memref<1x120xi32, #tpu.memory_space<vmem>>
      %dma_wait3A_373 = tpu.memref_squeeze %dma_wait3A_372 : memref<1x120xi32, #tpu.memory_space<vmem>> -> memref<120xi32, #tpu.memory_space<vmem>>
      %dma_wait3A_374 = arith.constant 0 : i32
      %dma_wait3A_375 = tpu.memref_slice %arg4[%dma_wait3A_374] : memref<322560xi32, #tpu.memory_space<hbm>> -> memref<120xi32, #tpu.memory_space<hbm>>
      %dma_wait3A_376 = arith.constant 0 : i32
      %dma_wait3A_377 = tpu.memref_slice %arg17[%dma_wait3A_370, %dma_wait3A_376] : memref<1x120xi32, #tpu.memory_space<vmem>> -> memref<1x120xi32, #tpu.memory_space<vmem>>
      %dma_wait3A_378 = tpu.memref_squeeze %dma_wait3A_377 : memref<1x120xi32, #tpu.memory_space<vmem>> -> memref<120xi32, #tpu.memory_space<vmem>>
      %dma_wait3A_379 = arith.constant 0 : i32
      %dma_wait3A_380 = tpu.memref_slice %arg4[%dma_wait3A_379] : memref<322560xi32, #tpu.memory_space<hbm>> -> memref<120xi32, #tpu.memory_space<hbm>>
      tpu.wait_dma2 semaphore(%arg26 : memref<!tpu.dma_semaphore, #tpu.memory_space<semaphore_mem>>) src(%dma_wait3A_380 : memref<120xi32, #tpu.memory_space<hbm>>) dst(%dma_wait3A_378 : memref<120xi32, #tpu.memory_space<vmem>>)
      %ge3A_381 = arith.constant 3 : i32
      %ge3A_382 = arith.cmpi sge, %add3A_358, %ge3A_381 : i32
      %convert_element_type3A_383 = arith.extui %ge3A_382 : i1 to i32
      %cond3A_384 = arith.constant 0 : i32
      %cond3A_385 = arith.cmpi ne, %convert_element_type3A_383, %cond3A_384 : i32
      scf.if %cond3A_385 {
        %dma_wait3A_453 = arith.constant 0 : i32
        %dma_wait3A_454 = arith.constant 0 : i32
        %dma_wait3A_455 = tpu.memref_slice %arg17[%dma_wait3A_453, %dma_wait3A_454] : memref<1x120xi32, #tpu.memory_space<vmem>> -> memref<1x120xi32, #tpu.memory_space<vmem>>
        %dma_wait3A_456 = tpu.memref_squeeze %dma_wait3A_455 : memref<1x120xi32, #tpu.memory_space<vmem>> -> memref<120xi32, #tpu.memory_space<vmem>>
        %dma_wait3A_457 = arith.constant 0 : i32
        %dma_wait3A_458 = arith.constant 0 : i32
        %dma_wait3A_459 = tpu.memref_slice %arg6[%dma_wait3A_457, %dma_wait3A_458] : memref<10112x128xf32, #tpu.memory_space<vmem_shared>> -> memref<10112x128xf32, #tpu.memory_space<vmem_shared>>
        tpu.wait_indirect_dma semaphore(%arg32 : memref<!tpu.dma_semaphore, #tpu.memory_space<semaphore_mem>>) src(%arg20 : memref<120x128xf32, #tpu.memory_space<vmem>>) dst(%dma_wait3A_459 : memref<10112x128xf32, #tpu.memory_space<vmem_shared>>)
      } else {
      }
      %dma_start3A_386 = arith.constant 0 : i32
      %dma_start3A_387 = arith.constant 0 : i32
      %dma_start3A_388 = tpu.memref_slice %arg11[%dma_start3A_386, %dma_start3A_387] : memref<1x120xi32, #tpu.memory_space<vmem>> -> memref<1x120xi32, #tpu.memory_space<vmem>>
      %dma_start3A_389 = tpu.memref_squeeze %dma_start3A_388 : memref<1x120xi32, #tpu.memory_space<vmem>> -> memref<120xi32, #tpu.memory_space<vmem>>
      %dma_start3A_390 = arith.constant 0 : i32
      %dma_start3A_391 = arith.constant 0 : i32
      %dma_start3A_392 = tpu.memref_slice %arg2[%dma_start3A_390, %dma_start3A_391] : memref<10000x128xf32, #tpu.memory_space<hbm>> -> memref<10000x128xf32, #tpu.memory_space<hbm>>
      tpu.enqueue_indirect_dma source(%dma_start3A_392 : memref<10000x128xf32, #tpu.memory_space<hbm>>) target(%arg20 : memref<120x128xf32, #tpu.memory_space<vmem>>) offsets(%dma_start3A_389 : memref<120xi32, #tpu.memory_space<vmem>>) semaphore(%arg29 : memref<!tpu.dma_semaphore, #tpu.memory_space<semaphore_mem>>)
      %add3A_393 = arith.constant 3 : i32
      %add3A_394 = arith.addi %add3A_358, %add3A_393 : i32
      %lt3A_395 = arith.constant 84 : i32
      %lt3A_396 = arith.cmpi slt, %add3A_394, %lt3A_395 : i32
      %convert_element_type3A_397 = arith.extui %lt3A_396 : i1 to i32
      %cond3A_398 = arith.constant 0 : i32
      %cond3A_399 = arith.cmpi ne, %convert_element_type3A_397, %cond3A_398 : i32
      scf.if %cond3A_399 {
        %mul3A_453 = arith.constant 84 : i32
        %mul3A_454 = arith.muli %add3A, %mul3A_453 : i32
        %add3A_455 = arith.addi %mul3A_454, %add3A_358 : i32
        %add3A_456 = arith.constant 3 : i32
        %add3A_457 = arith.addi %add3A_455, %add3A_456 : i32
        %mul3A_458 = arith.constant 120 : i32
        %mul3A_459 = arith.muli %add3A_457, %mul3A_458 : i32
        %dma_start3A_460 = arith.constant 0 : i32
        %dma_start3A_461 = arith.constant 0 : i32
        %dma_start3A_462 = tpu.memref_slice %arg8[%dma_start3A_460, %dma_start3A_461] : memref<1x120xi32, #tpu.memory_space<vmem>> -> memref<1x120xi32, #tpu.memory_space<vmem>>
        %dma_start3A_463 = tpu.memref_squeeze %dma_start3A_462 : memref<1x120xi32, #tpu.memory_space<vmem>> -> memref<120xi32, #tpu.memory_space<vmem>>
        %dma_start3A_464 = tpu.memref_slice %arg3[%mul3A_459] : memref<322560xi32, #tpu.memory_space<hbm>> -> memref<120xi32, #tpu.memory_space<hbm>>
        %dma_start3A_465 = arith.constant 0 : i32
        %dma_start3A_466 = tpu.memref_slice %arg8[%dma_start3A_460, %dma_start3A_465] : memref<1x120xi32, #tpu.memory_space<vmem>> -> memref<1x120xi32, #tpu.memory_space<vmem>>
        %dma_start3A_467 = tpu.memref_squeeze %dma_start3A_466 : memref<1x120xi32, #tpu.memory_space<vmem>> -> memref<120xi32, #tpu.memory_space<vmem>>
        %dma_start3A_468 = tpu.memref_slice %arg3[%mul3A_459] : memref<322560xi32, #tpu.memory_space<hbm>> -> memref<120xi32, #tpu.memory_space<hbm>>
        tpu.enqueue_dma source(%dma_start3A_468 : memref<120xi32, #tpu.memory_space<hbm>>) target(%dma_start3A_467 : memref<120xi32, #tpu.memory_space<vmem>>) target_semaphore(%arg23 : memref<!tpu.dma_semaphore, #tpu.memory_space<semaphore_mem>>)
        %mul3A_469 = arith.constant 84 : i32
        %mul3A_470 = arith.muli %add3A, %mul3A_469 : i32
        %add3A_471 = arith.addi %mul3A_470, %add3A_358 : i32
        %add3A_472 = arith.constant 3 : i32
        %add3A_473 = arith.addi %add3A_471, %add3A_472 : i32
        %mul3A_474 = arith.constant 120 : i32
        %mul3A_475 = arith.muli %add3A_473, %mul3A_474 : i32
        %dma_start3A_476 = arith.constant 0 : i32
        %dma_start3A_477 = arith.constant 0 : i32
        %dma_start3A_478 = tpu.memref_slice %arg14[%dma_start3A_476, %dma_start3A_477] : memref<1x120xi32, #tpu.memory_space<vmem>> -> memref<1x120xi32, #tpu.memory_space<vmem>>
        %dma_start3A_479 = tpu.memref_squeeze %dma_start3A_478 : memref<1x120xi32, #tpu.memory_space<vmem>> -> memref<120xi32, #tpu.memory_space<vmem>>
        %dma_start3A_480 = tpu.memref_slice %arg4[%mul3A_475] : memref<322560xi32, #tpu.memory_space<hbm>> -> memref<120xi32, #tpu.memory_space<hbm>>
        %dma_start3A_481 = arith.constant 0 : i32
        %dma_start3A_482 = tpu.memref_slice %arg14[%dma_start3A_476, %dma_start3A_481] : memref<1x120xi32, #tpu.memory_space<vmem>> -> memref<1x120xi32, #tpu.memory_space<vmem>>
        %dma_start3A_483 = tpu.memref_squeeze %dma_start3A_482 : memref<1x120xi32, #tpu.memory_space<vmem>> -> memref<120xi32, #tpu.memory_space<vmem>>
        %dma_start3A_484 = tpu.memref_slice %arg4[%mul3A_475] : memref<322560xi32, #tpu.memory_space<hbm>> -> memref<120xi32, #tpu.memory_space<hbm>>
        tpu.enqueue_dma source(%dma_start3A_484 : memref<120xi32, #tpu.memory_space<hbm>>) target(%dma_start3A_483 : memref<120xi32, #tpu.memory_space<vmem>>) target_semaphore(%arg23 : memref<!tpu.dma_semaphore, #tpu.memory_space<semaphore_mem>>)
      } else {
      }
      %ge3A_400 = arith.constant 1 : i32
      %ge3A_401 = arith.cmpi sge, %add3A_358, %ge3A_400 : i32
      %convert_element_type3A_402 = arith.extui %ge3A_401 : i1 to i32
      %cond3A_403 = arith.constant 0 : i32
      %cond3A_404 = arith.cmpi ne, %convert_element_type3A_402, %cond3A_403 : i32
      scf.if %cond3A_404 {
        %dma_wait3A_453 = arith.constant 0 : i32
        %dma_wait3A_454 = arith.constant 0 : i32
        %dma_wait3A_455 = tpu.memref_slice %arg10[%dma_wait3A_453, %dma_wait3A_454] : memref<1x120xi32, #tpu.memory_space<vmem>> -> memref<1x120xi32, #tpu.memory_space<vmem>>
        %dma_wait3A_456 = tpu.memref_squeeze %dma_wait3A_455 : memref<1x120xi32, #tpu.memory_space<vmem>> -> memref<120xi32, #tpu.memory_space<vmem>>
        %dma_wait3A_457 = arith.constant 0 : i32
        %dma_wait3A_458 = arith.constant 0 : i32
        %dma_wait3A_459 = tpu.memref_slice %arg2[%dma_wait3A_457, %dma_wait3A_458] : memref<10000x128xf32, #tpu.memory_space<hbm>> -> memref<10000x128xf32, #tpu.memory_space<hbm>>
        tpu.wait_indirect_dma semaphore(%arg28 : memref<!tpu.dma_semaphore, #tpu.memory_space<semaphore_mem>>) src(%dma_wait3A_459 : memref<10000x128xf32, #tpu.memory_space<hbm>>) dst(%arg19 : memref<120x128xf32, #tpu.memory_space<vmem>>)
        %dma_start3A_460 = arith.constant 0 : i32
        %dma_start3A_461 = arith.constant 0 : i32
        %dma_start3A_462 = tpu.memref_slice %arg16[%dma_start3A_460, %dma_start3A_461] : memref<1x120xi32, #tpu.memory_space<vmem>> -> memref<1x120xi32, #tpu.memory_space<vmem>>
        %dma_start3A_463 = tpu.memref_squeeze %dma_start3A_462 : memref<1x120xi32, #tpu.memory_space<vmem>> -> memref<120xi32, #tpu.memory_space<vmem>>
        %dma_start3A_464 = arith.constant 0 : i32
        %dma_start3A_465 = arith.constant 0 : i32
        %dma_start3A_466 = tpu.memref_slice %arg6[%dma_start3A_464, %dma_start3A_465] : memref<10112x128xf32, #tpu.memory_space<vmem_shared>> -> memref<10112x128xf32, #tpu.memory_space<vmem_shared>>
        tpu.enqueue_indirect_dma source(%arg19 : memref<120x128xf32, #tpu.memory_space<vmem>>) target(%dma_start3A_466 : memref<10112x128xf32, #tpu.memory_space<vmem_shared>>) offsets(%dma_start3A_463 : memref<120xi32, #tpu.memory_space<vmem>>) semaphore(%arg31 : memref<!tpu.dma_semaphore, #tpu.memory_space<semaphore_mem>>) {add = true}
      } else {
      }
      %add3A_405 = arith.constant 5 : i32
      %add3A_406 = arith.addi %mul3A_168, %add3A_405 : i32
      %dma_wait3A_407 = arith.constant 0 : i32
      %dma_wait3A_408 = arith.constant 0 : i32
      %dma_wait3A_409 = tpu.memref_slice %arg12[%dma_wait3A_407, %dma_wait3A_408] : memref<1x120xi32, #tpu.memory_space<vmem>> -> memref<1x120xi32, #tpu.memory_space<vmem>>
      %dma_wait3A_410 = tpu.memref_squeeze %dma_wait3A_409 : memref<1x120xi32, #tpu.memory_space<vmem>> -> memref<120xi32, #tpu.memory_space<vmem>>
      %dma_wait3A_411 = arith.constant 0 : i32
      %dma_wait3A_412 = tpu.memref_slice %arg3[%dma_wait3A_411] : memref<322560xi32, #tpu.memory_space<hbm>> -> memref<120xi32, #tpu.memory_space<hbm>>
      %dma_wait3A_413 = arith.constant 0 : i32
      %dma_wait3A_414 = tpu.memref_slice %arg12[%dma_wait3A_407, %dma_wait3A_413] : memref<1x120xi32, #tpu.memory_space<vmem>> -> memref<1x120xi32, #tpu.memory_space<vmem>>
      %dma_wait3A_415 = tpu.memref_squeeze %dma_wait3A_414 : memref<1x120xi32, #tpu.memory_space<vmem>> -> memref<120xi32, #tpu.memory_space<vmem>>
      %dma_wait3A_416 = arith.constant 0 : i32
      %dma_wait3A_417 = tpu.memref_slice %arg3[%dma_wait3A_416] : memref<322560xi32, #tpu.memory_space<hbm>> -> memref<120xi32, #tpu.memory_space<hbm>>
      tpu.wait_dma2 semaphore(%arg27 : memref<!tpu.dma_semaphore, #tpu.memory_space<semaphore_mem>>) src(%dma_wait3A_417 : memref<120xi32, #tpu.memory_space<hbm>>) dst(%dma_wait3A_415 : memref<120xi32, #tpu.memory_space<vmem>>)
      %dma_wait3A_418 = arith.constant 0 : i32
      %dma_wait3A_419 = arith.constant 0 : i32
      %dma_wait3A_420 = tpu.memref_slice %arg18[%dma_wait3A_418, %dma_wait3A_419] : memref<1x120xi32, #tpu.memory_space<vmem>> -> memref<1x120xi32, #tpu.memory_space<vmem>>
      %dma_wait3A_421 = tpu.memref_squeeze %dma_wait3A_420 : memref<1x120xi32, #tpu.memory_space<vmem>> -> memref<120xi32, #tpu.memory_space<vmem>>
      %dma_wait3A_422 = arith.constant 0 : i32
      %dma_wait3A_423 = tpu.memref_slice %arg4[%dma_wait3A_422] : memref<322560xi32, #tpu.memory_space<hbm>> -> memref<120xi32, #tpu.memory_space<hbm>>
      %dma_wait3A_424 = arith.constant 0 : i32
      %dma_wait3A_425 = tpu.memref_slice %arg18[%dma_wait3A_418, %dma_wait3A_424] : memref<1x120xi32, #tpu.memory_space<vmem>> -> memref<1x120xi32, #tpu.memory_space<vmem>>
      %dma_wait3A_426 = tpu.memref_squeeze %dma_wait3A_425 : memref<1x120xi32, #tpu.memory_space<vmem>> -> memref<120xi32, #tpu.memory_space<vmem>>
      %dma_wait3A_427 = arith.constant 0 : i32
      %dma_wait3A_428 = tpu.memref_slice %arg4[%dma_wait3A_427] : memref<322560xi32, #tpu.memory_space<hbm>> -> memref<120xi32, #tpu.memory_space<hbm>>
      tpu.wait_dma2 semaphore(%arg27 : memref<!tpu.dma_semaphore, #tpu.memory_space<semaphore_mem>>) src(%dma_wait3A_428 : memref<120xi32, #tpu.memory_space<hbm>>) dst(%dma_wait3A_426 : memref<120xi32, #tpu.memory_space<vmem>>)
      %ge3A_429 = arith.constant 3 : i32
      %ge3A_430 = arith.cmpi sge, %add3A_406, %ge3A_429 : i32
      %convert_element_type3A_431 = arith.extui %ge3A_430 : i1 to i32
      %cond3A_432 = arith.constant 0 : i32
      %cond3A_433 = arith.cmpi ne, %convert_element_type3A_431, %cond3A_432 : i32
      scf.if %cond3A_433 {
        %dma_wait3A_453 = arith.constant 0 : i32
        %dma_wait3A_454 = arith.constant 0 : i32
        %dma_wait3A_455 = tpu.memref_slice %arg18[%dma_wait3A_453, %dma_wait3A_454] : memref<1x120xi32, #tpu.memory_space<vmem>> -> memref<1x120xi32, #tpu.memory_space<vmem>>
        %dma_wait3A_456 = tpu.memref_squeeze %dma_wait3A_455 : memref<1x120xi32, #tpu.memory_space<vmem>> -> memref<120xi32, #tpu.memory_space<vmem>>
        %dma_wait3A_457 = arith.constant 0 : i32
        %dma_wait3A_458 = arith.constant 0 : i32
        %dma_wait3A_459 = tpu.memref_slice %arg6[%dma_wait3A_457, %dma_wait3A_458] : memref<10112x128xf32, #tpu.memory_space<vmem_shared>> -> memref<10112x128xf32, #tpu.memory_space<vmem_shared>>
        tpu.wait_indirect_dma semaphore(%arg33 : memref<!tpu.dma_semaphore, #tpu.memory_space<semaphore_mem>>) src(%arg21 : memref<120x128xf32, #tpu.memory_space<vmem>>) dst(%dma_wait3A_459 : memref<10112x128xf32, #tpu.memory_space<vmem_shared>>)
      } else {
      }
      %dma_start3A_434 = arith.constant 0 : i32
      %dma_start3A_435 = arith.constant 0 : i32
      %dma_start3A_436 = tpu.memref_slice %arg12[%dma_start3A_434, %dma_start3A_435] : memref<1x120xi32, #tpu.memory_space<vmem>> -> memref<1x120xi32, #tpu.memory_space<vmem>>
      %dma_start3A_437 = tpu.memref_squeeze %dma_start3A_436 : memref<1x120xi32, #tpu.memory_space<vmem>> -> memref<120xi32, #tpu.memory_space<vmem>>
      %dma_start3A_438 = arith.constant 0 : i32
      %dma_start3A_439 = arith.constant 0 : i32
      %dma_start3A_440 = tpu.memref_slice %arg2[%dma_start3A_438, %dma_start3A_439] : memref<10000x128xf32, #tpu.memory_space<hbm>> -> memref<10000x128xf32, #tpu.memory_space<hbm>>
      tpu.enqueue_indirect_dma source(%dma_start3A_440 : memref<10000x128xf32, #tpu.memory_space<hbm>>) target(%arg21 : memref<120x128xf32, #tpu.memory_space<vmem>>) offsets(%dma_start3A_437 : memref<120xi32, #tpu.memory_space<vmem>>) semaphore(%arg30 : memref<!tpu.dma_semaphore, #tpu.memory_space<semaphore_mem>>)
      %add3A_441 = arith.constant 3 : i32
      %add3A_442 = arith.addi %add3A_406, %add3A_441 : i32
      %lt3A_443 = arith.constant 84 : i32
      %lt3A_444 = arith.cmpi slt, %add3A_442, %lt3A_443 : i32
      %convert_element_type3A_445 = arith.extui %lt3A_444 : i1 to i32
      %cond3A_446 = arith.constant 0 : i32
      %cond3A_447 = arith.cmpi ne, %convert_element_type3A_445, %cond3A_446 : i32
      scf.if %cond3A_447 {
        %mul3A_453 = arith.constant 84 : i32
        %mul3A_454 = arith.muli %add3A, %mul3A_453 : i32
        %add3A_455 = arith.addi %mul3A_454, %add3A_406 : i32
        %add3A_456 = arith.constant 3 : i32
        %add3A_457 = arith.addi %add3A_455, %add3A_456 : i32
        %mul3A_458 = arith.constant 120 : i32
        %mul3A_459 = arith.muli %add3A_457, %mul3A_458 : i32
        %dma_start3A_460 = arith.constant 0 : i32
        %dma_start3A_461 = arith.constant 0 : i32
        %dma_start3A_462 = tpu.memref_slice %arg9[%dma_start3A_460, %dma_start3A_461] : memref<1x120xi32, #tpu.memory_space<vmem>> -> memref<1x120xi32, #tpu.memory_space<vmem>>
        %dma_start3A_463 = tpu.memref_squeeze %dma_start3A_462 : memref<1x120xi32, #tpu.memory_space<vmem>> -> memref<120xi32, #tpu.memory_space<vmem>>
        %dma_start3A_464 = tpu.memref_slice %arg3[%mul3A_459] : memref<322560xi32, #tpu.memory_space<hbm>> -> memref<120xi32, #tpu.memory_space<hbm>>
        %dma_start3A_465 = arith.constant 0 : i32
        %dma_start3A_466 = tpu.memref_slice %arg9[%dma_start3A_460, %dma_start3A_465] : memref<1x120xi32, #tpu.memory_space<vmem>> -> memref<1x120xi32, #tpu.memory_space<vmem>>
        %dma_start3A_467 = tpu.memref_squeeze %dma_start3A_466 : memref<1x120xi32, #tpu.memory_space<vmem>> -> memref<120xi32, #tpu.memory_space<vmem>>
        %dma_start3A_468 = tpu.memref_slice %arg3[%mul3A_459] : memref<322560xi32, #tpu.memory_space<hbm>> -> memref<120xi32, #tpu.memory_space<hbm>>
        tpu.enqueue_dma source(%dma_start3A_468 : memref<120xi32, #tpu.memory_space<hbm>>) target(%dma_start3A_467 : memref<120xi32, #tpu.memory_space<vmem>>) target_semaphore(%arg24 : memref<!tpu.dma_semaphore, #tpu.memory_space<semaphore_mem>>)
        %mul3A_469 = arith.constant 84 : i32
        %mul3A_470 = arith.muli %add3A, %mul3A_469 : i32
        %add3A_471 = arith.addi %mul3A_470, %add3A_406 : i32
        %add3A_472 = arith.constant 3 : i32
        %add3A_473 = arith.addi %add3A_471, %add3A_472 : i32
        %mul3A_474 = arith.constant 120 : i32
        %mul3A_475 = arith.muli %add3A_473, %mul3A_474 : i32
        %dma_start3A_476 = arith.constant 0 : i32
        %dma_start3A_477 = arith.constant 0 : i32
        %dma_start3A_478 = tpu.memref_slice %arg15[%dma_start3A_476, %dma_start3A_477] : memref<1x120xi32, #tpu.memory_space<vmem>> -> memref<1x120xi32, #tpu.memory_space<vmem>>
        %dma_start3A_479 = tpu.memref_squeeze %dma_start3A_478 : memref<1x120xi32, #tpu.memory_space<vmem>> -> memref<120xi32, #tpu.memory_space<vmem>>
        %dma_start3A_480 = tpu.memref_slice %arg4[%mul3A_475] : memref<322560xi32, #tpu.memory_space<hbm>> -> memref<120xi32, #tpu.memory_space<hbm>>
        %dma_start3A_481 = arith.constant 0 : i32
        %dma_start3A_482 = tpu.memref_slice %arg15[%dma_start3A_476, %dma_start3A_481] : memref<1x120xi32, #tpu.memory_space<vmem>> -> memref<1x120xi32, #tpu.memory_space<vmem>>
        %dma_start3A_483 = tpu.memref_squeeze %dma_start3A_482 : memref<1x120xi32, #tpu.memory_space<vmem>> -> memref<120xi32, #tpu.memory_space<vmem>>
        %dma_start3A_484 = tpu.memref_slice %arg4[%mul3A_475] : memref<322560xi32, #tpu.memory_space<hbm>> -> memref<120xi32, #tpu.memory_space<hbm>>
        tpu.enqueue_dma source(%dma_start3A_484 : memref<120xi32, #tpu.memory_space<hbm>>) target(%dma_start3A_483 : memref<120xi32, #tpu.memory_space<vmem>>) target_semaphore(%arg24 : memref<!tpu.dma_semaphore, #tpu.memory_space<semaphore_mem>>)
      } else {
      }
      %ge3A_448 = arith.constant 1 : i32
      %ge3A_449 = arith.cmpi sge, %add3A_406, %ge3A_448 : i32
      %convert_element_type3A_450 = arith.extui %ge3A_449 : i1 to i32
      %cond3A_451 = arith.constant 0 : i32
      %cond3A_452 = arith.cmpi ne, %convert_element_type3A_450, %cond3A_451 : i32
      scf.if %cond3A_452 {
        %dma_wait3A_453 = arith.constant 0 : i32
        %dma_wait3A_454 = arith.constant 0 : i32
        %dma_wait3A_455 = tpu.memref_slice %arg11[%dma_wait3A_453, %dma_wait3A_454] : memref<1x120xi32, #tpu.memory_space<vmem>> -> memref<1x120xi32, #tpu.memory_space<vmem>>
        %dma_wait3A_456 = tpu.memref_squeeze %dma_wait3A_455 : memref<1x120xi32, #tpu.memory_space<vmem>> -> memref<120xi32, #tpu.memory_space<vmem>>
        %dma_wait3A_457 = arith.constant 0 : i32
        %dma_wait3A_458 = arith.constant 0 : i32
        %dma_wait3A_459 = tpu.memref_slice %arg2[%dma_wait3A_457, %dma_wait3A_458] : memref<10000x128xf32, #tpu.memory_space<hbm>> -> memref<10000x128xf32, #tpu.memory_space<hbm>>
        tpu.wait_indirect_dma semaphore(%arg29 : memref<!tpu.dma_semaphore, #tpu.memory_space<semaphore_mem>>) src(%dma_wait3A_459 : memref<10000x128xf32, #tpu.memory_space<hbm>>) dst(%arg20 : memref<120x128xf32, #tpu.memory_space<vmem>>)
        %dma_start3A_460 = arith.constant 0 : i32
        %dma_start3A_461 = arith.constant 0 : i32
        %dma_start3A_462 = tpu.memref_slice %arg17[%dma_start3A_460, %dma_start3A_461] : memref<1x120xi32, #tpu.memory_space<vmem>> -> memref<1x120xi32, #tpu.memory_space<vmem>>
        %dma_start3A_463 = tpu.memref_squeeze %dma_start3A_462 : memref<1x120xi32, #tpu.memory_space<vmem>> -> memref<120xi32, #tpu.memory_space<vmem>>
        %dma_start3A_464 = arith.constant 0 : i32
        %dma_start3A_465 = arith.constant 0 : i32
        %dma_start3A_466 = tpu.memref_slice %arg6[%dma_start3A_464, %dma_start3A_465] : memref<10112x128xf32, #tpu.memory_space<vmem_shared>> -> memref<10112x128xf32, #tpu.memory_space<vmem_shared>>
        tpu.enqueue_indirect_dma source(%arg20 : memref<120x128xf32, #tpu.memory_space<vmem>>) target(%dma_start3A_466 : memref<10112x128xf32, #tpu.memory_space<vmem_shared>>) offsets(%dma_start3A_463 : memref<120xi32, #tpu.memory_space<vmem>>) semaphore(%arg32 : memref<!tpu.dma_semaphore, #tpu.memory_space<semaphore_mem>>) {add = true}
      } else {
      }
    }
    %scan3A_122 = arith.constant 14 : i32
    %dma_wait3A = arith.constant 0 : i32
    %dma_wait3A_123 = arith.constant 0 : i32
    %dma_wait3A_124 = tpu.memref_slice %arg12[%dma_wait3A, %dma_wait3A_123] : memref<1x120xi32, #tpu.memory_space<vmem>> -> memref<1x120xi32, #tpu.memory_space<vmem>>
    %dma_wait3A_125 = tpu.memref_squeeze %dma_wait3A_124 : memref<1x120xi32, #tpu.memory_space<vmem>> -> memref<120xi32, #tpu.memory_space<vmem>>
    %dma_wait3A_126 = arith.constant 0 : i32
    %dma_wait3A_127 = arith.constant 0 : i32
    %dma_wait3A_128 = tpu.memref_slice %arg2[%dma_wait3A_126, %dma_wait3A_127] : memref<10000x128xf32, #tpu.memory_space<hbm>> -> memref<10000x128xf32, #tpu.memory_space<hbm>>
    tpu.wait_indirect_dma semaphore(%arg30 : memref<!tpu.dma_semaphore, #tpu.memory_space<semaphore_mem>>) src(%dma_wait3A_128 : memref<10000x128xf32, #tpu.memory_space<hbm>>) dst(%arg21 : memref<120x128xf32, #tpu.memory_space<vmem>>)
    %dma_start3A_129 = arith.constant 0 : i32
    %dma_start3A_130 = arith.constant 0 : i32
    %dma_start3A_131 = tpu.memref_slice %arg18[%dma_start3A_129, %dma_start3A_130] : memref<1x120xi32, #tpu.memory_space<vmem>> -> memref<1x120xi32, #tpu.memory_space<vmem>>
    %dma_start3A_132 = tpu.memref_squeeze %dma_start3A_131 : memref<1x120xi32, #tpu.memory_space<vmem>> -> memref<120xi32, #tpu.memory_space<vmem>>
    %dma_start3A_133 = arith.constant 0 : i32
    %dma_start3A_134 = arith.constant 0 : i32
    %dma_start3A_135 = tpu.memref_slice %arg6[%dma_start3A_133, %dma_start3A_134] : memref<10112x128xf32, #tpu.memory_space<vmem_shared>> -> memref<10112x128xf32, #tpu.memory_space<vmem_shared>>
    tpu.enqueue_indirect_dma source(%arg21 : memref<120x128xf32, #tpu.memory_space<vmem>>) target(%dma_start3A_135 : memref<10112x128xf32, #tpu.memory_space<vmem_shared>>) offsets(%dma_start3A_132 : memref<120xi32, #tpu.memory_space<vmem>>) semaphore(%arg33 : memref<!tpu.dma_semaphore, #tpu.memory_space<semaphore_mem>>) {add = true}
    %dma_wait3A_136 = arith.constant 0 : i32
    %dma_wait3A_137 = arith.constant 0 : i32
    %dma_wait3A_138 = tpu.memref_slice %arg13[%dma_wait3A_136, %dma_wait3A_137] : memref<1x120xi32, #tpu.memory_space<vmem>> -> memref<1x120xi32, #tpu.memory_space<vmem>>
    %dma_wait3A_139 = tpu.memref_squeeze %dma_wait3A_138 : memref<1x120xi32, #tpu.memory_space<vmem>> -> memref<120xi32, #tpu.memory_space<vmem>>
    %dma_wait3A_140 = arith.constant 0 : i32
    %dma_wait3A_141 = arith.constant 0 : i32
    %dma_wait3A_142 = tpu.memref_slice %arg6[%dma_wait3A_140, %dma_wait3A_141] : memref<10112x128xf32, #tpu.memory_space<vmem_shared>> -> memref<10112x128xf32, #tpu.memory_space<vmem_shared>>
    tpu.wait_indirect_dma semaphore(%arg31 : memref<!tpu.dma_semaphore, #tpu.memory_space<semaphore_mem>>) src(%arg19 : memref<120x128xf32, #tpu.memory_space<vmem>>) dst(%dma_wait3A_142 : memref<10112x128xf32, #tpu.memory_space<vmem_shared>>)
    %dma_wait3A_143 = arith.constant 0 : i32
    %dma_wait3A_144 = arith.constant 0 : i32
    %dma_wait3A_145 = tpu.memref_slice %arg14[%dma_wait3A_143, %dma_wait3A_144] : memref<1x120xi32, #tpu.memory_space<vmem>> -> memref<1x120xi32, #tpu.memory_space<vmem>>
    %dma_wait3A_146 = tpu.memref_squeeze %dma_wait3A_145 : memref<1x120xi32, #tpu.memory_space<vmem>> -> memref<120xi32, #tpu.memory_space<vmem>>
    %dma_wait3A_147 = arith.constant 0 : i32
    %dma_wait3A_148 = arith.constant 0 : i32
    %dma_wait3A_149 = tpu.memref_slice %arg6[%dma_wait3A_147, %dma_wait3A_148] : memref<10112x128xf32, #tpu.memory_space<vmem_shared>> -> memref<10112x128xf32, #tpu.memory_space<vmem_shared>>
    tpu.wait_indirect_dma semaphore(%arg32 : memref<!tpu.dma_semaphore, #tpu.memory_space<semaphore_mem>>) src(%arg20 : memref<120x128xf32, #tpu.memory_space<vmem>>) dst(%dma_wait3A_149 : memref<10112x128xf32, #tpu.memory_space<vmem_shared>>)
    %dma_wait3A_150 = arith.constant 0 : i32
    %dma_wait3A_151 = arith.constant 0 : i32
    %dma_wait3A_152 = tpu.memref_slice %arg15[%dma_wait3A_150, %dma_wait3A_151] : memref<1x120xi32, #tpu.memory_space<vmem>> -> memref<1x120xi32, #tpu.memory_space<vmem>>
    %dma_wait3A_153 = tpu.memref_squeeze %dma_wait3A_152 : memref<1x120xi32, #tpu.memory_space<vmem>> -> memref<120xi32, #tpu.memory_space<vmem>>
    %dma_wait3A_154 = arith.constant 0 : i32
    %dma_wait3A_155 = arith.constant 0 : i32
    %dma_wait3A_156 = tpu.memref_slice %arg6[%dma_wait3A_154, %dma_wait3A_155] : memref<10112x128xf32, #tpu.memory_space<vmem_shared>> -> memref<10112x128xf32, #tpu.memory_space<vmem_shared>>
    tpu.wait_indirect_dma semaphore(%arg33 : memref<!tpu.dma_semaphore, #tpu.memory_space<semaphore_mem>>) src(%arg21 : memref<120x128xf32, #tpu.memory_space<vmem>>) dst(%dma_wait3A_156 : memref<10112x128xf32, #tpu.memory_space<vmem_shared>>)
    %barrier3A_157 = arith.constant 0 : index
    tpu.barrier barrier_id(%barrier3A_157)
    %mul3A_158 = arith.constant 632 : i32
    %mul3A_159 = arith.muli %arg1, %mul3A_158 : i32
    %mul3A_160 = arith.constant 632 : i32
    %mul3A_161 = arith.muli %arg1, %mul3A_160 : i32
    "tpu.region"() ({
      %run_scoped3A = tpu.sem_alloc : memref<!tpu.dma_semaphore, #tpu.memory_space<semaphore_mem>>
      %dma_start3A_162 = arith.constant 0 : i32
      %dma_start3A_163 = tpu.memref_slice %arg5[%arg0, %mul3A_161, %dma_start3A_162] : memref<2x10240x128xf32, #tpu.memory_space<hbm>> -> memref<1x632x128xf32, #tpu.memory_space<hbm>>
      %dma_start3A_164 = tpu.memref_squeeze %dma_start3A_163 : memref<1x632x128xf32, #tpu.memory_space<hbm>> -> memref<632x128xf32, #tpu.memory_space<hbm>>
      %dma_start3A_165 = arith.constant 0 : i32
      %dma_start3A_166 = tpu.memref_slice %arg6[%mul3A_159, %dma_start3A_165] : memref<10112x128xf32, #tpu.memory_space<vmem_shared>> -> memref<632x128xf32, #tpu.memory_space<vmem_shared>>
      tpu.enqueue_dma source(%dma_start3A_166 : memref<632x128xf32, #tpu.memory_space<vmem_shared>>) target(%dma_start3A_164 : memref<632x128xf32, #tpu.memory_space<hbm>>) target_semaphore(%run_scoped3A : memref<!tpu.dma_semaphore, #tpu.memory_space<semaphore_mem>>)
      %dma_wait3A_167 = arith.constant 0 : i32
      %dma_wait3A_168 = tpu.memref_slice %arg5[%arg0, %mul3A_161, %dma_wait3A_167] : memref<2x10240x128xf32, #tpu.memory_space<hbm>> -> memref<1x632x128xf32, #tpu.memory_space<hbm>>
      %dma_wait3A_169 = tpu.memref_squeeze %dma_wait3A_168 : memref<1x632x128xf32, #tpu.memory_space<hbm>> -> memref<632x128xf32, #tpu.memory_space<hbm>>
      %dma_wait3A_170 = arith.constant 0 : i32
      %dma_wait3A_171 = tpu.memref_slice %arg6[%mul3A_159, %dma_wait3A_170] : memref<10112x128xf32, #tpu.memory_space<vmem_shared>> -> memref<632x128xf32, #tpu.memory_space<vmem_shared>>
      tpu.wait_dma2 semaphore(%run_scoped3A : memref<!tpu.dma_semaphore, #tpu.memory_space<semaphore_mem>>) src(%dma_wait3A_171 : memref<632x128xf32, #tpu.memory_space<vmem_shared>>) dst(%dma_wait3A_169 : memref<632x128xf32, #tpu.memory_space<hbm>>)
      tpu.yield
    }) : () -> ()
    return
  }
}

module attributes {stable_mosaic.version = 14 : i64} {
  func.func @_scale_body(%arg0: i32, %arg1: memref<2x8x128xf32, #tpu.memory_space<vmem>>, %arg2: memref<1024x128xf32, #tpu.memory_space<vmem>>, %arg3: memref<8x128xf32, #tpu.memory_space<vmem>>, %arg4: memref<1024x128xf32, #tpu.memory_space<vmem>>) attributes {dimension_semantics = [#tpu.dimension_semantics<arbitrary>], iteration_bounds = array<i64: 10>, scalar_prefetch = 0 : i64, scratch_operands = 0 : i64, tpu.core_type = #tpu.core_type<tc>, window_params = [{transform_indices = @transform_0, window_bounds = array<i64: 2, 8, 128>}, {transform_indices = @transform_1, window_bounds = array<i64: 1024, 128>}, {transform_indices = @transform_2, window_bounds = array<i64: 8, 128>}, {transform_indices = @transform_3, window_bounds = array<i64: 1024, 128>}]} {
    %get3A = arith.constant 0 : index
    %get3A_0 = arith.constant 0 : index
    %get3A_1 = arith.constant 0 : index
    %get3A_2 = vector.load %arg1[%get3A, %get3A_0, %get3A_1] : memref<2x8x128xf32, #tpu.memory_space<vmem>>, vector<1x8x128xf32>
    %get3A_3 = vector.shape_cast %get3A_2 : vector<1x8x128xf32> to vector<8x128xf32>
    %get3A_4 = arith.constant 1 : index
    %get3A_5 = arith.constant 0 : index
    %get3A_6 = arith.constant 0 : index
    %get3A_7 = vector.load %arg1[%get3A_4, %get3A_5, %get3A_6] : memref<2x8x128xf32, #tpu.memory_space<vmem>>, vector<1x8x128xf32>
    %get3A_8 = vector.shape_cast %get3A_7 : vector<1x8x128xf32> to vector<8x128xf32>
    %add3A = arith.addf %get3A_3, %get3A_8 : vector<8x128xf32>
    %add3A_9 = arith.constant 1.000000e+00 : f32
    %add3A_10 = vector.broadcast %add3A_9 : f32 to vector<8x128xf32>
    %add3A_11 = arith.addf %add3A, %add3A_10 : vector<8x128xf32>
    %rsqrt3A = math.rsqrt %add3A_11 : vector<8x128xf32>
    %swap3A = arith.constant 0 : index
    %swap3A_12 = arith.constant 0 : index
    %swap3A_13 = vector.load %arg3[%swap3A, %swap3A_12] : memref<8x128xf32, #tpu.memory_space<vmem>>, vector<8x128xf32>
    tpu.vector_store %arg3[%swap3A, %swap3A_12], %rsqrt3A {strides = array<i32>} : memref<8x128xf32, #tpu.memory_space<vmem>>, vector<8x128xf32>,
    %get3A_14 = arith.constant 0 : index
    %get3A_15 = arith.constant 0 : index
    %get3A_16 = vector.load %arg2[%get3A_14, %get3A_15] : memref<1024x128xf32, #tpu.memory_space<vmem>>, vector<1024x128xf32>
    %iota3A = tpu.iota {dimensions = array<i32: 0>} : vector<1024x8xi32>
    %jit3A = arith.constant 128 : i32
    %div3A = vector.broadcast %jit3A : i32 to vector<1024x8xi32>
    %div3A_17 = arith.divsi %iota3A, %div3A : vector<1024x8xi32>
    %sign3A = arith.constant 0 : i32
    %sign3A_18 = vector.broadcast %sign3A : i32 to vector<1024x8xi32>
    %sign3A_19 = arith.cmpi sgt, %iota3A, %sign3A_18 : vector<1024x8xi32>
    %sign3A_20 = arith.extui %sign3A_19 : vector<1024x8xi1> to vector<1024x8xi32>
    %sign3A_21 = arith.constant 0 : i32
    %sign3A_22 = vector.broadcast %sign3A_21 : i32 to vector<1024x8xi32>
    %sign3A_23 = arith.cmpi slt, %iota3A, %sign3A_22 : vector<1024x8xi32>
    %sign3A_24 = arith.extui %sign3A_23 : vector<1024x8xi1> to vector<1024x8xi32>
    %sign3A_25 = arith.subi %sign3A_20, %sign3A_24 : vector<1024x8xi32>
    %sign3A_26 = arith.constant 0 : i32
    %sign3A_27 = arith.cmpi sgt, %jit3A, %sign3A_26 : i32
    %sign3A_28 = arith.extui %sign3A_27 : i1 to i32
    %sign3A_29 = arith.constant 0 : i32
    %sign3A_30 = arith.cmpi slt, %jit3A, %sign3A_29 : i32
    %sign3A_31 = arith.extui %sign3A_30 : i1 to i32
    %sign3A_32 = arith.subi %sign3A_28, %sign3A_31 : i32
    %ne3A = vector.broadcast %sign3A_32 : i32 to vector<1024x8xi32>
    %ne3A_33 = arith.cmpi ne, %sign3A_25, %ne3A : vector<1024x8xi32>
    %rem3A = vector.broadcast %jit3A : i32 to vector<1024x8xi32>
    %rem3A_34 = arith.remsi %iota3A, %rem3A : vector<1024x8xi32>
    %ne3A_35 = arith.constant 0 : i32
    %ne3A_36 = vector.broadcast %ne3A_35 : i32 to vector<1024x8xi32>
    %ne3A_37 = arith.cmpi ne, %rem3A_34, %ne3A_36 : vector<1024x8xi32>
    %and3A = arith.andi %ne3A_33, %ne3A_37 : vector<1024x8xi1>
    %sub3A = arith.constant 1 : i32
    %sub3A_38 = vector.broadcast %sub3A : i32 to vector<1024x8xi32>
    %sub3A_39 = arith.subi %div3A_17, %sub3A_38 : vector<1024x8xi32>
    %select_n3A = arith.select %and3A, %sub3A_39, %div3A_17 : vector<1024x8xi1>, vector<1024x8xi32>
    %iota3A_40 = tpu.iota {dimensions = array<i32: 1>} : vector<1024x8xi32>
    %eq3A = arith.cmpi eq, %select_n3A, %iota3A_40 : vector<1024x8xi32>
    %convert_element_type3A = arith.extui %eq3A : vector<1024x8xi1> to vector<1024x8xi32>
    %convert_element_type3A_41 = arith.sitofp %convert_element_type3A : vector<1024x8xi32> to vector<1024x8xf32>
    %dot_general3A = arith.constant dense<0.000000e+00> : vector<1024x128xf32>
    %dot_general3A_42 = tpu.matmul %convert_element_type3A_41, %rsqrt3A, %dot_general3A {dimension_numbers = #tpu.dot_dimension_numbers<[1], [0], [0], [1], [0, 0, 1, 1], [], []>, transpose_lhs_hint = false} : vector<1024x8xf32>, vector<8x128xf32>, vector<1024x128xf32> -> vector<1024x128xf32>
    %iota3A_43 = tpu.iota {dimensions = array<i32: 0>} : vector<1024x128xi32>
    %iota3A_44 = tpu.iota {dimensions = array<i32: 1>} : vector<1024x128xi32>
    %jit3A_45 = arith.constant 128 : i32
    %eq3A_46 = arith.constant 0 : i32
    %eq3A_47 = arith.cmpi eq, %jit3A_45, %eq3A_46 : i32
    %jit3A_48 = arith.constant 1 : i32
    %select_n3A_49 = arith.select %eq3A_47, %jit3A_48, %jit3A_45 : i32
    %rem3A_50 = vector.broadcast %select_n3A_49 : i32 to vector<1024x128xi32>
    %rem3A_51 = arith.remsi %iota3A_43, %rem3A_50 : vector<1024x128xi32>
    %ne3A_52 = arith.constant 0 : i32
    %ne3A_53 = vector.broadcast %ne3A_52 : i32 to vector<1024x128xi32>
    %ne3A_54 = arith.cmpi ne, %rem3A_51, %ne3A_53 : vector<1024x128xi32>
    %lt3A = arith.constant 0 : i32
    %lt3A_55 = vector.broadcast %lt3A : i32 to vector<1024x128xi32>
    %lt3A_56 = arith.cmpi slt, %rem3A_51, %lt3A_55 : vector<1024x128xi32>
    %lt3A_57 = arith.constant 0 : i32
    %lt3A_58 = arith.cmpi slt, %select_n3A_49, %lt3A_57 : i32
    %ne3A_59 = vector.broadcast %lt3A_58 : i1 to vector<1024x128xi1>
    %ne3A_60 = vector.broadcast %ne3A_59 : vector<1024x128xi1> to vector<1024x128xi1>
    %ne3A_61 = arith.xori %lt3A_56, %ne3A_60 : vector<1024x128xi1>
    %and3A_62 = arith.andi %ne3A_61, %ne3A_54 : vector<1024x128xi1>
    %add3A_63 = vector.broadcast %select_n3A_49 : i32 to vector<1024x128xi32>
    %add3A_64 = arith.addi %rem3A_51, %add3A_63 : vector<1024x128xi32>
    %select_n3A_65 = arith.select %and3A_62, %add3A_64, %rem3A_51 : vector<1024x128xi1>, vector<1024x128xi32>
    %eq3A_66 = arith.cmpi eq, %iota3A_44, %select_n3A_65 : vector<1024x128xi32>
    %jit3A_67 = arith.constant 0.000000e+00 : f32
    %broadcast_in_dim3A = vector.broadcast %jit3A_67 : f32 to vector<1024x128xf32>
    %select_n3A_68 = arith.select %eq3A_66, %dot_general3A_42, %broadcast_in_dim3A : vector<1024x128xi1>, vector<1024x128xf32>
    %reduce_sum3A = arith.constant dense<0.000000e+00> : vector<1024xf32>
    %reduce_sum3A_69 = vector.multi_reduction <add>, %select_n3A_68, %reduce_sum3A [1] : vector<1024x128xf32> to vector<1024xf32>
    %broadcast_in_dim3A_70 = vector.shape_cast %reduce_sum3A_69 : vector<1024xf32> to vector<1024x1xf32>
    %mul3A = vector.broadcast %broadcast_in_dim3A_70 : vector<1024x1xf32> to vector<1024x128xf32>
    %mul3A_71 = arith.mulf %get3A_16, %mul3A : vector<1024x128xf32>
    %swap3A_72 = arith.constant 0 : index
    %swap3A_73 = arith.constant 0 : index
    %swap3A_74 = vector.load %arg4[%swap3A_72, %swap3A_73] : memref<1024x128xf32, #tpu.memory_space<vmem>>, vector<1024x128xf32>
    tpu.vector_store %arg4[%swap3A_72, %swap3A_73], %mul3A_71 {strides = array<i32>} : memref<1024x128xf32, #tpu.memory_space<vmem>>, vector<1024x128xf32>,
    return
  }
  func.func @transform_0(%arg0: i32) -> (i32, i32, i32) {
    %c0_i32 = arith.constant 0 : i32
    %c0_i32_0 = arith.constant 0 : i32
    %c0_i32_1 = arith.constant 0 : i32
    return %c0_i32, %arg0, %c0_i32_0 : i32, i32, i32
  }
  func.func @transform_1(%arg0: i32) -> (i32, i32) {
    %c0_i32 = arith.constant 0 : i32
    %c0_i32_0 = arith.constant 0 : i32
    return %arg0, %c0_i32 : i32, i32
  }
  func.func @transform_2(%arg0: i32) -> (i32, i32) {
    %c0_i32 = arith.constant 0 : i32
    %c0_i32_0 = arith.constant 0 : i32
    return %arg0, %c0_i32 : i32, i32
  }
  func.func @transform_3(%arg0: i32) -> (i32, i32) {
    %c0_i32 = arith.constant 0 : i32
    %c0_i32_0 = arith.constant 0 : i32
    return %arg0, %c0_i32 : i32, i32
  }
}

module attributes {stable_mosaic.version = 14 : i64} {
  func.func @_mid_body(%arg0: i32, %arg1: memref<2x1024x128xf32, #tpu.memory_space<vmem>>, %arg2: memref<1024x128xf32, #tpu.memory_space<vmem>>, %arg3: memref<8x128xf32, #tpu.memory_space<vmem>>, %arg4: memref<128x256xf32, #tpu.memory_space<vmem>>, %arg5: memref<1x256xf32, #tpu.memory_space<vmem>>, %arg6: memref<256x128xf32, #tpu.memory_space<vmem>>, %arg7: memref<1024x128xf32, #tpu.memory_space<vmem>>) attributes {dimension_semantics = [#tpu.dimension_semantics<arbitrary>], iteration_bounds = array<i64: 10>, scalar_prefetch = 0 : i64, scratch_operands = 0 : i64, tpu.core_type = #tpu.core_type<tc>, window_params = [{transform_indices = @transform_0, window_bounds = array<i64: 2, 1024, 128>}, {transform_indices = @transform_1, window_bounds = array<i64: 1024, 128>}, {transform_indices = @transform_2, window_bounds = array<i64: 8, 128>}, {pipeline_mode = #tpu.pipeline_mode<synchronous>, transform_indices = @transform_3, window_bounds = array<i64: 128, 256>}, {pipeline_mode = #tpu.pipeline_mode<synchronous>, transform_indices = @transform_4, window_bounds = array<i64: 1, 256>}, {pipeline_mode = #tpu.pipeline_mode<synchronous>, transform_indices = @transform_5, window_bounds = array<i64: 256, 128>}, {transform_indices = @transform_6, window_bounds = array<i64: 1024, 128>}]} {
    %get3A = arith.constant 0 : index
    %get3A_0 = arith.constant 0 : index
    %get3A_1 = vector.load %arg3[%get3A, %get3A_0] : memref<8x128xf32, #tpu.memory_space<vmem>>, vector<8x128xf32>
    %iota3A = tpu.iota {dimensions = array<i32: 0>} : vector<1024x8xi32>
    %jit3A = arith.constant 128 : i32
    %div3A = vector.broadcast %jit3A : i32 to vector<1024x8xi32>
    %div3A_2 = arith.divsi %iota3A, %div3A : vector<1024x8xi32>
    %sign3A = arith.constant 0 : i32
    %sign3A_3 = vector.broadcast %sign3A : i32 to vector<1024x8xi32>
    %sign3A_4 = arith.cmpi sgt, %iota3A, %sign3A_3 : vector<1024x8xi32>
    %sign3A_5 = arith.extui %sign3A_4 : vector<1024x8xi1> to vector<1024x8xi32>
    %sign3A_6 = arith.constant 0 : i32
    %sign3A_7 = vector.broadcast %sign3A_6 : i32 to vector<1024x8xi32>
    %sign3A_8 = arith.cmpi slt, %iota3A, %sign3A_7 : vector<1024x8xi32>
    %sign3A_9 = arith.extui %sign3A_8 : vector<1024x8xi1> to vector<1024x8xi32>
    %sign3A_10 = arith.subi %sign3A_5, %sign3A_9 : vector<1024x8xi32>
    %sign3A_11 = arith.constant 0 : i32
    %sign3A_12 = arith.cmpi sgt, %jit3A, %sign3A_11 : i32
    %sign3A_13 = arith.extui %sign3A_12 : i1 to i32
    %sign3A_14 = arith.constant 0 : i32
    %sign3A_15 = arith.cmpi slt, %jit3A, %sign3A_14 : i32
    %sign3A_16 = arith.extui %sign3A_15 : i1 to i32
    %sign3A_17 = arith.subi %sign3A_13, %sign3A_16 : i32
    %ne3A = vector.broadcast %sign3A_17 : i32 to vector<1024x8xi32>
    %ne3A_18 = arith.cmpi ne, %sign3A_10, %ne3A : vector<1024x8xi32>
    %rem3A = vector.broadcast %jit3A : i32 to vector<1024x8xi32>
    %rem3A_19 = arith.remsi %iota3A, %rem3A : vector<1024x8xi32>
    %ne3A_20 = arith.constant 0 : i32
    %ne3A_21 = vector.broadcast %ne3A_20 : i32 to vector<1024x8xi32>
    %ne3A_22 = arith.cmpi ne, %rem3A_19, %ne3A_21 : vector<1024x8xi32>
    %and3A = arith.andi %ne3A_18, %ne3A_22 : vector<1024x8xi1>
    %sub3A = arith.constant 1 : i32
    %sub3A_23 = vector.broadcast %sub3A : i32 to vector<1024x8xi32>
    %sub3A_24 = arith.subi %div3A_2, %sub3A_23 : vector<1024x8xi32>
    %select_n3A = arith.select %and3A, %sub3A_24, %div3A_2 : vector<1024x8xi1>, vector<1024x8xi32>
    %iota3A_25 = tpu.iota {dimensions = array<i32: 1>} : vector<1024x8xi32>
    %eq3A = arith.cmpi eq, %select_n3A, %iota3A_25 : vector<1024x8xi32>
    %convert_element_type3A = arith.extui %eq3A : vector<1024x8xi1> to vector<1024x8xi32>
    %convert_element_type3A_26 = arith.sitofp %convert_element_type3A : vector<1024x8xi32> to vector<1024x8xf32>
    %dot_general3A = arith.constant dense<0.000000e+00> : vector<1024x128xf32>
    %dot_general3A_27 = tpu.matmul %convert_element_type3A_26, %get3A_1, %dot_general3A {dimension_numbers = #tpu.dot_dimension_numbers<[1], [0], [0], [1], [0, 0, 1, 1], [], []>, transpose_lhs_hint = false} : vector<1024x8xf32>, vector<8x128xf32>, vector<1024x128xf32> -> vector<1024x128xf32>
    %iota3A_28 = tpu.iota {dimensions = array<i32: 0>} : vector<1024x128xi32>
    %iota3A_29 = tpu.iota {dimensions = array<i32: 1>} : vector<1024x128xi32>
    %jit3A_30 = arith.constant 128 : i32
    %eq3A_31 = arith.constant 0 : i32
    %eq3A_32 = arith.cmpi eq, %jit3A_30, %eq3A_31 : i32
    %jit3A_33 = arith.constant 1 : i32
    %select_n3A_34 = arith.select %eq3A_32, %jit3A_33, %jit3A_30 : i32
    %rem3A_35 = vector.broadcast %select_n3A_34 : i32 to vector<1024x128xi32>
    %rem3A_36 = arith.remsi %iota3A_28, %rem3A_35 : vector<1024x128xi32>
    %ne3A_37 = arith.constant 0 : i32
    %ne3A_38 = vector.broadcast %ne3A_37 : i32 to vector<1024x128xi32>
    %ne3A_39 = arith.cmpi ne, %rem3A_36, %ne3A_38 : vector<1024x128xi32>
    %lt3A = arith.constant 0 : i32
    %lt3A_40 = vector.broadcast %lt3A : i32 to vector<1024x128xi32>
    %lt3A_41 = arith.cmpi slt, %rem3A_36, %lt3A_40 : vector<1024x128xi32>
    %lt3A_42 = arith.constant 0 : i32
    %lt3A_43 = arith.cmpi slt, %select_n3A_34, %lt3A_42 : i32
    %ne3A_44 = vector.broadcast %lt3A_43 : i1 to vector<1024x128xi1>
    %ne3A_45 = vector.broadcast %ne3A_44 : vector<1024x128xi1> to vector<1024x128xi1>
    %ne3A_46 = arith.xori %lt3A_41, %ne3A_45 : vector<1024x128xi1>
    %and3A_47 = arith.andi %ne3A_46, %ne3A_39 : vector<1024x128xi1>
    %add3A = vector.broadcast %select_n3A_34 : i32 to vector<1024x128xi32>
    %add3A_48 = arith.addi %rem3A_36, %add3A : vector<1024x128xi32>
    %select_n3A_49 = arith.select %and3A_47, %add3A_48, %rem3A_36 : vector<1024x128xi1>, vector<1024x128xi32>
    %eq3A_50 = arith.cmpi eq, %iota3A_29, %select_n3A_49 : vector<1024x128xi32>
    %jit3A_51 = arith.constant 0.000000e+00 : f32
    %broadcast_in_dim3A = vector.broadcast %jit3A_51 : f32 to vector<1024x128xf32>
    %select_n3A_52 = arith.select %eq3A_50, %dot_general3A_27, %broadcast_in_dim3A : vector<1024x128xi1>, vector<1024x128xf32>
    %reduce_sum3A = arith.constant dense<0.000000e+00> : vector<1024xf32>
    %reduce_sum3A_53 = vector.multi_reduction <add>, %select_n3A_52, %reduce_sum3A [1] : vector<1024x128xf32> to vector<1024xf32>
    %broadcast_in_dim3A_54 = vector.shape_cast %reduce_sum3A_53 : vector<1024xf32> to vector<1024x1xf32>
    %get3A_55 = arith.constant 0 : index
    %get3A_56 = arith.constant 0 : index
    %get3A_57 = arith.constant 0 : index
    %get3A_58 = vector.load %arg1[%get3A_55, %get3A_56, %get3A_57] : memref<2x1024x128xf32, #tpu.memory_space<vmem>>, vector<1x1024x128xf32>
    %get3A_59 = vector.shape_cast %get3A_58 : vector<1x1024x128xf32> to vector<1024x128xf32>
    %get3A_60 = arith.constant 1 : index
    %get3A_61 = arith.constant 0 : index
    %get3A_62 = arith.constant 0 : index
    %get3A_63 = vector.load %arg1[%get3A_60, %get3A_61, %get3A_62] : memref<2x1024x128xf32, #tpu.memory_space<vmem>>, vector<1x1024x128xf32>
    %get3A_64 = vector.shape_cast %get3A_63 : vector<1x1024x128xf32> to vector<1024x128xf32>
    %add3A_65 = arith.addf %get3A_59, %get3A_64 : vector<1024x128xf32>
    %get3A_66 = arith.constant 0 : index
    %get3A_67 = arith.constant 0 : index
    %get3A_68 = vector.load %arg2[%get3A_66, %get3A_67] : memref<1024x128xf32, #tpu.memory_space<vmem>>, vector<1024x128xf32>
    %add3A_69 = arith.addf %add3A_65, %get3A_68 : vector<1024x128xf32>
    %mul3A = vector.broadcast %broadcast_in_dim3A_54 : vector<1024x1xf32> to vector<1024x128xf32>
    %mul3A_70 = arith.mulf %add3A_69, %mul3A : vector<1024x128xf32>
    %get3A_71 = arith.constant 0 : index
    %get3A_72 = arith.constant 0 : index
    %get3A_73 = vector.load %arg4[%get3A_71, %get3A_72] : memref<128x256xf32, #tpu.memory_space<vmem>>, vector<128x256xf32>
    %dot_general3A_74 = arith.constant dense<0.000000e+00> : vector<1024x256xf32>
    %dot_general3A_75 = tpu.matmul %mul3A_70, %get3A_73, %dot_general3A_74 {dimension_numbers = #tpu.dot_dimension_numbers<[1], [0], [0], [1], [0, 0, 1, 1], [], []>, transpose_lhs_hint = false} : vector<1024x128xf32>, vector<128x256xf32>, vector<1024x256xf32> -> vector<1024x256xf32>
    %get3A_76 = arith.constant 0 : index
    %get3A_77 = arith.constant 0 : index
    %get3A_78 = vector.load %arg5[%get3A_76, %get3A_77] : memref<1x256xf32, #tpu.memory_space<vmem>>, vector<1x256xf32>
    %add3A_79 = vector.broadcast %get3A_78 : vector<1x256xf32> to vector<1024x256xf32>
    %add3A_80 = arith.addf %dot_general3A_75, %add3A_79 : vector<1024x256xf32>
    %max3A = arith.constant 0.000000e+00 : f32
    %max3A_81 = vector.broadcast %max3A : f32 to vector<1024x256xf32>
    %max3A_82 = arith.maximumf %add3A_80, %max3A_81 : vector<1024x256xf32>
    %get3A_83 = arith.constant 0 : index
    %get3A_84 = arith.constant 0 : index
    %get3A_85 = vector.load %arg6[%get3A_83, %get3A_84] : memref<256x128xf32, #tpu.memory_space<vmem>>, vector<256x128xf32>
    %dot_general3A_86 = arith.constant dense<0.000000e+00> : vector<1024x128xf32>
    %dot_general3A_87 = tpu.matmul %max3A_82, %get3A_85, %dot_general3A_86 {dimension_numbers = #tpu.dot_dimension_numbers<[1], [0], [0], [1], [0, 0, 1, 1], [], []>, transpose_lhs_hint = false} : vector<1024x256xf32>, vector<256x128xf32>, vector<1024x128xf32> -> vector<1024x128xf32>
    %mul3A_88 = vector.broadcast %broadcast_in_dim3A_54 : vector<1024x1xf32> to vector<1024x128xf32>
    %mul3A_89 = arith.mulf %dot_general3A_87, %mul3A_88 : vector<1024x128xf32>
    %swap3A = arith.constant 0 : index
    %swap3A_90 = arith.constant 0 : index
    %swap3A_91 = vector.load %arg7[%swap3A, %swap3A_90] : memref<1024x128xf32, #tpu.memory_space<vmem>>, vector<1024x128xf32>
    tpu.vector_store %arg7[%swap3A, %swap3A_90], %mul3A_89 {strides = array<i32>} : memref<1024x128xf32, #tpu.memory_space<vmem>>, vector<1024x128xf32>,
    return
  }
  func.func @transform_0(%arg0: i32) -> (i32, i32, i32) {
    %c0_i32 = arith.constant 0 : i32
    %c0_i32_0 = arith.constant 0 : i32
    %c0_i32_1 = arith.constant 0 : i32
    return %c0_i32, %arg0, %c0_i32_0 : i32, i32, i32
  }
  func.func @transform_1(%arg0: i32) -> (i32, i32) {
    %c0_i32 = arith.constant 0 : i32
    %c0_i32_0 = arith.constant 0 : i32
    return %arg0, %c0_i32 : i32, i32
  }
  func.func @transform_2(%arg0: i32) -> (i32, i32) {
    %c0_i32 = arith.constant 0 : i32
    %c0_i32_0 = arith.constant 0 : i32
    return %arg0, %c0_i32 : i32, i32
  }
  func.func @transform_3(%arg0: i32) -> (i32, i32) {
    %c0_i32 = arith.constant 0 : i32
    %c0_i32_0 = arith.constant 0 : i32
    %c0_i32_1 = arith.constant 0 : i32
    return %c0_i32, %c0_i32_0 : i32, i32
  }
  func.func @transform_4(%arg0: i32) -> (i32, i32) {
    %c0_i32 = arith.constant 0 : i32
    %c0_i32_0 = arith.constant 0 : i32
    %c0_i32_1 = arith.constant 0 : i32
    return %c0_i32, %c0_i32_0 : i32, i32
  }
  func.func @transform_5(%arg0: i32) -> (i32, i32) {
    %c0_i32 = arith.constant 0 : i32
    %c0_i32_0 = arith.constant 0 : i32
    %c0_i32_1 = arith.constant 0 : i32
    return %c0_i32, %c0_i32_0 : i32, i32
  }
  func.func @transform_6(%arg0: i32) -> (i32, i32) {
    %c0_i32 = arith.constant 0 : i32
    %c0_i32_0 = arith.constant 0 : i32
    return %arg0, %c0_i32 : i32, i32
  }
}

module attributes {stable_mosaic.version = 14 : i64} {
  func.func @_fin_body(%arg0: i32, %arg1: memref<2x1024x128xf32, #tpu.memory_space<vmem>>, %arg2: memref<1024x128xf32, #tpu.memory_space<vmem>>, %arg3: memref<8x128xf32, #tpu.memory_space<vmem>>, %arg4: memref<1x128xf32, #tpu.memory_space<vmem>>, %arg5: memref<128x2xf32, #tpu.memory_space<vmem>>, %arg6: memref<1x2xf32, #tpu.memory_space<vmem>>, %arg7: memref<1024x2xf32, #tpu.memory_space<vmem>>) attributes {dimension_semantics = [#tpu.dimension_semantics<arbitrary>], iteration_bounds = array<i64: 10>, scalar_prefetch = 0 : i64, scratch_operands = 0 : i64, tpu.core_type = #tpu.core_type<tc>, window_params = [{transform_indices = @transform_0, window_bounds = array<i64: 2, 1024, 128>}, {transform_indices = @transform_1, window_bounds = array<i64: 1024, 128>}, {transform_indices = @transform_2, window_bounds = array<i64: 8, 128>}, {pipeline_mode = #tpu.pipeline_mode<synchronous>, transform_indices = @transform_3, window_bounds = array<i64: 1, 128>}, {pipeline_mode = #tpu.pipeline_mode<synchronous>, transform_indices = @transform_4, window_bounds = array<i64: 128, 2>}, {pipeline_mode = #tpu.pipeline_mode<synchronous>, transform_indices = @transform_5, window_bounds = array<i64: 1, 2>}, {transform_indices = @transform_6, window_bounds = array<i64: 1024, 2>}]} {
    %get3A = arith.constant 0 : index
    %get3A_0 = arith.constant 0 : index
    %get3A_1 = vector.load %arg3[%get3A, %get3A_0] : memref<8x128xf32, #tpu.memory_space<vmem>>, vector<8x128xf32>
    %iota3A = tpu.iota {dimensions = array<i32: 0>} : vector<1024x8xi32>
    %jit3A = arith.constant 128 : i32
    %div3A = vector.broadcast %jit3A : i32 to vector<1024x8xi32>
    %div3A_2 = arith.divsi %iota3A, %div3A : vector<1024x8xi32>
    %sign3A = arith.constant 0 : i32
    %sign3A_3 = vector.broadcast %sign3A : i32 to vector<1024x8xi32>
    %sign3A_4 = arith.cmpi sgt, %iota3A, %sign3A_3 : vector<1024x8xi32>
    %sign3A_5 = arith.extui %sign3A_4 : vector<1024x8xi1> to vector<1024x8xi32>
    %sign3A_6 = arith.constant 0 : i32
    %sign3A_7 = vector.broadcast %sign3A_6 : i32 to vector<1024x8xi32>
    %sign3A_8 = arith.cmpi slt, %iota3A, %sign3A_7 : vector<1024x8xi32>
    %sign3A_9 = arith.extui %sign3A_8 : vector<1024x8xi1> to vector<1024x8xi32>
    %sign3A_10 = arith.subi %sign3A_5, %sign3A_9 : vector<1024x8xi32>
    %sign3A_11 = arith.constant 0 : i32
    %sign3A_12 = arith.cmpi sgt, %jit3A, %sign3A_11 : i32
    %sign3A_13 = arith.extui %sign3A_12 : i1 to i32
    %sign3A_14 = arith.constant 0 : i32
    %sign3A_15 = arith.cmpi slt, %jit3A, %sign3A_14 : i32
    %sign3A_16 = arith.extui %sign3A_15 : i1 to i32
    %sign3A_17 = arith.subi %sign3A_13, %sign3A_16 : i32
    %ne3A = vector.broadcast %sign3A_17 : i32 to vector<1024x8xi32>
    %ne3A_18 = arith.cmpi ne, %sign3A_10, %ne3A : vector<1024x8xi32>
    %rem3A = vector.broadcast %jit3A : i32 to vector<1024x8xi32>
    %rem3A_19 = arith.remsi %iota3A, %rem3A : vector<1024x8xi32>
    %ne3A_20 = arith.constant 0 : i32
    %ne3A_21 = vector.broadcast %ne3A_20 : i32 to vector<1024x8xi32>
    %ne3A_22 = arith.cmpi ne, %rem3A_19, %ne3A_21 : vector<1024x8xi32>
    %and3A = arith.andi %ne3A_18, %ne3A_22 : vector<1024x8xi1>
    %sub3A = arith.constant 1 : i32
    %sub3A_23 = vector.broadcast %sub3A : i32 to vector<1024x8xi32>
    %sub3A_24 = arith.subi %div3A_2, %sub3A_23 : vector<1024x8xi32>
    %select_n3A = arith.select %and3A, %sub3A_24, %div3A_2 : vector<1024x8xi1>, vector<1024x8xi32>
    %iota3A_25 = tpu.iota {dimensions = array<i32: 1>} : vector<1024x8xi32>
    %eq3A = arith.cmpi eq, %select_n3A, %iota3A_25 : vector<1024x8xi32>
    %convert_element_type3A = arith.extui %eq3A : vector<1024x8xi1> to vector<1024x8xi32>
    %convert_element_type3A_26 = arith.sitofp %convert_element_type3A : vector<1024x8xi32> to vector<1024x8xf32>
    %dot_general3A = arith.constant dense<0.000000e+00> : vector<1024x128xf32>
    %dot_general3A_27 = tpu.matmul %convert_element_type3A_26, %get3A_1, %dot_general3A {dimension_numbers = #tpu.dot_dimension_numbers<[1], [0], [0], [1], [0, 0, 1, 1], [], []>, transpose_lhs_hint = false} : vector<1024x8xf32>, vector<8x128xf32>, vector<1024x128xf32> -> vector<1024x128xf32>
    %iota3A_28 = tpu.iota {dimensions = array<i32: 0>} : vector<1024x128xi32>
    %iota3A_29 = tpu.iota {dimensions = array<i32: 1>} : vector<1024x128xi32>
    %jit3A_30 = arith.constant 128 : i32
    %eq3A_31 = arith.constant 0 : i32
    %eq3A_32 = arith.cmpi eq, %jit3A_30, %eq3A_31 : i32
    %jit3A_33 = arith.constant 1 : i32
    %select_n3A_34 = arith.select %eq3A_32, %jit3A_33, %jit3A_30 : i32
    %rem3A_35 = vector.broadcast %select_n3A_34 : i32 to vector<1024x128xi32>
    %rem3A_36 = arith.remsi %iota3A_28, %rem3A_35 : vector<1024x128xi32>
    %ne3A_37 = arith.constant 0 : i32
    %ne3A_38 = vector.broadcast %ne3A_37 : i32 to vector<1024x128xi32>
    %ne3A_39 = arith.cmpi ne, %rem3A_36, %ne3A_38 : vector<1024x128xi32>
    %lt3A = arith.constant 0 : i32
    %lt3A_40 = vector.broadcast %lt3A : i32 to vector<1024x128xi32>
    %lt3A_41 = arith.cmpi slt, %rem3A_36, %lt3A_40 : vector<1024x128xi32>
    %lt3A_42 = arith.constant 0 : i32
    %lt3A_43 = arith.cmpi slt, %select_n3A_34, %lt3A_42 : i32
    %ne3A_44 = vector.broadcast %lt3A_43 : i1 to vector<1024x128xi1>
    %ne3A_45 = vector.broadcast %ne3A_44 : vector<1024x128xi1> to vector<1024x128xi1>
    %ne3A_46 = arith.xori %lt3A_41, %ne3A_45 : vector<1024x128xi1>
    %and3A_47 = arith.andi %ne3A_46, %ne3A_39 : vector<1024x128xi1>
    %add3A = vector.broadcast %select_n3A_34 : i32 to vector<1024x128xi32>
    %add3A_48 = arith.addi %rem3A_36, %add3A : vector<1024x128xi32>
    %select_n3A_49 = arith.select %and3A_47, %add3A_48, %rem3A_36 : vector<1024x128xi1>, vector<1024x128xi32>
    %eq3A_50 = arith.cmpi eq, %iota3A_29, %select_n3A_49 : vector<1024x128xi32>
    %jit3A_51 = arith.constant 0.000000e+00 : f32
    %broadcast_in_dim3A = vector.broadcast %jit3A_51 : f32 to vector<1024x128xf32>
    %select_n3A_52 = arith.select %eq3A_50, %dot_general3A_27, %broadcast_in_dim3A : vector<1024x128xi1>, vector<1024x128xf32>
    %reduce_sum3A = arith.constant dense<0.000000e+00> : vector<1024xf32>
    %reduce_sum3A_53 = vector.multi_reduction <add>, %select_n3A_52, %reduce_sum3A [1] : vector<1024x128xf32> to vector<1024xf32>
    %broadcast_in_dim3A_54 = vector.shape_cast %reduce_sum3A_53 : vector<1024xf32> to vector<1024x1xf32>
    %get3A_55 = arith.constant 0 : index
    %get3A_56 = arith.constant 0 : index
    %get3A_57 = arith.constant 0 : index
    %get3A_58 = vector.load %arg1[%get3A_55, %get3A_56, %get3A_57] : memref<2x1024x128xf32, #tpu.memory_space<vmem>>, vector<1x1024x128xf32>
    %get3A_59 = vector.shape_cast %get3A_58 : vector<1x1024x128xf32> to vector<1024x128xf32>
    %get3A_60 = arith.constant 1 : index
    %get3A_61 = arith.constant 0 : index
    %get3A_62 = arith.constant 0 : index
    %get3A_63 = vector.load %arg1[%get3A_60, %get3A_61, %get3A_62] : memref<2x1024x128xf32, #tpu.memory_space<vmem>>, vector<1x1024x128xf32>
    %get3A_64 = vector.shape_cast %get3A_63 : vector<1x1024x128xf32> to vector<1024x128xf32>
    %add3A_65 = arith.addf %get3A_59, %get3A_64 : vector<1024x128xf32>
    %get3A_66 = arith.constant 0 : index
    %get3A_67 = arith.constant 0 : index
    %get3A_68 = vector.load %arg2[%get3A_66, %get3A_67] : memref<1024x128xf32, #tpu.memory_space<vmem>>, vector<1024x128xf32>
    %add3A_69 = arith.addf %add3A_65, %get3A_68 : vector<1024x128xf32>
    %mul3A = vector.broadcast %broadcast_in_dim3A_54 : vector<1024x1xf32> to vector<1024x128xf32>
    %mul3A_70 = arith.mulf %add3A_69, %mul3A : vector<1024x128xf32>
    %get3A_71 = arith.constant 0 : index
    %get3A_72 = arith.constant 0 : index
    %get3A_73 = vector.load %arg4[%get3A_71, %get3A_72] : memref<1x128xf32, #tpu.memory_space<vmem>>, vector<1x128xf32>
    %add3A_74 = vector.broadcast %get3A_73 : vector<1x128xf32> to vector<1024x128xf32>
    %add3A_75 = arith.addf %mul3A_70, %add3A_74 : vector<1024x128xf32>
    %max3A = arith.constant 0.000000e+00 : f32
    %max3A_76 = vector.broadcast %max3A : f32 to vector<1024x128xf32>
    %max3A_77 = arith.maximumf %add3A_75, %max3A_76 : vector<1024x128xf32>
    %get3A_78 = arith.constant 0 : index
    %get3A_79 = arith.constant 0 : index
    %get3A_80 = vector.load %arg5[%get3A_78, %get3A_79] : memref<128x2xf32, #tpu.memory_space<vmem>>, vector<128x2xf32>
    %dot_general3A_81 = arith.constant dense<0.000000e+00> : vector<1024x2xf32>
    %dot_general3A_82 = tpu.matmul %max3A_77, %get3A_80, %dot_general3A_81 {dimension_numbers = #tpu.dot_dimension_numbers<[1], [0], [0], [1], [0, 0, 1, 1], [], []>, transpose_lhs_hint = false} : vector<1024x128xf32>, vector<128x2xf32>, vector<1024x2xf32> -> vector<1024x2xf32>
    %get3A_83 = arith.constant 0 : index
    %get3A_84 = arith.constant 0 : index
    %get3A_85 = vector.load %arg6[%get3A_83, %get3A_84] : memref<1x2xf32, #tpu.memory_space<vmem>>, vector<1x2xf32>
    %add3A_86 = vector.broadcast %get3A_85 : vector<1x2xf32> to vector<1024x2xf32>
    %add3A_87 = arith.addf %dot_general3A_82, %add3A_86 : vector<1024x2xf32>
    %reduce_max3A = arith.constant dense<0xFF800000> : vector<1024xf32>
    %reduce_max3A_88 = vector.multi_reduction <maximumf>, %add3A_87, %reduce_max3A [1] : vector<1024x2xf32> to vector<1024xf32>
    %broadcast_in_dim3A_89 = vector.shape_cast %reduce_max3A_88 : vector<1024xf32> to vector<1024x1xf32>
    %sub3A_90 = vector.broadcast %broadcast_in_dim3A_89 : vector<1024x1xf32> to vector<1024x2xf32>
    %sub3A_91 = arith.subf %add3A_87, %sub3A_90 : vector<1024x2xf32>
    %exp3A = math.exp %sub3A_91 : vector<1024x2xf32>
    %reduce_sum3A_92 = arith.constant dense<0.000000e+00> : vector<1024xf32>
    %reduce_sum3A_93 = vector.multi_reduction <add>, %exp3A, %reduce_sum3A_92 [1] : vector<1024x2xf32> to vector<1024xf32>
    %broadcast_in_dim3A_94 = vector.shape_cast %reduce_sum3A_93 : vector<1024xf32> to vector<1024x1xf32>
    %log3A = math.log %broadcast_in_dim3A_94 : vector<1024x1xf32>
    %add3A_95 = arith.addf %broadcast_in_dim3A_89, %log3A : vector<1024x1xf32>
    %sub3A_96 = vector.broadcast %add3A_95 : vector<1024x1xf32> to vector<1024x2xf32>
    %sub3A_97 = arith.subf %add3A_87, %sub3A_96 : vector<1024x2xf32>
    %swap3A = arith.constant 0 : index
    %swap3A_98 = arith.constant 0 : index
    %swap3A_99 = vector.load %arg7[%swap3A, %swap3A_98] : memref<1024x2xf32, #tpu.memory_space<vmem>>, vector<1024x2xf32>
    tpu.vector_store %arg7[%swap3A, %swap3A_98], %sub3A_97 {strides = array<i32>} : memref<1024x2xf32, #tpu.memory_space<vmem>>, vector<1024x2xf32>,
    return
  }
  func.func @transform_0(%arg0: i32) -> (i32, i32, i32) {
    %c0_i32 = arith.constant 0 : i32
    %c0_i32_0 = arith.constant 0 : i32
    %c0_i32_1 = arith.constant 0 : i32
    return %c0_i32, %arg0, %c0_i32_0 : i32, i32, i32
  }
  func.func @transform_1(%arg0: i32) -> (i32, i32) {
    %c0_i32 = arith.constant 0 : i32
    %c0_i32_0 = arith.constant 0 : i32
    return %arg0, %c0_i32 : i32, i32
  }
  func.func @transform_2(%arg0: i32) -> (i32, i32) {
    %c0_i32 = arith.constant 0 : i32
    %c0_i32_0 = arith.constant 0 : i32
    return %arg0, %c0_i32 : i32, i32
  }
  func.func @transform_3(%arg0: i32) -> (i32, i32) {
    %c0_i32 = arith.constant 0 : i32
    %c0_i32_0 = arith.constant 0 : i32
    %c0_i32_1 = arith.constant 0 : i32
    return %c0_i32, %c0_i32_0 : i32, i32
  }
  func.func @transform_4(%arg0: i32) -> (i32, i32) {
    %c0_i32 = arith.constant 0 : i32
    %c0_i32_0 = arith.constant 0 : i32
    %c0_i32_1 = arith.constant 0 : i32
    return %c0_i32, %c0_i32_0 : i32, i32
  }
  func.func @transform_5(%arg0: i32) -> (i32, i32) {
    %c0_i32 = arith.constant 0 : i32
    %c0_i32_0 = arith.constant 0 : i32
    %c0_i32_1 = arith.constant 0 : i32
    return %c0_i32, %c0_i32_0 : i32, i32
  }
  func.func @transform_6(%arg0: i32) -> (i32, i32) {
    %c0_i32 = arith.constant 0 : i32
    %c0_i32_0 = arith.constant 0 : i32
    return %arg0, %c0_i32 : i32, i32
  }
}

</mosaic_0001>

<sc_bundles>
// kernel: kernel.11.cloned.1.call-start
scs
__scs_entry_jumppad:
0x0: {  	(pc) =	sbr.rel $0x88, $3  }
0x1: {  	(tag) =	ssettag $0x0;
	lr =	simm.s32 $0x1  }
0x2: {  	[smem:$0x3F99] =	sst lr;
	_ =	strace $0xD0000000  }
0x3: {  	_ = 	snop  }
0x4: {  	_ = 	snop  }
0x5: {  	_ = 	snop  }
0x6: {  	_ = 	snop  }
0x7: {  	_ = 	snop  }
__scs_overlays_trampoline_lowered:
0x8: {  	[smem:$0x3FA8] =	sst s0  }
0x9: {  	[smem:$0x3FA9] =	sst s1  }
0xa: {  	[smem:$0x3FAA] =	sst s2  }
0xb: {  	[smem:$0x3FAB] =	sst s3  }
0xc: {  	[smem:$0x3FAC] =	sst s4  }
0xd: {  	[smem:$0x3FAD] =	sst s5  }
0xe: {  	[smem:$0x3FAE] =	sst s6  }
0xf: {  	[smem:$0x3FAF] =	sst s7  }
0x10: {  	[smem:$0x3FB0] =	sst s8  }
0x11: {  	[smem:$0x3FB1] =	sst s9;
	s0 =	simm.s32 @!p0 $0x0  }
0x12: {  	s1 =	sld [smem:$0x3F97];
	s0 =	simm.s32 @p0 $0x1  }
0x13: {  	[smem:$0x3FB2] =	sst s0;
	s0 =	simm.s32 @!p1 $0x0  }
0x14: {  	s2 =	sld [smem:$0x3F96];
	s0 =	simm.s32 @p1 $0x1  }
0x15: {  	[smem:$0x3FB3] =	sst s0;
	s0 =	simm.s32 @!p2 $0x0  }
0x16: {  	s3 =	sld [smem:$0x3FDB];
	s0 =	simm.s32 @p2 $0x1  }
0x17: {  	s4 =	simm.s32 $0x1BF5;
	[smem:$0x3FB5] =	sst s0  }
0x18: {  	s0 =	sld [smem:$0x3F98];
	_ =	swait.ge [sflag:s4], $0x0  }
0x19: {  	s7 =	sld [smem:$0x3F99]  }
0x1a: {  	s8 =	sadd.s32 $0xFFFFE003, lr  }
0x1b: {  	s9 =	sadd.s32 $0xFFFFFEF7, lr;
	s5 =	simm.s32 $0xFFFFFFFF;
	p2 =	slt.u32 s8, $0xFFFFF086  }
0x1c: {  	p1 =	slt.u32 s9, $0xF7A;
	s5 =	simm.s32 @!p2 $0x0  }
0x1d: {  	s5 =	simm.s32 @p1 $0x1;
	p0 =	seq.s32 s7, s2  }
0x1e: {  	s7 =	smul.u32 @!p0 $0xF7A, s2;
	p2 =	seq.s32 @!p0 s5, $0x0  }
0x1f: {  	s9 =	smul.u32 $0xF7A, s1;
	s8 =	simm.s32 @!p0 $0x1BF5;
	p2 =	por !p2, p0  }
0x20: {  	[sflag:s8] =	ssyncset.s32 @!p0 $0xFFFFF086;
	s6 =	sadd.s32 @!p0 s3, s7;
	s7 =	simm.s32 @!p0 $0x108  }
0x21: {  	s3 =	sadd.s32 s3, s9;
	s6 =	sadd.s32 @!p0 $0x88, s6;
	s7 =	simm.s32 @p2 $0x1082  }
0x22: {  	[simem:s7], [sflag:s8] =	dma.local @!p0 [hbm:s6], $0xF7A  }
0x23: {  	s9 =	sor.u32 $0xD0000000, s2;
	s6 =	simm.s32 $0x108;
	_ =	swait.ge @!p0 [sflag:s8], $0x0  }
0x24: {  	s3 =	sadd.s32 $0x88, s3;
	s6 =	simm.s32 @!p1 $0x1082;
	[sflag:s4] =	ssyncset.s32 $0xFFFFF086  }
0x25: {  	[simem:s6], [sflag:s4] =	dma.local [hbm:s3], $0xF7A  }
0x26: {  	[smem:$0x3F99] =	sst s1;
	(tag) =	ssettag s2;
	_ =	strace s9  }
0x27: {  	s1 =	sld [smem:$0x3FA9]  }
0x28: {  	s2 =	sld [smem:$0x3FAA]  }
0x29: {  	s4 =	sld [smem:$0x3FAC]  }
0x2a: {  	p0 =	seq.s32 s5, $0x0;
	s5 =	sld [smem:$0x3FAD]  }
0x2b: {  	s6 =	sld [smem:$0x3FAE]  }
0x2c: {  	s7 =	sld [smem:$0x3FAF]  }
0x2d: {  	s3 =	simm.s32 $0x108;
	s8 =	sld [smem:$0x3FB0]  }
0x2e: {  	s3 =	simm.s32 @!p0 $0x1082;
	s9 =	sld [smem:$0x3FB1]  }
0x2f: {  	lr =	sadd.s32 s0, s3;
	s0 =	sld [smem:$0x3FA8]  }
0x30: {  	s3 =	sld [smem:$0x3FAB]  }
0x31: {  	[smem:$0x3FB4] =	sst s10  }
0x32: {  	s10 =	sld [smem:$0x3FB2];
	_ =	sdelay $0x3  }
0x33: {  	p0 =	seq.s32 s10, $0x1;
	s10 =	sld [smem:$0x3FB4];
	_ =	sdelay $0x3  }
0x34: {  	[smem:$0x3FB4] =	sst s10  }
0x35: {  	s10 =	sld [smem:$0x3FB3];
	_ =	sdelay $0x3  }
0x36: {  	p1 =	seq.s32 s10, $0x1;
	s10 =	sld [smem:$0x3FB4];
	_ =	sdelay $0x3  }
0x37: {  	[smem:$0x3FB4] =	sst s10  }
0x38: {  	s10 =	sld [smem:$0x3FB5]  }
0x39: {  	_ = 	snop;
	(pc) =	sbr.ind lr, $3  }
0x3a: {  	_ = 	snop  }
0x3b: {  	_ = 	snop  }
0x3c: {  	p2 =	seq.s32 s10, $0x1;
	s10 =	sld [smem:$0x3FB4]  }
0x3d: {  	_ =	shalt  }
0x3e: {  	_ =	shalt  }
0x3f: {  	_ =	shalt  }
0x40: {  	_ =	shalt  }
0x41: {  	_ =	shalt  }
0x42: {  	_ =	shalt  }
0x43: {  	_ =	shalt  }
0x44: {  	_ =	shalt  }
0x45: {  	_ =	shalt  }
0x46: {  	_ =	shalt  }
0x47: {  	_ =	shalt  }
0x48: {  	_ =	shalt  }
0x49: {  	_ =	shalt  }
0x4a: {  	_ =	shalt  }
0x4b: {  	_ =	shalt  }
0x4c: {  	_ =	shalt  }
0x4d: {  	_ =	shalt  }
0x4e: {  	_ =	shalt  }
0x4f: {  	_ =	shalt  }
0x50: {  	_ =	shalt  }
0x51: {  	_ =	shalt  }
0x52: {  	_ =	shalt  }
0x53: {  	_ =	shalt  }
0x54: {  	_ =	shalt  }
0x55: {  	_ =	shalt  }
0x56: {  	_ =	shalt  }
0x57: {  	_ =	shalt  }
0x58: {  	_ =	shalt  }
0x59: {  	_ =	shalt  }
0x5a: {  	_ =	shalt  }
0x5b: {  	_ =	shalt  }
0x5c: {  	_ =	shalt  }
0x5d: {  	_ =	shalt  }
0x5e: {  	_ =	shalt  }
0x5f: {  	_ =	shalt  }
0x60: {  	_ =	shalt  }
0x61: {  	_ =	shalt  }
0x62: {  	_ =	shalt  }
0x63: {  	_ =	shalt  }
0x64: {  	_ =	shalt  }
0x65: {  	_ =	shalt  }
0x66: {  	_ =	shalt  }
0x67: {  	_ =	shalt  }
0x68: {  	_ =	shalt  }
0x69: {  	_ =	shalt  }
0x6a: {  	_ =	shalt  }
0x6b: {  	_ =	shalt  }
0x6c: {  	_ =	shalt  }
0x6d: {  	_ =	shalt  }
0x6e: {  	_ =	shalt  }
0x6f: {  	_ =	shalt  }
0x70: {  	_ =	shalt  }
0x71: {  	_ =	shalt  }
0x72: {  	_ =	shalt  }
0x73: {  	_ =	shalt  }
0x74: {  	_ =	shalt  }
0x75: {  	_ =	shalt  }
0x76: {  	_ =	shalt  }
0x77: {  	_ =	shalt  }
0x78: {  	_ =	shalt  }
0x79: {  	_ =	shalt  }
0x7a: {  	_ =	shalt  }
0x7b: {  	_ =	shalt  }
0x7c: {  	_ =	shalt  }
0x7d: {  	_ =	shalt  }
0x7e: {  	_ =	shalt  }
0x7f: {  	_ =	shalt  }
0x80: {  	_ =	shalt  }
0x81: {  	_ =	shalt  }
0x82: {  	_ =	shalt  }
0x83: {  	_ =	shalt  }
0x84: {  	_ =	shalt  }
0x85: {  	_ =	shalt  }
0x86: {  	_ =	shalt  }
0x87: {  	_ =	shalt  }
.Lfunc_end0:
.L_simem_size_0:
called_computation.1_lowered:
.L_overlay_start_0:
0x88: {  	s2 =	sld [smem:$0x3FD9]  }
0x89: {  	s3 =	sld [smem:$0x3FFE];
	_ =	sdelay $0x1  }
0x8a: {  	s1 =	srdreg.scid  }
0x8b: {  	s0 =	sand.u32 $0x1, s1  }
0x8c: {  	s16 =	sshll.u32 s0, $0xA;
	s2 =	sadd.s32 s3, s2  }
0x8d: {  	s2 =	sadd.s32 s2, s16  }
0x8e: {  	[smem:$0x3FC0] =	sst s2  }
0x8f: {  	_ = 	snop  }
0x90: {  	(tm) =	ssettm $0x1  }
0x91: {  	s17 =	sld [smem:$0x3FFB];
	_ =	sdelay $0x3  }
0x92: {  	_ =	strace s17  }
0x93: {  	s2 =	sld [smem:$0x3FFC];
	_ =	sdelay $0x3  }
0x94: {  	_ =	strace s2  }
0x95: {  	s2 =	sld [smem:$0x3FFD];
	_ =	sdelay $0x3  }
0x96: {  	_ =	strace s2  }
0x97: {  	_ =	strace $0x8FFFFFFF  }
0x98: {  	s18 =	sld [smem:$0x3FDB];
	_ =	sdelay $0x1  }
0x99: {  	s19 =	simm.s32 $_scs_section_size  }
0x9a: {  	s4 =	simm.s32 $_size__tile_overlayer_lowered;
	s5 =	simm.s32 $_tile_overlayer_lowered  }
0x9b: {  	s22 =	simm.s32 $0x1BFF;
	s21 =	sshll.u32 s5, $0x1;
	s2 =	sadd.s32 s19, s18  }
0x9c: {  	s6 =	simm.s32 $0x0;
	s20 =	sshll.u32 s4, $0x1;
	s4 =	sadd.s32 s21, s2  }
0x9d: {  	[timem:s6], [sflag:s22] =	dma.local [hbm:s4], s20  }
0x9e: {  	_ =	swait.ge [sflag:s22], s20  }
0x9f: {  	s3 =	ssub.s32 $0x0, s20;
	[sflag:s22] =	ssyncset.done $0x0  }
0xa0: {  	[sflag:s22] =	ssyncadd.s32 s3;
	_ =	sdelay $0x1  }
0xa1: {  	s23 =	simm.s32 $0x1B8B  }
0xa2: {  	_ =	swait.ge [sflag:s23], $0x1  }
0xa3: {  	[sflag:s23] =	ssyncset.done $0x0  }
0xa4: {  	s25 =	simm.s32 $0x1B8E;
	s24 =	sld [smem:$0x3FFE];
	[sflag:s23] =	ssyncadd.s32 $0xFFFFFFFF  }
0xa5: {  	s26 =	simm.s32 $execute0_lowered;
	[smem:$0x3FD2] =	sst s25  }
0xa6: {  	s4 =	sshll.u32 s26, $0x1;
	_ =	strace $0x80000049;
	[dreg:$0x1] =	wrdreg $0xFFFFFFFF  }
0xa7: {  	s28 =	simm.s32 $_size_execute0_lowered;
	s2 =	sadd.s32 s2, s4;
	[dreg:$0x0] =	wrdreg $0x0  }
0xa8: {  	s4 =	sshll.u32 s28, $0x1;
	[dreg:$0x2] =	wrdreg s2  }
0xa9: {  	[dreg:$0x3] =	wrdreg s4  }
0xaa: {  	[dreg:$0x4] =	wrdreg $0xC0  }
0xab: {  	_ =	task [dreg:s6], $0x5FFFF  }
0xac: {  	[dreg:$0x1] =	wrdreg $0xFFFFFFFF  }
0xad: {  	[dreg:$0x0] =	wrdreg $0x60  }
0xae: {  	[dreg:$0x2] =	wrdreg s24  }
0xaf: {  	[dreg:$0x3] =	wrdreg $0x0  }
0xb0: {  	[dreg:$0x4] =	wrdreg $0x9  }
0xb1: {  	_ =	task.clear_ibuf [dreg:s6], $0x5FFFF;
	_ =	strace $0x90000049  }
0xb2: {  	s29 =	simm.s32 $0x9;
	_ =	strace $0x8000004B  }
0xb3: {  	_ =	swait.ge [sflag:s29], $0x1  }
0xb4: {  	[sflag:s29] =	ssyncadd.s32 $0xFFFFFFFF  }
0xb5: {  	_ =	strace $0x9000004B  }
0xb6: {  	_ =	sfence  }
0xb7: {  	s30 =	sld [smem:$0x0];
	_ =	sdelay $0x2  }
0xb8: {  	s31 =	sshll.u32 s1, $0xD;
	s1 =	sshrl.u32 s1, $0x2  }
0xb9: {  	s3 =	sand.u32 $0x4000, s31;
	s1 =	sadd.s32 s1, s30  }
0xba: {  	s0 =	sor.u32 s3, s0;
	s1 =	sshll.u32 s1, $0x11  }
0xbb: {  	s0 =	sor.u32 s1, s0  }
0xbc: {  	s0 =	sadd.s32 $0x8F2B, s0  }
0xbd: {  	[sflag:s0] =	ssyncadd.remote.s32 $0x1  }
0xbe: {  	_ =	sfence.sel $0xFFFF  }
0xbf: {  	[dreg:$0x0] =	wrdreg $0xFFFFFFFF;
	(pc) =	sbr.abs _section_cstart, $3  }
0xc0: {  	[dreg:$0x1] =	wrdreg $0xFFFFFFFF  }
0xc1: {  	_ =	task.clear_ibuf [dreg:s6], $0x2FFFF;
	_ =	strace $0x9FFFFFFF  }
0xc2: {  	(tm) =	ssettm $0x7FFFFFFF  }
0xc3: {  	_ =	shalt  }
tec
execute0_lowered:
.L_overlay_start_1:
0x0: {  	(tag) =	ssettag $0x1  }
0x1: {  	s0 =	rddreg [dreg:$0x0]  }
0x2: {  	s1 =	rddreg [dreg:$0x1]  }
0x3: {  	s2 =	srdreg.scid;
	s3 =	simm.s32 $0x0;
	s5 =	stileid.u32  }
0x4: {  	s29 =	simm.s32 $0xD;
	s30 =	simm.s32 $0x13C80;
	s7 =	smul.u32 $0x13C00, s5  }
0x5: {  	s31 =	simm.s32 $0x1;
	s2 =	sand.u32 $0x1, s2;
	s8 =	smul.u32 $0x4F000, s5  }
0x6: {  	[smem:$0x7FF] =	sst s3;
	s4 =	sadd.s32 $0x16A00, s0;
	s13 =	smul.u32 $0x4EC0, s5  }
0x7: {  	s16 =	sadd.s32 $0xCC00, s0;
	s9 =	sshll.u32 s5, $0x1;
	s6 =	smul.u32 $0x140000, s2  }
0x8: {  	s23 =	ssub.s32 $0x2, s2;
	s9 =	sor.u32 s2, s9;
	s2 =	smul.u32 $0x2760, s2  }
0x9: {  	_ =	strace $0x8000004A;
	s8 =	sshrl.u32 s8, $0x2;
	s24 =	smul.u32 $0x4EC, s9  }
0xa: {  	s10 =	sshrl.u32 s23, $0x1;
	s9 =	smul.u32 $0x2760, s9;
	s28 =	sadd.s32 s8, s1  }
0xb: {  	s7 =	sadd.s32 s7, s6;
	s25 =	sadd.s32 $0x3C00, s28;
	[dreg:$0xd] =	wrdreg s28  }
0xc: {  	s6 =	sadd.s32 $0x2E00, s0;
	s26 =	sadd.s32 $0x7800, s28;
	[dreg:$0xe] =	wrdreg s25  }
0xd: {  	s2 =	sadd.s32 s2, s13;
	s11 =	sadd.s32 $0xB400, s28;
	[dreg:$0xf] =	wrdreg s26  }
0xe: {  	s7 =	sshrl.u32 s7, $0x3;
	s12 =	sadd.s32 $0xF000, s28;
	[dreg:$0x10] =	wrdreg s11  }
0xf: {  	s14 =	sadd.s32 $0x12C00, s28;
	s15 =	sadd.s32 s16, s24;
	[dreg:$0x11] =	wrdreg s12  }
0x10: {  	s17 =	sadd.s32 s6, s24;
	s22 =	sadd.s32 $0x3C0, s2;
	[dreg:$0x12] =	wrdreg s14  }
0x11: {  	s5 =	sadd.s32 $0x348, s2;
	s0 =	sadd.s32 s7, s0;
	[dreg:$0x13] =	wrdreg s15  }
0x12: {  	s7 =	ssub.s32 s23, s10;
	s11 =	sadd.s32 $0x78, s9;
	[dreg:$0x14] =	wrdreg s17  }
0x13: {  	s9 =	sshrl.u32 s9, $0x3;
	s25 =	sshrl.u32 s22, $0x3;
	s10 =	sshrl.u32 s5, $0x3  }
0x14: {  	s12 =	sadd.s32 $0x258, s2;
	s17 =	sadd.s32 $0x1E0, s2;
	s5 =	simm.s32 $0x13C00  }
0x15: {  	s18 =	sshrl.u32 s11, $0x3;
	s21 =	sadd.s32 $0x1E, s9;
	s0 =	sadd.s32 $0x3DC00, s0  }
0x16: {  	s26 =	sadd.s32 s25, s6;
	s8 =	sadd.s32 s25, s16;
	[dreg:$0x19] =	wrdreg s0  }
0x17: {  	s11 =	sadd.s32 s10, s6;
	s13 =	sadd.s32 s10, s16;
	[dreg:$0x3] =	wrdreg s26  }
0x18: {  	s14 =	sshrl.u32 s12, $0x3;
	s9 =	simm.s32 $0x17E00;
	[dreg:$0x4] =	wrdreg s8  }
0x19: {  	s12 =	simm.s32 $0x7;
	s10 =	simm.s32 $0x0;
	[dreg:$0x5] =	wrdreg s11  }
0x1a: {  	s19 =	sadd.s32 s16, s18;
	s20 =	sadd.s32 s6, s18;
	[dreg:$0x6] =	wrdreg s13  }
0x1b: {  	s23 =	sadd.s32 s16, s21;
	s24 =	sadd.s32 s6, s21;
	[dreg:$0x15] =	wrdreg s19  }
0x1c: {  	s15 =	sadd.s32 s14, s6;
	s18 =	sadd.s32 s14, s16;
	[dreg:$0x16] =	wrdreg s20  }
0x1d: {  	s21 =	sadd.s32 $0x168, s2;
	s2 =	sadd.s32 $0x2D0, s2;
	[dreg:$0x17] =	wrdreg s23  }
0x1e: {  	s8 =	simm.s32 $0x13F00;
	s0 =	simm.s32 $0x78;
	[dreg:$0x18] =	wrdreg s24  }
0x1f: {  	s13 =	simm.s32 $0x3;
	[dreg:$0x7] =	wrdreg s15;
	s19 =	sshrl.u32 s17, $0x3  }
0x20: {  	[dreg:$0x8] =	wrdreg s18;
	s23 =	sshrl.u32 s21, $0x3;
	s24 =	smax.u32 s7, $0x1  }
0x21: {  	[dreg:$0x1b] =	wrdreg s2;
	s17 =	simm.s32 $0x8;
	s18 =	simm.s32 $0x4  }
0x22: {  	s15 =	simm.s32 $0xA;
	s20 =	sadd.s32 s19, s6;
	[dreg:$0x1a] =	wrdreg s24  }
0x23: {  	s7 =	simm.s32 $0x5;
	s22 =	sadd.s32 s19, s16;
	[dreg:$0x9] =	wrdreg s20  }
0x24: {  	s25 =	sadd.s32 s23, s6;
	s26 =	sadd.s32 s23, s16;
	[dreg:$0xa] =	wrdreg s22  }
0x25: {  	s23 =	simm.s32 $0x6;
	s19 =	simm.s32 $0x1BA00;
	[dreg:$0xb] =	wrdreg s25  }
0x26: {  	v0 =	vimm.f32 $0.0e+00;
	[dreg:$0xc] =	wrdreg s26;
	s22 =	simm.s32 $0x14200;
	s20 =	simm.s32 $0xB  }
.LBB2_1:
0x27: {  	[dreg:$0x1c] =	wrdreg s10;
	s25 =	simm.s32 $0x0;
	s26 =	simm.s32 $0x200  }
.LBB2_2:
0x28: {  	p0 =	sne.s32 s26, $0xEE00;
	[tilespmem:s25+$0x14270] =	vst v0  }
0x29: {  	[tilespmem:s25+$0x14200] =	vst v0  }
0x2a: {  	[tilespmem:s25+$0x14210] =	vst v0  }
.Ltmp0:
0x2b: {  	[tilespmem:s25+$0x14220] =	vst v0;
	(pc) =	sbr.rel @p0 .LBB2_2-.Ltmp0, $4  }
0x2c: {  	[tilespmem:s25+$0x14230] =	vst v0  }
0x2d: {  	[tilespmem:s25+$0x14240] =	vst v0  }
0x2e: {  	[tilespmem:s25+$0x14250] =	vst v0  }
0x2f: {  	[tilespmem:s25+$0x14260] =	vst v0;
	s25 =	sshra.s32 s26, $0x2;
	s26 =	sadd.s32 $0x200, s26  }
0x30: {  	[tilespmem:s25+$0x14270] =	vst v0  }
0x31: {  	[tilespmem:s25+$0x14200] =	vst v0  }
0x32: {  	[tilespmem:s25+$0x14210] =	vst v0  }
0x33: {  	[tilespmem:s25+$0x14220] =	vst v0  }
0x34: {  	[tilespmem:s25+$0x14230] =	vst v0  }
0x35: {  	[tilespmem:s25+$0x14240] =	vst v0  }
0x36: {  	[tilespmem:s25+$0x14250] =	vst v0  }
0x37: {  	[tilespmem:s25+$0x14260] =	vst v0  }
0x38: {  	[spmem:s28] =	stream.linear.scatter [tilespmem:s22], [sflag:$0xD], $0x3C00, $0x38;
	[tilespmem:$0x1F600] =	vst v63  }
0x39: {  	_ =	swait.ge [sflag:s29], $0x3C00  }
0x3a: {  	[sflag:s29] =	ssyncset.done $0x0  }
0x3b: {  	s2 =	rddreg [dreg:$0xe];
	[sflag:s29] =	ssyncadd.s32 $0xFFFFC400  }
0x3c: {  	[spmem:s2] =	stream.linear.scatter [tilespmem:s22], [sflag:$0xD], $0x3C00, $0x38;
	[tilespmem:$0x1F600] =	vst v63  }
0x3d: {  	_ =	swait.ge [sflag:s29], $0x3C00  }
0x3e: {  	[sflag:s29] =	ssyncset.done $0x0  }
0x3f: {  	s26 =	rddreg [dreg:$0xf];
	[sflag:s29] =	ssyncadd.s32 $0xFFFFC400  }
0x40: {  	[spmem:s26] =	stream.linear.scatter [tilespmem:s22], [sflag:$0xD], $0x3C00, $0x38;
	[tilespmem:$0x1F600] =	vst v63  }
0x41: {  	_ =	swait.ge [sflag:s29], $0x3C00  }
0x42: {  	[sflag:s29] =	ssyncset.done $0x0  }
0x43: {  	s28 =	rddreg [dreg:$0x10];
	[sflag:s29] =	ssyncadd.s32 $0xFFFFC400  }
0x44: {  	[spmem:s28] =	stream.linear.scatter [tilespmem:s22], [sflag:$0xD], $0x3C00, $0x38;
	[tilespmem:$0x1F600] =	vst v63  }
0x45: {  	_ =	swait.ge [sflag:s29], $0x3C00  }
0x46: {  	[sflag:s29] =	ssyncset.done $0x0  }
0x47: {  	s10 =	rddreg [dreg:$0x11];
	[sflag:s29] =	ssyncadd.s32 $0xFFFFC400  }
0x48: {  	[spmem:s10] =	stream.linear.scatter [tilespmem:s22], [sflag:$0xD], $0x3C00, $0x38;
	[tilespmem:$0x1F600] =	vst v63  }
0x49: {  	_ =	swait.ge [sflag:s29], $0x3C00  }
0x4a: {  	[sflag:s29] =	ssyncset.done $0x0  }
0x4b: {  	s11 =	rddreg [dreg:$0x12];
	[sflag:s29] =	ssyncadd.s32 $0xFFFFC400  }
0x4c: {  	[spmem:s11] =	stream.linear.scatter [tilespmem:s22], [sflag:$0xD], $0x1000, $0x38;
	[tilespmem:$0x1F600] =	vst v63  }
0x4d: {  	_ =	swait.ge [sflag:s29], $0x1000  }
0x4e: {  	[sflag:s29] =	ssyncset.done $0x0  }
0x4f: {  	[sflag:s29] =	ssyncadd.s32 $0xFFFFF000  }
0x50: {  	[bflag:$0x0] =	sbarrier.arrive $0xFFFF  }
0x51: {  	s14 =	simm.s32 $0x0;
	s21 =	rddreg [dreg:$0x13]  }
0x52: {  	[tilespmem:s5], [sflag:$0x1] =	stream.linear.gather [hbm4b:s21+s14], $0x78, $0x38;
	[tilespmem:$0x1F600] =	vst v63  }
0x53: {  	s24 =	rddreg [dreg:$0x14]  }
0x54: {  	[tilespmem:s8], [sflag:$0x1] =	stream.linear.gather [hbm4b:s24+s14], $0x78, $0x38;
	[tilespmem:$0x1F600] =	vst v63  }
0x55: {  	s26 =	rddreg [dreg:$0x15]  }
0x56: {  	[tilespmem:s30], [sflag:$0x2] =	stream.linear.gather [hbm4b:s26+s14], $0x78, $0x38;
	[tilespmem:$0x1F600] =	vst v63  }
0x57: {  	s28 =	rddreg [dreg:$0x16];
	s24 =	simm.s32 $0x13F80  }
0x58: {  	[tilespmem:s24], [sflag:$0x2] =	stream.linear.gather [hbm4b:s28+s14], $0x78, $0x38;
	[tilespmem:$0x1F600] =	vst v63  }
0x59: {  	s11 =	simm.s32 $0x13D00;
	s29 =	rddreg [dreg:$0x17]  }
0x5a: {  	[tilespmem:s11], [sflag:$0x3] =	stream.linear.gather [hbm4b:s29+s14], $0x78, $0x38;
	[tilespmem:$0x1F600] =	vst v63  }
0x5b: {  	s10 =	rddreg [dreg:$0x18];
	s21 =	simm.s32 $0x14000  }
0x5c: {  	[tilespmem:s21], [sflag:$0x3] =	stream.linear.gather [hbm4b:s10+s14], $0x78, $0x38;
	[tilespmem:$0x1F600] =	vst v63  }
0x5d: {  	_ =	swait.ge [sflag:s31], $0x78  }
0x5e: {  	[sflag:s31] =	ssyncset.done $0x0  }
0x5f: {  	[sflag:s31] =	ssyncadd.s32 $0xFFFFFF88  }
0x60: {  	_ =	swait.ge [sflag:s31], $0x78  }
0x61: {  	p0 =	por $0x1, $0x1;
	[sflag:s31] =	ssyncset.done $0x0  }
0x62: {  	s25 =	simm.s32 @!p0 $0xA;
	[sflag:s31] =	ssyncadd.s32 $0xFFFFFF88  }
0x63: {  	_ =	swait.ge @!p0 [sflag:s25], $0x3C00  }
0x64: {  	[sflag:s25] =	ssyncset.done @!p0 $0x0  }
0x65: {  	s26 =	rddreg [dreg:$0xc];
	[sflag:s25] =	ssyncadd.s32 @!p0 $0xFFFFC400  }
0x66: {  	[tilespmem:s22], [sflag:$0x7] =	stream.indirect.gather [hbm4b:s4+s0], $0x80, s5, s0, $0xb8;
	[tilespmem:$0x1F600] =	vst v63  }
0x67: {  	s2 =	simm.s32 $0x13D80;
	s14 =	rddreg [dreg:$0xb];
	s26 =	sadd.s32 $0x0, s26  }
0x68: {  	[tilespmem:s2], [sflag:$0x4] =	stream.linear.gather [hbm4b:s26+s3], $0x78, $0x38;
	[tilespmem:$0x1F600] =	vst v63  }
0x69: {  	s25 =	sadd.s32 $0x0, s14;
	s5 =	simm.s32 $0x14080;
	s26 =	simm.s32 @p0 $0x2  }
0x6a: {  	[tilespmem:s5], [sflag:$0x4] =	stream.linear.gather [hbm4b:s25+s3], $0x78, $0x38;
	[tilespmem:$0x1F600] =	vst v63  }
0x6b: {  	_ =	swait.ge @p0 [sflag:s26], $0x78  }
0x6c: {  	[sflag:s26] =	ssyncset.done @p0 $0x0  }
0x6d: {  	[sflag:s26] =	ssyncadd.s32 @p0 $0xFFFFFF88  }
0x6e: {  	_ =	swait.ge @p0 [sflag:s26], $0x78  }
0x6f: {  	[sflag:s26] =	ssyncset.done @p0 $0x0  }
0x70: {  	s25 =	simm.s32 @!p0 $0x9;
	[sflag:s26] =	ssyncadd.s32 @p0 $0xFFFFFF88  }
0x71: {  	_ =	swait.ge @!p0 [sflag:s25], $0x3C00  }
0x72: {  	s28 =	simm.s32 @!p0 $0x2;
	s29 =	simm.s32 @!p0 $0x14180;
	[sflag:s25] =	ssyncset.done @!p0 $0x0  }
0x73: {  	s26 =	simm.s32 @!p0 $0x1BA00;
	[sflag:s25] =	ssyncadd.s32 @!p0 $0xFFFFC400;
	s25 =	simm.s32 @!p0 $0x78  }
0x74: {  	[spmem:s1] =	stream.indirect.scatter.add.f32 @!p0 [tilespmem:s26], [sflag:$0xC], $0x80, s29, s25, $0xb8;
	[tilespmem:$0x1F600] =	vst v63  }
0x75: {  	_ =	swait.ge @!p0 [sflag:s28], $0x78  }
0x76: {  	[sflag:s28] =	ssyncset.done @!p0 $0x0  }
0x77: {  	[sflag:s28] =	ssyncadd.s32 @!p0 $0xFFFFFF88  }
0x78: {  	_ =	swait.ge @!p0 [sflag:s28], $0x78  }
0x79: {  	[sflag:s28] =	ssyncset.done @!p0 $0x0  }
0x7a: {  	s25 =	simm.s32 @!p0 $0xB;
	[sflag:s28] =	ssyncadd.s32 @!p0 $0xFFFFFF88  }
0x7b: {  	_ =	swait.ge @!p0 [sflag:s25], $0x3C00  }
0x7c: {  	[sflag:s25] =	ssyncset.done @!p0 $0x0  }
0x7d: {  	s28 =	rddreg [dreg:$0xa];
	[sflag:s25] =	ssyncadd.s32 @!p0 $0xFFFFC400  }
0x7e: {  	[tilespmem:s9], [sflag:$0x8] =	stream.indirect.gather [hbm4b:s4+s0], $0x80, s30, s0, $0xb8;
	[tilespmem:$0x1F600] =	vst v63  }
0x7f: {  	s14 =	simm.s32 $0x13E00;
	s29 =	rddreg [dreg:$0x9];
	s26 =	sadd.s32 $0x0, s28  }
0x80: {  	[tilespmem:s14], [sflag:$0x5] =	stream.linear.gather [hbm4b:s26+s3], $0x78, $0x38;
	[tilespmem:$0x1F600] =	vst v63  }
0x81: {  	s10 =	simm.s32 $0x14100;
	s25 =	sadd.s32 $0x0, s29  }
0x82: {  	[tilespmem:s10], [sflag:$0x5] =	stream.linear.gather [hbm4b:s25+s3], $0x78, $0x38;
	[tilespmem:$0x1F600] =	vst v63  }
0x83: {  	_ =	swait.ge [sflag:s12], $0x3C00  }
0x84: {  	[sflag:s12] =	ssyncset.done $0x0  }
0x85: {  	[sflag:s12] =	ssyncadd.s32 $0xFFFFC400  }
0x86: {  	[spmem:s1] =	stream.indirect.scatter.add.f32 [tilespmem:s22], [sflag:$0xA], $0x80, s8, s0, $0xb8;
	[tilespmem:$0x1F600] =	vst v63  }
0x87: {  	_ =	swait.ge [sflag:s13], $0x78  }
0x88: {  	[sflag:s13] =	ssyncset.done $0x0  }
0x89: {  	[sflag:s13] =	ssyncadd.s32 $0xFFFFFF88  }
0x8a: {  	_ =	swait.ge [sflag:s13], $0x78  }
0x8b: {  	[sflag:s13] =	ssyncset.done $0x0  }
0x8c: {  	s25 =	simm.s32 @!p0 $0xC;
	[sflag:s13] =	ssyncadd.s32 $0xFFFFFF88  }
0x8d: {  	_ =	swait.ge @!p0 [sflag:s25], $0x3C00  }
0x8e: {  	[sflag:s25] =	ssyncset.done @!p0 $0x0  }
0x8f: {  	s8 =	rddreg [dreg:$0x8];
	[sflag:s25] =	ssyncadd.s32 @!p0 $0xFFFFC400  }
0x90: {  	[tilespmem:s19], [sflag:$0x9] =	stream.indirect.gather [hbm4b:s4+s0], $0x80, s11, s0, $0xb8;
	[tilespmem:$0x1F600] =	vst v63  }
0x91: {  	s10 =	rddreg [dreg:$0x7];
	s26 =	sadd.s32 $0x0, s8;
	s11 =	simm.s32 $0x13E80  }
0x92: {  	[tilespmem:s11], [sflag:$0x6] =	stream.linear.gather [hbm4b:s26+s3], $0x78, $0x38;
	[tilespmem:$0x1F600] =	vst v63  }
0x93: {  	s28 =	simm.s32 $0x14180;
	s25 =	sadd.s32 $0x0, s10  }
0x94: {  	[tilespmem:s28], [sflag:$0x6] =	stream.linear.gather [hbm4b:s25+s3], $0x78, $0x38;
	[tilespmem:$0x1F600] =	vst v63  }
0x95: {  	_ =	swait.ge [sflag:s17], $0x3C00  }
0x96: {  	[sflag:s17] =	ssyncset.done $0x0  }
0x97: {  	[sflag:s17] =	ssyncadd.s32 $0xFFFFC400  }
0x98: {  	[spmem:s1] =	stream.indirect.scatter.add.f32 [tilespmem:s9], [sflag:$0xB], $0x80, s24, s0, $0xb8;
	[tilespmem:$0x1F600] =	vst v63  }
0x99: {  	_ =	swait.ge [sflag:s18], $0x78  }
0x9a: {  	[sflag:s18] =	ssyncset.done $0x0  }
0x9b: {  	[sflag:s18] =	ssyncadd.s32 $0xFFFFFF88  }
0x9c: {  	_ =	swait.ge [sflag:s18], $0x78  }
0x9d: {  	[sflag:s18] =	ssyncset.done $0x0  }
0x9e: {  	[sflag:s18] =	ssyncadd.s32 $0xFFFFFF88  }
0x9f: {  	_ =	swait.ge [sflag:s15], $0x3C00  }
0xa0: {  	[sflag:s15] =	ssyncset.done $0x0  }
0xa1: {  	[sflag:s15] =	ssyncadd.s32 $0xFFFFC400  }
0xa2: {  	[tilespmem:s22], [sflag:$0x7] =	stream.indirect.gather [hbm4b:s4+s0], $0x80, s2, s0, $0xb8;
	[tilespmem:$0x1F600] =	vst v63  }
0xa3: {  	p0 =	por $0x0, $0x0;
	s2 =	rddreg [dreg:$0x1b]  }
0xa4: {  	s25 =	sshrl.u32 @!p0 s2, $0x3  }
0xa5: {  	s26 =	simm.s32 @!p0 $0x0;
	s28 =	simm.s32 @!p0 $0x13C00;
	s29 =	sadd.s32 @!p0 s16, s25  }
0xa6: {  	[tilespmem:s28], [sflag:$0x1] =	stream.linear.gather @!p0 [hbm4b:s29+s26], $0x78, $0x38;
	[tilespmem:$0x1F600] =	vst v63  }
0xa7: {  	s25 =	sadd.s32 @!p0 s6, s25;
	s28 =	simm.s32 @!p0 $0x13F00;
	s29 =	simm.s32 $0x9  }
0xa8: {  	[tilespmem:s28], [sflag:$0x1] =	stream.linear.gather @!p0 [hbm4b:s25+s26], $0x78, $0x38;
	[tilespmem:$0x1F600] =	vst v63  }
0xa9: {  	_ =	swait.ge [sflag:s29], $0x3C00  }
0xaa: {  	[sflag:s29] =	ssyncset.done $0x0  }
0xab: {  	[sflag:s29] =	ssyncadd.s32 $0xFFFFC400  }
0xac: {  	[spmem:s1] =	stream.indirect.scatter.add.f32 [tilespmem:s19], [sflag:$0xC], $0x80, s21, s0, $0xb8;
	[tilespmem:$0x1F600] =	vst v63  }
0xad: {  	_ =	swait.ge [sflag:s7], $0x78  }
0xae: {  	[sflag:s7] =	ssyncset.done $0x0  }
0xaf: {  	[sflag:s7] =	ssyncadd.s32 $0xFFFFFF88  }
0xb0: {  	_ =	swait.ge [sflag:s7], $0x78  }
0xb1: {  	[sflag:s7] =	ssyncset.done $0x0  }
0xb2: {  	[sflag:s7] =	ssyncadd.s32 $0xFFFFFF88  }
0xb3: {  	_ =	swait.ge [sflag:s20], $0x3C00  }
0xb4: {  	[sflag:s20] =	ssyncset.done $0x0  }
0xb5: {  	s25 =	rddreg [dreg:$0x6];
	[sflag:s20] =	ssyncadd.s32 $0xFFFFC400  }
0xb6: {  	[tilespmem:s9], [sflag:$0x8] =	stream.indirect.gather [hbm4b:s4+s0], $0x80, s14, s0, $0xb8;
	[tilespmem:$0x1F600] =	vst v63  }
0xb7: {  	s29 =	simm.s32 @!p0 $0x13C80;
	s28 =	rddreg [dreg:$0x5];
	s25 =	sadd.s32 @!p0 $0x0, s25  }
0xb8: {  	[tilespmem:s29], [sflag:$0x2] =	stream.linear.gather @!p0 [hbm4b:s25+s26], $0x78, $0x38;
	[tilespmem:$0x1F600] =	vst v63  }
0xb9: {  	s28 =	sadd.s32 @!p0 $0x0, s28;
	s25 =	simm.s32 @!p0 $0x13F80  }
0xba: {  	[tilespmem:s25], [sflag:$0x2] =	stream.linear.gather @!p0 [hbm4b:s28+s26], $0x78, $0x38;
	[tilespmem:$0x1F600] =	vst v63  }
0xbb: {  	_ =	swait.ge [sflag:s12], $0x3C00  }
0xbc: {  	[sflag:s12] =	ssyncset.done $0x0  }
0xbd: {  	[sflag:s12] =	ssyncadd.s32 $0xFFFFC400  }
0xbe: {  	[spmem:s1] =	stream.indirect.scatter.add.f32 [tilespmem:s22], [sflag:$0xA], $0x80, s5, s0, $0xb8;
	[tilespmem:$0x1F600] =	vst v63  }
0xbf: {  	_ =	swait.ge [sflag:s23], $0x78  }
0xc0: {  	[sflag:s23] =	ssyncset.done $0x0  }
0xc1: {  	[sflag:s23] =	ssyncadd.s32 $0xFFFFFF88  }
0xc2: {  	_ =	swait.ge [sflag:s23], $0x78  }
0xc3: {  	[sflag:s23] =	ssyncset.done $0x0  }
0xc4: {  	s30 =	simm.s32 $0xC;
	[sflag:s23] =	ssyncadd.s32 $0xFFFFFF88  }
0xc5: {  	_ =	swait.ge [sflag:s30], $0x3C00  }
0xc6: {  	[sflag:s30] =	ssyncset.done $0x0  }
0xc7: {  	s8 =	smov.u32 s6;
	s25 =	rddreg [dreg:$0x4];
	[sflag:s30] =	ssyncadd.s32 $0xFFFFC400  }
0xc8: {  	[tilespmem:s19], [sflag:$0x9] =	stream.indirect.gather [hbm4b:s4+s0], $0x80, s11, s0, $0xb8;
	[tilespmem:$0x1F600] =	vst v63  }
0xc9: {  	s29 =	simm.s32 @!p0 $0x13D00;
	s28 =	rddreg [dreg:$0x3];
	s25 =	sadd.s32 @!p0 $0x0, s25  }
0xca: {  	[tilespmem:s29], [sflag:$0x3] =	stream.linear.gather @!p0 [hbm4b:s25+s26], $0x78, $0x38;
	[tilespmem:$0x1F600] =	vst v63  }
0xcb: {  	s24 =	simm.s32 $0xB;
	s28 =	sadd.s32 @!p0 $0x0, s28;
	s25 =	simm.s32 @!p0 $0x14000  }
0xcc: {  	[tilespmem:s25], [sflag:$0x3] =	stream.linear.gather @!p0 [hbm4b:s28+s26], $0x78, $0x38;
	[tilespmem:$0x1F600] =	vst v63  }
0xcd: {  	s20 =	simm.s32 $0xA;
	s25 =	simm.s32 $0x5A;
	_ =	swait.ge [sflag:s17], $0x3C00  }
0xce: {  	s26 =	smov.u32 s2;
	s2 =	smov.u32 s16;
	[sflag:s17] =	ssyncset.done $0x0  }
.LBB2_4:
0xcf: {  	[sflag:s17] =	ssyncadd.s32 $0xFFFFC400;
	s6 =	simm.s32 $0x14100  }
0xd0: {  	[spmem:s1] =	stream.indirect.scatter.add.f32 [tilespmem:s9], [sflag:$0xB], $0x80, s6, s0, $0xb8;
	[tilespmem:$0x1F600] =	vst v63  }
0xd1: {  	_ =	swait.ge [sflag:s31], $0x78  }
0xd2: {  	[sflag:s31] =	ssyncset.done $0x0  }
0xd3: {  	[sflag:s31] =	ssyncadd.s32 $0xFFFFFF88  }
0xd4: {  	s28 =	smov.u32 s25;
	_ =	swait.ge [sflag:s31], $0x78  }
0xd5: {  	p1 =	seq.s32 s28, $0x0;
	[sflag:s31] =	ssyncset.done $0x0  }
0xd6: {  	s29 =	simm.s32 @!p1 $0xA;
	[sflag:s31] =	ssyncadd.s32 $0xFFFFFF88  }
0xd7: {  	_ =	swait.ge @!p1 [sflag:s29], $0x3C00  }
0xd8: {  	[sflag:s29] =	ssyncset.done @!p1 $0x0  }
0xd9: {  	s5 =	simm.s32 $0x13C00;
	s30 =	rddreg [dreg:$0xc];
	[sflag:s29] =	ssyncadd.s32 @!p1 $0xFFFFC400  }
0xda: {  	[tilespmem:s22], [sflag:$0x7] =	stream.indirect.gather [hbm4b:s4+s0], $0x80, s5, s0, $0xb8;
	[tilespmem:$0x1F600] =	vst v63  }
0xdb: {  	s10 =	simm.s32 $0x13D80;
	s21 =	rddreg [dreg:$0xb];
	s30 =	sadd.s32 s28, s30  }
0xdc: {  	[tilespmem:s10], [sflag:$0x4] =	stream.linear.gather [hbm4b:s30+s3], $0x78, $0x38;
	[tilespmem:$0x1F600] =	vst v63  }
0xdd: {  	s15 =	simm.s32 $0x14080;
	s29 =	sadd.s32 s28, s21;
	s30 =	simm.s32 @p1 $0x2  }
0xde: {  	[tilespmem:s15], [sflag:$0x4] =	stream.linear.gather [hbm4b:s29+s3], $0x78, $0x38;
	[tilespmem:$0x1F600] =	vst v63  }
0xdf: {  	_ =	swait.ge @p1 [sflag:s30], $0x78  }
0xe0: {  	[sflag:s30] =	ssyncset.done @p1 $0x0  }
0xe1: {  	[sflag:s30] =	ssyncadd.s32 @p1 $0xFFFFFF88  }
0xe2: {  	_ =	swait.ge @p1 [sflag:s30], $0x78  }
0xe3: {  	[sflag:s30] =	ssyncset.done @p1 $0x0  }
0xe4: {  	s29 =	simm.s32 @!p1 $0x9;
	[sflag:s30] =	ssyncadd.s32 @p1 $0xFFFFFF88  }
0xe5: {  	_ =	swait.ge @!p1 [sflag:s29], $0x3C00  }
0xe6: {  	s16 =	simm.s32 @!p1 $0x2;
	s5 =	simm.s32 @!p1 $0x14180;
	[sflag:s29] =	ssyncset.done @!p1 $0x0  }
0xe7: {  	s30 =	simm.s32 @!p1 $0x1BA00;
	[sflag:s29] =	ssyncadd.s32 @!p1 $0xFFFFC400;
	s29 =	simm.s32 @!p1 $0x78  }
0xe8: {  	[spmem:s1] =	stream.indirect.scatter.add.f32 @!p1 [tilespmem:s30], [sflag:$0xC], $0x80, s5, s29, $0xb8;
	[tilespmem:$0x1F600] =	vst v63  }
0xe9: {  	_ =	swait.ge @!p1 [sflag:s16], $0x78  }
0xea: {  	[sflag:s16] =	ssyncset.done @!p1 $0x0  }
0xeb: {  	[sflag:s16] =	ssyncadd.s32 @!p1 $0xFFFFFF88  }
0xec: {  	_ =	swait.ge @!p1 [sflag:s16], $0x78  }
0xed: {  	[sflag:s16] =	ssyncset.done @!p1 $0x0  }
0xee: {  	s5 =	simm.s32 @!p1 $0xB;
	[sflag:s16] =	ssyncadd.s32 @!p1 $0xFFFFFF88  }
0xef: {  	_ =	swait.ge @!p1 [sflag:s5], $0x3C00  }
0xf0: {  	[sflag:s5] =	ssyncset.done @!p1 $0x0  }
0xf1: {  	s11 =	simm.s32 $0x13C80;
	s29 =	rddreg [dreg:$0xa];
	[sflag:s5] =	ssyncadd.s32 @!p1 $0xFFFFC400  }
0xf2: {  	[tilespmem:s9], [sflag:$0x8] =	stream.indirect.gather [hbm4b:s4+s0], $0x80, s11, s0, $0xb8;
	[tilespmem:$0x1F600] =	vst v63  }
0xf3: {  	s14 =	simm.s32 $0x13E00;
	s30 =	rddreg [dreg:$0x9];
	s16 =	sadd.s32 s28, s29  }
0xf4: {  	[tilespmem:s14], [sflag:$0x5] =	stream.linear.gather [hbm4b:s16+s3], $0x78, $0x38;
	[tilespmem:$0x1F600] =	vst v63  }
0xf5: {  	s5 =	sadd.s32 s28, s30  }
0xf6: {  	[tilespmem:s6], [sflag:$0x5] =	stream.linear.gather [hbm4b:s5+s3], $0x78, $0x38;
	[tilespmem:$0x1F600] =	vst v63  }
0xf7: {  	_ =	swait.ge [sflag:s12], $0x3C00  }
0xf8: {  	[sflag:s12] =	ssyncset.done $0x0  }
0xf9: {  	s16 =	simm.s32 $0x13F00;
	[sflag:s12] =	ssyncadd.s32 $0xFFFFC400  }
0xfa: {  	[spmem:s1] =	stream.indirect.scatter.add.f32 [tilespmem:s22], [sflag:$0xA], $0x80, s16, s0, $0xb8;
	[tilespmem:$0x1F600] =	vst v63  }
0xfb: {  	_ =	swait.ge [sflag:s13], $0x78  }
0xfc: {  	[sflag:s13] =	ssyncset.done $0x0  }
0xfd: {  	[sflag:s13] =	ssyncadd.s32 $0xFFFFFF88  }
0xfe: {  	_ =	swait.ge [sflag:s13], $0x78  }
0xff: {  	[sflag:s13] =	ssyncset.done $0x0  }
0x100: {  	s5 =	simm.s32 @!p1 $0xC;
	[sflag:s13] =	ssyncadd.s32 $0xFFFFFF88  }
0x101: {  	_ =	swait.ge @!p1 [sflag:s5], $0x3C00  }
0x102: {  	[sflag:s5] =	ssyncset.done @!p1 $0x0  }
0x103: {  	s30 =	simm.s32 $0x13D00;
	s21 =	rddreg [dreg:$0x8];
	[sflag:s5] =	ssyncadd.s32 @!p1 $0xFFFFC400  }
0x104: {  	[tilespmem:s19], [sflag:$0x9] =	stream.indirect.gather [hbm4b:s4+s0], $0x80, s30, s0, $0xb8;
	[tilespmem:$0x1F600] =	vst v63  }
0x105: {  	s29 =	rddreg [dreg:$0x7];
	s16 =	sadd.s32 s28, s21;
	s21 =	simm.s32 $0x13E80  }
0x106: {  	[tilespmem:s21], [sflag:$0x6] =	stream.linear.gather [hbm4b:s16+s3], $0x78, $0x38;
	[tilespmem:$0x1F600] =	vst v63  }
0x107: {  	s5 =	sadd.s32 s28, s29;
	s16 =	simm.s32 $0x14180  }
0x108: {  	[tilespmem:s16], [sflag:$0x6] =	stream.linear.gather [hbm4b:s5+s3], $0x78, $0x38;
	[tilespmem:$0x1F600] =	vst v63  }
0x109: {  	_ =	swait.ge [sflag:s17], $0x3C00  }
0x10a: {  	[sflag:s17] =	ssyncset.done $0x0  }
0x10b: {  	s29 =	simm.s32 $0x13F80;
	[sflag:s17] =	ssyncadd.s32 $0xFFFFC400  }
0x10c: {  	[spmem:s1] =	stream.indirect.scatter.add.f32 [tilespmem:s9], [sflag:$0xB], $0x80, s29, s0, $0xb8;
	[tilespmem:$0x1F600] =	vst v63  }
0x10d: {  	_ =	swait.ge [sflag:s18], $0x78  }
0x10e: {  	[sflag:s18] =	ssyncset.done $0x0  }
0x10f: {  	[sflag:s18] =	ssyncadd.s32 $0xFFFFFF88  }
0x110: {  	_ =	swait.ge [sflag:s18], $0x78  }
0x111: {  	[sflag:s18] =	ssyncset.done $0x0  }
0x112: {  	[sflag:s18] =	ssyncadd.s32 $0xFFFFFF88  }
0x113: {  	_ =	swait.ge [sflag:s20], $0x3C00  }
0x114: {  	s26 =	sadd.s32 $0x2D0, s26;
	p1 =	seq.s32 s28, $0x492;
	[sflag:s20] =	ssyncset.done $0x0  }
0x115: {  	s5 =	sshrl.u32 @!p1 s26, $0x3;
	[sflag:s20] =	ssyncadd.s32 $0xFFFFC400  }
0x116: {  	[tilespmem:s22], [sflag:$0x7] =	stream.indirect.gather [hbm4b:s4+s0], $0x80, s10, s0, $0xb8;
	[tilespmem:$0x1F600] =	vst v63  }
0x117: {  	s16 =	simm.s32 @!p1 $0x13C00;
	s30 =	sadd.s32 @!p1 s2, s5;
	s29 =	simm.s32 @!p1 $0x0  }
0x118: {  	[tilespmem:s16], [sflag:$0x1] =	stream.linear.gather @!p1 [hbm4b:s30+s29], $0x78, $0x38;
	[tilespmem:$0x1F600] =	vst v63  }
0x119: {  	s6 =	simm.s32 @!p1 $0x13F00;
	s5 =	sadd.s32 @!p1 s8, s5;
	s10 =	simm.s32 $0x9  }
0x11a: {  	[tilespmem:s6], [sflag:$0x1] =	stream.linear.gather @!p1 [hbm4b:s5+s29], $0x78, $0x38;
	[tilespmem:$0x1F600] =	vst v63  }
0x11b: {  	_ =	swait.ge [sflag:s10], $0x3C00  }
0x11c: {  	[sflag:s10] =	ssyncset.done $0x0  }
0x11d: {  	s30 =	simm.s32 $0x14000;
	[sflag:s10] =	ssyncadd.s32 $0xFFFFC400  }
0x11e: {  	[spmem:s1] =	stream.indirect.scatter.add.f32 [tilespmem:s19], [sflag:$0xC], $0x80, s30, s0, $0xb8;
	[tilespmem:$0x1F600] =	vst v63  }
0x11f: {  	_ =	swait.ge [sflag:s7], $0x78  }
0x120: {  	[sflag:s7] =	ssyncset.done $0x0  }
0x121: {  	[sflag:s7] =	ssyncadd.s32 $0xFFFFFF88  }
0x122: {  	_ =	swait.ge [sflag:s7], $0x78  }
0x123: {  	[sflag:s7] =	ssyncset.done $0x0  }
0x124: {  	[sflag:s7] =	ssyncadd.s32 $0xFFFFFF88  }
0x125: {  	_ =	swait.ge [sflag:s24], $0x3C00  }
0x126: {  	[sflag:s24] =	ssyncset.done $0x0  }
0x127: {  	s5 =	rddreg [dreg:$0x6];
	[sflag:s24] =	ssyncadd.s32 $0xFFFFC400  }
0x128: {  	[tilespmem:s9], [sflag:$0x8] =	stream.indirect.gather [hbm4b:s4+s0], $0x80, s14, s0, $0xb8;
	[tilespmem:$0x1F600] =	vst v63  }
0x129: {  	s16 =	simm.s32 @!p1 $0x13C80;
	s6 =	rddreg [dreg:$0x5];
	s5 =	sadd.s32 @!p1 s28, s5  }
0x12a: {  	[tilespmem:s16], [sflag:$0x2] =	stream.linear.gather @!p1 [hbm4b:s5+s29], $0x78, $0x38;
	[tilespmem:$0x1F600] =	vst v63  }
0x12b: {  	s30 =	simm.s32 @!p1 $0x13F80;
	s5 =	sadd.s32 @!p1 s28, s6  }
0x12c: {  	[tilespmem:s30], [sflag:$0x2] =	stream.linear.gather @!p1 [hbm4b:s5+s29], $0x78, $0x38;
	[tilespmem:$0x1F600] =	vst v63  }
0x12d: {  	_ =	swait.ge [sflag:s12], $0x3C00  }
0x12e: {  	[sflag:s12] =	ssyncset.done $0x0  }
0x12f: {  	[sflag:s12] =	ssyncadd.s32 $0xFFFFC400  }
0x130: {  	[spmem:s1] =	stream.indirect.scatter.add.f32 [tilespmem:s22], [sflag:$0xA], $0x80, s15, s0, $0xb8;
	[tilespmem:$0x1F600] =	vst v63  }
0x131: {  	_ =	swait.ge [sflag:s23], $0x78  }
0x132: {  	[sflag:s23] =	ssyncset.done $0x0  }
0x133: {  	[sflag:s23] =	ssyncadd.s32 $0xFFFFFF88  }
0x134: {  	_ =	swait.ge [sflag:s23], $0x78  }
0x135: {  	[sflag:s23] =	ssyncset.done $0x0  }
0x136: {  	s14 =	simm.s32 $0xC;
	[sflag:s23] =	ssyncadd.s32 $0xFFFFFF88  }
0x137: {  	_ =	swait.ge [sflag:s14], $0x3C00  }
0x138: {  	[sflag:s14] =	ssyncset.done $0x0  }
0x139: {  	s25 =	sadd.s32 $0x5A, s25;
	s5 =	rddreg [dreg:$0x4];
	[sflag:s14] =	ssyncadd.s32 $0xFFFFC400  }
0x13a: {  	[tilespmem:s19], [sflag:$0x9] =	stream.indirect.gather [hbm4b:s4+s0], $0x80, s21, s0, $0xb8;
	[tilespmem:$0x1F600] =	vst v63  }
0x13b: {  	p0 =	sne.s32 s25, $0x4EC;
	s16 =	simm.s32 @!p1 $0x13D00;
	s5 =	sadd.s32 @!p1 s28, s5  }
0x13c: {  	[tilespmem:s16], [sflag:$0x3] =	stream.linear.gather @!p1 [hbm4b:s5+s29], $0x78, $0x38;
	[tilespmem:$0x1F600] =	vst v63  }
.Ltmp1:
0x13d: {  	s6 =	rddreg [dreg:$0x3];
	(pc) =	sbr.rel @p0 .LBB2_4-.Ltmp1, $4  }
0x13e: {  	s30 =	simm.s32 @!p1 $0x14000;
	s5 =	sadd.s32 @!p1 s28, s6  }
0x13f: {  	[tilespmem:s30], [sflag:$0x3] =	stream.linear.gather @!p1 [hbm4b:s5+s29], $0x78, $0x38;
	[tilespmem:$0x1F600] =	vst v63  }
0x140: {  	_ =	swait.ge [sflag:s17], $0x3C00  }
0x141: {  	s11 =	simm.s32 $0x14100;
	[sflag:s17] =	ssyncset.done $0x0  }
0x142: {  	[sflag:s17] =	ssyncadd.s32 $0xFFFFC400  }
0x143: {  	[spmem:s1] =	stream.indirect.scatter.add.f32 [tilespmem:s9], [sflag:$0xB], $0x80, s11, s0, $0xb8;
	[tilespmem:$0x1F600] =	vst v63  }
0x144: {  	_ =	swait.ge [sflag:s10], $0x3C00  }
0x145: {  	[sflag:s10] =	ssyncset.done $0x0  }
0x146: {  	s5 =	simm.s32 $0x14180;
	[sflag:s10] =	ssyncadd.s32 $0xFFFFC400  }
0x147: {  	[spmem:s1] =	stream.indirect.scatter.add.f32 [tilespmem:s19], [sflag:$0xC], $0x80, s5, s0, $0xb8;
	[tilespmem:$0x1F600] =	vst v63  }
0x148: {  	_ =	swait.ge [sflag:s20], $0x3C00  }
0x149: {  	[sflag:s20] =	ssyncset.done $0x0  }
0x14a: {  	[sflag:s20] =	ssyncadd.s32 $0xFFFFC400  }
0x14b: {  	_ =	swait.ge [sflag:s24], $0x3C00  }
0x14c: {  	[sflag:s24] =	ssyncset.done $0x0  }
0x14d: {  	[sflag:s24] =	ssyncadd.s32 $0xFFFFC400  }
0x14e: {  	_ =	swait.ge [sflag:s14], $0x3C00  }
0x14f: {  	[sflag:s14] =	ssyncset.done $0x0  }
0x150: {  	[sflag:s14] =	ssyncadd.s32 $0xFFFFC400  }
0x151: {  	s24 =	stileid.u32;
	[bflag:$0x0] =	sbarrier.arrive $0xFFFF  }
0x152: {  	s29 =	simm.s32 $0xD;
	s5 =	sshll.u32 s24, $0x6;
	s28 =	rddreg [dreg:$0xd]  }
0x153: {  	s5 =	sor.u32 $0x1C0D, s5;
	s16 =	rddreg [dreg:$0x19];
	s6 =	sshrl.u32 s28, $0x3  }
0x154: {  	[hbm:s16], [sflag:s5] =	dma.local [spmem:s6], $0x2780  }
0x155: {  	_ =	swait.ge [sflag:s29], $0x2780  }
0x156: {  	s25 =	rddreg [dreg:$0x1c]  }
0x157: {  	s26 =	rddreg [dreg:$0x1a];
	s10 =	sadd.s32 $0x1, s25  }
0x158: {  	p0 =	sne.s32 s10, s26  }
.Ltmp2:
0x159: {  	_ = 	snop;
	(pc) =	sbr.rel @p0 .LBB2_1-.Ltmp2, $4  }
0x15a: {  	_ = 	snop  }
0x15b: {  	s30 =	simm.s32 $0x13C80;
	s15 =	simm.s32 $0xA;
	s20 =	simm.s32 $0xB  }
0x15c: {  	s16 =	smov.u32 s2;
	s6 =	smov.u32 s8;
	[sflag:s29] =	ssyncset.done $0x0  }
0x15d: {  	s5 =	simm.s32 $0x13C00;
	s8 =	simm.s32 $0x13F00;
	[sflag:s29] =	ssyncadd.s32 $0xFFFFD880  }
0x15e: {  	_ =	sfence.sel $0x180000  }
0x15f: {  	[bflag:$0x0] =	sbarrier.arrive $0xFFFF  }
0x160: {  	_ =	strace $0x9000004A  }
0x161: {  	s0 =	stileid.u32;
	[bflag:$0x2] =	sbarrier.arrive $0xFFFF  }
0x162: {  	p0 =	sne.s32 s0, $0x0;
	s0 =	rddreg [dreg:$0x2]  }
0x163: {  	s0 =	sadd.s32 @!p0 $0x100000, s0  }
0x164: {  	[sflag:s0] =	ssyncadd.tile.s32 @!p0 $0x1;
	_ =	shalt  }
.Lfunc_end2:
_tile_overlayer_lowered:
.L_overlay_start_2:
0x165: {  	(tag) =	ssettag $0x2  }
0x166: {  	s0 =	rddreg [dreg:$0x0];
	s2 =	stileid.u32  }
0x167: {  	s1 =	rddreg [dreg:$0x1];
	p0 =	sne.s32 s2, $0x0  }
0x168: {  	s3 =	rddreg [dreg:$0x2];
	[bflag:$0x3] =	sbarrier.arrive $0xFFFF;
	s2 =	simm.s32 @!p0 $0x1C0D  }
0x169: {  	[timem:s3], [sflag:s2] =	dma.local @!p0 [hbm:s0], s1  }
0x16a: {  	s0 =	simm.s32 @!p0 $0xD  }
0x16b: {  	_ =	swait.ge @!p0 [sflag:s0], s1  }
0x16c: {  	s1 =	ssub.s32 @!p0 $0x0, s1;
	[sflag:s0] =	ssyncset.done @!p0 $0x0  }
0x16d: {  	[sflag:s0] =	ssyncadd.s32 @!p0 s1  }
0x16e: {  	[bflag:$0x3] =	sbarrier.arrive $0xFFFF  }
0x16f: {  	_ =	shalt  }

// kernel: kernel.14.cloned.1.call-start
scs
__scs_entry_jumppad:
0x0: {  	(pc) =	sbr.rel $0x88, $3  }
0x1: {  	(tag) =	ssettag $0x0;
	lr =	simm.s32 $0x1  }
0x2: {  	[smem:$0x3F99] =	sst lr;
	_ =	strace $0xD0000000  }
0x3: {  	_ = 	snop  }
0x4: {  	_ = 	snop  }
0x5: {  	_ = 	snop  }
0x6: {  	_ = 	snop  }
0x7: {  	_ = 	snop  }
__scs_overlays_trampoline_lowered:
0x8: {  	[smem:$0x3FA8] =	sst s0  }
0x9: {  	[smem:$0x3FA9] =	sst s1  }
0xa: {  	[smem:$0x3FAA] =	sst s2  }
0xb: {  	[smem:$0x3FAB] =	sst s3  }
0xc: {  	[smem:$0x3FAC] =	sst s4  }
0xd: {  	[smem:$0x3FAD] =	sst s5  }
0xe: {  	[smem:$0x3FAE] =	sst s6  }
0xf: {  	[smem:$0x3FAF] =	sst s7  }
0x10: {  	[smem:$0x3FB0] =	sst s8  }
0x11: {  	[smem:$0x3FB1] =	sst s9;
	s0 =	simm.s32 @!p0 $0x0  }
0x12: {  	s1 =	sld [smem:$0x3F97];
	s0 =	simm.s32 @p0 $0x1  }
0x13: {  	[smem:$0x3FB2] =	sst s0;
	s0 =	simm.s32 @!p1 $0x0  }
0x14: {  	s2 =	sld [smem:$0x3F96];
	s0 =	simm.s32 @p1 $0x1  }
0x15: {  	[smem:$0x3FB3] =	sst s0;
	s0 =	simm.s32 @!p2 $0x0  }
0x16: {  	s3 =	sld [smem:$0x3FDB];
	s0 =	simm.s32 @p2 $0x1  }
0x17: {  	s4 =	simm.s32 $0x1BF5;
	[smem:$0x3FB5] =	sst s0  }
0x18: {  	s0 =	sld [smem:$0x3F98];
	_ =	swait.ge [sflag:s4], $0x0  }
0x19: {  	s7 =	sld [smem:$0x3F99]  }
0x1a: {  	s8 =	sadd.s32 $0xFFFFE003, lr  }
0x1b: {  	s9 =	sadd.s32 $0xFFFFFEF7, lr;
	s5 =	simm.s32 $0xFFFFFFFF;
	p2 =	slt.u32 s8, $0xFFFFF086  }
0x1c: {  	p1 =	slt.u32 s9, $0xF7A;
	s5 =	simm.s32 @!p2 $0x0  }
0x1d: {  	s5 =	simm.s32 @p1 $0x1;
	p0 =	seq.s32 s7, s2  }
0x1e: {  	s7 =	smul.u32 @!p0 $0xF7A, s2;
	p2 =	seq.s32 @!p0 s5, $0x0  }
0x1f: {  	s9 =	smul.u32 $0xF7A, s1;
	s8 =	simm.s32 @!p0 $0x1BF5;
	p2 =	por !p2, p0  }
0x20: {  	[sflag:s8] =	ssyncset.s32 @!p0 $0xFFFFF086;
	s6 =	sadd.s32 @!p0 s3, s7;
	s7 =	simm.s32 @!p0 $0x108  }
0x21: {  	s3 =	sadd.s32 s3, s9;
	s6 =	sadd.s32 @!p0 $0x88, s6;
	s7 =	simm.s32 @p2 $0x1082  }
0x22: {  	[simem:s7], [sflag:s8] =	dma.local @!p0 [hbm:s6], $0xF7A  }
0x23: {  	s9 =	sor.u32 $0xD0000000, s2;
	s6 =	simm.s32 $0x108;
	_ =	swait.ge @!p0 [sflag:s8], $0x0  }
0x24: {  	s3 =	sadd.s32 $0x88, s3;
	s6 =	simm.s32 @!p1 $0x1082;
	[sflag:s4] =	ssyncset.s32 $0xFFFFF086  }
0x25: {  	[simem:s6], [sflag:s4] =	dma.local [hbm:s3], $0xF7A  }
0x26: {  	[smem:$0x3F99] =	sst s1;
	(tag) =	ssettag s2;
	_ =	strace s9  }
0x27: {  	s1 =	sld [smem:$0x3FA9]  }
0x28: {  	s2 =	sld [smem:$0x3FAA]  }
0x29: {  	s4 =	sld [smem:$0x3FAC]  }
0x2a: {  	p0 =	seq.s32 s5, $0x0;
	s5 =	sld [smem:$0x3FAD]  }
0x2b: {  	s6 =	sld [smem:$0x3FAE]  }
0x2c: {  	s7 =	sld [smem:$0x3FAF]  }
0x2d: {  	s3 =	simm.s32 $0x108;
	s8 =	sld [smem:$0x3FB0]  }
0x2e: {  	s3 =	simm.s32 @!p0 $0x1082;
	s9 =	sld [smem:$0x3FB1]  }
0x2f: {  	lr =	sadd.s32 s0, s3;
	s0 =	sld [smem:$0x3FA8]  }
0x30: {  	s3 =	sld [smem:$0x3FAB]  }
0x31: {  	[smem:$0x3FB4] =	sst s10  }
0x32: {  	s10 =	sld [smem:$0x3FB2];
	_ =	sdelay $0x3  }
0x33: {  	p0 =	seq.s32 s10, $0x1;
	s10 =	sld [smem:$0x3FB4];
	_ =	sdelay $0x3  }
0x34: {  	[smem:$0x3FB4] =	sst s10  }
0x35: {  	s10 =	sld [smem:$0x3FB3];
	_ =	sdelay $0x3  }
0x36: {  	p1 =	seq.s32 s10, $0x1;
	s10 =	sld [smem:$0x3FB4];
	_ =	sdelay $0x3  }
0x37: {  	[smem:$0x3FB4] =	sst s10  }
0x38: {  	s10 =	sld [smem:$0x3FB5]  }
0x39: {  	_ = 	snop;
	(pc) =	sbr.ind lr, $3  }
0x3a: {  	_ = 	snop  }
0x3b: {  	_ = 	snop  }
0x3c: {  	p2 =	seq.s32 s10, $0x1;
	s10 =	sld [smem:$0x3FB4]  }
0x3d: {  	_ =	shalt  }
0x3e: {  	_ =	shalt  }
0x3f: {  	_ =	shalt  }
0x40: {  	_ =	shalt  }
0x41: {  	_ =	shalt  }
0x42: {  	_ =	shalt  }
0x43: {  	_ =	shalt  }
0x44: {  	_ =	shalt  }
0x45: {  	_ =	shalt  }
0x46: {  	_ =	shalt  }
0x47: {  	_ =	shalt  }
0x48: {  	_ =	shalt  }
0x49: {  	_ =	shalt  }
0x4a: {  	_ =	shalt  }
0x4b: {  	_ =	shalt  }
0x4c: {  	_ =	shalt  }
0x4d: {  	_ =	shalt  }
0x4e: {  	_ =	shalt  }
0x4f: {  	_ =	shalt  }
0x50: {  	_ =	shalt  }
0x51: {  	_ =	shalt  }
0x52: {  	_ =	shalt  }
0x53: {  	_ =	shalt  }
0x54: {  	_ =	shalt  }
0x55: {  	_ =	shalt  }
0x56: {  	_ =	shalt  }
0x57: {  	_ =	shalt  }
0x58: {  	_ =	shalt  }
0x59: {  	_ =	shalt  }
0x5a: {  	_ =	shalt  }
0x5b: {  	_ =	shalt  }
0x5c: {  	_ =	shalt  }
0x5d: {  	_ =	shalt  }
0x5e: {  	_ =	shalt  }
0x5f: {  	_ =	shalt  }
0x60: {  	_ =	shalt  }
0x61: {  	_ =	shalt  }
0x62: {  	_ =	shalt  }
0x63: {  	_ =	shalt  }
0x64: {  	_ =	shalt  }
0x65: {  	_ =	shalt  }
0x66: {  	_ =	shalt  }
0x67: {  	_ =	shalt  }
0x68: {  	_ =	shalt  }
0x69: {  	_ =	shalt  }
0x6a: {  	_ =	shalt  }
0x6b: {  	_ =	shalt  }
0x6c: {  	_ =	shalt  }
0x6d: {  	_ =	shalt  }
0x6e: {  	_ =	shalt  }
0x6f: {  	_ =	shalt  }
0x70: {  	_ =	shalt  }
0x71: {  	_ =	shalt  }
0x72: {  	_ =	shalt  }
0x73: {  	_ =	shalt  }
0x74: {  	_ =	shalt  }
0x75: {  	_ =	shalt  }
0x76: {  	_ =	shalt  }
0x77: {  	_ =	shalt  }
0x78: {  	_ =	shalt  }
0x79: {  	_ =	shalt  }
0x7a: {  	_ =	shalt  }
0x7b: {  	_ =	shalt  }
0x7c: {  	_ =	shalt  }
0x7d: {  	_ =	shalt  }
0x7e: {  	_ =	shalt  }
0x7f: {  	_ =	shalt  }
0x80: {  	_ =	shalt  }
0x81: {  	_ =	shalt  }
0x82: {  	_ =	shalt  }
0x83: {  	_ =	shalt  }
0x84: {  	_ =	shalt  }
0x85: {  	_ =	shalt  }
0x86: {  	_ =	shalt  }
0x87: {  	_ =	shalt  }
.Lfunc_end0:
.L_simem_size_0:
called_computation.2_lowered:
.L_overlay_start_0:
0x88: {  	s2 =	sld [smem:$0x3FD9]  }
0x89: {  	s3 =	sld [smem:$0x3FFE];
	_ =	sdelay $0x1  }
0x8a: {  	s1 =	srdreg.scid  }
0x8b: {  	s0 =	sand.u32 $0x1, s1  }
0x8c: {  	s16 =	sshll.u32 s0, $0xA;
	s2 =	sadd.s32 s3, s2  }
0x8d: {  	s2 =	sadd.s32 s2, s16  }
0x8e: {  	[smem:$0x3FC0] =	sst s2  }
0x8f: {  	_ = 	snop  }
0x90: {  	(tm) =	ssettm $0x1  }
0x91: {  	s17 =	sld [smem:$0x3FFB];
	_ =	sdelay $0x3  }
0x92: {  	_ =	strace s17  }
0x93: {  	s2 =	sld [smem:$0x3FFC];
	_ =	sdelay $0x3  }
0x94: {  	_ =	strace s2  }
0x95: {  	s2 =	sld [smem:$0x3FFD];
	_ =	sdelay $0x3  }
0x96: {  	_ =	strace s2  }
0x97: {  	_ =	strace $0x8FFFFFFF  }
0x98: {  	s18 =	sld [smem:$0x3FDB];
	_ =	sdelay $0x1  }
0x99: {  	s19 =	simm.s32 $_scs_section_size  }
0x9a: {  	s4 =	simm.s32 $_size__tile_overlayer_lowered;
	s5 =	simm.s32 $_tile_overlayer_lowered  }
0x9b: {  	s22 =	simm.s32 $0x1BFF;
	s21 =	sshll.u32 s5, $0x1;
	s2 =	sadd.s32 s19, s18  }
0x9c: {  	s6 =	simm.s32 $0x0;
	s20 =	sshll.u32 s4, $0x1;
	s4 =	sadd.s32 s21, s2  }
0x9d: {  	[timem:s6], [sflag:s22] =	dma.local [hbm:s4], s20  }
0x9e: {  	_ =	swait.ge [sflag:s22], s20  }
0x9f: {  	s3 =	ssub.s32 $0x0, s20;
	[sflag:s22] =	ssyncset.done $0x0  }
0xa0: {  	[sflag:s22] =	ssyncadd.s32 s3;
	_ =	sdelay $0x1  }
0xa1: {  	s23 =	simm.s32 $0x1B8B  }
0xa2: {  	_ =	swait.ge [sflag:s23], $0x1  }
0xa3: {  	[sflag:s23] =	ssyncset.done $0x0  }
0xa4: {  	s25 =	simm.s32 $0x1B8E;
	s24 =	sld [smem:$0x3FFE];
	[sflag:s23] =	ssyncadd.s32 $0xFFFFFFFF  }
0xa5: {  	s26 =	simm.s32 $execute0_lowered;
	[smem:$0x3FD2] =	sst s25  }
0xa6: {  	s4 =	sshll.u32 s26, $0x1;
	_ =	strace $0x8000004C;
	[dreg:$0x1] =	wrdreg $0xFFFFFFFF  }
0xa7: {  	s28 =	simm.s32 $_size_execute0_lowered;
	s2 =	sadd.s32 s2, s4;
	[dreg:$0x0] =	wrdreg $0x0  }
0xa8: {  	s4 =	sshll.u32 s28, $0x1;
	[dreg:$0x2] =	wrdreg s2  }
0xa9: {  	[dreg:$0x3] =	wrdreg s4  }
0xaa: {  	[dreg:$0x4] =	wrdreg $0xC0  }
0xab: {  	_ =	task [dreg:s6], $0x5FFFF  }
0xac: {  	[dreg:$0x1] =	wrdreg $0xFFFFFFFF  }
0xad: {  	[dreg:$0x0] =	wrdreg $0x60  }
0xae: {  	[dreg:$0x2] =	wrdreg s24  }
0xaf: {  	[dreg:$0x3] =	wrdreg $0x0  }
0xb0: {  	[dreg:$0x4] =	wrdreg $0x9  }
0xb1: {  	_ =	task.clear_ibuf [dreg:s6], $0x5FFFF;
	_ =	strace $0x9000004C  }
0xb2: {  	s29 =	simm.s32 $0x9;
	_ =	strace $0x8000004E  }
0xb3: {  	_ =	swait.ge [sflag:s29], $0x1  }
0xb4: {  	[sflag:s29] =	ssyncadd.s32 $0xFFFFFFFF  }
0xb5: {  	_ =	strace $0x9000004E  }
0xb6: {  	_ =	sfence  }
0xb7: {  	s30 =	sld [smem:$0x0];
	_ =	sdelay $0x2  }
0xb8: {  	s31 =	sshll.u32 s1, $0xD;
	s1 =	sshrl.u32 s1, $0x2  }
0xb9: {  	s3 =	sand.u32 $0x4000, s31;
	s1 =	sadd.s32 s1, s30  }
0xba: {  	s0 =	sor.u32 s3, s0;
	s1 =	sshll.u32 s1, $0x11  }
0xbb: {  	s0 =	sor.u32 s1, s0  }
0xbc: {  	s0 =	sadd.s32 $0x8F2B, s0  }
0xbd: {  	[sflag:s0] =	ssyncadd.remote.s32 $0x1  }
0xbe: {  	_ =	sfence.sel $0xFFFF  }
0xbf: {  	[dreg:$0x0] =	wrdreg $0xFFFFFFFF;
	(pc) =	sbr.abs _section_cstart, $3  }
0xc0: {  	[dreg:$0x1] =	wrdreg $0xFFFFFFFF  }
0xc1: {  	_ =	task.clear_ibuf [dreg:s6], $0x2FFFF;
	_ =	strace $0x9FFFFFFF  }
0xc2: {  	(tm) =	ssettm $0x7FFFFFFF  }
0xc3: {  	_ =	shalt  }
tec
execute0_lowered:
.L_overlay_start_1:
0x0: {  	(tag) =	ssettag $0x1  }
0x1: {  	s0 =	rddreg [dreg:$0x0]  }
0x2: {  	s1 =	rddreg [dreg:$0x1]  }
0x3: {  	s2 =	srdreg.scid;
	s3 =	simm.s32 $0x0;
	s5 =	stileid.u32  }
0x4: {  	s29 =	simm.s32 $0xD;
	s30 =	simm.s32 $0x13C80;
	s7 =	smul.u32 $0x13C00, s5  }
0x5: {  	s31 =	simm.s32 $0x1;
	s2 =	sand.u32 $0x1, s2;
	s8 =	smul.u32 $0x4F000, s5  }
0x6: {  	[smem:$0x7FF] =	sst s3;
	s4 =	sadd.s32 $0x16A00, s0;
	s13 =	smul.u32 $0x4EC0, s5  }
0x7: {  	s16 =	sadd.s32 $0xCC00, s0;
	s9 =	sshll.u32 s5, $0x1;
	s6 =	smul.u32 $0x140000, s2  }
0x8: {  	s23 =	ssub.s32 $0x2, s2;
	s9 =	sor.u32 s2, s9;
	s2 =	smul.u32 $0x2760, s2  }
0x9: {  	_ =	strace $0x8000004D;
	s8 =	sshrl.u32 s8, $0x2;
	s24 =	smul.u32 $0x4EC, s9  }
0xa: {  	s10 =	sshrl.u32 s23, $0x1;
	s9 =	smul.u32 $0x2760, s9;
	s28 =	sadd.s32 s8, s1  }
0xb: {  	s7 =	sadd.s32 s7, s6;
	s25 =	sadd.s32 $0x3C00, s28;
	[dreg:$0xd] =	wrdreg s28  }
0xc: {  	s6 =	sadd.s32 $0x2E00, s0;
	s26 =	sadd.s32 $0x7800, s28;
	[dreg:$0xe] =	wrdreg s25  }
0xd: {  	s2 =	sadd.s32 s2, s13;
	s11 =	sadd.s32 $0xB400, s28;
	[dreg:$0xf] =	wrdreg s26  }
0xe: {  	s7 =	sshrl.u32 s7, $0x3;
	s12 =	sadd.s32 $0xF000, s28;
	[dreg:$0x10] =	wrdreg s11  }
0xf: {  	s14 =	sadd.s32 $0x12C00, s28;
	s15 =	sadd.s32 s16, s24;
	[dreg:$0x11] =	wrdreg s12  }
0x10: {  	s17 =	sadd.s32 s6, s24;
	s22 =	sadd.s32 $0x3C0, s2;
	[dreg:$0x12] =	wrdreg s14  }
0x11: {  	s5 =	sadd.s32 $0x348, s2;
	s0 =	sadd.s32 s7, s0;
	[dreg:$0x13] =	wrdreg s15  }
0x12: {  	s7 =	ssub.s32 s23, s10;
	s11 =	sadd.s32 $0x78, s9;
	[dreg:$0x14] =	wrdreg s17  }
0x13: {  	s9 =	sshrl.u32 s9, $0x3;
	s25 =	sshrl.u32 s22, $0x3;
	s10 =	sshrl.u32 s5, $0x3  }
0x14: {  	s12 =	sadd.s32 $0x258, s2;
	s17 =	sadd.s32 $0x1E0, s2;
	s5 =	simm.s32 $0x13C00  }
0x15: {  	s18 =	sshrl.u32 s11, $0x3;
	s21 =	sadd.s32 $0x1E, s9;
	s0 =	sadd.s32 $0x3DC00, s0  }
0x16: {  	s26 =	sadd.s32 s25, s6;
	s8 =	sadd.s32 s25, s16;
	[dreg:$0x19] =	wrdreg s0  }
0x17: {  	s11 =	sadd.s32 s10, s6;
	s13 =	sadd.s32 s10, s16;
	[dreg:$0x3] =	wrdreg s26  }
0x18: {  	s14 =	sshrl.u32 s12, $0x3;
	s9 =	simm.s32 $0x17E00;
	[dreg:$0x4] =	wrdreg s8  }
0x19: {  	s12 =	simm.s32 $0x7;
	s10 =	simm.s32 $0x0;
	[dreg:$0x5] =	wrdreg s11  }
0x1a: {  	s19 =	sadd.s32 s16, s18;
	s20 =	sadd.s32 s6, s18;
	[dreg:$0x6] =	wrdreg s13  }
0x1b: {  	s23 =	sadd.s32 s16, s21;
	s24 =	sadd.s32 s6, s21;
	[dreg:$0x15] =	wrdreg s19  }
0x1c: {  	s15 =	sadd.s32 s14, s6;
	s18 =	sadd.s32 s14, s16;
	[dreg:$0x16] =	wrdreg s20  }
0x1d: {  	s21 =	sadd.s32 $0x168, s2;
	s2 =	sadd.s32 $0x2D0, s2;
	[dreg:$0x17] =	wrdreg s23  }
0x1e: {  	s8 =	simm.s32 $0x13F00;
	s0 =	simm.s32 $0x78;
	[dreg:$0x18] =	wrdreg s24  }
0x1f: {  	s13 =	simm.s32 $0x3;
	[dreg:$0x7] =	wrdreg s15;
	s19 =	sshrl.u32 s17, $0x3  }
0x20: {  	[dreg:$0x8] =	wrdreg s18;
	s23 =	sshrl.u32 s21, $0x3;
	s24 =	smax.u32 s7, $0x1  }
0x21: {  	[dreg:$0x1b] =	wrdreg s2;
	s17 =	simm.s32 $0x8;
	s18 =	simm.s32 $0x4  }
0x22: {  	s15 =	simm.s32 $0xA;
	s20 =	sadd.s32 s19, s6;
	[dreg:$0x1a] =	wrdreg s24  }
0x23: {  	s7 =	simm.s32 $0x5;
	s22 =	sadd.s32 s19, s16;
	[dreg:$0x9] =	wrdreg s20  }
0x24: {  	s25 =	sadd.s32 s23, s6;
	s26 =	sadd.s32 s23, s16;
	[dreg:$0xa] =	wrdreg s22  }
0x25: {  	s23 =	simm.s32 $0x6;
	s19 =	simm.s32 $0x1BA00;
	[dreg:$0xb] =	wrdreg s25  }
0x26: {  	v0 =	vimm.f32 $0.0e+00;
	[dreg:$0xc] =	wrdreg s26;
	s22 =	simm.s32 $0x14200;
	s20 =	simm.s32 $0xB  }
.LBB2_1:
0x27: {  	[dreg:$0x1c] =	wrdreg s10;
	s25 =	simm.s32 $0x0;
	s26 =	simm.s32 $0x200  }
.LBB2_2:
0x28: {  	p0 =	sne.s32 s26, $0xEE00;
	[tilespmem:s25+$0x14270] =	vst v0  }
0x29: {  	[tilespmem:s25+$0x14200] =	vst v0  }
0x2a: {  	[tilespmem:s25+$0x14210] =	vst v0  }
.Ltmp0:
0x2b: {  	[tilespmem:s25+$0x14220] =	vst v0;
	(pc) =	sbr.rel @p0 .LBB2_2-.Ltmp0, $4  }
0x2c: {  	[tilespmem:s25+$0x14230] =	vst v0  }
0x2d: {  	[tilespmem:s25+$0x14240] =	vst v0  }
0x2e: {  	[tilespmem:s25+$0x14250] =	vst v0  }
0x2f: {  	[tilespmem:s25+$0x14260] =	vst v0;
	s25 =	sshra.s32 s26, $0x2;
	s26 =	sadd.s32 $0x200, s26  }
0x30: {  	[tilespmem:s25+$0x14270] =	vst v0  }
0x31: {  	[tilespmem:s25+$0x14200] =	vst v0  }
0x32: {  	[tilespmem:s25+$0x14210] =	vst v0  }
0x33: {  	[tilespmem:s25+$0x14220] =	vst v0  }
0x34: {  	[tilespmem:s25+$0x14230] =	vst v0  }
0x35: {  	[tilespmem:s25+$0x14240] =	vst v0  }
0x36: {  	[tilespmem:s25+$0x14250] =	vst v0  }
0x37: {  	[tilespmem:s25+$0x14260] =	vst v0  }
0x38: {  	[spmem:s28] =	stream.linear.scatter [tilespmem:s22], [sflag:$0xD], $0x3C00, $0x38;
	[tilespmem:$0x1F600] =	vst v63  }
0x39: {  	_ =	swait.ge [sflag:s29], $0x3C00  }
0x3a: {  	[sflag:s29] =	ssyncset.done $0x0  }
0x3b: {  	s2 =	rddreg [dreg:$0xe];
	[sflag:s29] =	ssyncadd.s32 $0xFFFFC400  }
0x3c: {  	[spmem:s2] =	stream.linear.scatter [tilespmem:s22], [sflag:$0xD], $0x3C00, $0x38;
	[tilespmem:$0x1F600] =	vst v63  }
0x3d: {  	_ =	swait.ge [sflag:s29], $0x3C00  }
0x3e: {  	[sflag:s29] =	ssyncset.done $0x0  }
0x3f: {  	s26 =	rddreg [dreg:$0xf];
	[sflag:s29] =	ssyncadd.s32 $0xFFFFC400  }
0x40: {  	[spmem:s26] =	stream.linear.scatter [tilespmem:s22], [sflag:$0xD], $0x3C00, $0x38;
	[tilespmem:$0x1F600] =	vst v63  }
0x41: {  	_ =	swait.ge [sflag:s29], $0x3C00  }
0x42: {  	[sflag:s29] =	ssyncset.done $0x0  }
0x43: {  	s28 =	rddreg [dreg:$0x10];
	[sflag:s29] =	ssyncadd.s32 $0xFFFFC400  }
0x44: {  	[spmem:s28] =	stream.linear.scatter [tilespmem:s22], [sflag:$0xD], $0x3C00, $0x38;
	[tilespmem:$0x1F600] =	vst v63  }
0x45: {  	_ =	swait.ge [sflag:s29], $0x3C00  }
0x46: {  	[sflag:s29] =	ssyncset.done $0x0  }
0x47: {  	s10 =	rddreg [dreg:$0x11];
	[sflag:s29] =	ssyncadd.s32 $0xFFFFC400  }
0x48: {  	[spmem:s10] =	stream.linear.scatter [tilespmem:s22], [sflag:$0xD], $0x3C00, $0x38;
	[tilespmem:$0x1F600] =	vst v63  }
0x49: {  	_ =	swait.ge [sflag:s29], $0x3C00  }
0x4a: {  	[sflag:s29] =	ssyncset.done $0x0  }
0x4b: {  	s11 =	rddreg [dreg:$0x12];
	[sflag:s29] =	ssyncadd.s32 $0xFFFFC400  }
0x4c: {  	[spmem:s11] =	stream.linear.scatter [tilespmem:s22], [sflag:$0xD], $0x1000, $0x38;
	[tilespmem:$0x1F600] =	vst v63  }
0x4d: {  	_ =	swait.ge [sflag:s29], $0x1000  }
0x4e: {  	[sflag:s29] =	ssyncset.done $0x0  }
0x4f: {  	[sflag:s29] =	ssyncadd.s32 $0xFFFFF000  }
0x50: {  	[bflag:$0x0] =	sbarrier.arrive $0xFFFF  }
0x51: {  	s14 =	simm.s32 $0x0;
	s21 =	rddreg [dreg:$0x13]  }
0x52: {  	[tilespmem:s5], [sflag:$0x1] =	stream.linear.gather [hbm4b:s21+s14], $0x78, $0x38;
	[tilespmem:$0x1F600] =	vst v63  }
0x53: {  	s24 =	rddreg [dreg:$0x14]  }
0x54: {  	[tilespmem:s8], [sflag:$0x1] =	stream.linear.gather [hbm4b:s24+s14], $0x78, $0x38;
	[tilespmem:$0x1F600] =	vst v63  }
0x55: {  	s26 =	rddreg [dreg:$0x15]  }
0x56: {  	[tilespmem:s30], [sflag:$0x2] =	stream.linear.gather [hbm4b:s26+s14], $0x78, $0x38;
	[tilespmem:$0x1F600] =	vst v63  }
0x57: {  	s28 =	rddreg [dreg:$0x16];
	s24 =	simm.s32 $0x13F80  }
0x58: {  	[tilespmem:s24], [sflag:$0x2] =	stream.linear.gather [hbm4b:s28+s14], $0x78, $0x38;
	[tilespmem:$0x1F600] =	vst v63  }
0x59: {  	s11 =	simm.s32 $0x13D00;
	s29 =	rddreg [dreg:$0x17]  }
0x5a: {  	[tilespmem:s11], [sflag:$0x3] =	stream.linear.gather [hbm4b:s29+s14], $0x78, $0x38;
	[tilespmem:$0x1F600] =	vst v63  }
0x5b: {  	s10 =	rddreg [dreg:$0x18];
	s21 =	simm.s32 $0x14000  }
0x5c: {  	[tilespmem:s21], [sflag:$0x3] =	stream.linear.gather [hbm4b:s10+s14], $0x78, $0x38;
	[tilespmem:$0x1F600] =	vst v63  }
0x5d: {  	_ =	swait.ge [sflag:s31], $0x78  }
0x5e: {  	[sflag:s31] =	ssyncset.done $0x0  }
0x5f: {  	[sflag:s31] =	ssyncadd.s32 $0xFFFFFF88  }
0x60: {  	_ =	swait.ge [sflag:s31], $0x78  }
0x61: {  	p0 =	por $0x1, $0x1;
	[sflag:s31] =	ssyncset.done $0x0  }
0x62: {  	s25 =	simm.s32 @!p0 $0xA;
	[sflag:s31] =	ssyncadd.s32 $0xFFFFFF88  }
0x63: {  	_ =	swait.ge @!p0 [sflag:s25], $0x3C00  }
0x64: {  	[sflag:s25] =	ssyncset.done @!p0 $0x0  }
0x65: {  	s26 =	rddreg [dreg:$0xc];
	[sflag:s25] =	ssyncadd.s32 @!p0 $0xFFFFC400  }
0x66: {  	[tilespmem:s22], [sflag:$0x7] =	stream.indirect.gather [hbm4b:s4+s0], $0x80, s5, s0, $0xb8;
	[tilespmem:$0x1F600] =	vst v63  }
0x67: {  	s2 =	simm.s32 $0x13D80;
	s14 =	rddreg [dreg:$0xb];
	s26 =	sadd.s32 $0x0, s26  }
0x68: {  	[tilespmem:s2], [sflag:$0x4] =	stream.linear.gather [hbm4b:s26+s3], $0x78, $0x38;
	[tilespmem:$0x1F600] =	vst v63  }
0x69: {  	s25 =	sadd.s32 $0x0, s14;
	s5 =	simm.s32 $0x14080;
	s26 =	simm.s32 @p0 $0x2  }
0x6a: {  	[tilespmem:s5], [sflag:$0x4] =	stream.linear.gather [hbm4b:s25+s3], $0x78, $0x38;
	[tilespmem:$0x1F600] =	vst v63  }
0x6b: {  	_ =	swait.ge @p0 [sflag:s26], $0x78  }
0x6c: {  	[sflag:s26] =	ssyncset.done @p0 $0x0  }
0x6d: {  	[sflag:s26] =	ssyncadd.s32 @p0 $0xFFFFFF88  }
0x6e: {  	_ =	swait.ge @p0 [sflag:s26], $0x78  }
0x6f: {  	[sflag:s26] =	ssyncset.done @p0 $0x0  }
0x70: {  	s25 =	simm.s32 @!p0 $0x9;
	[sflag:s26] =	ssyncadd.s32 @p0 $0xFFFFFF88  }
0x71: {  	_ =	swait.ge @!p0 [sflag:s25], $0x3C00  }
0x72: {  	s28 =	simm.s32 @!p0 $0x2;
	s29 =	simm.s32 @!p0 $0x14180;
	[sflag:s25] =	ssyncset.done @!p0 $0x0  }
0x73: {  	s26 =	simm.s32 @!p0 $0x1BA00;
	[sflag:s25] =	ssyncadd.s32 @!p0 $0xFFFFC400;
	s25 =	simm.s32 @!p0 $0x78  }
0x74: {  	[spmem:s1] =	stream.indirect.scatter.add.f32 @!p0 [tilespmem:s26], [sflag:$0xC], $0x80, s29, s25, $0xb8;
	[tilespmem:$0x1F600] =	vst v63  }
0x75: {  	_ =	swait.ge @!p0 [sflag:s28], $0x78  }
0x76: {  	[sflag:s28] =	ssyncset.done @!p0 $0x0  }
0x77: {  	[sflag:s28] =	ssyncadd.s32 @!p0 $0xFFFFFF88  }
0x78: {  	_ =	swait.ge @!p0 [sflag:s28], $0x78  }
0x79: {  	[sflag:s28] =	ssyncset.done @!p0 $0x0  }
0x7a: {  	s25 =	simm.s32 @!p0 $0xB;
	[sflag:s28] =	ssyncadd.s32 @!p0 $0xFFFFFF88  }
0x7b: {  	_ =	swait.ge @!p0 [sflag:s25], $0x3C00  }
0x7c: {  	[sflag:s25] =	ssyncset.done @!p0 $0x0  }
0x7d: {  	s28 =	rddreg [dreg:$0xa];
	[sflag:s25] =	ssyncadd.s32 @!p0 $0xFFFFC400  }
0x7e: {  	[tilespmem:s9], [sflag:$0x8] =	stream.indirect.gather [hbm4b:s4+s0], $0x80, s30, s0, $0xb8;
	[tilespmem:$0x1F600] =	vst v63  }
0x7f: {  	s14 =	simm.s32 $0x13E00;
	s29 =	rddreg [dreg:$0x9];
	s26 =	sadd.s32 $0x0, s28  }
0x80: {  	[tilespmem:s14], [sflag:$0x5] =	stream.linear.gather [hbm4b:s26+s3], $0x78, $0x38;
	[tilespmem:$0x1F600] =	vst v63  }
0x81: {  	s10 =	simm.s32 $0x14100;
	s25 =	sadd.s32 $0x0, s29  }
0x82: {  	[tilespmem:s10], [sflag:$0x5] =	stream.linear.gather [hbm4b:s25+s3], $0x78, $0x38;
	[tilespmem:$0x1F600] =	vst v63  }
0x83: {  	_ =	swait.ge [sflag:s12], $0x3C00  }
0x84: {  	[sflag:s12] =	ssyncset.done $0x0  }
0x85: {  	[sflag:s12] =	ssyncadd.s32 $0xFFFFC400  }
0x86: {  	[spmem:s1] =	stream.indirect.scatter.add.f32 [tilespmem:s22], [sflag:$0xA], $0x80, s8, s0, $0xb8;
	[tilespmem:$0x1F600] =	vst v63  }
0x87: {  	_ =	swait.ge [sflag:s13], $0x78  }
0x88: {  	[sflag:s13] =	ssyncset.done $0x0  }
0x89: {  	[sflag:s13] =	ssyncadd.s32 $0xFFFFFF88  }
0x8a: {  	_ =	swait.ge [sflag:s13], $0x78  }
0x8b: {  	[sflag:s13] =	ssyncset.done $0x0  }
0x8c: {  	s25 =	simm.s32 @!p0 $0xC;
	[sflag:s13] =	ssyncadd.s32 $0xFFFFFF88  }
0x8d: {  	_ =	swait.ge @!p0 [sflag:s25], $0x3C00  }
0x8e: {  	[sflag:s25] =	ssyncset.done @!p0 $0x0  }
0x8f: {  	s8 =	rddreg [dreg:$0x8];
	[sflag:s25] =	ssyncadd.s32 @!p0 $0xFFFFC400  }
0x90: {  	[tilespmem:s19], [sflag:$0x9] =	stream.indirect.gather [hbm4b:s4+s0], $0x80, s11, s0, $0xb8;
	[tilespmem:$0x1F600] =	vst v63  }
0x91: {  	s10 =	rddreg [dreg:$0x7];
	s26 =	sadd.s32 $0x0, s8;
	s11 =	simm.s32 $0x13E80  }
0x92: {  	[tilespmem:s11], [sflag:$0x6] =	stream.linear.gather [hbm4b:s26+s3], $0x78, $0x38;
	[tilespmem:$0x1F600] =	vst v63  }
0x93: {  	s28 =	simm.s32 $0x14180;
	s25 =	sadd.s32 $0x0, s10  }
0x94: {  	[tilespmem:s28], [sflag:$0x6] =	stream.linear.gather [hbm4b:s25+s3], $0x78, $0x38;
	[tilespmem:$0x1F600] =	vst v63  }
0x95: {  	_ =	swait.ge [sflag:s17], $0x3C00  }
0x96: {  	[sflag:s17] =	ssyncset.done $0x0  }
0x97: {  	[sflag:s17] =	ssyncadd.s32 $0xFFFFC400  }
0x98: {  	[spmem:s1] =	stream.indirect.scatter.add.f32 [tilespmem:s9], [sflag:$0xB], $0x80, s24, s0, $0xb8;
	[tilespmem:$0x1F600] =	vst v63  }
0x99: {  	_ =	swait.ge [sflag:s18], $0x78  }
0x9a: {  	[sflag:s18] =	ssyncset.done $0x0  }
0x9b: {  	[sflag:s18] =	ssyncadd.s32 $0xFFFFFF88  }
0x9c: {  	_ =	swait.ge [sflag:s18], $0x78  }
0x9d: {  	[sflag:s18] =	ssyncset.done $0x0  }
0x9e: {  	[sflag:s18] =	ssyncadd.s32 $0xFFFFFF88  }
0x9f: {  	_ =	swait.ge [sflag:s15], $0x3C00  }
0xa0: {  	[sflag:s15] =	ssyncset.done $0x0  }
0xa1: {  	[sflag:s15] =	ssyncadd.s32 $0xFFFFC400  }
0xa2: {  	[tilespmem:s22], [sflag:$0x7] =	stream.indirect.gather [hbm4b:s4+s0], $0x80, s2, s0, $0xb8;
	[tilespmem:$0x1F600] =	vst v63  }
0xa3: {  	p0 =	por $0x0, $0x0;
	s2 =	rddreg [dreg:$0x1b]  }
0xa4: {  	s25 =	sshrl.u32 @!p0 s2, $0x3  }
0xa5: {  	s26 =	simm.s32 @!p0 $0x0;
	s28 =	simm.s32 @!p0 $0x13C00;
	s29 =	sadd.s32 @!p0 s16, s25  }
0xa6: {  	[tilespmem:s28], [sflag:$0x1] =	stream.linear.gather @!p0 [hbm4b:s29+s26], $0x78, $0x38;
	[tilespmem:$0x1F600] =	vst v63  }
0xa7: {  	s25 =	sadd.s32 @!p0 s6, s25;
	s28 =	simm.s32 @!p0 $0x13F00;
	s29 =	simm.s32 $0x9  }
0xa8: {  	[tilespmem:s28], [sflag:$0x1] =	stream.linear.gather @!p0 [hbm4b:s25+s26], $0x78, $0x38;
	[tilespmem:$0x1F600] =	vst v63  }
0xa9: {  	_ =	swait.ge [sflag:s29], $0x3C00  }
0xaa: {  	[sflag:s29] =	ssyncset.done $0x0  }
0xab: {  	[sflag:s29] =	ssyncadd.s32 $0xFFFFC400  }
0xac: {  	[spmem:s1] =	stream.indirect.scatter.add.f32 [tilespmem:s19], [sflag:$0xC], $0x80, s21, s0, $0xb8;
	[tilespmem:$0x1F600] =	vst v63  }
0xad: {  	_ =	swait.ge [sflag:s7], $0x78  }
0xae: {  	[sflag:s7] =	ssyncset.done $0x0  }
0xaf: {  	[sflag:s7] =	ssyncadd.s32 $0xFFFFFF88  }
0xb0: {  	_ =	swait.ge [sflag:s7], $0x78  }
0xb1: {  	[sflag:s7] =	ssyncset.done $0x0  }
0xb2: {  	[sflag:s7] =	ssyncadd.s32 $0xFFFFFF88  }
0xb3: {  	_ =	swait.ge [sflag:s20], $0x3C00  }
0xb4: {  	[sflag:s20] =	ssyncset.done $0x0  }
0xb5: {  	s25 =	rddreg [dreg:$0x6];
	[sflag:s20] =	ssyncadd.s32 $0xFFFFC400  }
0xb6: {  	[tilespmem:s9], [sflag:$0x8] =	stream.indirect.gather [hbm4b:s4+s0], $0x80, s14, s0, $0xb8;
	[tilespmem:$0x1F600] =	vst v63  }
0xb7: {  	s29 =	simm.s32 @!p0 $0x13C80;
	s28 =	rddreg [dreg:$0x5];
	s25 =	sadd.s32 @!p0 $0x0, s25  }
0xb8: {  	[tilespmem:s29], [sflag:$0x2] =	stream.linear.gather @!p0 [hbm4b:s25+s26], $0x78, $0x38;
	[tilespmem:$0x1F600] =	vst v63  }
0xb9: {  	s28 =	sadd.s32 @!p0 $0x0, s28;
	s25 =	simm.s32 @!p0 $0x13F80  }
0xba: {  	[tilespmem:s25], [sflag:$0x2] =	stream.linear.gather @!p0 [hbm4b:s28+s26], $0x78, $0x38;
	[tilespmem:$0x1F600] =	vst v63  }
0xbb: {  	_ =	swait.ge [sflag:s12], $0x3C00  }
0xbc: {  	[sflag:s12] =	ssyncset.done $0x0  }
0xbd: {  	[sflag:s12] =	ssyncadd.s32 $0xFFFFC400  }
0xbe: {  	[spmem:s1] =	stream.indirect.scatter.add.f32 [tilespmem:s22], [sflag:$0xA], $0x80, s5, s0, $0xb8;
	[tilespmem:$0x1F600] =	vst v63  }
0xbf: {  	_ =	swait.ge [sflag:s23], $0x78  }
0xc0: {  	[sflag:s23] =	ssyncset.done $0x0  }
0xc1: {  	[sflag:s23] =	ssyncadd.s32 $0xFFFFFF88  }
0xc2: {  	_ =	swait.ge [sflag:s23], $0x78  }
0xc3: {  	[sflag:s23] =	ssyncset.done $0x0  }
0xc4: {  	s30 =	simm.s32 $0xC;
	[sflag:s23] =	ssyncadd.s32 $0xFFFFFF88  }
0xc5: {  	_ =	swait.ge [sflag:s30], $0x3C00  }
0xc6: {  	[sflag:s30] =	ssyncset.done $0x0  }
0xc7: {  	s8 =	smov.u32 s6;
	s25 =	rddreg [dreg:$0x4];
	[sflag:s30] =	ssyncadd.s32 $0xFFFFC400  }
0xc8: {  	[tilespmem:s19], [sflag:$0x9] =	stream.indirect.gather [hbm4b:s4+s0], $0x80, s11, s0, $0xb8;
	[tilespmem:$0x1F600] =	vst v63  }
0xc9: {  	s29 =	simm.s32 @!p0 $0x13D00;
	s28 =	rddreg [dreg:$0x3];
	s25 =	sadd.s32 @!p0 $0x0, s25  }
0xca: {  	[tilespmem:s29], [sflag:$0x3] =	stream.linear.gather @!p0 [hbm4b:s25+s26], $0x78, $0x38;
	[tilespmem:$0x1F600] =	vst v63  }
0xcb: {  	s24 =	simm.s32 $0xB;
	s28 =	sadd.s32 @!p0 $0x0, s28;
	s25 =	simm.s32 @!p0 $0x14000  }
0xcc: {  	[tilespmem:s25], [sflag:$0x3] =	stream.linear.gather @!p0 [hbm4b:s28+s26], $0x78, $0x38;
	[tilespmem:$0x1F600] =	vst v63  }
0xcd: {  	s20 =	simm.s32 $0xA;
	s25 =	simm.s32 $0x5A;
	_ =	swait.ge [sflag:s17], $0x3C00  }
0xce: {  	s26 =	smov.u32 s2;
	s2 =	smov.u32 s16;
	[sflag:s17] =	ssyncset.done $0x0  }
.LBB2_4:
0xcf: {  	[sflag:s17] =	ssyncadd.s32 $0xFFFFC400;
	s6 =	simm.s32 $0x14100  }
0xd0: {  	[spmem:s1] =	stream.indirect.scatter.add.f32 [tilespmem:s9], [sflag:$0xB], $0x80, s6, s0, $0xb8;
	[tilespmem:$0x1F600] =	vst v63  }
0xd1: {  	_ =	swait.ge [sflag:s31], $0x78  }
0xd2: {  	[sflag:s31] =	ssyncset.done $0x0  }
0xd3: {  	[sflag:s31] =	ssyncadd.s32 $0xFFFFFF88  }
0xd4: {  	s28 =	smov.u32 s25;
	_ =	swait.ge [sflag:s31], $0x78  }
0xd5: {  	p1 =	seq.s32 s28, $0x0;
	[sflag:s31] =	ssyncset.done $0x0  }
0xd6: {  	s29 =	simm.s32 @!p1 $0xA;
	[sflag:s31] =	ssyncadd.s32 $0xFFFFFF88  }
0xd7: {  	_ =	swait.ge @!p1 [sflag:s29], $0x3C00  }
0xd8: {  	[sflag:s29] =	ssyncset.done @!p1 $0x0  }
0xd9: {  	s5 =	simm.s32 $0x13C00;
	s30 =	rddreg [dreg:$0xc];
	[sflag:s29] =	ssyncadd.s32 @!p1 $0xFFFFC400  }
0xda: {  	[tilespmem:s22], [sflag:$0x7] =	stream.indirect.gather [hbm4b:s4+s0], $0x80, s5, s0, $0xb8;
	[tilespmem:$0x1F600] =	vst v63  }
0xdb: {  	s10 =	simm.s32 $0x13D80;
	s21 =	rddreg [dreg:$0xb];
	s30 =	sadd.s32 s28, s30  }
0xdc: {  	[tilespmem:s10], [sflag:$0x4] =	stream.linear.gather [hbm4b:s30+s3], $0x78, $0x38;
	[tilespmem:$0x1F600] =	vst v63  }
0xdd: {  	s15 =	simm.s32 $0x14080;
	s29 =	sadd.s32 s28, s21;
	s30 =	simm.s32 @p1 $0x2  }
0xde: {  	[tilespmem:s15], [sflag:$0x4] =	stream.linear.gather [hbm4b:s29+s3], $0x78, $0x38;
	[tilespmem:$0x1F600] =	vst v63  }
0xdf: {  	_ =	swait.ge @p1 [sflag:s30], $0x78  }
0xe0: {  	[sflag:s30] =	ssyncset.done @p1 $0x0  }
0xe1: {  	[sflag:s30] =	ssyncadd.s32 @p1 $0xFFFFFF88  }
0xe2: {  	_ =	swait.ge @p1 [sflag:s30], $0x78  }
0xe3: {  	[sflag:s30] =	ssyncset.done @p1 $0x0  }
0xe4: {  	s29 =	simm.s32 @!p1 $0x9;
	[sflag:s30] =	ssyncadd.s32 @p1 $0xFFFFFF88  }
0xe5: {  	_ =	swait.ge @!p1 [sflag:s29], $0x3C00  }
0xe6: {  	s16 =	simm.s32 @!p1 $0x2;
	s5 =	simm.s32 @!p1 $0x14180;
	[sflag:s29] =	ssyncset.done @!p1 $0x0  }
0xe7: {  	s30 =	simm.s32 @!p1 $0x1BA00;
	[sflag:s29] =	ssyncadd.s32 @!p1 $0xFFFFC400;
	s29 =	simm.s32 @!p1 $0x78  }
0xe8: {  	[spmem:s1] =	stream.indirect.scatter.add.f32 @!p1 [tilespmem:s30], [sflag:$0xC], $0x80, s5, s29, $0xb8;
	[tilespmem:$0x1F600] =	vst v63  }
0xe9: {  	_ =	swait.ge @!p1 [sflag:s16], $0x78  }
0xea: {  	[sflag:s16] =	ssyncset.done @!p1 $0x0  }
0xeb: {  	[sflag:s16] =	ssyncadd.s32 @!p1 $0xFFFFFF88  }
0xec: {  	_ =	swait.ge @!p1 [sflag:s16], $0x78  }
0xed: {  	[sflag:s16] =	ssyncset.done @!p1 $0x0  }
0xee: {  	s5 =	simm.s32 @!p1 $0xB;
	[sflag:s16] =	ssyncadd.s32 @!p1 $0xFFFFFF88  }
0xef: {  	_ =	swait.ge @!p1 [sflag:s5], $0x3C00  }
0xf0: {  	[sflag:s5] =	ssyncset.done @!p1 $0x0  }
0xf1: {  	s11 =	simm.s32 $0x13C80;
	s29 =	rddreg [dreg:$0xa];
	[sflag:s5] =	ssyncadd.s32 @!p1 $0xFFFFC400  }
0xf2: {  	[tilespmem:s9], [sflag:$0x8] =	stream.indirect.gather [hbm4b:s4+s0], $0x80, s11, s0, $0xb8;
	[tilespmem:$0x1F600] =	vst v63  }
0xf3: {  	s14 =	simm.s32 $0x13E00;
	s30 =	rddreg [dreg:$0x9];
	s16 =	sadd.s32 s28, s29  }
0xf4: {  	[tilespmem:s14], [sflag:$0x5] =	stream.linear.gather [hbm4b:s16+s3], $0x78, $0x38;
	[tilespmem:$0x1F600] =	vst v63  }
0xf5: {  	s5 =	sadd.s32 s28, s30  }
0xf6: {  	[tilespmem:s6], [sflag:$0x5] =	stream.linear.gather [hbm4b:s5+s3], $0x78, $0x38;
	[tilespmem:$0x1F600] =	vst v63  }
0xf7: {  	_ =	swait.ge [sflag:s12], $0x3C00  }
0xf8: {  	[sflag:s12] =	ssyncset.done $0x0  }
0xf9: {  	s16 =	simm.s32 $0x13F00;
	[sflag:s12] =	ssyncadd.s32 $0xFFFFC400  }
0xfa: {  	[spmem:s1] =	stream.indirect.scatter.add.f32 [tilespmem:s22], [sflag:$0xA], $0x80, s16, s0, $0xb8;
	[tilespmem:$0x1F600] =	vst v63  }
0xfb: {  	_ =	swait.ge [sflag:s13], $0x78  }
0xfc: {  	[sflag:s13] =	ssyncset.done $0x0  }
0xfd: {  	[sflag:s13] =	ssyncadd.s32 $0xFFFFFF88  }
0xfe: {  	_ =	swait.ge [sflag:s13], $0x78  }
0xff: {  	[sflag:s13] =	ssyncset.done $0x0  }
0x100: {  	s5 =	simm.s32 @!p1 $0xC;
	[sflag:s13] =	ssyncadd.s32 $0xFFFFFF88  }
0x101: {  	_ =	swait.ge @!p1 [sflag:s5], $0x3C00  }
0x102: {  	[sflag:s5] =	ssyncset.done @!p1 $0x0  }
0x103: {  	s30 =	simm.s32 $0x13D00;
	s21 =	rddreg [dreg:$0x8];
	[sflag:s5] =	ssyncadd.s32 @!p1 $0xFFFFC400  }
0x104: {  	[tilespmem:s19], [sflag:$0x9] =	stream.indirect.gather [hbm4b:s4+s0], $0x80, s30, s0, $0xb8;
	[tilespmem:$0x1F600] =	vst v63  }
0x105: {  	s29 =	rddreg [dreg:$0x7];
	s16 =	sadd.s32 s28, s21;
	s21 =	simm.s32 $0x13E80  }
0x106: {  	[tilespmem:s21], [sflag:$0x6] =	stream.linear.gather [hbm4b:s16+s3], $0x78, $0x38;
	[tilespmem:$0x1F600] =	vst v63  }
0x107: {  	s5 =	sadd.s32 s28, s29;
	s16 =	simm.s32 $0x14180  }
0x108: {  	[tilespmem:s16], [sflag:$0x6] =	stream.linear.gather [hbm4b:s5+s3], $0x78, $0x38;
	[tilespmem:$0x1F600] =	vst v63  }
0x109: {  	_ =	swait.ge [sflag:s17], $0x3C00  }
0x10a: {  	[sflag:s17] =	ssyncset.done $0x0  }
0x10b: {  	s29 =	simm.s32 $0x13F80;
	[sflag:s17] =	ssyncadd.s32 $0xFFFFC400  }
0x10c: {  	[spmem:s1] =	stream.indirect.scatter.add.f32 [tilespmem:s9], [sflag:$0xB], $0x80, s29, s0, $0xb8;
	[tilespmem:$0x1F600] =	vst v63  }
0x10d: {  	_ =	swait.ge [sflag:s18], $0x78  }
0x10e: {  	[sflag:s18] =	ssyncset.done $0x0  }
0x10f: {  	[sflag:s18] =	ssyncadd.s32 $0xFFFFFF88  }
0x110: {  	_ =	swait.ge [sflag:s18], $0x78  }
0x111: {  	[sflag:s18] =	ssyncset.done $0x0  }
0x112: {  	[sflag:s18] =	ssyncadd.s32 $0xFFFFFF88  }
0x113: {  	_ =	swait.ge [sflag:s20], $0x3C00  }
0x114: {  	s26 =	sadd.s32 $0x2D0, s26;
	p1 =	seq.s32 s28, $0x492;
	[sflag:s20] =	ssyncset.done $0x0  }
0x115: {  	s5 =	sshrl.u32 @!p1 s26, $0x3;
	[sflag:s20] =	ssyncadd.s32 $0xFFFFC400  }
0x116: {  	[tilespmem:s22], [sflag:$0x7] =	stream.indirect.gather [hbm4b:s4+s0], $0x80, s10, s0, $0xb8;
	[tilespmem:$0x1F600] =	vst v63  }
0x117: {  	s16 =	simm.s32 @!p1 $0x13C00;
	s30 =	sadd.s32 @!p1 s2, s5;
	s29 =	simm.s32 @!p1 $0x0  }
0x118: {  	[tilespmem:s16], [sflag:$0x1] =	stream.linear.gather @!p1 [hbm4b:s30+s29], $0x78, $0x38;
	[tilespmem:$0x1F600] =	vst v63  }
0x119: {  	s6 =	simm.s32 @!p1 $0x13F00;
	s5 =	sadd.s32 @!p1 s8, s5;
	s10 =	simm.s32 $0x9  }
0x11a: {  	[tilespmem:s6], [sflag:$0x1] =	stream.linear.gather @!p1 [hbm4b:s5+s29], $0x78, $0x38;
	[tilespmem:$0x1F600] =	vst v63  }
0x11b: {  	_ =	swait.ge [sflag:s10], $0x3C00  }
0x11c: {  	[sflag:s10] =	ssyncset.done $0x0  }
0x11d: {  	s30 =	simm.s32 $0x14000;
	[sflag:s10] =	ssyncadd.s32 $0xFFFFC400  }
0x11e: {  	[spmem:s1] =	stream.indirect.scatter.add.f32 [tilespmem:s19], [sflag:$0xC], $0x80, s30, s0, $0xb8;
	[tilespmem:$0x1F600] =	vst v63  }
0x11f: {  	_ =	swait.ge [sflag:s7], $0x78  }
0x120: {  	[sflag:s7] =	ssyncset.done $0x0  }
0x121: {  	[sflag:s7] =	ssyncadd.s32 $0xFFFFFF88  }
0x122: {  	_ =	swait.ge [sflag:s7], $0x78  }
0x123: {  	[sflag:s7] =	ssyncset.done $0x0  }
0x124: {  	[sflag:s7] =	ssyncadd.s32 $0xFFFFFF88  }
0x125: {  	_ =	swait.ge [sflag:s24], $0x3C00  }
0x126: {  	[sflag:s24] =	ssyncset.done $0x0  }
0x127: {  	s5 =	rddreg [dreg:$0x6];
	[sflag:s24] =	ssyncadd.s32 $0xFFFFC400  }
0x128: {  	[tilespmem:s9], [sflag:$0x8] =	stream.indirect.gather [hbm4b:s4+s0], $0x80, s14, s0, $0xb8;
	[tilespmem:$0x1F600] =	vst v63  }
0x129: {  	s16 =	simm.s32 @!p1 $0x13C80;
	s6 =	rddreg [dreg:$0x5];
	s5 =	sadd.s32 @!p1 s28, s5  }
0x12a: {  	[tilespmem:s16], [sflag:$0x2] =	stream.linear.gather @!p1 [hbm4b:s5+s29], $0x78, $0x38;
	[tilespmem:$0x1F600] =	vst v63  }
0x12b: {  	s30 =	simm.s32 @!p1 $0x13F80;
	s5 =	sadd.s32 @!p1 s28, s6  }
0x12c: {  	[tilespmem:s30], [sflag:$0x2] =	stream.linear.gather @!p1 [hbm4b:s5+s29], $0x78, $0x38;
	[tilespmem:$0x1F600] =	vst v63  }
0x12d: {  	_ =	swait.ge [sflag:s12], $0x3C00  }
0x12e: {  	[sflag:s12] =	ssyncset.done $0x0  }
0x12f: {  	[sflag:s12] =	ssyncadd.s32 $0xFFFFC400  }
0x130: {  	[spmem:s1] =	stream.indirect.scatter.add.f32 [tilespmem:s22], [sflag:$0xA], $0x80, s15, s0, $0xb8;
	[tilespmem:$0x1F600] =	vst v63  }
0x131: {  	_ =	swait.ge [sflag:s23], $0x78  }
0x132: {  	[sflag:s23] =	ssyncset.done $0x0  }
0x133: {  	[sflag:s23] =	ssyncadd.s32 $0xFFFFFF88  }
0x134: {  	_ =	swait.ge [sflag:s23], $0x78  }
0x135: {  	[sflag:s23] =	ssyncset.done $0x0  }
0x136: {  	s14 =	simm.s32 $0xC;
	[sflag:s23] =	ssyncadd.s32 $0xFFFFFF88  }
0x137: {  	_ =	swait.ge [sflag:s14], $0x3C00  }
0x138: {  	[sflag:s14] =	ssyncset.done $0x0  }
0x139: {  	s25 =	sadd.s32 $0x5A, s25;
	s5 =	rddreg [dreg:$0x4];
	[sflag:s14] =	ssyncadd.s32 $0xFFFFC400  }
0x13a: {  	[tilespmem:s19], [sflag:$0x9] =	stream.indirect.gather [hbm4b:s4+s0], $0x80, s21, s0, $0xb8;
	[tilespmem:$0x1F600] =	vst v63  }
0x13b: {  	p0 =	sne.s32 s25, $0x4EC;
	s16 =	simm.s32 @!p1 $0x13D00;
	s5 =	sadd.s32 @!p1 s28, s5  }
0x13c: {  	[tilespmem:s16], [sflag:$0x3] =	stream.linear.gather @!p1 [hbm4b:s5+s29], $0x78, $0x38;
	[tilespmem:$0x1F600] =	vst v63  }
.Ltmp1:
0x13d: {  	s6 =	rddreg [dreg:$0x3];
	(pc) =	sbr.rel @p0 .LBB2_4-.Ltmp1, $4  }
0x13e: {  	s30 =	simm.s32 @!p1 $0x14000;
	s5 =	sadd.s32 @!p1 s28, s6  }
0x13f: {  	[tilespmem:s30], [sflag:$0x3] =	stream.linear.gather @!p1 [hbm4b:s5+s29], $0x78, $0x38;
	[tilespmem:$0x1F600] =	vst v63  }
0x140: {  	_ =	swait.ge [sflag:s17], $0x3C00  }
0x141: {  	s11 =	simm.s32 $0x14100;
	[sflag:s17] =	ssyncset.done $0x0  }
0x142: {  	[sflag:s17] =	ssyncadd.s32 $0xFFFFC400  }
0x143: {  	[spmem:s1] =	stream.indirect.scatter.add.f32 [tilespmem:s9], [sflag:$0xB], $0x80, s11, s0, $0xb8;
	[tilespmem:$0x1F600] =	vst v63  }
0x144: {  	_ =	swait.ge [sflag:s10], $0x3C00  }
0x145: {  	[sflag:s10] =	ssyncset.done $0x0  }
0x146: {  	s5 =	simm.s32 $0x14180;
	[sflag:s10] =	ssyncadd.s32 $0xFFFFC400  }
0x147: {  	[spmem:s1] =	stream.indirect.scatter.add.f32 [tilespmem:s19], [sflag:$0xC], $0x80, s5, s0, $0xb8;
	[tilespmem:$0x1F600] =	vst v63  }
0x148: {  	_ =	swait.ge [sflag:s20], $0x3C00  }
0x149: {  	[sflag:s20] =	ssyncset.done $0x0  }
0x14a: {  	[sflag:s20] =	ssyncadd.s32 $0xFFFFC400  }
0x14b: {  	_ =	swait.ge [sflag:s24], $0x3C00  }
0x14c: {  	[sflag:s24] =	ssyncset.done $0x0  }
0x14d: {  	[sflag:s24] =	ssyncadd.s32 $0xFFFFC400  }
0x14e: {  	_ =	swait.ge [sflag:s14], $0x3C00  }
0x14f: {  	[sflag:s14] =	ssyncset.done $0x0  }
0x150: {  	[sflag:s14] =	ssyncadd.s32 $0xFFFFC400  }
0x151: {  	s24 =	stileid.u32;
	[bflag:$0x0] =	sbarrier.arrive $0xFFFF  }
0x152: {  	s29 =	simm.s32 $0xD;
	s5 =	sshll.u32 s24, $0x6;
	s28 =	rddreg [dreg:$0xd]  }
0x153: {  	s5 =	sor.u32 $0x1C0D, s5;
	s16 =	rddreg [dreg:$0x19];
	s6 =	sshrl.u32 s28, $0x3  }
0x154: {  	[hbm:s16], [sflag:s5] =	dma.local [spmem:s6], $0x2780  }
0x155: {  	_ =	swait.ge [sflag:s29], $0x2780  }
0x156: {  	s25 =	rddreg [dreg:$0x1c]  }
0x157: {  	s26 =	rddreg [dreg:$0x1a];
	s10 =	sadd.s32 $0x1, s25  }
0x158: {  	p0 =	sne.s32 s10, s26  }
.Ltmp2:
0x159: {  	_ = 	snop;
	(pc) =	sbr.rel @p0 .LBB2_1-.Ltmp2, $4  }
0x15a: {  	_ = 	snop  }
0x15b: {  	s30 =	simm.s32 $0x13C80;
	s15 =	simm.s32 $0xA;
	s20 =	simm.s32 $0xB  }
0x15c: {  	s16 =	smov.u32 s2;
	s6 =	smov.u32 s8;
	[sflag:s29] =	ssyncset.done $0x0  }
0x15d: {  	s5 =	simm.s32 $0x13C00;
	s8 =	simm.s32 $0x13F00;
	[sflag:s29] =	ssyncadd.s32 $0xFFFFD880  }
0x15e: {  	_ =	sfence.sel $0x180000  }
0x15f: {  	[bflag:$0x0] =	sbarrier.arrive $0xFFFF  }
0x160: {  	_ =	strace $0x9000004D  }
0x161: {  	s0 =	stileid.u32;
	[bflag:$0x2] =	sbarrier.arrive $0xFFFF  }
0x162: {  	p0 =	sne.s32 s0, $0x0;
	s0 =	rddreg [dreg:$0x2]  }
0x163: {  	s0 =	sadd.s32 @!p0 $0x100000, s0  }
0x164: {  	[sflag:s0] =	ssyncadd.tile.s32 @!p0 $0x1;
	_ =	shalt  }
.Lfunc_end2:
_tile_overlayer_lowered:
.L_overlay_start_2:
0x165: {  	(tag) =	ssettag $0x2  }
0x166: {  	s0 =	rddreg [dreg:$0x0];
	s2 =	stileid.u32  }
0x167: {  	s1 =	rddreg [dreg:$0x1];
	p0 =	sne.s32 s2, $0x0  }
0x168: {  	s3 =	rddreg [dreg:$0x2];
	[bflag:$0x3] =	sbarrier.arrive $0xFFFF;
	s2 =	simm.s32 @!p0 $0x1C0D  }
0x169: {  	[timem:s3], [sflag:s2] =	dma.local @!p0 [hbm:s0], s1  }
0x16a: {  	s0 =	simm.s32 @!p0 $0xD  }
0x16b: {  	_ =	swait.ge @!p0 [sflag:s0], s1  }
0x16c: {  	s1 =	ssub.s32 @!p0 $0x0, s1;
	[sflag:s0] =	ssyncset.done @!p0 $0x0  }
0x16d: {  	[sflag:s0] =	ssyncadd.s32 @!p0 s1  }
0x16e: {  	[bflag:$0x3] =	sbarrier.arrive $0xFFFF  }
0x16f: {  	_ =	shalt  }

// kernel: kernel.8.cloned.1.call-start
scs
__scs_entry_jumppad:
0x0: {  	(pc) =	sbr.rel $0x88, $3  }
0x1: {  	(tag) =	ssettag $0x0;
	lr =	simm.s32 $0x1  }
0x2: {  	[smem:$0x3F99] =	sst lr;
	_ =	strace $0xD0000000  }
0x3: {  	_ = 	snop  }
0x4: {  	_ = 	snop  }
0x5: {  	_ = 	snop  }
0x6: {  	_ = 	snop  }
0x7: {  	_ = 	snop  }
__scs_overlays_trampoline_lowered:
0x8: {  	[smem:$0x3FA8] =	sst s0  }
0x9: {  	[smem:$0x3FA9] =	sst s1  }
0xa: {  	[smem:$0x3FAA] =	sst s2  }
0xb: {  	[smem:$0x3FAB] =	sst s3  }
0xc: {  	[smem:$0x3FAC] =	sst s4  }
0xd: {  	[smem:$0x3FAD] =	sst s5  }
0xe: {  	[smem:$0x3FAE] =	sst s6  }
0xf: {  	[smem:$0x3FAF] =	sst s7  }
0x10: {  	[smem:$0x3FB0] =	sst s8  }
0x11: {  	[smem:$0x3FB1] =	sst s9;
	s0 =	simm.s32 @!p0 $0x0  }
0x12: {  	s1 =	sld [smem:$0x3F97];
	s0 =	simm.s32 @p0 $0x1  }
0x13: {  	[smem:$0x3FB2] =	sst s0;
	s0 =	simm.s32 @!p1 $0x0  }
0x14: {  	s2 =	sld [smem:$0x3F96];
	s0 =	simm.s32 @p1 $0x1  }
0x15: {  	[smem:$0x3FB3] =	sst s0;
	s0 =	simm.s32 @!p2 $0x0  }
0x16: {  	s3 =	sld [smem:$0x3FDB];
	s0 =	simm.s32 @p2 $0x1  }
0x17: {  	s4 =	simm.s32 $0x1BF5;
	[smem:$0x3FB5] =	sst s0  }
0x18: {  	s0 =	sld [smem:$0x3F98];
	_ =	swait.ge [sflag:s4], $0x0  }
0x19: {  	s7 =	sld [smem:$0x3F99]  }
0x1a: {  	s8 =	sadd.s32 $0xFFFFE003, lr  }
0x1b: {  	s9 =	sadd.s32 $0xFFFFFEF7, lr;
	s5 =	simm.s32 $0xFFFFFFFF;
	p2 =	slt.u32 s8, $0xFFFFF086  }
0x1c: {  	p1 =	slt.u32 s9, $0xF7A;
	s5 =	simm.s32 @!p2 $0x0  }
0x1d: {  	s5 =	simm.s32 @p1 $0x1;
	p0 =	seq.s32 s7, s2  }
0x1e: {  	s7 =	smul.u32 @!p0 $0xF7A, s2;
	p2 =	seq.s32 @!p0 s5, $0x0  }
0x1f: {  	s9 =	smul.u32 $0xF7A, s1;
	s8 =	simm.s32 @!p0 $0x1BF5;
	p2 =	por !p2, p0  }
0x20: {  	[sflag:s8] =	ssyncset.s32 @!p0 $0xFFFFF086;
	s6 =	sadd.s32 @!p0 s3, s7;
	s7 =	simm.s32 @!p0 $0x108  }
0x21: {  	s3 =	sadd.s32 s3, s9;
	s6 =	sadd.s32 @!p0 $0x88, s6;
	s7 =	simm.s32 @p2 $0x1082  }
0x22: {  	[simem:s7], [sflag:s8] =	dma.local @!p0 [hbm:s6], $0xF7A  }
0x23: {  	s9 =	sor.u32 $0xD0000000, s2;
	s6 =	simm.s32 $0x108;
	_ =	swait.ge @!p0 [sflag:s8], $0x0  }
0x24: {  	s3 =	sadd.s32 $0x88, s3;
	s6 =	simm.s32 @!p1 $0x1082;
	[sflag:s4] =	ssyncset.s32 $0xFFFFF086  }
0x25: {  	[simem:s6], [sflag:s4] =	dma.local [hbm:s3], $0xF7A  }
0x26: {  	[smem:$0x3F99] =	sst s1;
	(tag) =	ssettag s2;
	_ =	strace s9  }
0x27: {  	s1 =	sld [smem:$0x3FA9]  }
0x28: {  	s2 =	sld [smem:$0x3FAA]  }
0x29: {  	s4 =	sld [smem:$0x3FAC]  }
0x2a: {  	p0 =	seq.s32 s5, $0x0;
	s5 =	sld [smem:$0x3FAD]  }
0x2b: {  	s6 =	sld [smem:$0x3FAE]  }
0x2c: {  	s7 =	sld [smem:$0x3FAF]  }
0x2d: {  	s3 =	simm.s32 $0x108;
	s8 =	sld [smem:$0x3FB0]  }
0x2e: {  	s3 =	simm.s32 @!p0 $0x1082;
	s9 =	sld [smem:$0x3FB1]  }
0x2f: {  	lr =	sadd.s32 s0, s3;
	s0 =	sld [smem:$0x3FA8]  }
0x30: {  	s3 =	sld [smem:$0x3FAB]  }
0x31: {  	[smem:$0x3FB4] =	sst s10  }
0x32: {  	s10 =	sld [smem:$0x3FB2];
	_ =	sdelay $0x3  }
0x33: {  	p0 =	seq.s32 s10, $0x1;
	s10 =	sld [smem:$0x3FB4];
	_ =	sdelay $0x3  }
0x34: {  	[smem:$0x3FB4] =	sst s10  }
0x35: {  	s10 =	sld [smem:$0x3FB3];
	_ =	sdelay $0x3  }
0x36: {  	p1 =	seq.s32 s10, $0x1;
	s10 =	sld [smem:$0x3FB4];
	_ =	sdelay $0x3  }
0x37: {  	[smem:$0x3FB4] =	sst s10  }
0x38: {  	s10 =	sld [smem:$0x3FB5]  }
0x39: {  	_ = 	snop;
	(pc) =	sbr.ind lr, $3  }
0x3a: {  	_ = 	snop  }
0x3b: {  	_ = 	snop  }
0x3c: {  	p2 =	seq.s32 s10, $0x1;
	s10 =	sld [smem:$0x3FB4]  }
0x3d: {  	_ =	shalt  }
0x3e: {  	_ =	shalt  }
0x3f: {  	_ =	shalt  }
0x40: {  	_ =	shalt  }
0x41: {  	_ =	shalt  }
0x42: {  	_ =	shalt  }
0x43: {  	_ =	shalt  }
0x44: {  	_ =	shalt  }
0x45: {  	_ =	shalt  }
0x46: {  	_ =	shalt  }
0x47: {  	_ =	shalt  }
0x48: {  	_ =	shalt  }
0x49: {  	_ =	shalt  }
0x4a: {  	_ =	shalt  }
0x4b: {  	_ =	shalt  }
0x4c: {  	_ =	shalt  }
0x4d: {  	_ =	shalt  }
0x4e: {  	_ =	shalt  }
0x4f: {  	_ =	shalt  }
0x50: {  	_ =	shalt  }
0x51: {  	_ =	shalt  }
0x52: {  	_ =	shalt  }
0x53: {  	_ =	shalt  }
0x54: {  	_ =	shalt  }
0x55: {  	_ =	shalt  }
0x56: {  	_ =	shalt  }
0x57: {  	_ =	shalt  }
0x58: {  	_ =	shalt  }
0x59: {  	_ =	shalt  }
0x5a: {  	_ =	shalt  }
0x5b: {  	_ =	shalt  }
0x5c: {  	_ =	shalt  }
0x5d: {  	_ =	shalt  }
0x5e: {  	_ =	shalt  }
0x5f: {  	_ =	shalt  }
0x60: {  	_ =	shalt  }
0x61: {  	_ =	shalt  }
0x62: {  	_ =	shalt  }
0x63: {  	_ =	shalt  }
0x64: {  	_ =	shalt  }
0x65: {  	_ =	shalt  }
0x66: {  	_ =	shalt  }
0x67: {  	_ =	shalt  }
0x68: {  	_ =	shalt  }
0x69: {  	_ =	shalt  }
0x6a: {  	_ =	shalt  }
0x6b: {  	_ =	shalt  }
0x6c: {  	_ =	shalt  }
0x6d: {  	_ =	shalt  }
0x6e: {  	_ =	shalt  }
0x6f: {  	_ =	shalt  }
0x70: {  	_ =	shalt  }
0x71: {  	_ =	shalt  }
0x72: {  	_ =	shalt  }
0x73: {  	_ =	shalt  }
0x74: {  	_ =	shalt  }
0x75: {  	_ =	shalt  }
0x76: {  	_ =	shalt  }
0x77: {  	_ =	shalt  }
0x78: {  	_ =	shalt  }
0x79: {  	_ =	shalt  }
0x7a: {  	_ =	shalt  }
0x7b: {  	_ =	shalt  }
0x7c: {  	_ =	shalt  }
0x7d: {  	_ =	shalt  }
0x7e: {  	_ =	shalt  }
0x7f: {  	_ =	shalt  }
0x80: {  	_ =	shalt  }
0x81: {  	_ =	shalt  }
0x82: {  	_ =	shalt  }
0x83: {  	_ =	shalt  }
0x84: {  	_ =	shalt  }
0x85: {  	_ =	shalt  }
0x86: {  	_ =	shalt  }
0x87: {  	_ =	shalt  }
.Lfunc_end0:
.L_simem_size_0:
called_computation_lowered:
.L_overlay_start_0:
0x88: {  	s2 =	sld [smem:$0x3FD9]  }
0x89: {  	s3 =	sld [smem:$0x3FFE];
	_ =	sdelay $0x1  }
0x8a: {  	s1 =	srdreg.scid  }
0x8b: {  	s0 =	sand.u32 $0x1, s1  }
0x8c: {  	s16 =	sshll.u32 s0, $0xA;
	s2 =	sadd.s32 s3, s2  }
0x8d: {  	s2 =	sadd.s32 s2, s16  }
0x8e: {  	[smem:$0x3FC0] =	sst s2  }
0x8f: {  	_ = 	snop  }
0x90: {  	(tm) =	ssettm $0x1  }
0x91: {  	s17 =	sld [smem:$0x3FFB];
	_ =	sdelay $0x3  }
0x92: {  	_ =	strace s17  }
0x93: {  	s2 =	sld [smem:$0x3FFC];
	_ =	sdelay $0x3  }
0x94: {  	_ =	strace s2  }
0x95: {  	s2 =	sld [smem:$0x3FFD];
	_ =	sdelay $0x3  }
0x96: {  	_ =	strace s2  }
0x97: {  	_ =	strace $0x8FFFFFFF  }
0x98: {  	s18 =	sld [smem:$0x3FDB];
	_ =	sdelay $0x1  }
0x99: {  	s19 =	simm.s32 $_scs_section_size  }
0x9a: {  	s4 =	simm.s32 $_size__tile_overlayer_lowered;
	s5 =	simm.s32 $_tile_overlayer_lowered  }
0x9b: {  	s22 =	simm.s32 $0x1BFF;
	s21 =	sshll.u32 s5, $0x1;
	s2 =	sadd.s32 s19, s18  }
0x9c: {  	s6 =	simm.s32 $0x0;
	s20 =	sshll.u32 s4, $0x1;
	s4 =	sadd.s32 s21, s2  }
0x9d: {  	[timem:s6], [sflag:s22] =	dma.local [hbm:s4], s20  }
0x9e: {  	_ =	swait.ge [sflag:s22], s20  }
0x9f: {  	s3 =	ssub.s32 $0x0, s20;
	[sflag:s22] =	ssyncset.done $0x0  }
0xa0: {  	[sflag:s22] =	ssyncadd.s32 s3;
	_ =	sdelay $0x1  }
0xa1: {  	s23 =	simm.s32 $0x1B8B  }
0xa2: {  	_ =	swait.ge [sflag:s23], $0x1  }
0xa3: {  	[sflag:s23] =	ssyncset.done $0x0  }
0xa4: {  	s25 =	simm.s32 $0x1B8E;
	s24 =	sld [smem:$0x3FFE];
	[sflag:s23] =	ssyncadd.s32 $0xFFFFFFFF  }
0xa5: {  	s26 =	simm.s32 $execute0_lowered;
	[smem:$0x3FD2] =	sst s25  }
0xa6: {  	s4 =	sshll.u32 s26, $0x1;
	_ =	strace $0x80000046;
	[dreg:$0x1] =	wrdreg $0xFFFFFFFF  }
0xa7: {  	s28 =	simm.s32 $_size_execute0_lowered;
	s2 =	sadd.s32 s2, s4;
	[dreg:$0x0] =	wrdreg $0x0  }
0xa8: {  	s4 =	sshll.u32 s28, $0x1;
	[dreg:$0x2] =	wrdreg s2  }
0xa9: {  	[dreg:$0x3] =	wrdreg s4  }
0xaa: {  	[dreg:$0x4] =	wrdreg $0xC0  }
0xab: {  	_ =	task [dreg:s6], $0x5FFFF  }
0xac: {  	[dreg:$0x1] =	wrdreg $0xFFFFFFFF  }
0xad: {  	[dreg:$0x0] =	wrdreg $0x60  }
0xae: {  	[dreg:$0x2] =	wrdreg s24  }
0xaf: {  	[dreg:$0x3] =	wrdreg $0x0  }
0xb0: {  	[dreg:$0x4] =	wrdreg $0x9  }
0xb1: {  	_ =	task.clear_ibuf [dreg:s6], $0x5FFFF;
	_ =	strace $0x90000046  }
0xb2: {  	s29 =	simm.s32 $0x9;
	_ =	strace $0x80000048  }
0xb3: {  	_ =	swait.ge [sflag:s29], $0x1  }
0xb4: {  	[sflag:s29] =	ssyncadd.s32 $0xFFFFFFFF  }
0xb5: {  	_ =	strace $0x90000048  }
0xb6: {  	_ =	sfence  }
0xb7: {  	s30 =	sld [smem:$0x0];
	_ =	sdelay $0x2  }
0xb8: {  	s31 =	sshll.u32 s1, $0xD;
	s1 =	sshrl.u32 s1, $0x2  }
0xb9: {  	s3 =	sand.u32 $0x4000, s31;
	s1 =	sadd.s32 s1, s30  }
0xba: {  	s0 =	sor.u32 s3, s0;
	s1 =	sshll.u32 s1, $0x11  }
0xbb: {  	s0 =	sor.u32 s1, s0  }
0xbc: {  	s0 =	sadd.s32 $0x8F2B, s0  }
0xbd: {  	[sflag:s0] =	ssyncadd.remote.s32 $0x1  }
0xbe: {  	_ =	sfence.sel $0xFFFF  }
0xbf: {  	[dreg:$0x0] =	wrdreg $0xFFFFFFFF;
	(pc) =	sbr.abs _section_cstart, $3  }
0xc0: {  	[dreg:$0x1] =	wrdreg $0xFFFFFFFF  }
0xc1: {  	_ =	task.clear_ibuf [dreg:s6], $0x2FFFF;
	_ =	strace $0x9FFFFFFF  }
0xc2: {  	(tm) =	ssettm $0x7FFFFFFF  }
0xc3: {  	_ =	shalt  }
tec
execute0_lowered:
.L_overlay_start_1:
0x0: {  	(tag) =	ssettag $0x1  }
0x1: {  	s0 =	rddreg [dreg:$0x0]  }
0x2: {  	s2 =	rddreg [dreg:$0x1];
	s3 =	simm.s32 $0x0;
	s1 =	srdreg.scid  }
0x3: {  	s10 =	stileid.u32;
	s28 =	simm.s32 $0x5;
	s30 =	simm.s32 $0x6  }
0x4: {  	s31 =	simm.s32 $0x7;
	s29 =	simm.s32 $0x800;
	s4 =	smul.u32 $0x500, s10  }
0x5: {  	[smem:$0x7FF] =	sst s3;
	s1 =	sand.u32 $0x1, s1;
	s17 =	smul.u32 $0xA00, s10  }
0x6: {  	s6 =	sshll.u32 s10, $0x1;
	s11 =	sadd.s32 $0x2E00, s0;
	s23 =	smul.u32 $0x4EC0, s10  }
0x7: {  	_ =	strace $0x80000047;
	s5 =	sshll.u32 s1, $0x7;
	s16 =	sor.u32 s1, s6  }
0x8: {  	s7 =	ssub.s32 $0x2, s1;
	s1 =	smul.u32 $0x2760, s1;
	[dreg:$0x3] =	wrdreg s11  }
0x9: {  	s4 =	sor.u32 s5, s4;
	s8 =	smul.u32 $0x2760, s16;
	s18 =	sshrl.u32 s7, $0x1  }
0xa: {  	s6 =	sshrl.u32 s17, $0x2;
	s5 =	smul.u32 $0x4EC, s16;
	s4 =	sshrl.u32 s4, $0x3  }
0xb: {  	s1 =	sadd.s32 s1, s23;
	s0 =	sadd.s32 s4, s0;
	s9 =	sadd.s32 $0x78, s8  }
0xc: {  	s4 =	ssub.s32 s7, s18;
	s18 =	sadd.s32 s6, s2;
	s5 =	sadd.s32 s11, s5  }
0xd: {  	s21 =	sshrl.u32 s8, $0x3;
	s22 =	sadd.s32 $0x168, s8;
	s8 =	sadd.s32 $0x258, s8  }
0xe: {  	s10 =	sadd.s32 $0x690, s1;
	s12 =	sadd.s32 $0x618, s1;
	s16 =	sadd.s32 $0x5A0, s1  }
0xf: {  	s17 =	sadd.s32 $0x528, s1;
	s23 =	sadd.s32 $0x438, s1;
	s19 =	sshrl.u32 s9, $0x3  }
0x10: {  	[dreg:$0x5] =	wrdreg s5;
	s5 =	sadd.s32 s11, s21;
	s6 =	sshrl.u32 s22, $0x3  }
0x11: {  	s25 =	sshrl.u32 s8, $0x3;
	s0 =	sadd.s32 $0x16A00, s0;
	[dreg:$0x12] =	wrdreg s16  }
0x12: {  	s4 =	smax.u32 s4, $0x1;
	s9 =	sadd.s32 $0x708, s1;
	[dreg:$0x4] =	wrdreg s18  }
0x13: {  	s13 =	sshrl.u32 s10, $0x3;
	s14 =	sshrl.u32 s12, $0x3;
	[dreg:$0xb] =	wrdreg s0  }
0x14: {  	s16 =	simm.s32 $0xC;
	s20 =	sadd.s32 s11, s19;
	[dreg:$0xc] =	wrdreg s4  }
0x15: {  	s10 =	simm.s32 $0x1;
	s24 =	sadd.s32 $0x1E, s5;
	[dreg:$0x6] =	wrdreg s20  }
0x16: {  	s12 =	simm.s32 $0xB00;
	s6 =	sadd.s32 s11, s6;
	[dreg:$0x7] =	wrdreg s24  }
0x17: {  	s5 =	sadd.s32 $0x3C, s5;
	s26 =	sadd.s32 s11, s25;
	[dreg:$0x8] =	wrdreg s6  }
0x18: {  	s15 =	sadd.s32 s14, s11;
	s19 =	sadd.s32 $0x4B0, s1;
	[dreg:$0x9] =	wrdreg s5  }
0x19: {  	s14 =	simm.s32 $0xB;
	[dreg:$0xa] =	wrdreg s26;
	s5 =	sadd.s32 $0x7F8, s1  }
0x1a: {  	s6 =	sadd.s32 $0x780, s1;
	[dreg:$0x11] =	wrdreg s15;
	s20 =	sadd.s32 $0x348, s1  }
0x1b: {  	s4 =	sshrl.u32 s19, $0x3;
	s24 =	sadd.s32 $0x3C0, s1;
	s1 =	sadd.s32 $0x2D0, s1  }
0x1c: {  	s19 =	simm.s32 $0x4;
	s15 =	simm.s32 $0x11;
	s0 =	sshrl.u32 s5, $0x3  }
0x1d: {  	s7 =	sshrl.u32 s6, $0x3;
	s5 =	sshrl.u32 s20, $0x3;
	s21 =	sadd.s32 s4, s11  }
0x1e: {  	s4 =	sshrl.u32 s24, $0x3;
	s1 =	sshrl.u32 s1, $0x3;
	s24 =	simm.s32 $0xB00  }
0x1f: {  	s6 =	simm.s32 $0x0;
	s0 =	sadd.s32 s0, s11;
	[dreg:$0x14] =	wrdreg s21  }
0x20: {  	s8 =	sadd.s32 s7, s11;
	s22 =	sadd.s32 s5, s11;
	[dreg:$0xd] =	wrdreg s0  }
0x21: {  	s25 =	sadd.s32 s4, s11;
	s26 =	sadd.s32 s1, s11;
	[dreg:$0xe] =	wrdreg s8  }
0x22: {  	s7 =	simm.s32 $0x78;
	s0 =	sshrl.u32 s9, $0x3;
	[dreg:$0x15] =	wrdreg s22  }
0x23: {  	s5 =	simm.s32 $0x9;
	[dreg:$0x17] =	wrdreg s25;
	s0 =	sadd.s32 s0, s11  }
0x24: {  	s4 =	simm.s32 $0xF;
	[dreg:$0xf] =	wrdreg s0;
	s0 =	sadd.s32 s13, s11  }
.Ltmp0:
0x25: {  	[dreg:$0x10] =	wrdreg s0;
	s0 =	sshrl.u32 s17, $0x3;
	(pc) =	sbr.rel .LBB2_1-.Ltmp0, $4  }
0x26: {  	[dreg:$0x18] =	wrdreg s26;
	s9 =	simm.s32 $0x19;
	s0 =	sadd.s32 s0, s11  }
0x27: {  	s8 =	simm.s32 $0x280;
	[dreg:$0x13] =	wrdreg s0;
	s0 =	sshrl.u32 s23, $0x3  }
0x28: {  	s13 =	simm.s32 $0x800;
	s17 =	simm.s32 $0x12;
	s0 =	sadd.s32 s0, s11  }
0x29: {  	v0 =	vimm.f32 $1.000000000e+00;
	v1 =	vimm.f32 $0.0e+00;
	s23 =	simm.s32 $0x780;
	[dreg:$0x16] =	wrdreg s0;
	s0 =	simm.s32 $0xD  }
.LBB2_4:
0x2a: {  	_ =	swait.ge [sflag:s16], $0x78  }
0x2b: {  	[sflag:s16] =	ssyncset.done $0x0  }
0x2c: {  	[sflag:s16] =	ssyncadd.s32 $0xFFFFFF88  }
0x2d: {  	_ =	swait.ge [sflag:s17], $0x78  }
0x2e: {  	[sflag:s17] =	ssyncset.done $0x0  }
0x2f: {  	s1 =	simm.s32 $0x13;
	[sflag:s17] =	ssyncadd.s32 $0xFFFFFF88  }
0x30: {  	[spmem:s2] =	stream.indirect.scatter.add.f32 [tilespmem:s8], [sflag:$0x18], $0x1, s12, s7, $0xb8;
	[tilespmem:$0xB80] =	vst v63  }
0x31: {  	_ =	swait.ge [sflag:s1], $0x78  }
0x32: {  	[sflag:s1] =	ssyncset.done $0x0  }
0x33: {  	s18 =	simm.s32 $0x14;
	[sflag:s1] =	ssyncadd.s32 $0xFFFFFF88  }
0x34: {  	_ =	swait.ge [sflag:s18], $0x78  }
0x35: {  	[sflag:s18] =	ssyncset.done $0x0  }
0x36: {  	s20 =	simm.s32 $0x15;
	[sflag:s18] =	ssyncadd.s32 $0xFFFFFF88  }
0x37: {  	_ =	swait.ge [sflag:s20], $0x78  }
0x38: {  	[sflag:s20] =	ssyncset.done $0x0  }
0x39: {  	s21 =	simm.s32 $0x16;
	[sflag:s20] =	ssyncadd.s32 $0xFFFFFF88  }
0x3a: {  	_ =	swait.ge [sflag:s21], $0x78  }
0x3b: {  	[sflag:s21] =	ssyncset.done $0x0  }
0x3c: {  	s22 =	simm.s32 $0x17;
	[sflag:s21] =	ssyncadd.s32 $0xFFFFFF88  }
0x3d: {  	_ =	swait.ge [sflag:s22], $0x78  }
0x3e: {  	[sflag:s22] =	ssyncset.done $0x0  }
0x3f: {  	s23 =	simm.s32 $0x18;
	[sflag:s22] =	ssyncadd.s32 $0xFFFFFF88  }
0x40: {  	_ =	swait.ge [sflag:s23], $0x78  }
0x41: {  	[sflag:s23] =	ssyncset.done $0x0  }
0x42: {  	[sflag:s23] =	ssyncadd.s32 $0xFFFFFF88  }
0x43: {  	s24 =	stileid.u32;
	s6 =	simm.s32 $0x20;
	[bflag:$0x0] =	sbarrier.arrive $0xFFFF  }
0x44: {  	s11 =	simm.s32 $0x10;
	s1 =	sshll.u32 s24, $0x6;
	s18 =	rddreg [dreg:$0x4]  }
0x45: {  	s1 =	sor.u32 $0x1C19, s1;
	s20 =	rddreg [dreg:$0xb];
	s9 =	sshrl.u32 s18, $0x3  }
0x46: {  	[hbm:s20@s6], [sflag:s1] =	dma.strided [spmem:s9@s11], $0x50, s10, $0x10   }
0x47: {  	s9 =	simm.s32 $0x19  }
0x48: {  	_ =	swait.ge [sflag:s9], $0x50  }
0x49: {  	s25 =	rddreg [dreg:$0x19]  }
0x4a: {  	s26 =	rddreg [dreg:$0xc];
	s6 =	sadd.s32 $0x1, s25  }
0x4b: {  	p0 =	sne.s32 s6, s26  }
.Ltmp1:
0x4c: {  	_ = 	snop;
	(pc) =	sbr.rel @!p0 .LBB2_5-.Ltmp1, $3  }
0x4d: {  	_ =	sdelay $0x1  }
0x4e: {  	s13 =	simm.s32 $0x800;
	[sflag:s9] =	ssyncset.done $0x0  }
0x4f: {  	s24 =	simm.s32 $0xB00;
	s23 =	simm.s32 $0x780;
	[sflag:s9] =	ssyncadd.s32 $0xFFFFFFB0  }
.LBB2_1:
0x50: {  	[tilespmem:$0x280] =	vst v0  }
0x51: {  	[tilespmem:$0x290] =	vst v0  }
0x52: {  	[tilespmem:$0x2A0] =	vst v0  }
0x53: {  	[tilespmem:$0x2B0] =	vst v0  }
0x54: {  	[tilespmem:$0x2C0] =	vst v0  }
0x55: {  	[tilespmem:$0x2D0] =	vst v0  }
0x56: {  	[tilespmem:$0x2E0] =	vst v0  }
0x57: {  	[tilespmem:$0x300] =	vst v1  }
0x58: {  	[tilespmem:$0x310] =	vst v1  }
0x59: {  	[tilespmem:$0x320] =	vst v1  }
0x5a: {  	[tilespmem:$0x330] =	vst v1  }
0x5b: {  	[tilespmem:$0x340] =	vst v1  }
0x5c: {  	[tilespmem:$0x350] =	vst v1  }
0x5d: {  	[tilespmem:$0x360] =	vst v1  }
0x5e: {  	[tilespmem:$0x370] =	vst v1  }
0x5f: {  	[tilespmem:$0x380] =	vst v1  }
0x60: {  	[tilespmem:$0x390] =	vst v1  }
0x61: {  	[tilespmem:$0x3A0] =	vst v1  }
0x62: {  	[tilespmem:$0x3B0] =	vst v1  }
0x63: {  	[tilespmem:$0x3C0] =	vst v1  }
0x64: {  	[tilespmem:$0x3D0] =	vst v1  }
0x65: {  	[tilespmem:$0x3E0] =	vst v1  }
0x66: {  	[tilespmem:$0x3F0] =	vst v1  }
0x67: {  	[tilespmem:$0x400] =	vst v1  }
0x68: {  	[tilespmem:$0x410] =	vst v1  }
0x69: {  	[tilespmem:$0x420] =	vst v1  }
0x6a: {  	[tilespmem:$0x430] =	vst v1  }
0x6b: {  	[tilespmem:$0x440] =	vst v1  }
0x6c: {  	[tilespmem:$0x450] =	vst v1  }
0x6d: {  	[tilespmem:$0x460] =	vst v1  }
0x6e: {  	[tilespmem:$0x470] =	vst v1  }
0x6f: {  	[tilespmem:$0x480] =	vst v1  }
0x70: {  	[tilespmem:$0x490] =	vst v1  }
0x71: {  	[tilespmem:$0x4A0] =	vst v1  }
0x72: {  	[tilespmem:$0x4B0] =	vst v1  }
0x73: {  	[tilespmem:$0x4C0] =	vst v1  }
0x74: {  	[tilespmem:$0x4D0] =	vst v1  }
0x75: {  	[tilespmem:$0x4E0] =	vst v1  }
0x76: {  	[tilespmem:$0x4F0] =	vst v1  }
0x77: {  	[tilespmem:$0x500] =	vst v1  }
0x78: {  	[tilespmem:$0x510] =	vst v1  }
0x79: {  	[tilespmem:$0x520] =	vst v1  }
0x7a: {  	[tilespmem:$0x530] =	vst v1  }
0x7b: {  	[tilespmem:$0x540] =	vst v1  }
0x7c: {  	[tilespmem:$0x550] =	vst v1  }
0x7d: {  	[tilespmem:$0x560] =	vst v1  }
0x7e: {  	[tilespmem:$0x570] =	vst v1  }
0x7f: {  	[dreg:$0x19] =	wrdreg s6;
	s1 =	simm.s32 $0x300;
	[tilespmem:$0x2E8] =	vst v0  }
0x80: {  	[spmem:s18] =	stream.linear.scatter [tilespmem:s1], [sflag:$0x19], $0x280, $0x38;
	[tilespmem:$0xB80] =	vst v63  }
0x81: {  	_ =	swait.ge [sflag:s9], $0x280  }
0x82: {  	[sflag:s9] =	ssyncset.done $0x0  }
0x83: {  	[sflag:s9] =	ssyncadd.s32 $0xFFFFFD80  }
0x84: {  	[bflag:$0x0] =	sbarrier.arrive $0xFFFF  }
0x85: {  	s26 =	rddreg [dreg:$0x5]  }
0x86: {  	s6 =	simm.s32 $0x580;
	s9 =	rddreg [dreg:$0x6]  }
0x87: {  	[tilespmem:s6], [sflag:$0x1] =	stream.linear.gather [hbm4b:s26+s3], $0x78, $0x38;
	[tilespmem:$0xB80] =	vst v63  }
0x88: {  	s11 =	simm.s32 $0x600;
	s18 =	rddreg [dreg:$0x7]  }
0x89: {  	[tilespmem:s11], [sflag:$0x2] =	stream.linear.gather [hbm4b:s9+s3], $0x78, $0x38;
	[tilespmem:$0xB80] =	vst v63  }
0x8a: {  	s20 =	simm.s32 $0x680;
	s21 =	rddreg [dreg:$0x8]  }
0x8b: {  	[tilespmem:s20], [sflag:$0x3] =	stream.linear.gather [hbm4b:s18+s3], $0x78, $0x38;
	[tilespmem:$0xB80] =	vst v63  }
0x8c: {  	s22 =	simm.s32 $0x700;
	s25 =	rddreg [dreg:$0x9]  }
0x8d: {  	[tilespmem:s22], [sflag:$0x4] =	stream.linear.gather [hbm4b:s21+s3], $0x78, $0x38;
	[tilespmem:$0xB80] =	vst v63  }
0x8e: {  	s26 =	rddreg [dreg:$0xa]  }
0x8f: {  	[tilespmem:s23], [sflag:$0x5] =	stream.linear.gather [hbm4b:s25+s3], $0x78, $0x38;
	[tilespmem:$0xB80] =	vst v63  }
0x90: {  	s18 =	simm.s32 $0x3;
	s20 =	rddreg [dreg:$0x12];
	s21 =	simm.s32 $0x0  }
0x91: {  	[tilespmem:s13], [sflag:$0x6] =	stream.linear.gather [hbm4b:s26+s3], $0x78, $0x38;
	[tilespmem:$0xB80] =	vst v63  }
.LBB2_2:
0x92: {  	s1 =	simm.s32 $0x1  }
0x93: {  	_ =	swait.ge [sflag:s1], $0x78  }
0x94: {  	p0 =	seq.s32 s21, $0x0;
	[sflag:s1] =	ssyncset.done $0x0  }
0x95: {  	s22 =	simm.s32 @!p0 $0x13;
	[sflag:s1] =	ssyncadd.s32 $0xFFFFFF88  }
0x96: {  	_ =	swait.ge @!p0 [sflag:s22], $0x78  }
0x97: {  	[sflag:s22] =	ssyncset.done @!p0 $0x0  }
0x98: {  	s25 =	simm.s32 $0x580;
	s26 =	rddreg [dreg:$0x18];
	[sflag:s22] =	ssyncadd.s32 @!p0 $0xFFFFFF88  }
0x99: {  	[spmem:s2] =	stream.indirect.scatter.add.f32 [tilespmem:s8], [sflag:$0xD], $0x1, s25, s7, $0xb8;
	[tilespmem:$0xB80] =	vst v63  }
0x9a: {  	s9 =	simm.s32 $0x880;
	s6 =	simm.s32 $0x2;
	s1 =	sadd.s32 s21, s26  }
0x9b: {  	[tilespmem:s9], [sflag:$0x7] =	stream.linear.gather [hbm4b:s1+s3], $0x78, $0x38;
	[tilespmem:$0xB80] =	vst v63  }
0x9c: {  	_ =	swait.ge [sflag:s6], $0x78  }
0x9d: {  	[sflag:s6] =	ssyncset.done $0x0  }
0x9e: {  	s22 =	simm.s32 @!p0 $0x14;
	[sflag:s6] =	ssyncadd.s32 $0xFFFFFF88  }
0x9f: {  	_ =	swait.ge @!p0 [sflag:s22], $0x78  }
0xa0: {  	[sflag:s22] =	ssyncset.done @!p0 $0x0  }
0xa1: {  	s11 =	simm.s32 $0x600;
	[sflag:s22] =	ssyncadd.s32 @!p0 $0xFFFFFF88;
	s22 =	rddreg [dreg:$0x15]  }
0xa2: {  	[spmem:s2] =	stream.indirect.scatter.add.f32 [tilespmem:s8], [sflag:$0xE], $0x1, s11, s7, $0xb8;
	[tilespmem:$0xB80] =	vst v63  }
0xa3: {  	s26 =	simm.s32 $0x900;
	s25 =	sadd.s32 s21, s22;
	s11 =	simm.s32 $0x3  }
0xa4: {  	[tilespmem:s26], [sflag:$0x8] =	stream.linear.gather [hbm4b:s25+s3], $0x78, $0x38;
	[tilespmem:$0xB80] =	vst v63  }
0xa5: {  	s6 =	sadd.s32 $0xFFFFFFFF, s18;
	_ =	swait.ge [sflag:s11], $0x78  }
0xa6: {  	p1 =	slt.u32 s6, $0x6;
	[sflag:s11] =	ssyncset.done $0x0  }
0xa7: {  	s22 =	simm.s32 @!p1 $0x15;
	[sflag:s11] =	ssyncadd.s32 $0xFFFFFF88  }
0xa8: {  	_ =	swait.ge @!p1 [sflag:s22], $0x78  }
0xa9: {  	[sflag:s22] =	ssyncset.done @!p1 $0x0  }
0xaa: {  	s25 =	simm.s32 $0x680;
	s26 =	rddreg [dreg:$0x17];
	[sflag:s22] =	ssyncadd.s32 @!p1 $0xFFFFFF88  }
0xab: {  	[spmem:s2] =	stream.indirect.scatter.add.f32 [tilespmem:s8], [sflag:$0xF], $0x1, s25, s7, $0xb8;
	[tilespmem:$0xB80] =	vst v63  }
0xac: {  	s11 =	simm.s32 $0x980;
	s6 =	sadd.s32 s21, s26  }
0xad: {  	[tilespmem:s11], [sflag:$0x9] =	stream.linear.gather [hbm4b:s6+s3], $0x78, $0x38;
	[tilespmem:$0xB80] =	vst v63  }
0xae: {  	_ =	swait.ge [sflag:s19], $0x78  }
0xaf: {  	p1 =	slt.u32 s18, $0x6;
	[sflag:s19] =	ssyncset.done $0x0  }
0xb0: {  	s22 =	simm.s32 @!p1 $0x16;
	[sflag:s19] =	ssyncadd.s32 $0xFFFFFF88  }
0xb1: {  	_ =	swait.ge @!p1 [sflag:s22], $0x78  }
0xb2: {  	[sflag:s22] =	ssyncset.done @!p1 $0x0  }
0xb3: {  	s25 =	simm.s32 $0x700;
	s26 =	rddreg [dreg:$0x16];
	[sflag:s22] =	ssyncadd.s32 @!p1 $0xFFFFFF88  }
0xb4: {  	[spmem:s2] =	stream.indirect.scatter.add.f32 [tilespmem:s8], [sflag:$0x10], $0x1, s25, s7, $0xb8;
	[tilespmem:$0xB80] =	vst v63  }
0xb5: {  	s6 =	simm.s32 $0xA00;
	s1 =	sadd.s32 s21, s26  }
0xb6: {  	[tilespmem:s6], [sflag:$0xA] =	stream.linear.gather [hbm4b:s1+s3], $0x78, $0x38;
	[tilespmem:$0xB80] =	vst v63  }
0xb7: {  	_ =	swait.ge [sflag:s28], $0x78  }
0xb8: {  	[sflag:s28] =	ssyncset.done $0x0  }
0xb9: {  	s22 =	simm.s32 @!p0 $0x17;
	[sflag:s28] =	ssyncadd.s32 $0xFFFFFF88  }
0xba: {  	_ =	swait.ge @!p0 [sflag:s22], $0x78  }
0xbb: {  	[sflag:s22] =	ssyncset.done @!p0 $0x0  }
0xbc: {  	[sflag:s22] =	ssyncadd.s32 @!p0 $0xFFFFFF88;
	s22 =	rddreg [dreg:$0x14]  }
0xbd: {  	[spmem:s2] =	stream.indirect.scatter.add.f32 [tilespmem:s8], [sflag:$0x11], $0x1, s23, s7, $0xb8;
	[tilespmem:$0xB80] =	vst v63  }
0xbe: {  	s6 =	simm.s32 $0xA80;
	s23 =	sadd.s32 s21, s22  }
0xbf: {  	[tilespmem:s6], [sflag:$0xB] =	stream.linear.gather [hbm4b:s23+s3], $0x78, $0x38;
	[tilespmem:$0xB80] =	vst v63  }
0xc0: {  	_ =	swait.ge [sflag:s30], $0x78  }
0xc1: {  	[sflag:s30] =	ssyncset.done $0x0  }
0xc2: {  	s22 =	simm.s32 @!p0 $0x18;
	[sflag:s30] =	ssyncadd.s32 $0xFFFFFF88  }
0xc3: {  	_ =	swait.ge @!p0 [sflag:s22], $0x78  }
0xc4: {  	[sflag:s22] =	ssyncset.done @!p0 $0x0  }
0xc5: {  	s25 =	rddreg [dreg:$0x13];
	[sflag:s22] =	ssyncadd.s32 @!p0 $0xFFFFFF88  }
0xc6: {  	[spmem:s2] =	stream.indirect.scatter.add.f32 [tilespmem:s8], [sflag:$0x12], $0x1, s13, s7, $0xb8;
	[tilespmem:$0xB80] =	vst v63  }
0xc7: {  	s26 =	sadd.s32 s21, s25  }
0xc8: {  	[tilespmem:s24], [sflag:$0xC] =	stream.linear.gather [hbm4b:s26+s3], $0x78, $0x38;
	[tilespmem:$0xB80] =	vst v63  }
0xc9: {  	_ =	swait.ge [sflag:s31], $0x78  }
0xca: {  	[sflag:s31] =	ssyncset.done $0x0  }
0xcb: {  	[sflag:s31] =	ssyncadd.s32 $0xFFFFFF88  }
0xcc: {  	_ =	swait.ge [sflag:s0], $0x78  }
0xcd: {  	p0 =	seq.s32 s21, $0x438;
	[sflag:s0] =	ssyncset.done $0x0  }
0xce: {  	s22 =	simm.s32 @p0 $0x8;
	[sflag:s0] =	ssyncadd.s32 $0xFFFFFF88  }
0xcf: {  	[spmem:s2] =	stream.indirect.scatter.add.f32 [tilespmem:s8], [sflag:$0x13], $0x1, s9, s7, $0xb8;
	[tilespmem:$0xB80] =	vst v63  }
0xd0: {  	_ =	swait.ge @p0 [sflag:s22], $0x78  }
0xd1: {  	[sflag:s22] =	ssyncset.done @p0 $0x0  }
0xd2: {  	[sflag:s22] =	ssyncadd.s32 @p0 $0xFFFFFF88;
	s22 =	simm.s32 @p0 $0xE  }
0xd3: {  	_ =	swait.ge @p0 [sflag:s22], $0x78  }
0xd4: {  	s23 =	simm.s32 @p0 $0x900;
	[sflag:s22] =	ssyncset.done @p0 $0x0  }
0xd5: {  	s24 =	simm.s32 @p0 $0x280;
	[sflag:s22] =	ssyncadd.s32 @p0 $0xFFFFFF88;
	s22 =	simm.s32 @p0 $0x78  }
0xd6: {  	[spmem:s2] =	stream.indirect.scatter.add.f32 @p0 [tilespmem:s24], [sflag:$0x14], $0x1, s23, s22, $0xb8;
	[tilespmem:$0xB80] =	vst v63  }
0xd7: {  	s1 =	rddreg [dreg:$0x3];
	s23 =	sshrl.u32 @!p0 s20, $0x3  }
0xd8: {  	s25 =	simm.s32 @!p0 $0x0;
	s23 =	sadd.s32 @!p0 s1, s23;
	s1 =	simm.s32 @!p0 $0x580  }
0xd9: {  	[tilespmem:s1], [sflag:$0x1] =	stream.linear.gather @!p0 [hbm4b:s23+s25], $0x78, $0x38;
	[tilespmem:$0xB80] =	vst v63  }
0xda: {  	s1 =	simm.s32 @!p0 $0x8  }
0xdb: {  	_ =	swait.ge @!p0 [sflag:s1], $0x78  }
0xdc: {  	[sflag:s1] =	ssyncset.done @!p0 $0x0  }
0xdd: {  	[sflag:s1] =	ssyncadd.s32 @!p0 $0xFFFFFF88;
	s1 =	simm.s32 @!p0 $0xE  }
0xde: {  	_ =	swait.ge @!p0 [sflag:s1], $0x78  }
0xdf: {  	s26 =	simm.s32 @!p0 $0x280;
	s23 =	simm.s32 @!p0 $0x900;
	[sflag:s1] =	ssyncset.done @!p0 $0x0  }
0xe0: {  	s9 =	rddreg [dreg:$0x11];
	[sflag:s1] =	ssyncadd.s32 @!p0 $0xFFFFFF88;
	s1 =	simm.s32 @!p0 $0x78  }
0xe1: {  	[spmem:s2] =	stream.indirect.scatter.add.f32 @!p0 [tilespmem:s26], [sflag:$0x14], $0x1, s23, s1, $0xb8;
	[tilespmem:$0xB80] =	vst v63  }
0xe2: {  	s23 =	sadd.s32 @!p0 s21, s9;
	s9 =	simm.s32 @!p0 $0x600  }
0xe3: {  	[tilespmem:s9], [sflag:$0x2] =	stream.linear.gather @!p0 [hbm4b:s23+s25], $0x78, $0x38;
	[tilespmem:$0xB80] =	vst v63  }
0xe4: {  	_ =	swait.ge [sflag:s5], $0x78  }
0xe5: {  	[sflag:s5] =	ssyncset.done $0x0  }
0xe6: {  	[sflag:s5] =	ssyncadd.s32 $0xFFFFFF88  }
0xe7: {  	_ =	swait.ge [sflag:s4], $0x78  }
0xe8: {  	[sflag:s4] =	ssyncset.done $0x0  }
0xe9: {  	s9 =	simm.s32 @p0 $0xA;
	[sflag:s4] =	ssyncadd.s32 $0xFFFFFF88  }
0xea: {  	[spmem:s2] =	stream.indirect.scatter.add.f32 [tilespmem:s8], [sflag:$0x15], $0x1, s11, s7, $0xb8;
	[tilespmem:$0xB80] =	vst v63  }
0xeb: {  	_ =	swait.ge @p0 [sflag:s9], $0x78  }
0xec: {  	[sflag:s9] =	ssyncset.done @p0 $0x0  }
0xed: {  	[sflag:s9] =	ssyncadd.s32 @p0 $0xFFFFFF88;
	s9 =	simm.s32 @p0 $0x10  }
0xee: {  	_ =	swait.ge @p0 [sflag:s9], $0x78  }
0xef: {  	[sflag:s9] =	ssyncset.done @p0 $0x0  }
0xf0: {  	[sflag:s9] =	ssyncadd.s32 @p0 $0xFFFFFF88;
	s9 =	simm.s32 @p0 $0xA00  }
0xf1: {  	[spmem:s2] =	stream.indirect.scatter.add.f32 @p0 [tilespmem:s24], [sflag:$0x16], $0x1, s9, s22, $0xb8;
	[tilespmem:$0xB80] =	vst v63  }
0xf2: {  	s9 =	rddreg [dreg:$0x10]  }
0xf3: {  	s22 =	simm.s32 @!p0 $0x680;
	s9 =	sadd.s32 @!p0 s21, s9  }
0xf4: {  	[tilespmem:s22], [sflag:$0x3] =	stream.linear.gather @!p0 [hbm4b:s9+s25], $0x78, $0x38;
	[tilespmem:$0xB80] =	vst v63  }
0xf5: {  	s9 =	simm.s32 @!p0 $0xA  }
0xf6: {  	_ =	swait.ge @!p0 [sflag:s9], $0x78  }
0xf7: {  	[sflag:s9] =	ssyncset.done @!p0 $0x0  }
0xf8: {  	[sflag:s9] =	ssyncadd.s32 @!p0 $0xFFFFFF88;
	s9 =	simm.s32 @!p0 $0x10  }
0xf9: {  	_ =	swait.ge @!p0 [sflag:s9], $0x78  }
0xfa: {  	[sflag:s9] =	ssyncset.done @!p0 $0x0  }
0xfb: {  	[sflag:s9] =	ssyncadd.s32 @!p0 $0xFFFFFF88;
	s9 =	simm.s32 @!p0 $0xA00  }
0xfc: {  	[spmem:s2] =	stream.indirect.scatter.add.f32 @!p0 [tilespmem:s26], [sflag:$0x16], $0x1, s9, s1, $0xb8;
	[tilespmem:$0xB80] =	vst v63  }
0xfd: {  	s1 =	rddreg [dreg:$0xf]  }
0xfe: {  	s9 =	simm.s32 @!p0 $0x700;
	s1 =	sadd.s32 @!p0 s21, s1  }
0xff: {  	[tilespmem:s9], [sflag:$0x4] =	stream.linear.gather @!p0 [hbm4b:s1+s25], $0x78, $0x38;
	[tilespmem:$0xB80] =	vst v63  }
0x100: {  	_ =	swait.ge [sflag:s14], $0x78  }
0x101: {  	[sflag:s14] =	ssyncset.done $0x0  }
.Ltmp2:
0x102: {  	[sflag:s14] =	ssyncadd.s32 $0xFFFFFF88;
	(pc) =	sbr.rel @p0 .LBB2_4-.Ltmp2, $4  }
0x103: {  	_ =	swait.ge [sflag:s15], $0x78  }
0x104: {  	[sflag:s15] =	ssyncset.done $0x0  }
0x105: {  	s13 =	simm.s32 $0x780;
	[sflag:s15] =	ssyncadd.s32 $0xFFFFFF88  }
0x106: {  	[spmem:s2] =	stream.indirect.scatter.add.f32 [tilespmem:s8], [sflag:$0x17], $0x1, s6, s7, $0xb8;
	[tilespmem:$0xB80] =	vst v63  }
0x107: {  	s1 =	rddreg [dreg:$0xe]  }
0x108: {  	s1 =	sadd.s32 s21, s1  }
0x109: {  	[tilespmem:s13], [sflag:$0x5] =	stream.linear.gather [hbm4b:s1+s3], $0x78, $0x38;
	[tilespmem:$0xB80] =	vst v63  }
0x10a: {  	_ =	swait.ge [sflag:s16], $0x78  }
0x10b: {  	[sflag:s16] =	ssyncset.done $0x0  }
0x10c: {  	[sflag:s16] =	ssyncadd.s32 $0xFFFFFF88  }
0x10d: {  	s20 =	sadd.s32 $0x5A0, s20;
	s18 =	sadd.s32 $0xC, s18;
	_ =	swait.ge [sflag:s17], $0x78  }
.Ltmp3:
0x10e: {  	s23 =	simm.s32 $0x780;
	[sflag:s17] =	ssyncset.done $0x0;
	(pc) =	sbr.rel .LBB2_2-.Ltmp3, $4  }
0x10f: {  	s24 =	simm.s32 $0xB00;
	s26 =	rddreg [dreg:$0xd];
	[sflag:s17] =	ssyncadd.s32 $0xFFFFFF88  }
0x110: {  	[spmem:s2] =	stream.indirect.scatter.add.f32 [tilespmem:s8], [sflag:$0x18], $0x1, s12, s7, $0xb8;
	[tilespmem:$0xB80] =	vst v63  }
0x111: {  	s13 =	simm.s32 $0x800;
	s1 =	sadd.s32 s21, s26;
	s21 =	sadd.s32 $0xB4, s21  }
0x112: {  	[tilespmem:s29], [sflag:$0x6] =	stream.linear.gather [hbm4b:s1+s3], $0x78, $0x38;
	[tilespmem:$0xB80] =	vst v63  }
.LBB2_5:
0x113: {  	_ =	sfence.sel $0x180000  }
0x114: {  	[bflag:$0x0] =	sbarrier.arrive $0xFFFF  }
0x115: {  	_ =	strace $0x90000047  }
0x116: {  	s0 =	stileid.u32;
	[bflag:$0x2] =	sbarrier.arrive $0xFFFF  }
0x117: {  	p0 =	sne.s32 s0, $0x0;
	s0 =	rddreg [dreg:$0x2]  }
0x118: {  	s0 =	sadd.s32 @!p0 $0x100000, s0  }
0x119: {  	[sflag:s0] =	ssyncadd.tile.s32 @!p0 $0x1;
	_ =	shalt  }
.Lfunc_end2:
_tile_overlayer_lowered:
.L_overlay_start_2:
0x11a: {  	(tag) =	ssettag $0x2  }
0x11b: {  	s0 =	rddreg [dreg:$0x0];
	s2 =	stileid.u32  }
0x11c: {  	s1 =	rddreg [dreg:$0x1];
	p0 =	sne.s32 s2, $0x0  }
0x11d: {  	s3 =	rddreg [dreg:$0x2];
	[bflag:$0x3] =	sbarrier.arrive $0xFFFF;
	s2 =	simm.s32 @!p0 $0x1C19  }
0x11e: {  	[timem:s3], [sflag:s2] =	dma.local @!p0 [hbm:s0], s1  }
0x11f: {  	s0 =	simm.s32 @!p0 $0x19  }
0x120: {  	_ =	swait.ge @!p0 [sflag:s0], s1  }
0x121: {  	s1 =	ssub.s32 @!p0 $0x0, s1;
	[sflag:s0] =	ssyncset.done @!p0 $0x0  }
0x122: {  	[sflag:s0] =	ssyncadd.s32 @!p0 s1  }
0x123: {  	[bflag:$0x3] =	sbarrier.arrive $0xFFFF  }
0x124: {  	_ =	shalt  }

</sc_bundles>
